<compile_context>
chip_gen: v7x
topology: tpu7x:2x2x1
jax: 0.10.2.dev20260603
libtpu: 0.0.44.dev20260713+nightly
codegen_flags: <defaults>
</compile_context>

<pallas_src>
import functools

import jax
import jax.numpy as jnp
from jax import lax
from jax.experimental import pallas as pl
from jax.experimental.pallas import tpu as pltpu
from jax.experimental.pallas import tpu_sc as plsc

NORM_FACTOR = 100.0
XW = 16
XG = 128
NC = 2
NS = 16
C = 80

f32 = jnp.float32


def _mesh():
    return plsc.VectorSubcoreMesh(
        core_axis_name="c", subcore_axis_name="s", num_cores=NC, num_subcores=NS)



def _gather_h(h_tbl, row3d, col3d, with_x, x_tbl=None):
    _, ncw, _ = row3d.shape
    E = NC * NS * ncw * C
    HN = h_tbl.shape[1]

    out_type = [jax.ShapeDtypeStruct((E, HN), f32),
                jax.ShapeDtypeStruct((E, HN), f32)]
    scratch = [pltpu.VMEM((ncw, C), jnp.int32), pltpu.VMEM((ncw, C), jnp.int32),
               pltpu.VMEM((C, HN), f32), pltpu.VMEM((C, HN), f32),
               pltpu.SemaphoreType.DMA, pltpu.SemaphoreType.DMA]
    if with_x:
        out_type += [jax.ShapeDtypeStruct((E, XG), f32),
                     jax.ShapeDtypeStruct((E, XG), f32)]
        scratch += [pltpu.VMEM((C, XG), f32), pltpu.VMEM((C, XG), f32),
                    pltpu.SemaphoreType.DMA, pltpu.SemaphoreType.DMA]

    def body(h_hbm, x_hbm_or_row, *rest):
        if with_x:
            x_hbm = x_hbm_or_row
            (row_hbm, col_hbm, hr_out, hc_out, xr_out, xc_out,
             ri_v, ci_v, hrb, hcb, sem1, sem2, xrb, xcb, sem3, sem4) = rest
        else:
            row_hbm = x_hbm_or_row
            (col_hbm, hr_out, hc_out,
             ri_v, ci_v, hrb, hcb, sem1, sem2) = rest
        c = lax.axis_index("c")
        s = lax.axis_index("s")
        wid = s * NC + c
        base = wid * ncw
        pltpu.sync_copy(row_hbm.at[wid], ri_v)
        pltpu.sync_copy(col_hbm.at[wid], ci_v)

        def step(j, carry):
            eb = (base + j) * C
            cp1 = pltpu.async_copy(h_hbm.at[ri_v.at[j]], hrb, sem1)
            cp2 = pltpu.async_copy(h_hbm.at[ci_v.at[j]], hcb, sem2)
            if with_x:
                cp3 = pltpu.async_copy(x_hbm.at[ri_v.at[j]], xrb, sem3)
                cp4 = pltpu.async_copy(x_hbm.at[ci_v.at[j]], xcb, sem4)
            cp1.wait()
            pltpu.sync_copy(hrb, hr_out.at[pl.ds(eb, C)])
            cp2.wait()
            pltpu.sync_copy(hcb, hc_out.at[pl.ds(eb, C)])
            if with_x:
                cp3.wait()
                pltpu.sync_copy(xrb, xr_out.at[pl.ds(eb, C)])
                cp4.wait()
                pltpu.sync_copy(xcb, xc_out.at[pl.ds(eb, C)])
            return carry

        lax.fori_loop(0, ncw, step, 0)

    args = (h_tbl, x_tbl, row3d, col3d) if with_x else (h_tbl, row3d, col3d)
    return pl.kernel(body, out_type=out_type, mesh=_mesh(),
                     scratch_types=scratch)(*args)



def _scatter_add(vals, row1d, n_pad, zeros_tbl):
    E = row1d.shape[0]
    W = vals.shape[1]
    ncw = E // (NC * NS * C)
    rpt = n_pad // NS

    out_type = jax.ShapeDtypeStruct((NC, n_pad, W), f32)
    scratch = [pltpu.MemorySpace.VMEM_SHARED((n_pad, W), f32),
               pltpu.VMEM((C,), jnp.int32),
               pltpu.VMEM((C, W), f32)]

    def body(vals_hbm, row_hbm, zeros_hbm, out_hbm, acc, idxc, vbuf):
        c = lax.axis_index("c")
        s = lax.axis_index("s")
        pltpu.sync_copy(zeros_hbm.at[pl.ds(s * rpt, rpt)],
                        acc.at[pl.ds(s * rpt, rpt)])
        plsc.subcore_barrier()
        wid = s * NC + c
        base = wid * ncw

        def step(j, carry):
            eb = (base + j) * C
            pltpu.sync_copy(vals_hbm.at[pl.ds(eb, C)], vbuf)
            pltpu.sync_copy(row_hbm.at[pl.ds(eb, C)], idxc)
            pltpu.sync_copy(vbuf, acc.at[idxc], add=True)
            return carry

        lax.fori_loop(0, ncw, step, 0)
        plsc.subcore_barrier()
        pltpu.sync_copy(acc.at[pl.ds(s * rpt, rpt)],
                        out_hbm.at[c].at[pl.ds(s * rpt, rpt)])

    return pl.kernel(body, out_type=out_type, mesh=_mesh(),
                     scratch_types=scratch)(vals, row1d, zeros_tbl)


def _segsum(vals, row1d, n_pad):
    s = jax.ops.segment_sum(vals, row1d, num_segments=n_pad)
    return jnp.stack([s, jnp.zeros_like(s)])



def _silu(v):
    return v * jax.nn.sigmoid(v)


def _edge_mlp1_body(hr, hc, xr, xc, ar, w1h, w1r, w1a, b1, w2, b2, out, rc_out):
    xd = xr[...] - xc[...]
    radial = jnp.sum(xd * xd, axis=1, keepdims=True)
    hcat = jnp.concatenate([hr[...], hc[...]], axis=1)
    pre = jnp.dot(hcat, w1h[...], preferred_element_type=f32)
    pre = pre + radial * w1r[...] + ar[...] * w1a[...] + b1[...]
    a1 = _silu(pre)
    a2 = _silu(jnp.dot(a1, w2[...], preferred_element_type=f32) + b2[...])
    out[...] = a2
    cd = xd[:, :XW] / (jnp.sqrt(radial + 1e-08) + 1.0)
    lane = lax.broadcasted_iota(jnp.int32, (1, XW), 1)
    rc_out[...] = jnp.where(lane < 3, cd, 0.0) + jnp.where(lane == 8, radial, 0.0)


def _edge_mlp2_body(hr, hc, rc, ar, w1h, w1r, w1a, b1, w2, b2, out):
    radial = rc[...][:, 8:9]
    hcat = jnp.concatenate([hr[...], hc[...]], axis=1)
    pre = jnp.dot(hcat, w1h[...], preferred_element_type=f32)
    pre = pre + radial * w1r[...] + ar[...] * w1a[...] + b1[...]
    a1 = _silu(pre)
    a2 = _silu(jnp.dot(a1, w2[...], preferred_element_type=f32) + b2[...])
    out[...] = a2


def _eq_mlp_body(hr, hc, rc, ar, w1h, w1r, w1a, b1, w2, b2, w3, out):
    rcv = rc[...]
    radial = rcv[:, 8:9]
    hcat = jnp.concatenate([hr[...], hc[...]], axis=1)
    pre = jnp.dot(hcat, w1h[...], preferred_element_type=f32)
    pre = pre + radial * w1r[...] + ar[...] * w1a[...] + b1[...]
    a1 = _silu(pre)
    a2 = _silu(jnp.dot(a1, w2[...], preferred_element_type=f32) + b2[...])
    m = jnp.sum(a2 * w3[...], axis=1, keepdims=True)
    lane = lax.broadcasted_iota(jnp.int32, (1, XW), 1)
    out[...] = jnp.where(lane < 3, rcv, 0.0) * m


def _blk(B, W):
    return pl.BlockSpec((B, W), lambda i: (i, 0))


def _full(a):
    return pl.BlockSpec(a.shape, lambda i: (0,) * a.ndim)


def _edge_call1(hr, hc, xr, xc, attr, weights, B):
    E, HN = hr.shape
    in_specs = [_blk(B, HN), _blk(B, HN), _blk(B, XG), _blk(B, XG),
                _blk(B, 1)] + [_full(w) for w in weights]
    return pl.pallas_call(
        _edge_mlp1_body,
        grid=(E // B,),
        in_specs=in_specs,
        out_specs=(_blk(B, HN), _blk(B, XW)),
        out_shape=(jax.ShapeDtypeStruct((E, HN), f32),
                   jax.ShapeDtypeStruct((E, XW), f32)),
    )(hr, hc, xr, xc, attr, *weights)


def _edge_call23(body, hr, hc, rc, attr, weights, out_w, B):
    E, HN = hr.shape
    in_specs = [_blk(B, HN), _blk(B, HN), _blk(B, XW),
                _blk(B, 1)] + [_full(w) for w in weights]
    return pl.pallas_call(
        body,
        grid=(E // B,),
        in_specs=in_specs,
        out_specs=_blk(B, out_w),
        out_shape=jax.ShapeDtypeStruct((E, out_w), f32),
    )(hr, hc, rc, attr, *weights)


def _node_mlp(h, a0, a1, nw1h, nw1a, nb1, nw2, nb2, B):
    N, HN = h.shape

    def body(h_ref, a0_ref, a1_ref, w1h, w1a, b1, w2, b2, out):
        agg = (a0_ref[...] + a1_ref[...]) * (1.0 / NORM_FACTOR)
        pre = (jnp.dot(h_ref[...], w1h[...], preferred_element_type=f32)
               + jnp.dot(agg, w1a[...], preferred_element_type=f32) + b1[...])
        z1 = _silu(pre)
        z = jnp.dot(z1, w2[...], preferred_element_type=f32) + b2[...]
        out[...] = h_ref[...] + z

    return pl.pallas_call(
        body,
        grid=(N // B,),
        in_specs=[_blk(B, HN), _blk(B, HN), _blk(B, HN),
                  _full(nw1h), _full(nw1a), _full(nb1), _full(nw2), _full(nb2)],
        out_specs=_blk(B, HN),
        out_shape=jax.ShapeDtypeStruct((N, HN), f32),
    )(h, a0, a1, nw1h, nw1a, nb1, nw2, nb2)


def _x_update(x, a0, a1, B):
    N = x.shape[0]

    def body(x_ref, a0_ref, a1_ref, out):
        agg = (a0_ref[...] + a1_ref[...]) * (1.0 / NORM_FACTOR)
        out[...] = x_ref[...] + agg[:, 0:3]

    return pl.pallas_call(
        body,
        grid=(N // B,),
        in_specs=[_blk(B, 3), _blk(B, XW), _blk(B, XW)],
        out_specs=_blk(B, 3),
        out_shape=jax.ShapeDtypeStruct((N, 3), f32),
    )(x, a0, a1)



def kernel(h, x, edge_index, edge_attr, params):
    N, HN = h.shape
    E = edge_index.shape[1]
    B_EDGE = 3200
    B_NODE = 2000
    n_pad = -(-N // (8 * NS)) * (8 * NS)

    ncw = E // (NC * NS * C)
    row1d = edge_index[0]
    row3d = edge_index[0].reshape(NC * NS, ncw, C)
    col3d = edge_index[1].reshape(NC * NS, ncw, C)
    xp = jnp.pad(x, ((0, 0), (0, XG - x.shape[1])))
    zeros_h = jnp.zeros((n_pad, HN), f32)
    zeros_x = jnp.zeros((n_pad, XW), f32)

    def edge_weights(w1, b1, w2, b2):
        w1t = w1.T
        return [w1t[:2 * HN], w1t[2 * HN:2 * HN + 1], w1t[2 * HN + 1:2 * HN + 2],
                b1.reshape(1, HN), w2.T, b2.reshape(1, HN)]

    rc = None
    for li, lp in enumerate(params['gcl']):
        ew = edge_weights(lp['ew1'], lp['eb1'], lp['ew2'], lp['eb2'])
        if li == 0:
            hr, hc, xr, xc = _gather_h(h, row3d, col3d, True, x_tbl=xp)
            ef, rc = _edge_call1(hr, hc, xr, xc, edge_attr, ew, B_EDGE)

        else:
            hr, hc = _gather_h(h, row3d, col3d, False)
            ef = _edge_call23(_edge_mlp2_body, hr, hc, rc, edge_attr, ew,
                              HN, B_EDGE)
        agg = _segsum(ef, row1d, n_pad)
        nw1t = lp['nw1'].T
        h = _node_mlp(h, agg[0], agg[1], nw1t[:HN], nw1t[HN:],
                      lp['nb1'].reshape(1, HN), lp['nw2'].T,
                      lp['nb2'].reshape(1, HN), B_NODE)


    eq = params['eq']
    hr, hc = _gather_h(h, row3d, col3d, False)
    ew = edge_weights(eq['w1'], eq['b1'], eq['w2'], eq['b2'])
    trans = _edge_call23(_eq_mlp_body, hr, hc, rc, edge_attr,
                         ew + [eq['w3'].reshape(1, HN)], XW, B_EDGE)
    aggx = _segsum(trans, row1d, n_pad)
    x = _x_update(x, aggx[0], aggx[1], B_NODE)

    return (h, x)

# --- scband reference (transcript-rebuilt; emitter-appended) ---
"""Pipeline reference for scband-equivariant-block-39951785787494 (READ-ONLY COPY).

The authoritative reference and input builder live on the scoring server;
editing this copy changes nothing except your own understanding.
"""

import jax, jax.numpy as jnp
import numpy as np

N = 10000
E = 320000
HN = 128
EDGE_FEAT = 2
NORM_FACTOR = 100.0
NORM_CONST = 1.0
N_LAYERS = 2


def _linear(v, w, b=None):
    out = v @ w.T
    if b is not None:
        out = out + b
    return out


def _lin_w(k, out_dim, in_dim, scale=None):
    s = scale if scale is not None else 1.0 / np.sqrt(in_dim)
    return jax.random.uniform(k, (out_dim, in_dim), minval=-s, maxval=s, dtype=jnp.float32)


def _lin_b(k, out_dim, in_dim):
    s = 1.0 / np.sqrt(in_dim)
    return jax.random.uniform(k, (out_dim,), minval=-s, maxval=s, dtype=jnp.float32)


def setup_inputs(seed: int = 0) -> dict:
    key = jax.random.key(seed)
    ks = jax.random.split(key, 64)
    ki = iter(range(64))
    h = jax.random.normal(ks[next(ki)], (N, HN), dtype=jnp.float32)
    x = jax.random.normal(ks[next(ki)], (N, 3), dtype=jnp.float32)
    edge_index = jax.random.randint(ks[next(ki)], (2, E), 0, N, dtype=jnp.int32)
    edge_attr = jax.random.normal(ks[next(ki)], (E, EDGE_FEAT - 1), dtype=jnp.float32)
    in_edge = HN * 2 + EDGE_FEAT
    gcl = []
    for _ in range(N_LAYERS):
        lp = {
            'ew1': _lin_w(ks[next(ki)], HN, in_edge), 'eb1': _lin_b(ks[next(ki)], HN, in_edge),
            'ew2': _lin_w(ks[next(ki)], HN, HN), 'eb2': _lin_b(ks[next(ki)], HN, HN),
            'nw1': _lin_w(ks[next(ki)], HN, HN + HN), 'nb1': _lin_b(ks[next(ki)], HN, HN + HN),
            'nw2': _lin_w(ks[next(ki)], HN, HN), 'nb2': _lin_b(ks[next(ki)], HN, HN),
        }
        gcl.append(lp)
    eq = {
        'w1': _lin_w(ks[next(ki)], HN, in_edge), 'b1': _lin_b(ks[next(ki)], HN, in_edge),
        'w2': _lin_w(ks[next(ki)], HN, HN), 'b2': _lin_b(ks[next(ki)], HN, HN),
        'w3': _lin_w(ks[next(ki)], 1, HN, scale=0.001 * np.sqrt(6.0 / (HN + 1))),
    }
    params = {'gcl': gcl, 'eq': eq}
    return {'h': h, 'x': x, 'edge_index': edge_index, 'edge_attr': edge_attr, 'params': params}


def reference(h, x, edge_index, edge_attr, params):
    silu = jax.nn.silu
    row = edge_index[0]
    col = edge_index[1]
    coord_diff = x[row] - x[col]
    radial = jnp.sum(coord_diff ** 2, axis=1, keepdims=True)
    norm = jnp.sqrt(radial + 1e-08)
    coord_diff = coord_diff / (norm + NORM_CONST)
    ea = jnp.concatenate([radial, edge_attr], axis=1)
    for lp in params['gcl']:
        ef = jnp.concatenate([h[row], h[col], ea], axis=1)
        ef = silu(_linear(ef, lp['ew1'], lp['eb1']))
        ef = silu(_linear(ef, lp['ew2'], lp['eb2']))
        agg = jax.ops.segment_sum(ef, row, num_segments=h.shape[0]) / NORM_FACTOR
        z = jnp.concatenate([h, agg], axis=1)
        z = silu(_linear(z, lp['nw1'], lp['nb1']))
        z = _linear(z, lp['nw2'], lp['nb2'])
        h = h + z
    eq = params['eq']
    inp = jnp.concatenate([h[row], h[col], ea], axis=1)
    m = silu(_linear(inp, eq['w1'], eq['b1']))
    m = silu(_linear(m, eq['w2'], eq['b2']))
    m = _linear(m, eq['w3'])
    trans = coord_diff * m
    aggx = jax.ops.segment_sum(trans, row, num_segments=x.shape[0]) / NORM_FACTOR
    x = x + aggx
    return (h, x)

if __name__ == "__main__":
    import jax
    _d = setup_inputs()
    print(jax.jit(kernel)(*tuple(_d.values())))

</pallas_src>

<mosaic_0001>
#map = affine_map<(d0, d1) -> (0, 0)>
#map1 = affine_map<(d0, d1) -> (0, 0, 0)>
module attributes {stable_mosaic.version = 14 : i64} {
  func.func @body(%arg0: i32, %arg1: i32, %arg2: memref<10000x128xf32, #tpu.memory_space<hbm>>, %arg3: memref<32x125x80xi32, #tpu.memory_space<hbm>>, %arg4: memref<32x125x80xi32, #tpu.memory_space<hbm>>, %arg5: memref<320000x128xf32, #tpu.memory_space<hbm>>, %arg6: memref<320000x128xf32, #tpu.memory_space<hbm>>, %arg7: memref<125x80xi32, #tpu.memory_space<vmem>>, %arg8: memref<125x80xi32, #tpu.memory_space<vmem>>, %arg9: memref<80x128xf32, #tpu.memory_space<vmem>>, %arg10: memref<80x128xf32, #tpu.memory_space<vmem>>, %arg11: memref<!tpu.dma_semaphore, #tpu.memory_space<semaphore_mem>>, %arg12: memref<!tpu.dma_semaphore, #tpu.memory_space<semaphore_mem>>) attributes {dimension_semantics = [#tpu.dimension_semantics<core_parallel>, #tpu.dimension_semantics<subcore_parallel>], iteration_bounds = array<i64: 2, 16>, scalar_prefetch = 0 : i64, scratch_operands = 6 : i64, tpu.core_type = #tpu.core_type<sc_vector_subcore>, window_params = [{transform_indices = #map}, {transform_indices = #map1}, {transform_indices = #map1}, {transform_indices = #map}, {transform_indices = #map}]} {
    %mul3A = arith.constant 2 : i32
    %mul3A_0 = arith.muli %arg1, %mul3A : i32
    %add3A = arith.addi %mul3A_0, %arg0 : i32
    %mul3A_1 = arith.constant 125 : i32
    %mul3A_2 = arith.muli %add3A, %mul3A_1 : i32
    "tpu.region"() ({
      %run_scoped3A = tpu.sem_alloc : memref<!tpu.dma_semaphore, #tpu.memory_space<semaphore_mem>>
      %dma_start3A = arith.constant 0 : i32
      %dma_start3A_8 = arith.constant 0 : i32
      %dma_start3A_9 = tpu.memref_slice %arg3[%add3A, %dma_start3A, %dma_start3A_8] : memref<32x125x80xi32, #tpu.memory_space<hbm>> -> memref<1x125x80xi32, #tpu.memory_space<hbm>>
      %dma_start3A_10 = tpu.memref_squeeze %dma_start3A_9 : memref<1x125x80xi32, #tpu.memory_space<hbm>> -> memref<125x80xi32, #tpu.memory_space<hbm>>
      %dma_start3A_11 = arith.constant 0 : i32
      %dma_start3A_12 = arith.constant 0 : i32
      %dma_start3A_13 = tpu.memref_slice %arg3[%add3A, %dma_start3A_11, %dma_start3A_12] : memref<32x125x80xi32, #tpu.memory_space<hbm>> -> memref<1x125x80xi32, #tpu.memory_space<hbm>>
      %dma_start3A_14 = tpu.memref_squeeze %dma_start3A_13 : memref<1x125x80xi32, #tpu.memory_space<hbm>> -> memref<125x80xi32, #tpu.memory_space<hbm>>
      tpu.enqueue_dma source(%dma_start3A_14 : memref<125x80xi32, #tpu.memory_space<hbm>>) target(%arg7 : memref<125x80xi32, #tpu.memory_space<vmem>>) target_semaphore(%run_scoped3A : memref<!tpu.dma_semaphore, #tpu.memory_space<semaphore_mem>>)
      %dma_wait3A = arith.constant 0 : i32
      %dma_wait3A_15 = arith.constant 0 : i32
      %dma_wait3A_16 = tpu.memref_slice %arg3[%add3A, %dma_wait3A, %dma_wait3A_15] : memref<32x125x80xi32, #tpu.memory_space<hbm>> -> memref<1x125x80xi32, #tpu.memory_space<hbm>>
      %dma_wait3A_17 = tpu.memref_squeeze %dma_wait3A_16 : memref<1x125x80xi32, #tpu.memory_space<hbm>> -> memref<125x80xi32, #tpu.memory_space<hbm>>
      %dma_wait3A_18 = arith.constant 0 : i32
      %dma_wait3A_19 = arith.constant 0 : i32
      %dma_wait3A_20 = tpu.memref_slice %arg3[%add3A, %dma_wait3A_18, %dma_wait3A_19] : memref<32x125x80xi32, #tpu.memory_space<hbm>> -> memref<1x125x80xi32, #tpu.memory_space<hbm>>
      %dma_wait3A_21 = tpu.memref_squeeze %dma_wait3A_20 : memref<1x125x80xi32, #tpu.memory_space<hbm>> -> memref<125x80xi32, #tpu.memory_space<hbm>>
      tpu.wait_dma2 semaphore(%run_scoped3A : memref<!tpu.dma_semaphore, #tpu.memory_space<semaphore_mem>>) src(%dma_wait3A_21 : memref<125x80xi32, #tpu.memory_space<hbm>>) dst(%arg7 : memref<125x80xi32, #tpu.memory_space<vmem>>)
      tpu.yield
    }) : () -> ()
    "tpu.region"() ({
      %run_scoped3A = tpu.sem_alloc : memref<!tpu.dma_semaphore, #tpu.memory_space<semaphore_mem>>
      %dma_start3A = arith.constant 0 : i32
      %dma_start3A_8 = arith.constant 0 : i32
      %dma_start3A_9 = tpu.memref_slice %arg4[%add3A, %dma_start3A, %dma_start3A_8] : memref<32x125x80xi32, #tpu.memory_space<hbm>> -> memref<1x125x80xi32, #tpu.memory_space<hbm>>
      %dma_start3A_10 = tpu.memref_squeeze %dma_start3A_9 : memref<1x125x80xi32, #tpu.memory_space<hbm>> -> memref<125x80xi32, #tpu.memory_space<hbm>>
      %dma_start3A_11 = arith.constant 0 : i32
      %dma_start3A_12 = arith.constant 0 : i32
      %dma_start3A_13 = tpu.memref_slice %arg4[%add3A, %dma_start3A_11, %dma_start3A_12] : memref<32x125x80xi32, #tpu.memory_space<hbm>> -> memref<1x125x80xi32, #tpu.memory_space<hbm>>
      %dma_start3A_14 = tpu.memref_squeeze %dma_start3A_13 : memref<1x125x80xi32, #tpu.memory_space<hbm>> -> memref<125x80xi32, #tpu.memory_space<hbm>>
      tpu.enqueue_dma source(%dma_start3A_14 : memref<125x80xi32, #tpu.memory_space<hbm>>) target(%arg8 : memref<125x80xi32, #tpu.memory_space<vmem>>) target_semaphore(%run_scoped3A : memref<!tpu.dma_semaphore, #tpu.memory_space<semaphore_mem>>)
      %dma_wait3A = arith.constant 0 : i32
      %dma_wait3A_15 = arith.constant 0 : i32
      %dma_wait3A_16 = tpu.memref_slice %arg4[%add3A, %dma_wait3A, %dma_wait3A_15] : memref<32x125x80xi32, #tpu.memory_space<hbm>> -> memref<1x125x80xi32, #tpu.memory_space<hbm>>
      %dma_wait3A_17 = tpu.memref_squeeze %dma_wait3A_16 : memref<1x125x80xi32, #tpu.memory_space<hbm>> -> memref<125x80xi32, #tpu.memory_space<hbm>>
      %dma_wait3A_18 = arith.constant 0 : i32
      %dma_wait3A_19 = arith.constant 0 : i32
      %dma_wait3A_20 = tpu.memref_slice %arg4[%add3A, %dma_wait3A_18, %dma_wait3A_19] : memref<32x125x80xi32, #tpu.memory_space<hbm>> -> memref<1x125x80xi32, #tpu.memory_space<hbm>>
      %dma_wait3A_21 = tpu.memref_squeeze %dma_wait3A_20 : memref<1x125x80xi32, #tpu.memory_space<hbm>> -> memref<125x80xi32, #tpu.memory_space<hbm>>
      tpu.wait_dma2 semaphore(%run_scoped3A : memref<!tpu.dma_semaphore, #tpu.memory_space<semaphore_mem>>) src(%dma_wait3A_21 : memref<125x80xi32, #tpu.memory_space<hbm>>) dst(%arg8 : memref<125x80xi32, #tpu.memory_space<vmem>>)
      tpu.yield
    }) : () -> ()
    %scan3A = arith.constant 0 : i32
    %scan3A_3 = arith.constant 0 : i32
    %scan3A_4 = arith.constant 125 : i32
    %scan3A_5 = arith.addi %scan3A_3, %scan3A_4 : i32
    %scan3A_6 = arith.constant 1 : i32
    scf.for %scan3A_8 = %scan3A_3 to %scan3A_5 step %scan3A_6  : i32 {
      %add3A_9 = arith.addi %mul3A_2, %scan3A_8 : i32
      %mul3A_10 = arith.constant 80 : i32
      %mul3A_11 = arith.muli %add3A_9, %mul3A_10 : i32
      %dma_start3A = arith.constant 0 : i32
      %dma_start3A_12 = tpu.memref_slice %arg7[%scan3A_8, %dma_start3A] : memref<125x80xi32, #tpu.memory_space<vmem>> -> memref<1x80xi32, #tpu.memory_space<vmem>>
      %dma_start3A_13 = tpu.memref_squeeze %dma_start3A_12 : memref<1x80xi32, #tpu.memory_space<vmem>> -> memref<80xi32, #tpu.memory_space<vmem>>
      %dma_start3A_14 = arith.constant 0 : i32
      %dma_start3A_15 = arith.constant 0 : i32
      %dma_start3A_16 = tpu.memref_slice %arg2[%dma_start3A_14, %dma_start3A_15] : memref<10000x128xf32, #tpu.memory_space<hbm>> -> memref<10000x128xf32, #tpu.memory_space<hbm>>
      tpu.enqueue_indirect_dma source(%dma_start3A_16 : memref<10000x128xf32, #tpu.memory_space<hbm>>) target(%arg9 : memref<80x128xf32, #tpu.memory_space<vmem>>) offsets(%dma_start3A_13 : memref<80xi32, #tpu.memory_space<vmem>>) semaphore(%arg11 : memref<!tpu.dma_semaphore, #tpu.memory_space<semaphore_mem>>)
      %dma_start3A_17 = arith.constant 0 : i32
      %dma_start3A_18 = tpu.memref_slice %arg8[%scan3A_8, %dma_start3A_17] : memref<125x80xi32, #tpu.memory_space<vmem>> -> memref<1x80xi32, #tpu.memory_space<vmem>>
      %dma_start3A_19 = tpu.memref_squeeze %dma_start3A_18 : memref<1x80xi32, #tpu.memory_space<vmem>> -> memref<80xi32, #tpu.memory_space<vmem>>
      %dma_start3A_20 = arith.constant 0 : i32
      %dma_start3A_21 = arith.constant 0 : i32
      %dma_start3A_22 = tpu.memref_slice %arg2[%dma_start3A_20, %dma_start3A_21] : memref<10000x128xf32, #tpu.memory_space<hbm>> -> memref<10000x128xf32, #tpu.memory_space<hbm>>
      tpu.enqueue_indirect_dma source(%dma_start3A_22 : memref<10000x128xf32, #tpu.memory_space<hbm>>) target(%arg10 : memref<80x128xf32, #tpu.memory_space<vmem>>) offsets(%dma_start3A_19 : memref<80xi32, #tpu.memory_space<vmem>>) semaphore(%arg12 : memref<!tpu.dma_semaphore, #tpu.memory_space<semaphore_mem>>)
      %dma_wait3A = arith.constant 0 : i32
      %dma_wait3A_23 = tpu.memref_slice %arg7[%scan3A_8, %dma_wait3A] : memref<125x80xi32, #tpu.memory_space<vmem>> -> memref<1x80xi32, #tpu.memory_space<vmem>>
      %dma_wait3A_24 = tpu.memref_squeeze %dma_wait3A_23 : memref<1x80xi32, #tpu.memory_space<vmem>> -> memref<80xi32, #tpu.memory_space<vmem>>
      %dma_wait3A_25 = arith.constant 0 : i32
      %dma_wait3A_26 = arith.constant 0 : i32
      %dma_wait3A_27 = tpu.memref_slice %arg2[%dma_wait3A_25, %dma_wait3A_26] : memref<10000x128xf32, #tpu.memory_space<hbm>> -> memref<10000x128xf32, #tpu.memory_space<hbm>>
      tpu.wait_indirect_dma semaphore(%arg11 : memref<!tpu.dma_semaphore, #tpu.memory_space<semaphore_mem>>) src(%dma_wait3A_27 : memref<10000x128xf32, #tpu.memory_space<hbm>>) dst(%arg9 : memref<80x128xf32, #tpu.memory_space<vmem>>)
      "tpu.region"() ({
        %run_scoped3A = tpu.sem_alloc : memref<!tpu.dma_semaphore, #tpu.memory_space<semaphore_mem>>
        %dma_start3A_34 = arith.constant 0 : i32
        %dma_start3A_35 = tpu.memref_slice %arg5[%mul3A_11, %dma_start3A_34] : memref<320000x128xf32, #tpu.memory_space<hbm>> -> memref<80x128xf32, #tpu.memory_space<hbm>>
        %dma_start3A_36 = arith.constant 0 : i32
        %dma_start3A_37 = tpu.memref_slice %arg5[%mul3A_11, %dma_start3A_36] : memref<320000x128xf32, #tpu.memory_space<hbm>> -> memref<80x128xf32, #tpu.memory_space<hbm>>
        tpu.enqueue_dma source(%arg9 : memref<80x128xf32, #tpu.memory_space<vmem>>) target(%dma_start3A_37 : memref<80x128xf32, #tpu.memory_space<hbm>>) target_semaphore(%run_scoped3A : memref<!tpu.dma_semaphore, #tpu.memory_space<semaphore_mem>>)
        %dma_wait3A_38 = arith.constant 0 : i32
        %dma_wait3A_39 = tpu.memref_slice %arg5[%mul3A_11, %dma_wait3A_38] : memref<320000x128xf32, #tpu.memory_space<hbm>> -> memref<80x128xf32, #tpu.memory_space<hbm>>
        %dma_wait3A_40 = arith.constant 0 : i32
        %dma_wait3A_41 = tpu.memref_slice %arg5[%mul3A_11, %dma_wait3A_40] : memref<320000x128xf32, #tpu.memory_space<hbm>> -> memref<80x128xf32, #tpu.memory_space<hbm>>
        tpu.wait_dma2 semaphore(%run_scoped3A : memref<!tpu.dma_semaphore, #tpu.memory_space<semaphore_mem>>) src(%arg9 : memref<80x128xf32, #tpu.memory_space<vmem>>) dst(%dma_wait3A_41 : memref<80x128xf32, #tpu.memory_space<hbm>>)
        tpu.yield
      }) : () -> ()
      %dma_wait3A_28 = arith.constant 0 : i32
      %dma_wait3A_29 = tpu.memref_slice %arg8[%scan3A_8, %dma_wait3A_28] : memref<125x80xi32, #tpu.memory_space<vmem>> -> memref<1x80xi32, #tpu.memory_space<vmem>>
      %dma_wait3A_30 = tpu.memref_squeeze %dma_wait3A_29 : memref<1x80xi32, #tpu.memory_space<vmem>> -> memref<80xi32, #tpu.memory_space<vmem>>
      %dma_wait3A_31 = arith.constant 0 : i32
      %dma_wait3A_32 = arith.constant 0 : i32
      %dma_wait3A_33 = tpu.memref_slice %arg2[%dma_wait3A_31, %dma_wait3A_32] : memref<10000x128xf32, #tpu.memory_space<hbm>> -> memref<10000x128xf32, #tpu.memory_space<hbm>>
      tpu.wait_indirect_dma semaphore(%arg12 : memref<!tpu.dma_semaphore, #tpu.memory_space<semaphore_mem>>) src(%dma_wait3A_33 : memref<10000x128xf32, #tpu.memory_space<hbm>>) dst(%arg10 : memref<80x128xf32, #tpu.memory_space<vmem>>)
      "tpu.region"() ({
        %run_scoped3A = tpu.sem_alloc : memref<!tpu.dma_semaphore, #tpu.memory_space<semaphore_mem>>
        %dma_start3A_34 = arith.constant 0 : i32
        %dma_start3A_35 = tpu.memref_slice %arg6[%mul3A_11, %dma_start3A_34] : memref<320000x128xf32, #tpu.memory_space<hbm>> -> memref<80x128xf32, #tpu.memory_space<hbm>>
        %dma_start3A_36 = arith.constant 0 : i32
        %dma_start3A_37 = tpu.memref_slice %arg6[%mul3A_11, %dma_start3A_36] : memref<320000x128xf32, #tpu.memory_space<hbm>> -> memref<80x128xf32, #tpu.memory_space<hbm>>
        tpu.enqueue_dma source(%arg10 : memref<80x128xf32, #tpu.memory_space<vmem>>) target(%dma_start3A_37 : memref<80x128xf32, #tpu.memory_space<hbm>>) target_semaphore(%run_scoped3A : memref<!tpu.dma_semaphore, #tpu.memory_space<semaphore_mem>>)
        %dma_wait3A_38 = arith.constant 0 : i32
        %dma_wait3A_39 = tpu.memref_slice %arg6[%mul3A_11, %dma_wait3A_38] : memref<320000x128xf32, #tpu.memory_space<hbm>> -> memref<80x128xf32, #tpu.memory_space<hbm>>
        %dma_wait3A_40 = arith.constant 0 : i32
        %dma_wait3A_41 = tpu.memref_slice %arg6[%mul3A_11, %dma_wait3A_40] : memref<320000x128xf32, #tpu.memory_space<hbm>> -> memref<80x128xf32, #tpu.memory_space<hbm>>
        tpu.wait_dma2 semaphore(%run_scoped3A : memref<!tpu.dma_semaphore, #tpu.memory_space<semaphore_mem>>) src(%arg10 : memref<80x128xf32, #tpu.memory_space<vmem>>) dst(%dma_wait3A_41 : memref<80x128xf32, #tpu.memory_space<hbm>>)
        tpu.yield
      }) : () -> ()
    }
    %scan3A_7 = arith.constant 125 : i32
    return
  }
}

#map = affine_map<(d0, d1) -> (0, 0)>
#map1 = affine_map<(d0, d1) -> (0, 0, 0)>
module attributes {stable_mosaic.version = 14 : i64} {
  func.func @body(%arg0: i32, %arg1: i32, %arg2: memref<10000x128xf32, #tpu.memory_space<hbm>>, %arg3: memref<10000x128xf32, #tpu.memory_space<hbm>>, %arg4: memref<32x125x80xi32, #tpu.memory_space<hbm>>, %arg5: memref<32x125x80xi32, #tpu.memory_space<hbm>>, %arg6: memref<320000x128xf32, #tpu.memory_space<hbm>>, %arg7: memref<320000x128xf32, #tpu.memory_space<hbm>>, %arg8: memref<320000x128xf32, #tpu.memory_space<hbm>>, %arg9: memref<320000x128xf32, #tpu.memory_space<hbm>>, %arg10: memref<125x80xi32, #tpu.memory_space<vmem>>, %arg11: memref<125x80xi32, #tpu.memory_space<vmem>>, %arg12: memref<80x128xf32, #tpu.memory_space<vmem>>, %arg13: memref<80x128xf32, #tpu.memory_space<vmem>>, %arg14: memref<!tpu.dma_semaphore, #tpu.memory_space<semaphore_mem>>, %arg15: memref<!tpu.dma_semaphore, #tpu.memory_space<semaphore_mem>>, %arg16: memref<80x128xf32, #tpu.memory_space<vmem>>, %arg17: memref<80x128xf32, #tpu.memory_space<vmem>>, %arg18: memref<!tpu.dma_semaphore, #tpu.memory_space<semaphore_mem>>, %arg19: memref<!tpu.dma_semaphore, #tpu.memory_space<semaphore_mem>>) attributes {dimension_semantics = [#tpu.dimension_semantics<core_parallel>, #tpu.dimension_semantics<subcore_parallel>], iteration_bounds = array<i64: 2, 16>, scalar_prefetch = 0 : i64, scratch_operands = 10 : i64, tpu.core_type = #tpu.core_type<sc_vector_subcore>, window_params = [{transform_indices = #map}, {transform_indices = #map}, {transform_indices = #map1}, {transform_indices = #map1}, {transform_indices = #map}, {transform_indices = #map}, {transform_indices = #map}, {transform_indices = #map}]} {
    %mul3A = arith.constant 2 : i32
    %mul3A_0 = arith.muli %arg1, %mul3A : i32
    %add3A = arith.addi %mul3A_0, %arg0 : i32
    %mul3A_1 = arith.constant 125 : i32
    %mul3A_2 = arith.muli %add3A, %mul3A_1 : i32
    "tpu.region"() ({
      %run_scoped3A = tpu.sem_alloc : memref<!tpu.dma_semaphore, #tpu.memory_space<semaphore_mem>>
      %dma_start3A = arith.constant 0 : i32
      %dma_start3A_8 = arith.constant 0 : i32
      %dma_start3A_9 = tpu.memref_slice %arg4[%add3A, %dma_start3A, %dma_start3A_8] : memref<32x125x80xi32, #tpu.memory_space<hbm>> -> memref<1x125x80xi32, #tpu.memory_space<hbm>>
      %dma_start3A_10 = tpu.memref_squeeze %dma_start3A_9 : memref<1x125x80xi32, #tpu.memory_space<hbm>> -> memref<125x80xi32, #tpu.memory_space<hbm>>
      %dma_start3A_11 = arith.constant 0 : i32
      %dma_start3A_12 = arith.constant 0 : i32
      %dma_start3A_13 = tpu.memref_slice %arg4[%add3A, %dma_start3A_11, %dma_start3A_12] : memref<32x125x80xi32, #tpu.memory_space<hbm>> -> memref<1x125x80xi32, #tpu.memory_space<hbm>>
      %dma_start3A_14 = tpu.memref_squeeze %dma_start3A_13 : memref<1x125x80xi32, #tpu.memory_space<hbm>> -> memref<125x80xi32, #tpu.memory_space<hbm>>
      tpu.enqueue_dma source(%dma_start3A_14 : memref<125x80xi32, #tpu.memory_space<hbm>>) target(%arg10 : memref<125x80xi32, #tpu.memory_space<vmem>>) target_semaphore(%run_scoped3A : memref<!tpu.dma_semaphore, #tpu.memory_space<semaphore_mem>>)
      %dma_wait3A = arith.constant 0 : i32
      %dma_wait3A_15 = arith.constant 0 : i32
      %dma_wait3A_16 = tpu.memref_slice %arg4[%add3A, %dma_wait3A, %dma_wait3A_15] : memref<32x125x80xi32, #tpu.memory_space<hbm>> -> memref<1x125x80xi32, #tpu.memory_space<hbm>>
      %dma_wait3A_17 = tpu.memref_squeeze %dma_wait3A_16 : memref<1x125x80xi32, #tpu.memory_space<hbm>> -> memref<125x80xi32, #tpu.memory_space<hbm>>
      %dma_wait3A_18 = arith.constant 0 : i32
      %dma_wait3A_19 = arith.constant 0 : i32
      %dma_wait3A_20 = tpu.memref_slice %arg4[%add3A, %dma_wait3A_18, %dma_wait3A_19] : memref<32x125x80xi32, #tpu.memory_space<hbm>> -> memref<1x125x80xi32, #tpu.memory_space<hbm>>
      %dma_wait3A_21 = tpu.memref_squeeze %dma_wait3A_20 : memref<1x125x80xi32, #tpu.memory_space<hbm>> -> memref<125x80xi32, #tpu.memory_space<hbm>>
      tpu.wait_dma2 semaphore(%run_scoped3A : memref<!tpu.dma_semaphore, #tpu.memory_space<semaphore_mem>>) src(%dma_wait3A_21 : memref<125x80xi32, #tpu.memory_space<hbm>>) dst(%arg10 : memref<125x80xi32, #tpu.memory_space<vmem>>)
      tpu.yield
    }) : () -> ()
    "tpu.region"() ({
      %run_scoped3A = tpu.sem_alloc : memref<!tpu.dma_semaphore, #tpu.memory_space<semaphore_mem>>
      %dma_start3A = arith.constant 0 : i32
      %dma_start3A_8 = arith.constant 0 : i32
      %dma_start3A_9 = tpu.memref_slice %arg5[%add3A, %dma_start3A, %dma_start3A_8] : memref<32x125x80xi32, #tpu.memory_space<hbm>> -> memref<1x125x80xi32, #tpu.memory_space<hbm>>
      %dma_start3A_10 = tpu.memref_squeeze %dma_start3A_9 : memref<1x125x80xi32, #tpu.memory_space<hbm>> -> memref<125x80xi32, #tpu.memory_space<hbm>>
      %dma_start3A_11 = arith.constant 0 : i32
      %dma_start3A_12 = arith.constant 0 : i32
      %dma_start3A_13 = tpu.memref_slice %arg5[%add3A, %dma_start3A_11, %dma_start3A_12] : memref<32x125x80xi32, #tpu.memory_space<hbm>> -> memref<1x125x80xi32, #tpu.memory_space<hbm>>
      %dma_start3A_14 = tpu.memref_squeeze %dma_start3A_13 : memref<1x125x80xi32, #tpu.memory_space<hbm>> -> memref<125x80xi32, #tpu.memory_space<hbm>>
      tpu.enqueue_dma source(%dma_start3A_14 : memref<125x80xi32, #tpu.memory_space<hbm>>) target(%arg11 : memref<125x80xi32, #tpu.memory_space<vmem>>) target_semaphore(%run_scoped3A : memref<!tpu.dma_semaphore, #tpu.memory_space<semaphore_mem>>)
      %dma_wait3A = arith.constant 0 : i32
      %dma_wait3A_15 = arith.constant 0 : i32
      %dma_wait3A_16 = tpu.memref_slice %arg5[%add3A, %dma_wait3A, %dma_wait3A_15] : memref<32x125x80xi32, #tpu.memory_space<hbm>> -> memref<1x125x80xi32, #tpu.memory_space<hbm>>
      %dma_wait3A_17 = tpu.memref_squeeze %dma_wait3A_16 : memref<1x125x80xi32, #tpu.memory_space<hbm>> -> memref<125x80xi32, #tpu.memory_space<hbm>>
      %dma_wait3A_18 = arith.constant 0 : i32
      %dma_wait3A_19 = arith.constant 0 : i32
      %dma_wait3A_20 = tpu.memref_slice %arg5[%add3A, %dma_wait3A_18, %dma_wait3A_19] : memref<32x125x80xi32, #tpu.memory_space<hbm>> -> memref<1x125x80xi32, #tpu.memory_space<hbm>>
      %dma_wait3A_21 = tpu.memref_squeeze %dma_wait3A_20 : memref<1x125x80xi32, #tpu.memory_space<hbm>> -> memref<125x80xi32, #tpu.memory_space<hbm>>
      tpu.wait_dma2 semaphore(%run_scoped3A : memref<!tpu.dma_semaphore, #tpu.memory_space<semaphore_mem>>) src(%dma_wait3A_21 : memref<125x80xi32, #tpu.memory_space<hbm>>) dst(%arg11 : memref<125x80xi32, #tpu.memory_space<vmem>>)
      tpu.yield
    }) : () -> ()
    %scan3A = arith.constant 0 : i32
    %scan3A_3 = arith.constant 0 : i32
    %scan3A_4 = arith.constant 125 : i32
    %scan3A_5 = arith.addi %scan3A_3, %scan3A_4 : i32
    %scan3A_6 = arith.constant 1 : i32
    scf.for %scan3A_8 = %scan3A_3 to %scan3A_5 step %scan3A_6  : i32 {
      %add3A_9 = arith.addi %mul3A_2, %scan3A_8 : i32
      %mul3A_10 = arith.constant 80 : i32
      %mul3A_11 = arith.muli %add3A_9, %mul3A_10 : i32
      %dma_start3A = arith.constant 0 : i32
      %dma_start3A_12 = tpu.memref_slice %arg10[%scan3A_8, %dma_start3A] : memref<125x80xi32, #tpu.memory_space<vmem>> -> memref<1x80xi32, #tpu.memory_space<vmem>>
      %dma_start3A_13 = tpu.memref_squeeze %dma_start3A_12 : memref<1x80xi32, #tpu.memory_space<vmem>> -> memref<80xi32, #tpu.memory_space<vmem>>
      %dma_start3A_14 = arith.constant 0 : i32
      %dma_start3A_15 = arith.constant 0 : i32
      %dma_start3A_16 = tpu.memref_slice %arg2[%dma_start3A_14, %dma_start3A_15] : memref<10000x128xf32, #tpu.memory_space<hbm>> -> memref<10000x128xf32, #tpu.memory_space<hbm>>
      tpu.enqueue_indirect_dma source(%dma_start3A_16 : memref<10000x128xf32, #tpu.memory_space<hbm>>) target(%arg12 : memref<80x128xf32, #tpu.memory_space<vmem>>) offsets(%dma_start3A_13 : memref<80xi32, #tpu.memory_space<vmem>>) semaphore(%arg14 : memref<!tpu.dma_semaphore, #tpu.memory_space<semaphore_mem>>)
      %dma_start3A_17 = arith.constant 0 : i32
      %dma_start3A_18 = tpu.memref_slice %arg11[%scan3A_8, %dma_start3A_17] : memref<125x80xi32, #tpu.memory_space<vmem>> -> memref<1x80xi32, #tpu.memory_space<vmem>>
      %dma_start3A_19 = tpu.memref_squeeze %dma_start3A_18 : memref<1x80xi32, #tpu.memory_space<vmem>> -> memref<80xi32, #tpu.memory_space<vmem>>
      %dma_start3A_20 = arith.constant 0 : i32
      %dma_start3A_21 = arith.constant 0 : i32
      %dma_start3A_22 = tpu.memref_slice %arg2[%dma_start3A_20, %dma_start3A_21] : memref<10000x128xf32, #tpu.memory_space<hbm>> -> memref<10000x128xf32, #tpu.memory_space<hbm>>
      tpu.enqueue_indirect_dma source(%dma_start3A_22 : memref<10000x128xf32, #tpu.memory_space<hbm>>) target(%arg13 : memref<80x128xf32, #tpu.memory_space<vmem>>) offsets(%dma_start3A_19 : memref<80xi32, #tpu.memory_space<vmem>>) semaphore(%arg15 : memref<!tpu.dma_semaphore, #tpu.memory_space<semaphore_mem>>)
      %dma_start3A_23 = arith.constant 0 : i32
      %dma_start3A_24 = tpu.memref_slice %arg10[%scan3A_8, %dma_start3A_23] : memref<125x80xi32, #tpu.memory_space<vmem>> -> memref<1x80xi32, #tpu.memory_space<vmem>>
      %dma_start3A_25 = tpu.memref_squeeze %dma_start3A_24 : memref<1x80xi32, #tpu.memory_space<vmem>> -> memref<80xi32, #tpu.memory_space<vmem>>
      %dma_start3A_26 = arith.constant 0 : i32
      %dma_start3A_27 = arith.constant 0 : i32
      %dma_start3A_28 = tpu.memref_slice %arg3[%dma_start3A_26, %dma_start3A_27] : memref<10000x128xf32, #tpu.memory_space<hbm>> -> memref<10000x128xf32, #tpu.memory_space<hbm>>
      tpu.enqueue_indirect_dma source(%dma_start3A_28 : memref<10000x128xf32, #tpu.memory_space<hbm>>) target(%arg16 : memref<80x128xf32, #tpu.memory_space<vmem>>) offsets(%dma_start3A_25 : memref<80xi32, #tpu.memory_space<vmem>>) semaphore(%arg18 : memref<!tpu.dma_semaphore, #tpu.memory_space<semaphore_mem>>)
      %dma_start3A_29 = arith.constant 0 : i32
      %dma_start3A_30 = tpu.memref_slice %arg11[%scan3A_8, %dma_start3A_29] : memref<125x80xi32, #tpu.memory_space<vmem>> -> memref<1x80xi32, #tpu.memory_space<vmem>>
      %dma_start3A_31 = tpu.memref_squeeze %dma_start3A_30 : memref<1x80xi32, #tpu.memory_space<vmem>> -> memref<80xi32, #tpu.memory_space<vmem>>
      %dma_start3A_32 = arith.constant 0 : i32
      %dma_start3A_33 = arith.constant 0 : i32
      %dma_start3A_34 = tpu.memref_slice %arg3[%dma_start3A_32, %dma_start3A_33] : memref<10000x128xf32, #tpu.memory_space<hbm>> -> memref<10000x128xf32, #tpu.memory_space<hbm>>
      tpu.enqueue_indirect_dma source(%dma_start3A_34 : memref<10000x128xf32, #tpu.memory_space<hbm>>) target(%arg17 : memref<80x128xf32, #tpu.memory_space<vmem>>) offsets(%dma_start3A_31 : memref<80xi32, #tpu.memory_space<vmem>>) semaphore(%arg19 : memref<!tpu.dma_semaphore, #tpu.memory_space<semaphore_mem>>)
      %dma_wait3A = arith.constant 0 : i32
      %dma_wait3A_35 = tpu.memref_slice %arg10[%scan3A_8, %dma_wait3A] : memref<125x80xi32, #tpu.memory_space<vmem>> -> memref<1x80xi32, #tpu.memory_space<vmem>>
      %dma_wait3A_36 = tpu.memref_squeeze %dma_wait3A_35 : memref<1x80xi32, #tpu.memory_space<vmem>> -> memref<80xi32, #tpu.memory_space<vmem>>
      %dma_wait3A_37 = arith.constant 0 : i32
      %dma_wait3A_38 = arith.constant 0 : i32
      %dma_wait3A_39 = tpu.memref_slice %arg2[%dma_wait3A_37, %dma_wait3A_38] : memref<10000x128xf32, #tpu.memory_space<hbm>> -> memref<10000x128xf32, #tpu.memory_space<hbm>>
      tpu.wait_indirect_dma semaphore(%arg14 : memref<!tpu.dma_semaphore, #tpu.memory_space<semaphore_mem>>) src(%dma_wait3A_39 : memref<10000x128xf32, #tpu.memory_space<hbm>>) dst(%arg12 : memref<80x128xf32, #tpu.memory_space<vmem>>)
      "tpu.region"() ({
        %run_scoped3A = tpu.sem_alloc : memref<!tpu.dma_semaphore, #tpu.memory_space<semaphore_mem>>
        %dma_start3A_58 = arith.constant 0 : i32
        %dma_start3A_59 = tpu.memref_slice %arg6[%mul3A_11, %dma_start3A_58] : memref<320000x128xf32, #tpu.memory_space<hbm>> -> memref<80x128xf32, #tpu.memory_space<hbm>>
        %dma_start3A_60 = arith.constant 0 : i32
        %dma_start3A_61 = tpu.memref_slice %arg6[%mul3A_11, %dma_start3A_60] : memref<320000x128xf32, #tpu.memory_space<hbm>> -> memref<80x128xf32, #tpu.memory_space<hbm>>
        tpu.enqueue_dma source(%arg12 : memref<80x128xf32, #tpu.memory_space<vmem>>) target(%dma_start3A_61 : memref<80x128xf32, #tpu.memory_space<hbm>>) target_semaphore(%run_scoped3A : memref<!tpu.dma_semaphore, #tpu.memory_space<semaphore_mem>>)
        %dma_wait3A_62 = arith.constant 0 : i32
        %dma_wait3A_63 = tpu.memref_slice %arg6[%mul3A_11, %dma_wait3A_62] : memref<320000x128xf32, #tpu.memory_space<hbm>> -> memref<80x128xf32, #tpu.memory_space<hbm>>
        %dma_wait3A_64 = arith.constant 0 : i32
        %dma_wait3A_65 = tpu.memref_slice %arg6[%mul3A_11, %dma_wait3A_64] : memref<320000x128xf32, #tpu.memory_space<hbm>> -> memref<80x128xf32, #tpu.memory_space<hbm>>
        tpu.wait_dma2 semaphore(%run_scoped3A : memref<!tpu.dma_semaphore, #tpu.memory_space<semaphore_mem>>) src(%arg12 : memref<80x128xf32, #tpu.memory_space<vmem>>) dst(%dma_wait3A_65 : memref<80x128xf32, #tpu.memory_space<hbm>>)
        tpu.yield
      }) : () -> ()
      %dma_wait3A_40 = arith.constant 0 : i32
      %dma_wait3A_41 = tpu.memref_slice %arg11[%scan3A_8, %dma_wait3A_40] : memref<125x80xi32, #tpu.memory_space<vmem>> -> memref<1x80xi32, #tpu.memory_space<vmem>>
      %dma_wait3A_42 = tpu.memref_squeeze %dma_wait3A_41 : memref<1x80xi32, #tpu.memory_space<vmem>> -> memref<80xi32, #tpu.memory_space<vmem>>
      %dma_wait3A_43 = arith.constant 0 : i32
      %dma_wait3A_44 = arith.constant 0 : i32
      %dma_wait3A_45 = tpu.memref_slice %arg2[%dma_wait3A_43, %dma_wait3A_44] : memref<10000x128xf32, #tpu.memory_space<hbm>> -> memref<10000x128xf32, #tpu.memory_space<hbm>>
      tpu.wait_indirect_dma semaphore(%arg15 : memref<!tpu.dma_semaphore, #tpu.memory_space<semaphore_mem>>) src(%dma_wait3A_45 : memref<10000x128xf32, #tpu.memory_space<hbm>>) dst(%arg13 : memref<80x128xf32, #tpu.memory_space<vmem>>)
      "tpu.region"() ({
        %run_scoped3A = tpu.sem_alloc : memref<!tpu.dma_semaphore, #tpu.memory_space<semaphore_mem>>
        %dma_start3A_58 = arith.constant 0 : i32
        %dma_start3A_59 = tpu.memref_slice %arg7[%mul3A_11, %dma_start3A_58] : memref<320000x128xf32, #tpu.memory_space<hbm>> -> memref<80x128xf32, #tpu.memory_space<hbm>>
        %dma_start3A_60 = arith.constant 0 : i32
        %dma_start3A_61 = tpu.memref_slice %arg7[%mul3A_11, %dma_start3A_60] : memref<320000x128xf32, #tpu.memory_space<hbm>> -> memref<80x128xf32, #tpu.memory_space<hbm>>
        tpu.enqueue_dma source(%arg13 : memref<80x128xf32, #tpu.memory_space<vmem>>) target(%dma_start3A_61 : memref<80x128xf32, #tpu.memory_space<hbm>>) target_semaphore(%run_scoped3A : memref<!tpu.dma_semaphore, #tpu.memory_space<semaphore_mem>>)
        %dma_wait3A_62 = arith.constant 0 : i32
        %dma_wait3A_63 = tpu.memref_slice %arg7[%mul3A_11, %dma_wait3A_62] : memref<320000x128xf32, #tpu.memory_space<hbm>> -> memref<80x128xf32, #tpu.memory_space<hbm>>
        %dma_wait3A_64 = arith.constant 0 : i32
        %dma_wait3A_65 = tpu.memref_slice %arg7[%mul3A_11, %dma_wait3A_64] : memref<320000x128xf32, #tpu.memory_space<hbm>> -> memref<80x128xf32, #tpu.memory_space<hbm>>
        tpu.wait_dma2 semaphore(%run_scoped3A : memref<!tpu.dma_semaphore, #tpu.memory_space<semaphore_mem>>) src(%arg13 : memref<80x128xf32, #tpu.memory_space<vmem>>) dst(%dma_wait3A_65 : memref<80x128xf32, #tpu.memory_space<hbm>>)
        tpu.yield
      }) : () -> ()
      %dma_wait3A_46 = arith.constant 0 : i32
      %dma_wait3A_47 = tpu.memref_slice %arg10[%scan3A_8, %dma_wait3A_46] : memref<125x80xi32, #tpu.memory_space<vmem>> -> memref<1x80xi32, #tpu.memory_space<vmem>>
      %dma_wait3A_48 = tpu.memref_squeeze %dma_wait3A_47 : memref<1x80xi32, #tpu.memory_space<vmem>> -> memref<80xi32, #tpu.memory_space<vmem>>
      %dma_wait3A_49 = arith.constant 0 : i32
      %dma_wait3A_50 = arith.constant 0 : i32
      %dma_wait3A_51 = tpu.memref_slice %arg3[%dma_wait3A_49, %dma_wait3A_50] : memref<10000x128xf32, #tpu.memory_space<hbm>> -> memref<10000x128xf32, #tpu.memory_space<hbm>>
      tpu.wait_indirect_dma semaphore(%arg18 : memref<!tpu.dma_semaphore, #tpu.memory_space<semaphore_mem>>) src(%dma_wait3A_51 : memref<10000x128xf32, #tpu.memory_space<hbm>>) dst(%arg16 : memref<80x128xf32, #tpu.memory_space<vmem>>)
      "tpu.region"() ({
        %run_scoped3A = tpu.sem_alloc : memref<!tpu.dma_semaphore, #tpu.memory_space<semaphore_mem>>
        %dma_start3A_58 = arith.constant 0 : i32
        %dma_start3A_59 = tpu.memref_slice %arg8[%mul3A_11, %dma_start3A_58] : memref<320000x128xf32, #tpu.memory_space<hbm>> -> memref<80x128xf32, #tpu.memory_space<hbm>>
        %dma_start3A_60 = arith.constant 0 : i32
        %dma_start3A_61 = tpu.memref_slice %arg8[%mul3A_11, %dma_start3A_60] : memref<320000x128xf32, #tpu.memory_space<hbm>> -> memref<80x128xf32, #tpu.memory_space<hbm>>
        tpu.enqueue_dma source(%arg16 : memref<80x128xf32, #tpu.memory_space<vmem>>) target(%dma_start3A_61 : memref<80x128xf32, #tpu.memory_space<hbm>>) target_semaphore(%run_scoped3A : memref<!tpu.dma_semaphore, #tpu.memory_space<semaphore_mem>>)
        %dma_wait3A_62 = arith.constant 0 : i32
        %dma_wait3A_63 = tpu.memref_slice %arg8[%mul3A_11, %dma_wait3A_62] : memref<320000x128xf32, #tpu.memory_space<hbm>> -> memref<80x128xf32, #tpu.memory_space<hbm>>
        %dma_wait3A_64 = arith.constant 0 : i32
        %dma_wait3A_65 = tpu.memref_slice %arg8[%mul3A_11, %dma_wait3A_64] : memref<320000x128xf32, #tpu.memory_space<hbm>> -> memref<80x128xf32, #tpu.memory_space<hbm>>
        tpu.wait_dma2 semaphore(%run_scoped3A : memref<!tpu.dma_semaphore, #tpu.memory_space<semaphore_mem>>) src(%arg16 : memref<80x128xf32, #tpu.memory_space<vmem>>) dst(%dma_wait3A_65 : memref<80x128xf32, #tpu.memory_space<hbm>>)
        tpu.yield
      }) : () -> ()
      %dma_wait3A_52 = arith.constant 0 : i32
      %dma_wait3A_53 = tpu.memref_slice %arg11[%scan3A_8, %dma_wait3A_52] : memref<125x80xi32, #tpu.memory_space<vmem>> -> memref<1x80xi32, #tpu.memory_space<vmem>>
      %dma_wait3A_54 = tpu.memref_squeeze %dma_wait3A_53 : memref<1x80xi32, #tpu.memory_space<vmem>> -> memref<80xi32, #tpu.memory_space<vmem>>
      %dma_wait3A_55 = arith.constant 0 : i32
      %dma_wait3A_56 = arith.constant 0 : i32
      %dma_wait3A_57 = tpu.memref_slice %arg3[%dma_wait3A_55, %dma_wait3A_56] : memref<10000x128xf32, #tpu.memory_space<hbm>> -> memref<10000x128xf32, #tpu.memory_space<hbm>>
      tpu.wait_indirect_dma semaphore(%arg19 : memref<!tpu.dma_semaphore, #tpu.memory_space<semaphore_mem>>) src(%dma_wait3A_57 : memref<10000x128xf32, #tpu.memory_space<hbm>>) dst(%arg17 : memref<80x128xf32, #tpu.memory_space<vmem>>)
      "tpu.region"() ({
        %run_scoped3A = tpu.sem_alloc : memref<!tpu.dma_semaphore, #tpu.memory_space<semaphore_mem>>
        %dma_start3A_58 = arith.constant 0 : i32
        %dma_start3A_59 = tpu.memref_slice %arg9[%mul3A_11, %dma_start3A_58] : memref<320000x128xf32, #tpu.memory_space<hbm>> -> memref<80x128xf32, #tpu.memory_space<hbm>>
        %dma_start3A_60 = arith.constant 0 : i32
        %dma_start3A_61 = tpu.memref_slice %arg9[%mul3A_11, %dma_start3A_60] : memref<320000x128xf32, #tpu.memory_space<hbm>> -> memref<80x128xf32, #tpu.memory_space<hbm>>
        tpu.enqueue_dma source(%arg17 : memref<80x128xf32, #tpu.memory_space<vmem>>) target(%dma_start3A_61 : memref<80x128xf32, #tpu.memory_space<hbm>>) target_semaphore(%run_scoped3A : memref<!tpu.dma_semaphore, #tpu.memory_space<semaphore_mem>>)
        %dma_wait3A_62 = arith.constant 0 : i32
        %dma_wait3A_63 = tpu.memref_slice %arg9[%mul3A_11, %dma_wait3A_62] : memref<320000x128xf32, #tpu.memory_space<hbm>> -> memref<80x128xf32, #tpu.memory_space<hbm>>
        %dma_wait3A_64 = arith.constant 0 : i32
        %dma_wait3A_65 = tpu.memref_slice %arg9[%mul3A_11, %dma_wait3A_64] : memref<320000x128xf32, #tpu.memory_space<hbm>> -> memref<80x128xf32, #tpu.memory_space<hbm>>
        tpu.wait_dma2 semaphore(%run_scoped3A : memref<!tpu.dma_semaphore, #tpu.memory_space<semaphore_mem>>) src(%arg17 : memref<80x128xf32, #tpu.memory_space<vmem>>) dst(%dma_wait3A_65 : memref<80x128xf32, #tpu.memory_space<hbm>>)
        tpu.yield
      }) : () -> ()
    }
    %scan3A_7 = arith.constant 125 : i32
    return
  }
}

#map = affine_map<(d0, d1) -> (0, 0)>
#map1 = affine_map<(d0, d1) -> (0, 0, 0)>
module attributes {stable_mosaic.version = 14 : i64} {
  func.func @body(%arg0: i32, %arg1: i32, %arg2: memref<10000x128xf32, #tpu.memory_space<hbm>>, %arg3: memref<32x125x80xi32, #tpu.memory_space<hbm>>, %arg4: memref<32x125x80xi32, #tpu.memory_space<hbm>>, %arg5: memref<320000x128xf32, #tpu.memory_space<hbm>>, %arg6: memref<320000x128xf32, #tpu.memory_space<hbm>>, %arg7: memref<125x80xi32, #tpu.memory_space<vmem>>, %arg8: memref<125x80xi32, #tpu.memory_space<vmem>>, %arg9: memref<80x128xf32, #tpu.memory_space<vmem>>, %arg10: memref<80x128xf32, #tpu.memory_space<vmem>>, %arg11: memref<!tpu.dma_semaphore, #tpu.memory_space<semaphore_mem>>, %arg12: memref<!tpu.dma_semaphore, #tpu.memory_space<semaphore_mem>>) attributes {dimension_semantics = [#tpu.dimension_semantics<core_parallel>, #tpu.dimension_semantics<subcore_parallel>], iteration_bounds = array<i64: 2, 16>, scalar_prefetch = 0 : i64, scratch_operands = 6 : i64, tpu.core_type = #tpu.core_type<sc_vector_subcore>, window_params = [{transform_indices = #map}, {transform_indices = #map1}, {transform_indices = #map1}, {transform_indices = #map}, {transform_indices = #map}]} {
    %mul3A = arith.constant 2 : i32
    %mul3A_0 = arith.muli %arg1, %mul3A : i32
    %add3A = arith.addi %mul3A_0, %arg0 : i32
    %mul3A_1 = arith.constant 125 : i32
    %mul3A_2 = arith.muli %add3A, %mul3A_1 : i32
    "tpu.region"() ({
      %run_scoped3A = tpu.sem_alloc : memref<!tpu.dma_semaphore, #tpu.memory_space<semaphore_mem>>
      %dma_start3A = arith.constant 0 : i32
      %dma_start3A_8 = arith.constant 0 : i32
      %dma_start3A_9 = tpu.memref_slice %arg3[%add3A, %dma_start3A, %dma_start3A_8] : memref<32x125x80xi32, #tpu.memory_space<hbm>> -> memref<1x125x80xi32, #tpu.memory_space<hbm>>
      %dma_start3A_10 = tpu.memref_squeeze %dma_start3A_9 : memref<1x125x80xi32, #tpu.memory_space<hbm>> -> memref<125x80xi32, #tpu.memory_space<hbm>>
      %dma_start3A_11 = arith.constant 0 : i32
      %dma_start3A_12 = arith.constant 0 : i32
      %dma_start3A_13 = tpu.memref_slice %arg3[%add3A, %dma_start3A_11, %dma_start3A_12] : memref<32x125x80xi32, #tpu.memory_space<hbm>> -> memref<1x125x80xi32, #tpu.memory_space<hbm>>
      %dma_start3A_14 = tpu.memref_squeeze %dma_start3A_13 : memref<1x125x80xi32, #tpu.memory_space<hbm>> -> memref<125x80xi32, #tpu.memory_space<hbm>>
      tpu.enqueue_dma source(%dma_start3A_14 : memref<125x80xi32, #tpu.memory_space<hbm>>) target(%arg7 : memref<125x80xi32, #tpu.memory_space<vmem>>) target_semaphore(%run_scoped3A : memref<!tpu.dma_semaphore, #tpu.memory_space<semaphore_mem>>)
      %dma_wait3A = arith.constant 0 : i32
      %dma_wait3A_15 = arith.constant 0 : i32
      %dma_wait3A_16 = tpu.memref_slice %arg3[%add3A, %dma_wait3A, %dma_wait3A_15] : memref<32x125x80xi32, #tpu.memory_space<hbm>> -> memref<1x125x80xi32, #tpu.memory_space<hbm>>
      %dma_wait3A_17 = tpu.memref_squeeze %dma_wait3A_16 : memref<1x125x80xi32, #tpu.memory_space<hbm>> -> memref<125x80xi32, #tpu.memory_space<hbm>>
      %dma_wait3A_18 = arith.constant 0 : i32
      %dma_wait3A_19 = arith.constant 0 : i32
      %dma_wait3A_20 = tpu.memref_slice %arg3[%add3A, %dma_wait3A_18, %dma_wait3A_19] : memref<32x125x80xi32, #tpu.memory_space<hbm>> -> memref<1x125x80xi32, #tpu.memory_space<hbm>>
      %dma_wait3A_21 = tpu.memref_squeeze %dma_wait3A_20 : memref<1x125x80xi32, #tpu.memory_space<hbm>> -> memref<125x80xi32, #tpu.memory_space<hbm>>
      tpu.wait_dma2 semaphore(%run_scoped3A : memref<!tpu.dma_semaphore, #tpu.memory_space<semaphore_mem>>) src(%dma_wait3A_21 : memref<125x80xi32, #tpu.memory_space<hbm>>) dst(%arg7 : memref<125x80xi32, #tpu.memory_space<vmem>>)
      tpu.yield
    }) : () -> ()
    "tpu.region"() ({
      %run_scoped3A = tpu.sem_alloc : memref<!tpu.dma_semaphore, #tpu.memory_space<semaphore_mem>>
      %dma_start3A = arith.constant 0 : i32
      %dma_start3A_8 = arith.constant 0 : i32
      %dma_start3A_9 = tpu.memref_slice %arg4[%add3A, %dma_start3A, %dma_start3A_8] : memref<32x125x80xi32, #tpu.memory_space<hbm>> -> memref<1x125x80xi32, #tpu.memory_space<hbm>>
      %dma_start3A_10 = tpu.memref_squeeze %dma_start3A_9 : memref<1x125x80xi32, #tpu.memory_space<hbm>> -> memref<125x80xi32, #tpu.memory_space<hbm>>
      %dma_start3A_11 = arith.constant 0 : i32
      %dma_start3A_12 = arith.constant 0 : i32
      %dma_start3A_13 = tpu.memref_slice %arg4[%add3A, %dma_start3A_11, %dma_start3A_12] : memref<32x125x80xi32, #tpu.memory_space<hbm>> -> memref<1x125x80xi32, #tpu.memory_space<hbm>>
      %dma_start3A_14 = tpu.memref_squeeze %dma_start3A_13 : memref<1x125x80xi32, #tpu.memory_space<hbm>> -> memref<125x80xi32, #tpu.memory_space<hbm>>
      tpu.enqueue_dma source(%dma_start3A_14 : memref<125x80xi32, #tpu.memory_space<hbm>>) target(%arg8 : memref<125x80xi32, #tpu.memory_space<vmem>>) target_semaphore(%run_scoped3A : memref<!tpu.dma_semaphore, #tpu.memory_space<semaphore_mem>>)
      %dma_wait3A = arith.constant 0 : i32
      %dma_wait3A_15 = arith.constant 0 : i32
      %dma_wait3A_16 = tpu.memref_slice %arg4[%add3A, %dma_wait3A, %dma_wait3A_15] : memref<32x125x80xi32, #tpu.memory_space<hbm>> -> memref<1x125x80xi32, #tpu.memory_space<hbm>>
      %dma_wait3A_17 = tpu.memref_squeeze %dma_wait3A_16 : memref<1x125x80xi32, #tpu.memory_space<hbm>> -> memref<125x80xi32, #tpu.memory_space<hbm>>
      %dma_wait3A_18 = arith.constant 0 : i32
      %dma_wait3A_19 = arith.constant 0 : i32
      %dma_wait3A_20 = tpu.memref_slice %arg4[%add3A, %dma_wait3A_18, %dma_wait3A_19] : memref<32x125x80xi32, #tpu.memory_space<hbm>> -> memref<1x125x80xi32, #tpu.memory_space<hbm>>
      %dma_wait3A_21 = tpu.memref_squeeze %dma_wait3A_20 : memref<1x125x80xi32, #tpu.memory_space<hbm>> -> memref<125x80xi32, #tpu.memory_space<hbm>>
      tpu.wait_dma2 semaphore(%run_scoped3A : memref<!tpu.dma_semaphore, #tpu.memory_space<semaphore_mem>>) src(%dma_wait3A_21 : memref<125x80xi32, #tpu.memory_space<hbm>>) dst(%arg8 : memref<125x80xi32, #tpu.memory_space<vmem>>)
      tpu.yield
    }) : () -> ()
    %scan3A = arith.constant 0 : i32
    %scan3A_3 = arith.constant 0 : i32
    %scan3A_4 = arith.constant 125 : i32
    %scan3A_5 = arith.addi %scan3A_3, %scan3A_4 : i32
    %scan3A_6 = arith.constant 1 : i32
    scf.for %scan3A_8 = %scan3A_3 to %scan3A_5 step %scan3A_6  : i32 {
      %add3A_9 = arith.addi %mul3A_2, %scan3A_8 : i32
      %mul3A_10 = arith.constant 80 : i32
      %mul3A_11 = arith.muli %add3A_9, %mul3A_10 : i32
      %dma_start3A = arith.constant 0 : i32
      %dma_start3A_12 = tpu.memref_slice %arg7[%scan3A_8, %dma_start3A] : memref<125x80xi32, #tpu.memory_space<vmem>> -> memref<1x80xi32, #tpu.memory_space<vmem>>
      %dma_start3A_13 = tpu.memref_squeeze %dma_start3A_12 : memref<1x80xi32, #tpu.memory_space<vmem>> -> memref<80xi32, #tpu.memory_space<vmem>>
      %dma_start3A_14 = arith.constant 0 : i32
      %dma_start3A_15 = arith.constant 0 : i32
      %dma_start3A_16 = tpu.memref_slice %arg2[%dma_start3A_14, %dma_start3A_15] : memref<10000x128xf32, #tpu.memory_space<hbm>> -> memref<10000x128xf32, #tpu.memory_space<hbm>>
      tpu.enqueue_indirect_dma source(%dma_start3A_16 : memref<10000x128xf32, #tpu.memory_space<hbm>>) target(%arg9 : memref<80x128xf32, #tpu.memory_space<vmem>>) offsets(%dma_start3A_13 : memref<80xi32, #tpu.memory_space<vmem>>) semaphore(%arg11 : memref<!tpu.dma_semaphore, #tpu.memory_space<semaphore_mem>>)
      %dma_start3A_17 = arith.constant 0 : i32
      %dma_start3A_18 = tpu.memref_slice %arg8[%scan3A_8, %dma_start3A_17] : memref<125x80xi32, #tpu.memory_space<vmem>> -> memref<1x80xi32, #tpu.memory_space<vmem>>
      %dma_start3A_19 = tpu.memref_squeeze %dma_start3A_18 : memref<1x80xi32, #tpu.memory_space<vmem>> -> memref<80xi32, #tpu.memory_space<vmem>>
      %dma_start3A_20 = arith.constant 0 : i32
      %dma_start3A_21 = arith.constant 0 : i32
      %dma_start3A_22 = tpu.memref_slice %arg2[%dma_start3A_20, %dma_start3A_21] : memref<10000x128xf32, #tpu.memory_space<hbm>> -> memref<10000x128xf32, #tpu.memory_space<hbm>>
      tpu.enqueue_indirect_dma source(%dma_start3A_22 : memref<10000x128xf32, #tpu.memory_space<hbm>>) target(%arg10 : memref<80x128xf32, #tpu.memory_space<vmem>>) offsets(%dma_start3A_19 : memref<80xi32, #tpu.memory_space<vmem>>) semaphore(%arg12 : memref<!tpu.dma_semaphore, #tpu.memory_space<semaphore_mem>>)
      %dma_wait3A = arith.constant 0 : i32
      %dma_wait3A_23 = tpu.memref_slice %arg7[%scan3A_8, %dma_wait3A] : memref<125x80xi32, #tpu.memory_space<vmem>> -> memref<1x80xi32, #tpu.memory_space<vmem>>
      %dma_wait3A_24 = tpu.memref_squeeze %dma_wait3A_23 : memref<1x80xi32, #tpu.memory_space<vmem>> -> memref<80xi32, #tpu.memory_space<vmem>>
      %dma_wait3A_25 = arith.constant 0 : i32
      %dma_wait3A_26 = arith.constant 0 : i32
      %dma_wait3A_27 = tpu.memref_slice %arg2[%dma_wait3A_25, %dma_wait3A_26] : memref<10000x128xf32, #tpu.memory_space<hbm>> -> memref<10000x128xf32, #tpu.memory_space<hbm>>
      tpu.wait_indirect_dma semaphore(%arg11 : memref<!tpu.dma_semaphore, #tpu.memory_space<semaphore_mem>>) src(%dma_wait3A_27 : memref<10000x128xf32, #tpu.memory_space<hbm>>) dst(%arg9 : memref<80x128xf32, #tpu.memory_space<vmem>>)
      "tpu.region"() ({
        %run_scoped3A = tpu.sem_alloc : memref<!tpu.dma_semaphore, #tpu.memory_space<semaphore_mem>>
        %dma_start3A_34 = arith.constant 0 : i32
        %dma_start3A_35 = tpu.memref_slice %arg5[%mul3A_11, %dma_start3A_34] : memref<320000x128xf32, #tpu.memory_space<hbm>> -> memref<80x128xf32, #tpu.memory_space<hbm>>
        %dma_start3A_36 = arith.constant 0 : i32
        %dma_start3A_37 = tpu.memref_slice %arg5[%mul3A_11, %dma_start3A_36] : memref<320000x128xf32, #tpu.memory_space<hbm>> -> memref<80x128xf32, #tpu.memory_space<hbm>>
        tpu.enqueue_dma source(%arg9 : memref<80x128xf32, #tpu.memory_space<vmem>>) target(%dma_start3A_37 : memref<80x128xf32, #tpu.memory_space<hbm>>) target_semaphore(%run_scoped3A : memref<!tpu.dma_semaphore, #tpu.memory_space<semaphore_mem>>)
        %dma_wait3A_38 = arith.constant 0 : i32
        %dma_wait3A_39 = tpu.memref_slice %arg5[%mul3A_11, %dma_wait3A_38] : memref<320000x128xf32, #tpu.memory_space<hbm>> -> memref<80x128xf32, #tpu.memory_space<hbm>>
        %dma_wait3A_40 = arith.constant 0 : i32
        %dma_wait3A_41 = tpu.memref_slice %arg5[%mul3A_11, %dma_wait3A_40] : memref<320000x128xf32, #tpu.memory_space<hbm>> -> memref<80x128xf32, #tpu.memory_space<hbm>>
        tpu.wait_dma2 semaphore(%run_scoped3A : memref<!tpu.dma_semaphore, #tpu.memory_space<semaphore_mem>>) src(%arg9 : memref<80x128xf32, #tpu.memory_space<vmem>>) dst(%dma_wait3A_41 : memref<80x128xf32, #tpu.memory_space<hbm>>)
        tpu.yield
      }) : () -> ()
      %dma_wait3A_28 = arith.constant 0 : i32
      %dma_wait3A_29 = tpu.memref_slice %arg8[%scan3A_8, %dma_wait3A_28] : memref<125x80xi32, #tpu.memory_space<vmem>> -> memref<1x80xi32, #tpu.memory_space<vmem>>
      %dma_wait3A_30 = tpu.memref_squeeze %dma_wait3A_29 : memref<1x80xi32, #tpu.memory_space<vmem>> -> memref<80xi32, #tpu.memory_space<vmem>>
      %dma_wait3A_31 = arith.constant 0 : i32
      %dma_wait3A_32 = arith.constant 0 : i32
      %dma_wait3A_33 = tpu.memref_slice %arg2[%dma_wait3A_31, %dma_wait3A_32] : memref<10000x128xf32, #tpu.memory_space<hbm>> -> memref<10000x128xf32, #tpu.memory_space<hbm>>
      tpu.wait_indirect_dma semaphore(%arg12 : memref<!tpu.dma_semaphore, #tpu.memory_space<semaphore_mem>>) src(%dma_wait3A_33 : memref<10000x128xf32, #tpu.memory_space<hbm>>) dst(%arg10 : memref<80x128xf32, #tpu.memory_space<vmem>>)
      "tpu.region"() ({
        %run_scoped3A = tpu.sem_alloc : memref<!tpu.dma_semaphore, #tpu.memory_space<semaphore_mem>>
        %dma_start3A_34 = arith.constant 0 : i32
        %dma_start3A_35 = tpu.memref_slice %arg6[%mul3A_11, %dma_start3A_34] : memref<320000x128xf32, #tpu.memory_space<hbm>> -> memref<80x128xf32, #tpu.memory_space<hbm>>
        %dma_start3A_36 = arith.constant 0 : i32
        %dma_start3A_37 = tpu.memref_slice %arg6[%mul3A_11, %dma_start3A_36] : memref<320000x128xf32, #tpu.memory_space<hbm>> -> memref<80x128xf32, #tpu.memory_space<hbm>>
        tpu.enqueue_dma source(%arg10 : memref<80x128xf32, #tpu.memory_space<vmem>>) target(%dma_start3A_37 : memref<80x128xf32, #tpu.memory_space<hbm>>) target_semaphore(%run_scoped3A : memref<!tpu.dma_semaphore, #tpu.memory_space<semaphore_mem>>)
        %dma_wait3A_38 = arith.constant 0 : i32
        %dma_wait3A_39 = tpu.memref_slice %arg6[%mul3A_11, %dma_wait3A_38] : memref<320000x128xf32, #tpu.memory_space<hbm>> -> memref<80x128xf32, #tpu.memory_space<hbm>>
        %dma_wait3A_40 = arith.constant 0 : i32
        %dma_wait3A_41 = tpu.memref_slice %arg6[%mul3A_11, %dma_wait3A_40] : memref<320000x128xf32, #tpu.memory_space<hbm>> -> memref<80x128xf32, #tpu.memory_space<hbm>>
        tpu.wait_dma2 semaphore(%run_scoped3A : memref<!tpu.dma_semaphore, #tpu.memory_space<semaphore_mem>>) src(%arg10 : memref<80x128xf32, #tpu.memory_space<vmem>>) dst(%dma_wait3A_41 : memref<80x128xf32, #tpu.memory_space<hbm>>)
        tpu.yield
      }) : () -> ()
    }
    %scan3A_7 = arith.constant 125 : i32
    return
  }
}

module attributes {stable_mosaic.version = 14 : i64} {
  func.func @_edge_mlp1_body(%arg0: i32, %arg1: memref<3200x128xf32, #tpu.memory_space<vmem>>, %arg2: memref<3200x128xf32, #tpu.memory_space<vmem>>, %arg3: memref<3200x128xf32, #tpu.memory_space<vmem>>, %arg4: memref<3200x128xf32, #tpu.memory_space<vmem>>, %arg5: memref<3200x1xf32, #tpu.memory_space<vmem>>, %arg6: memref<256x128xf32, #tpu.memory_space<vmem>>, %arg7: memref<1x128xf32, #tpu.memory_space<vmem>>, %arg8: memref<1x128xf32, #tpu.memory_space<vmem>>, %arg9: memref<1x128xf32, #tpu.memory_space<vmem>>, %arg10: memref<128x128xf32, #tpu.memory_space<vmem>>, %arg11: memref<1x128xf32, #tpu.memory_space<vmem>>, %arg12: memref<3200x128xf32, #tpu.memory_space<vmem>>, %arg13: memref<3200x16xf32, #tpu.memory_space<vmem>>) attributes {dimension_semantics = [#tpu.dimension_semantics<arbitrary>], iteration_bounds = array<i64: 100>, scalar_prefetch = 0 : i64, scratch_operands = 0 : i64, tpu.core_type = #tpu.core_type<tc>, window_params = [{transform_indices = @transform_0, window_bounds = array<i64: 3200, 128>}, {transform_indices = @transform_1, window_bounds = array<i64: 3200, 128>}, {transform_indices = @transform_2, window_bounds = array<i64: 3200, 128>}, {transform_indices = @transform_3, window_bounds = array<i64: 3200, 128>}, {transform_indices = @transform_4, window_bounds = array<i64: 3200, 1>}, {pipeline_mode = #tpu.pipeline_mode<synchronous>, transform_indices = @transform_5, window_bounds = array<i64: 256, 128>}, {pipeline_mode = #tpu.pipeline_mode<synchronous>, transform_indices = @transform_6, window_bounds = array<i64: 1, 128>}, {pipeline_mode = #tpu.pipeline_mode<synchronous>, transform_indices = @transform_7, window_bounds = array<i64: 1, 128>}, {pipeline_mode = #tpu.pipeline_mode<synchronous>, transform_indices = @transform_8, window_bounds = array<i64: 1, 128>}, {pipeline_mode = #tpu.pipeline_mode<synchronous>, transform_indices = @transform_9, window_bounds = array<i64: 128, 128>}, {pipeline_mode = #tpu.pipeline_mode<synchronous>, transform_indices = @transform_10, window_bounds = array<i64: 1, 128>}, {transform_indices = @transform_11, window_bounds = array<i64: 3200, 128>}, {transform_indices = @transform_12, window_bounds = array<i64: 3200, 16>}]} {
    %get3A = arith.constant 0 : index
    %get3A_0 = arith.constant 0 : index
    %get3A_1 = vector.load %arg3[%get3A, %get3A_0] : memref<3200x128xf32, #tpu.memory_space<vmem>>, vector<3200x128xf32>
    %get3A_2 = arith.constant 0 : index
    %get3A_3 = arith.constant 0 : index
    %get3A_4 = vector.load %arg4[%get3A_2, %get3A_3] : memref<3200x128xf32, #tpu.memory_space<vmem>>, vector<3200x128xf32>
    %sub3A = arith.subf %get3A_1, %get3A_4 : vector<3200x128xf32>
    %mul3A = arith.mulf %sub3A, %sub3A : vector<3200x128xf32>
    %reduce_sum3A = arith.constant dense<0.000000e+00> : vector<3200xf32>
    %reduce_sum3A_5 = vector.multi_reduction <add>, %mul3A, %reduce_sum3A [1] : vector<3200x128xf32> to vector<3200xf32>
    %broadcast_in_dim3A = vector.shape_cast %reduce_sum3A_5 : vector<3200xf32> to vector<3200x1xf32>
    %get3A_6 = arith.constant 0 : index
    %get3A_7 = arith.constant 0 : index
    %get3A_8 = vector.load %arg1[%get3A_6, %get3A_7] : memref<3200x128xf32, #tpu.memory_space<vmem>>, vector<3200x128xf32>
    %get3A_9 = arith.constant 0 : index
    %get3A_10 = arith.constant 0 : index
    %get3A_11 = vector.load %arg2[%get3A_9, %get3A_10] : memref<3200x128xf32, #tpu.memory_space<vmem>>, vector<3200x128xf32>
    %concatenate3A = tpu.concatenate %get3A_8, %get3A_11 in 1 : vector<3200x128xf32>, vector<3200x128xf32> -> vector<3200x256xf32>
    %get3A_12 = arith.constant 0 : index
    %get3A_13 = arith.constant 0 : index
    %get3A_14 = vector.load %arg6[%get3A_12, %get3A_13] : memref<256x128xf32, #tpu.memory_space<vmem>>, vector<256x128xf32>
    %dot_general3A = arith.constant dense<0.000000e+00> : vector<3200x128xf32>
    %dot_general3A_15 = tpu.matmul %concatenate3A, %get3A_14, %dot_general3A {dimension_numbers = #tpu.dot_dimension_numbers<[1], [0], [0], [1], [0, 0, 1, 1], [], []>, transpose_lhs_hint = false} : vector<3200x256xf32>, vector<256x128xf32>, vector<3200x128xf32> -> vector<3200x128xf32>
    %get3A_16 = arith.constant 0 : index
    %get3A_17 = arith.constant 0 : index
    %get3A_18 = vector.load %arg7[%get3A_16, %get3A_17] : memref<1x128xf32, #tpu.memory_space<vmem>>, vector<1x128xf32>
    %mul3A_19 = vector.broadcast %broadcast_in_dim3A : vector<3200x1xf32> to vector<3200x128xf32>
    %mul3A_20 = vector.broadcast %get3A_18 : vector<1x128xf32> to vector<3200x128xf32>
    %mul3A_21 = arith.mulf %mul3A_19, %mul3A_20 : vector<3200x128xf32>
    %add3A = arith.addf %dot_general3A_15, %mul3A_21 : vector<3200x128xf32>
    %get3A_22 = arith.constant 0 : index
    %get3A_23 = arith.constant 0 : index
    %get3A_24 = vector.load %arg5[%get3A_22, %get3A_23] : memref<3200x1xf32, #tpu.memory_space<vmem>>, vector<3200x1xf32>
    %get3A_25 = arith.constant 0 : index
    %get3A_26 = arith.constant 0 : index
    %get3A_27 = vector.load %arg8[%get3A_25, %get3A_26] : memref<1x128xf32, #tpu.memory_space<vmem>>, vector<1x128xf32>
    %mul3A_28 = vector.broadcast %get3A_24 : vector<3200x1xf32> to vector<3200x128xf32>
    %mul3A_29 = vector.broadcast %get3A_27 : vector<1x128xf32> to vector<3200x128xf32>
    %mul3A_30 = arith.mulf %mul3A_28, %mul3A_29 : vector<3200x128xf32>
    %add3A_31 = arith.addf %add3A, %mul3A_30 : vector<3200x128xf32>
    %get3A_32 = arith.constant 0 : index
    %get3A_33 = arith.constant 0 : index
    %get3A_34 = vector.load %arg9[%get3A_32, %get3A_33] : memref<1x128xf32, #tpu.memory_space<vmem>>, vector<1x128xf32>
    %add3A_35 = vector.broadcast %get3A_34 : vector<1x128xf32> to vector<3200x128xf32>
    %add3A_36 = arith.addf %add3A_31, %add3A_35 : vector<3200x128xf32>
    %logistic3A = arith.negf %add3A_36 : vector<3200x128xf32>
    %logistic3A_37 = math.exp %logistic3A : vector<3200x128xf32>
    %logistic3A_38 = arith.constant 1.000000e+00 : f32
    %logistic3A_39 = vector.broadcast %logistic3A_38 : f32 to vector<3200x128xf32>
    %logistic3A_40 = arith.addf %logistic3A_39, %logistic3A_37 : vector<3200x128xf32>
    %logistic3A_41 = arith.divf %logistic3A_39, %logistic3A_40 : vector<3200x128xf32>
    %mul3A_42 = arith.mulf %add3A_36, %logistic3A_41 : vector<3200x128xf32>
    %get3A_43 = arith.constant 0 : index
    %get3A_44 = arith.constant 0 : index
    %get3A_45 = vector.load %arg10[%get3A_43, %get3A_44] : memref<128x128xf32, #tpu.memory_space<vmem>>, vector<128x128xf32>
    %dot_general3A_46 = arith.constant dense<0.000000e+00> : vector<3200x128xf32>
    %dot_general3A_47 = tpu.matmul %mul3A_42, %get3A_45, %dot_general3A_46 {dimension_numbers = #tpu.dot_dimension_numbers<[1], [0], [0], [1], [0, 0, 1, 1], [], []>, transpose_lhs_hint = false} : vector<3200x128xf32>, vector<128x128xf32>, vector<3200x128xf32> -> vector<3200x128xf32>
    %get3A_48 = arith.constant 0 : index
    %get3A_49 = arith.constant 0 : index
    %get3A_50 = vector.load %arg11[%get3A_48, %get3A_49] : memref<1x128xf32, #tpu.memory_space<vmem>>, vector<1x128xf32>
    %add3A_51 = vector.broadcast %get3A_50 : vector<1x128xf32> to vector<3200x128xf32>
    %add3A_52 = arith.addf %dot_general3A_47, %add3A_51 : vector<3200x128xf32>
    %logistic3A_53 = arith.negf %add3A_52 : vector<3200x128xf32>
    %logistic3A_54 = math.exp %logistic3A_53 : vector<3200x128xf32>
    %logistic3A_55 = arith.constant 1.000000e+00 : f32
    %logistic3A_56 = vector.broadcast %logistic3A_55 : f32 to vector<3200x128xf32>
    %logistic3A_57 = arith.addf %logistic3A_56, %logistic3A_54 : vector<3200x128xf32>
    %logistic3A_58 = arith.divf %logistic3A_56, %logistic3A_57 : vector<3200x128xf32>
    %mul3A_59 = arith.mulf %add3A_52, %logistic3A_58 : vector<3200x128xf32>
    %swap3A = arith.constant 0 : index
    %swap3A_60 = arith.constant 0 : index
    %swap3A_61 = vector.load %arg12[%swap3A, %swap3A_60] : memref<3200x128xf32, #tpu.memory_space<vmem>>, vector<3200x128xf32>
    tpu.vector_store %arg12[%swap3A, %swap3A_60], %mul3A_59 {strides = array<i32>} : memref<3200x128xf32, #tpu.memory_space<vmem>>, vector<3200x128xf32>,
    %slice3A = vector.extract_strided_slice %sub3A {offsets = [0, 0], sizes = [3200, 16], strides = [1, 1]} : vector<3200x128xf32> to vector<3200x16xf32>
    %add3A_62 = arith.constant 9.99999993E-9 : f32
    %add3A_63 = vector.broadcast %add3A_62 : f32 to vector<3200x1xf32>
    %add3A_64 = arith.addf %broadcast_in_dim3A, %add3A_63 : vector<3200x1xf32>
    %sqrt3A = math.sqrt %add3A_64 : vector<3200x1xf32>
    %add3A_65 = arith.constant 1.000000e+00 : f32
    %add3A_66 = vector.broadcast %add3A_65 : f32 to vector<3200x1xf32>
    %add3A_67 = arith.addf %sqrt3A, %add3A_66 : vector<3200x1xf32>
    %div3A = vector.broadcast %add3A_67 : vector<3200x1xf32> to vector<3200x16xf32>
    %div3A_68 = arith.divf %slice3A, %div3A : vector<3200x16xf32>
    %iota3A = tpu.iota {dimensions = array<i32: 1>} : vector<1x16xi32>
    %lt3A = arith.constant 3 : i32
    %lt3A_69 = vector.broadcast %lt3A : i32 to vector<1x16xi32>
    %lt3A_70 = arith.cmpi slt, %iota3A, %lt3A_69 : vector<1x16xi32>
    %jit3A = arith.constant 0.000000e+00 : f32
    %broadcast_in_dim3A_71 = vector.shape_cast %lt3A_70 : vector<1x16xi1> to vector<1x16xi1>
    %broadcast_in_dim3A_72 = vector.broadcast %broadcast_in_dim3A_71 : vector<1x16xi1> to vector<3200x16xi1>
    %broadcast_in_dim3A_73 = vector.broadcast %jit3A : f32 to vector<3200x16xf32>
    %select_n3A = arith.select %broadcast_in_dim3A_72, %div3A_68, %broadcast_in_dim3A_73 : vector<3200x16xi1>, vector<3200x16xf32>
    %eq3A = arith.constant 8 : i32
    %eq3A_74 = vector.broadcast %eq3A : i32 to vector<1x16xi32>
    %eq3A_75 = arith.cmpi eq, %iota3A, %eq3A_74 : vector<1x16xi32>
    %jit3A_76 = arith.constant 0.000000e+00 : f32
    %broadcast_in_dim3A_77 = vector.shape_cast %eq3A_75 : vector<1x16xi1> to vector<1x16xi1>
    %broadcast_in_dim3A_78 = vector.broadcast %broadcast_in_dim3A_77 : vector<1x16xi1> to vector<3200x16xi1>
    %broadcast_in_dim3A_79 = vector.shape_cast %broadcast_in_dim3A : vector<3200x1xf32> to vector<3200x1xf32>
    %broadcast_in_dim3A_80 = vector.broadcast %broadcast_in_dim3A_79 : vector<3200x1xf32> to vector<3200x16xf32>
    %broadcast_in_dim3A_81 = vector.broadcast %jit3A_76 : f32 to vector<3200x16xf32>
    %select_n3A_82 = arith.select %broadcast_in_dim3A_78, %broadcast_in_dim3A_80, %broadcast_in_dim3A_81 : vector<3200x16xi1>, vector<3200x16xf32>
    %add3A_83 = arith.addf %select_n3A, %select_n3A_82 : vector<3200x16xf32>
    %swap3A_84 = arith.constant 0 : index
    %swap3A_85 = arith.constant 0 : index
    %swap3A_86 = vector.load %arg13[%swap3A_84, %swap3A_85] : memref<3200x16xf32, #tpu.memory_space<vmem>>, vector<3200x16xf32>
    tpu.vector_store %arg13[%swap3A_84, %swap3A_85], %add3A_83 {strides = array<i32>} : memref<3200x16xf32, #tpu.memory_space<vmem>>, vector<3200x16xf32>,
    return
  }
  func.func @transform_0(%arg0: i32) -> (i32, i32) {
    %c0_i32 = arith.constant 0 : i32
    %c0_i32_0 = arith.constant 0 : i32
    return %arg0, %c0_i32 : i32, i32
  }
  func.func @transform_1(%arg0: i32) -> (i32, i32) {
    %c0_i32 = arith.constant 0 : i32
    %c0_i32_0 = arith.constant 0 : i32
    return %arg0, %c0_i32 : i32, i32
  }
  func.func @transform_2(%arg0: i32) -> (i32, i32) {
    %c0_i32 = arith.constant 0 : i32
    %c0_i32_0 = arith.constant 0 : i32
    return %arg0, %c0_i32 : i32, i32
  }
  func.func @transform_3(%arg0: i32) -> (i32, i32) {
    %c0_i32 = arith.constant 0 : i32
    %c0_i32_0 = arith.constant 0 : i32
    return %arg0, %c0_i32 : i32, i32
  }
  func.func @transform_4(%arg0: i32) -> (i32, i32) {
    %c0_i32 = arith.constant 0 : i32
    %c0_i32_0 = arith.constant 0 : i32
    return %arg0, %c0_i32 : i32, i32
  }
  func.func @transform_5(%arg0: i32) -> (i32, i32) {
    %c0_i32 = arith.constant 0 : i32
    %c0_i32_0 = arith.constant 0 : i32
    %c0_i32_1 = arith.constant 0 : i32
    return %c0_i32, %c0_i32_0 : i32, i32
  }
  func.func @transform_6(%arg0: i32) -> (i32, i32) {
    %c0_i32 = arith.constant 0 : i32
    %c0_i32_0 = arith.constant 0 : i32
    %c0_i32_1 = arith.constant 0 : i32
    return %c0_i32, %c0_i32_0 : i32, i32
  }
  func.func @transform_7(%arg0: i32) -> (i32, i32) {
    %c0_i32 = arith.constant 0 : i32
    %c0_i32_0 = arith.constant 0 : i32
    %c0_i32_1 = arith.constant 0 : i32
    return %c0_i32, %c0_i32_0 : i32, i32
  }
  func.func @transform_8(%arg0: i32) -> (i32, i32) {
    %c0_i32 = arith.constant 0 : i32
    %c0_i32_0 = arith.constant 0 : i32
    %c0_i32_1 = arith.constant 0 : i32
    return %c0_i32, %c0_i32_0 : i32, i32
  }
  func.func @transform_9(%arg0: i32) -> (i32, i32) {
    %c0_i32 = arith.constant 0 : i32
    %c0_i32_0 = arith.constant 0 : i32
    %c0_i32_1 = arith.constant 0 : i32
    return %c0_i32, %c0_i32_0 : i32, i32
  }
  func.func @transform_10(%arg0: i32) -> (i32, i32) {
    %c0_i32 = arith.constant 0 : i32
    %c0_i32_0 = arith.constant 0 : i32
    %c0_i32_1 = arith.constant 0 : i32
    return %c0_i32, %c0_i32_0 : i32, i32
  }
  func.func @transform_11(%arg0: i32) -> (i32, i32) {
    %c0_i32 = arith.constant 0 : i32
    %c0_i32_0 = arith.constant 0 : i32
    return %arg0, %c0_i32 : i32, i32
  }
  func.func @transform_12(%arg0: i32) -> (i32, i32) {
    %c0_i32 = arith.constant 0 : i32
    %c0_i32_0 = arith.constant 0 : i32
    return %arg0, %c0_i32 : i32, i32
  }
}

module attributes {stable_mosaic.version = 14 : i64} {
  func.func @body(%arg0: i32, %arg1: memref<2000x128xf32, #tpu.memory_space<vmem>>, %arg2: memref<2000x128xf32, #tpu.memory_space<vmem>>, %arg3: memref<2000x128xf32, #tpu.memory_space<vmem>>, %arg4: memref<128x128xf32, #tpu.memory_space<vmem>>, %arg5: memref<128x128xf32, #tpu.memory_space<vmem>>, %arg6: memref<1x128xf32, #tpu.memory_space<vmem>>, %arg7: memref<128x128xf32, #tpu.memory_space<vmem>>, %arg8: memref<1x128xf32, #tpu.memory_space<vmem>>, %arg9: memref<2000x128xf32, #tpu.memory_space<vmem>>) attributes {dimension_semantics = [#tpu.dimension_semantics<arbitrary>], iteration_bounds = array<i64: 5>, scalar_prefetch = 0 : i64, scratch_operands = 0 : i64, tpu.core_type = #tpu.core_type<tc>, window_params = [{transform_indices = @transform_0, window_bounds = array<i64: 2000, 128>}, {transform_indices = @transform_1, window_bounds = array<i64: 2000, 128>}, {transform_indices = @transform_2, window_bounds = array<i64: 2000, 128>}, {pipeline_mode = #tpu.pipeline_mode<synchronous>, transform_indices = @transform_3, window_bounds = array<i64: 128, 128>}, {pipeline_mode = #tpu.pipeline_mode<synchronous>, transform_indices = @transform_4, window_bounds = array<i64: 128, 128>}, {pipeline_mode = #tpu.pipeline_mode<synchronous>, transform_indices = @transform_5, window_bounds = array<i64: 1, 128>}, {pipeline_mode = #tpu.pipeline_mode<synchronous>, transform_indices = @transform_6, window_bounds = array<i64: 128, 128>}, {pipeline_mode = #tpu.pipeline_mode<synchronous>, transform_indices = @transform_7, window_bounds = array<i64: 1, 128>}, {transform_indices = @transform_8, window_bounds = array<i64: 2000, 128>}]} {
    %get3A = arith.constant 0 : index
    %get3A_0 = arith.constant 0 : index
    %get3A_1 = vector.load %arg2[%get3A, %get3A_0] : memref<2000x128xf32, #tpu.memory_space<vmem>>, vector<2000x128xf32>
    %get3A_2 = arith.constant 0 : index
    %get3A_3 = arith.constant 0 : index
    %get3A_4 = vector.load %arg3[%get3A_2, %get3A_3] : memref<2000x128xf32, #tpu.memory_space<vmem>>, vector<2000x128xf32>
    %add3A = arith.addf %get3A_1, %get3A_4 : vector<2000x128xf32>
    %mul3A = arith.constant 0.00999999977 : f32
    %mul3A_5 = vector.broadcast %mul3A : f32 to vector<2000x128xf32>
    %mul3A_6 = arith.mulf %add3A, %mul3A_5 : vector<2000x128xf32>
    %get3A_7 = arith.constant 0 : index
    %get3A_8 = arith.constant 0 : index
    %get3A_9 = vector.load %arg1[%get3A_7, %get3A_8] : memref<2000x128xf32, #tpu.memory_space<vmem>>, vector<2000x128xf32>
    %get3A_10 = arith.constant 0 : index
    %get3A_11 = arith.constant 0 : index
    %get3A_12 = vector.load %arg4[%get3A_10, %get3A_11] : memref<128x128xf32, #tpu.memory_space<vmem>>, vector<128x128xf32>
    %dot_general3A = arith.constant dense<0.000000e+00> : vector<2000x128xf32>
    %dot_general3A_13 = tpu.matmul %get3A_9, %get3A_12, %dot_general3A {dimension_numbers = #tpu.dot_dimension_numbers<[1], [0], [0], [1], [0, 0, 1, 1], [], []>, transpose_lhs_hint = false} : vector<2000x128xf32>, vector<128x128xf32>, vector<2000x128xf32> -> vector<2000x128xf32>
    %get3A_14 = arith.constant 0 : index
    %get3A_15 = arith.constant 0 : index
    %get3A_16 = vector.load %arg5[%get3A_14, %get3A_15] : memref<128x128xf32, #tpu.memory_space<vmem>>, vector<128x128xf32>
    %dot_general3A_17 = arith.constant dense<0.000000e+00> : vector<2000x128xf32>
    %dot_general3A_18 = tpu.matmul %mul3A_6, %get3A_16, %dot_general3A_17 {dimension_numbers = #tpu.dot_dimension_numbers<[1], [0], [0], [1], [0, 0, 1, 1], [], []>, transpose_lhs_hint = false} : vector<2000x128xf32>, vector<128x128xf32>, vector<2000x128xf32> -> vector<2000x128xf32>
    %add3A_19 = arith.addf %dot_general3A_13, %dot_general3A_18 : vector<2000x128xf32>
    %get3A_20 = arith.constant 0 : index
    %get3A_21 = arith.constant 0 : index
    %get3A_22 = vector.load %arg6[%get3A_20, %get3A_21] : memref<1x128xf32, #tpu.memory_space<vmem>>, vector<1x128xf32>
    %add3A_23 = vector.broadcast %get3A_22 : vector<1x128xf32> to vector<2000x128xf32>
    %add3A_24 = arith.addf %add3A_19, %add3A_23 : vector<2000x128xf32>
    %logistic3A = arith.negf %add3A_24 : vector<2000x128xf32>
    %logistic3A_25 = math.exp %logistic3A : vector<2000x128xf32>
    %logistic3A_26 = arith.constant 1.000000e+00 : f32
    %logistic3A_27 = vector.broadcast %logistic3A_26 : f32 to vector<2000x128xf32>
    %logistic3A_28 = arith.addf %logistic3A_27, %logistic3A_25 : vector<2000x128xf32>
    %logistic3A_29 = arith.divf %logistic3A_27, %logistic3A_28 : vector<2000x128xf32>
    %mul3A_30 = arith.mulf %add3A_24, %logistic3A_29 : vector<2000x128xf32>
    %get3A_31 = arith.constant 0 : index
    %get3A_32 = arith.constant 0 : index
    %get3A_33 = vector.load %arg7[%get3A_31, %get3A_32] : memref<128x128xf32, #tpu.memory_space<vmem>>, vector<128x128xf32>
    %dot_general3A_34 = arith.constant dense<0.000000e+00> : vector<2000x128xf32>
    %dot_general3A_35 = tpu.matmul %mul3A_30, %get3A_33, %dot_general3A_34 {dimension_numbers = #tpu.dot_dimension_numbers<[1], [0], [0], [1], [0, 0, 1, 1], [], []>, transpose_lhs_hint = false} : vector<2000x128xf32>, vector<128x128xf32>, vector<2000x128xf32> -> vector<2000x128xf32>
    %get3A_36 = arith.constant 0 : index
    %get3A_37 = arith.constant 0 : index
    %get3A_38 = vector.load %arg8[%get3A_36, %get3A_37] : memref<1x128xf32, #tpu.memory_space<vmem>>, vector<1x128xf32>
    %add3A_39 = vector.broadcast %get3A_38 : vector<1x128xf32> to vector<2000x128xf32>
    %add3A_40 = arith.addf %dot_general3A_35, %add3A_39 : vector<2000x128xf32>
    %get3A_41 = arith.constant 0 : index
    %get3A_42 = arith.constant 0 : index
    %get3A_43 = vector.load %arg1[%get3A_41, %get3A_42] : memref<2000x128xf32, #tpu.memory_space<vmem>>, vector<2000x128xf32>
    %add3A_44 = arith.addf %get3A_43, %add3A_40 : vector<2000x128xf32>
    %swap3A = arith.constant 0 : index
    %swap3A_45 = arith.constant 0 : index
    %swap3A_46 = vector.load %arg9[%swap3A, %swap3A_45] : memref<2000x128xf32, #tpu.memory_space<vmem>>, vector<2000x128xf32>
    tpu.vector_store %arg9[%swap3A, %swap3A_45], %add3A_44 {strides = array<i32>} : memref<2000x128xf32, #tpu.memory_space<vmem>>, vector<2000x128xf32>,
    return
  }
  func.func @transform_0(%arg0: i32) -> (i32, i32) {
    %c0_i32 = arith.constant 0 : i32
    %c0_i32_0 = arith.constant 0 : i32
    return %arg0, %c0_i32 : i32, i32
  }
  func.func @transform_1(%arg0: i32) -> (i32, i32) {
    %c0_i32 = arith.constant 0 : i32
    %c0_i32_0 = arith.constant 0 : i32
    return %arg0, %c0_i32 : i32, i32
  }
  func.func @transform_2(%arg0: i32) -> (i32, i32) {
    %c0_i32 = arith.constant 0 : i32
    %c0_i32_0 = arith.constant 0 : i32
    return %arg0, %c0_i32 : i32, i32
  }
  func.func @transform_3(%arg0: i32) -> (i32, i32) {
    %c0_i32 = arith.constant 0 : i32
    %c0_i32_0 = arith.constant 0 : i32
    %c0_i32_1 = arith.constant 0 : i32
    return %c0_i32, %c0_i32_0 : i32, i32
  }
  func.func @transform_4(%arg0: i32) -> (i32, i32) {
    %c0_i32 = arith.constant 0 : i32
    %c0_i32_0 = arith.constant 0 : i32
    %c0_i32_1 = arith.constant 0 : i32
    return %c0_i32, %c0_i32_0 : i32, i32
  }
  func.func @transform_5(%arg0: i32) -> (i32, i32) {
    %c0_i32 = arith.constant 0 : i32
    %c0_i32_0 = arith.constant 0 : i32
    %c0_i32_1 = arith.constant 0 : i32
    return %c0_i32, %c0_i32_0 : i32, i32
  }
  func.func @transform_6(%arg0: i32) -> (i32, i32) {
    %c0_i32 = arith.constant 0 : i32
    %c0_i32_0 = arith.constant 0 : i32
    %c0_i32_1 = arith.constant 0 : i32
    return %c0_i32, %c0_i32_0 : i32, i32
  }
  func.func @transform_7(%arg0: i32) -> (i32, i32) {
    %c0_i32 = arith.constant 0 : i32
    %c0_i32_0 = arith.constant 0 : i32
    %c0_i32_1 = arith.constant 0 : i32
    return %c0_i32, %c0_i32_0 : i32, i32
  }
  func.func @transform_8(%arg0: i32) -> (i32, i32) {
    %c0_i32 = arith.constant 0 : i32
    %c0_i32_0 = arith.constant 0 : i32
    return %arg0, %c0_i32 : i32, i32
  }
}

module attributes {stable_mosaic.version = 14 : i64} {
  func.func @_edge_mlp2_body(%arg0: i32, %arg1: memref<3200x128xf32, #tpu.memory_space<vmem>>, %arg2: memref<3200x128xf32, #tpu.memory_space<vmem>>, %arg3: memref<3200x16xf32, #tpu.memory_space<vmem>>, %arg4: memref<3200x1xf32, #tpu.memory_space<vmem>>, %arg5: memref<256x128xf32, #tpu.memory_space<vmem>>, %arg6: memref<1x128xf32, #tpu.memory_space<vmem>>, %arg7: memref<1x128xf32, #tpu.memory_space<vmem>>, %arg8: memref<1x128xf32, #tpu.memory_space<vmem>>, %arg9: memref<128x128xf32, #tpu.memory_space<vmem>>, %arg10: memref<1x128xf32, #tpu.memory_space<vmem>>, %arg11: memref<3200x128xf32, #tpu.memory_space<vmem>>) attributes {dimension_semantics = [#tpu.dimension_semantics<arbitrary>], iteration_bounds = array<i64: 100>, scalar_prefetch = 0 : i64, scratch_operands = 0 : i64, tpu.core_type = #tpu.core_type<tc>, window_params = [{transform_indices = @transform_0, window_bounds = array<i64: 3200, 128>}, {transform_indices = @transform_1, window_bounds = array<i64: 3200, 128>}, {transform_indices = @transform_2, window_bounds = array<i64: 3200, 16>}, {transform_indices = @transform_3, window_bounds = array<i64: 3200, 1>}, {pipeline_mode = #tpu.pipeline_mode<synchronous>, transform_indices = @transform_4, window_bounds = array<i64: 256, 128>}, {pipeline_mode = #tpu.pipeline_mode<synchronous>, transform_indices = @transform_5, window_bounds = array<i64: 1, 128>}, {pipeline_mode = #tpu.pipeline_mode<synchronous>, transform_indices = @transform_6, window_bounds = array<i64: 1, 128>}, {pipeline_mode = #tpu.pipeline_mode<synchronous>, transform_indices = @transform_7, window_bounds = array<i64: 1, 128>}, {pipeline_mode = #tpu.pipeline_mode<synchronous>, transform_indices = @transform_8, window_bounds = array<i64: 128, 128>}, {pipeline_mode = #tpu.pipeline_mode<synchronous>, transform_indices = @transform_9, window_bounds = array<i64: 1, 128>}, {transform_indices = @transform_10, window_bounds = array<i64: 3200, 128>}]} {
    %get3A = arith.constant 0 : index
    %get3A_0 = arith.constant 0 : index
    %get3A_1 = vector.load %arg3[%get3A, %get3A_0] : memref<3200x16xf32, #tpu.memory_space<vmem>>, vector<3200x16xf32>
    %slice3A = vector.extract_strided_slice %get3A_1 {offsets = [0, 8], sizes = [3200, 1], strides = [1, 1]} : vector<3200x16xf32> to vector<3200x1xf32>
    %get3A_2 = arith.constant 0 : index
    %get3A_3 = arith.constant 0 : index
    %get3A_4 = vector.load %arg1[%get3A_2, %get3A_3] : memref<3200x128xf32, #tpu.memory_space<vmem>>, vector<3200x128xf32>
    %get3A_5 = arith.constant 0 : index
    %get3A_6 = arith.constant 0 : index
    %get3A_7 = vector.load %arg2[%get3A_5, %get3A_6] : memref<3200x128xf32, #tpu.memory_space<vmem>>, vector<3200x128xf32>
    %concatenate3A = tpu.concatenate %get3A_4, %get3A_7 in 1 : vector<3200x128xf32>, vector<3200x128xf32> -> vector<3200x256xf32>
    %get3A_8 = arith.constant 0 : index
    %get3A_9 = arith.constant 0 : index
    %get3A_10 = vector.load %arg5[%get3A_8, %get3A_9] : memref<256x128xf32, #tpu.memory_space<vmem>>, vector<256x128xf32>
    %dot_general3A = arith.constant dense<0.000000e+00> : vector<3200x128xf32>
    %dot_general3A_11 = tpu.matmul %concatenate3A, %get3A_10, %dot_general3A {dimension_numbers = #tpu.dot_dimension_numbers<[1], [0], [0], [1], [0, 0, 1, 1], [], []>, transpose_lhs_hint = false} : vector<3200x256xf32>, vector<256x128xf32>, vector<3200x128xf32> -> vector<3200x128xf32>
    %get3A_12 = arith.constant 0 : index
    %get3A_13 = arith.constant 0 : index
    %get3A_14 = vector.load %arg6[%get3A_12, %get3A_13] : memref<1x128xf32, #tpu.memory_space<vmem>>, vector<1x128xf32>
    %mul3A = vector.broadcast %slice3A : vector<3200x1xf32> to vector<3200x128xf32>
    %mul3A_15 = vector.broadcast %get3A_14 : vector<1x128xf32> to vector<3200x128xf32>
    %mul3A_16 = arith.mulf %mul3A, %mul3A_15 : vector<3200x128xf32>
    %add3A = arith.addf %dot_general3A_11, %mul3A_16 : vector<3200x128xf32>
    %get3A_17 = arith.constant 0 : index
    %get3A_18 = arith.constant 0 : index
    %get3A_19 = vector.load %arg4[%get3A_17, %get3A_18] : memref<3200x1xf32, #tpu.memory_space<vmem>>, vector<3200x1xf32>
    %get3A_20 = arith.constant 0 : index
    %get3A_21 = arith.constant 0 : index
    %get3A_22 = vector.load %arg7[%get3A_20, %get3A_21] : memref<1x128xf32, #tpu.memory_space<vmem>>, vector<1x128xf32>
    %mul3A_23 = vector.broadcast %get3A_19 : vector<3200x1xf32> to vector<3200x128xf32>
    %mul3A_24 = vector.broadcast %get3A_22 : vector<1x128xf32> to vector<3200x128xf32>
    %mul3A_25 = arith.mulf %mul3A_23, %mul3A_24 : vector<3200x128xf32>
    %add3A_26 = arith.addf %add3A, %mul3A_25 : vector<3200x128xf32>
    %get3A_27 = arith.constant 0 : index
    %get3A_28 = arith.constant 0 : index
    %get3A_29 = vector.load %arg8[%get3A_27, %get3A_28] : memref<1x128xf32, #tpu.memory_space<vmem>>, vector<1x128xf32>
    %add3A_30 = vector.broadcast %get3A_29 : vector<1x128xf32> to vector<3200x128xf32>
    %add3A_31 = arith.addf %add3A_26, %add3A_30 : vector<3200x128xf32>
    %logistic3A = arith.negf %add3A_31 : vector<3200x128xf32>
    %logistic3A_32 = math.exp %logistic3A : vector<3200x128xf32>
    %logistic3A_33 = arith.constant 1.000000e+00 : f32
    %logistic3A_34 = vector.broadcast %logistic3A_33 : f32 to vector<3200x128xf32>
    %logistic3A_35 = arith.addf %logistic3A_34, %logistic3A_32 : vector<3200x128xf32>
    %logistic3A_36 = arith.divf %logistic3A_34, %logistic3A_35 : vector<3200x128xf32>
    %mul3A_37 = arith.mulf %add3A_31, %logistic3A_36 : vector<3200x128xf32>
    %get3A_38 = arith.constant 0 : index
    %get3A_39 = arith.constant 0 : index
    %get3A_40 = vector.load %arg9[%get3A_38, %get3A_39] : memref<128x128xf32, #tpu.memory_space<vmem>>, vector<128x128xf32>
    %dot_general3A_41 = arith.constant dense<0.000000e+00> : vector<3200x128xf32>
    %dot_general3A_42 = tpu.matmul %mul3A_37, %get3A_40, %dot_general3A_41 {dimension_numbers = #tpu.dot_dimension_numbers<[1], [0], [0], [1], [0, 0, 1, 1], [], []>, transpose_lhs_hint = false} : vector<3200x128xf32>, vector<128x128xf32>, vector<3200x128xf32> -> vector<3200x128xf32>
    %get3A_43 = arith.constant 0 : index
    %get3A_44 = arith.constant 0 : index
    %get3A_45 = vector.load %arg10[%get3A_43, %get3A_44] : memref<1x128xf32, #tpu.memory_space<vmem>>, vector<1x128xf32>
    %add3A_46 = vector.broadcast %get3A_45 : vector<1x128xf32> to vector<3200x128xf32>
    %add3A_47 = arith.addf %dot_general3A_42, %add3A_46 : vector<3200x128xf32>
    %logistic3A_48 = arith.negf %add3A_47 : vector<3200x128xf32>
    %logistic3A_49 = math.exp %logistic3A_48 : vector<3200x128xf32>
    %logistic3A_50 = arith.constant 1.000000e+00 : f32
    %logistic3A_51 = vector.broadcast %logistic3A_50 : f32 to vector<3200x128xf32>
    %logistic3A_52 = arith.addf %logistic3A_51, %logistic3A_49 : vector<3200x128xf32>
    %logistic3A_53 = arith.divf %logistic3A_51, %logistic3A_52 : vector<3200x128xf32>
    %mul3A_54 = arith.mulf %add3A_47, %logistic3A_53 : vector<3200x128xf32>
    %swap3A = arith.constant 0 : index
    %swap3A_55 = arith.constant 0 : index
    %swap3A_56 = vector.load %arg11[%swap3A, %swap3A_55] : memref<3200x128xf32, #tpu.memory_space<vmem>>, vector<3200x128xf32>
    tpu.vector_store %arg11[%swap3A, %swap3A_55], %mul3A_54 {strides = array<i32>} : memref<3200x128xf32, #tpu.memory_space<vmem>>, vector<3200x128xf32>,
    return
  }
  func.func @transform_0(%arg0: i32) -> (i32, i32) {
    %c0_i32 = arith.constant 0 : i32
    %c0_i32_0 = arith.constant 0 : i32
    return %arg0, %c0_i32 : i32, i32
  }
  func.func @transform_1(%arg0: i32) -> (i32, i32) {
    %c0_i32 = arith.constant 0 : i32
    %c0_i32_0 = arith.constant 0 : i32
    return %arg0, %c0_i32 : i32, i32
  }
  func.func @transform_2(%arg0: i32) -> (i32, i32) {
    %c0_i32 = arith.constant 0 : i32
    %c0_i32_0 = arith.constant 0 : i32
    return %arg0, %c0_i32 : i32, i32
  }
  func.func @transform_3(%arg0: i32) -> (i32, i32) {
    %c0_i32 = arith.constant 0 : i32
    %c0_i32_0 = arith.constant 0 : i32
    return %arg0, %c0_i32 : i32, i32
  }
  func.func @transform_4(%arg0: i32) -> (i32, i32) {
    %c0_i32 = arith.constant 0 : i32
    %c0_i32_0 = arith.constant 0 : i32
    %c0_i32_1 = arith.constant 0 : i32
    return %c0_i32, %c0_i32_0 : i32, i32
  }
  func.func @transform_5(%arg0: i32) -> (i32, i32) {
    %c0_i32 = arith.constant 0 : i32
    %c0_i32_0 = arith.constant 0 : i32
    %c0_i32_1 = arith.constant 0 : i32
    return %c0_i32, %c0_i32_0 : i32, i32
  }
  func.func @transform_6(%arg0: i32) -> (i32, i32) {
    %c0_i32 = arith.constant 0 : i32
    %c0_i32_0 = arith.constant 0 : i32
    %c0_i32_1 = arith.constant 0 : i32
    return %c0_i32, %c0_i32_0 : i32, i32
  }
  func.func @transform_7(%arg0: i32) -> (i32, i32) {
    %c0_i32 = arith.constant 0 : i32
    %c0_i32_0 = arith.constant 0 : i32
    %c0_i32_1 = arith.constant 0 : i32
    return %c0_i32, %c0_i32_0 : i32, i32
  }
  func.func @transform_8(%arg0: i32) -> (i32, i32) {
    %c0_i32 = arith.constant 0 : i32
    %c0_i32_0 = arith.constant 0 : i32
    %c0_i32_1 = arith.constant 0 : i32
    return %c0_i32, %c0_i32_0 : i32, i32
  }
  func.func @transform_9(%arg0: i32) -> (i32, i32) {
    %c0_i32 = arith.constant 0 : i32
    %c0_i32_0 = arith.constant 0 : i32
    %c0_i32_1 = arith.constant 0 : i32
    return %c0_i32, %c0_i32_0 : i32, i32
  }
  func.func @transform_10(%arg0: i32) -> (i32, i32) {
    %c0_i32 = arith.constant 0 : i32
    %c0_i32_0 = arith.constant 0 : i32
    return %arg0, %c0_i32 : i32, i32
  }
}

module attributes {stable_mosaic.version = 14 : i64} {
  func.func @body(%arg0: i32, %arg1: memref<2000x128xf32, #tpu.memory_space<vmem>>, %arg2: memref<2000x128xf32, #tpu.memory_space<vmem>>, %arg3: memref<2000x128xf32, #tpu.memory_space<vmem>>, %arg4: memref<128x128xf32, #tpu.memory_space<vmem>>, %arg5: memref<128x128xf32, #tpu.memory_space<vmem>>, %arg6: memref<1x128xf32, #tpu.memory_space<vmem>>, %arg7: memref<128x128xf32, #tpu.memory_space<vmem>>, %arg8: memref<1x128xf32, #tpu.memory_space<vmem>>, %arg9: memref<2000x128xf32, #tpu.memory_space<vmem>>) attributes {dimension_semantics = [#tpu.dimension_semantics<arbitrary>], iteration_bounds = array<i64: 5>, scalar_prefetch = 0 : i64, scratch_operands = 0 : i64, tpu.core_type = #tpu.core_type<tc>, window_params = [{transform_indices = @transform_0, window_bounds = array<i64: 2000, 128>}, {transform_indices = @transform_1, window_bounds = array<i64: 2000, 128>}, {transform_indices = @transform_2, window_bounds = array<i64: 2000, 128>}, {pipeline_mode = #tpu.pipeline_mode<synchronous>, transform_indices = @transform_3, window_bounds = array<i64: 128, 128>}, {pipeline_mode = #tpu.pipeline_mode<synchronous>, transform_indices = @transform_4, window_bounds = array<i64: 128, 128>}, {pipeline_mode = #tpu.pipeline_mode<synchronous>, transform_indices = @transform_5, window_bounds = array<i64: 1, 128>}, {pipeline_mode = #tpu.pipeline_mode<synchronous>, transform_indices = @transform_6, window_bounds = array<i64: 128, 128>}, {pipeline_mode = #tpu.pipeline_mode<synchronous>, transform_indices = @transform_7, window_bounds = array<i64: 1, 128>}, {transform_indices = @transform_8, window_bounds = array<i64: 2000, 128>}]} {
    %get3A = arith.constant 0 : index
    %get3A_0 = arith.constant 0 : index
    %get3A_1 = vector.load %arg2[%get3A, %get3A_0] : memref<2000x128xf32, #tpu.memory_space<vmem>>, vector<2000x128xf32>
    %get3A_2 = arith.constant 0 : index
    %get3A_3 = arith.constant 0 : index
    %get3A_4 = vector.load %arg3[%get3A_2, %get3A_3] : memref<2000x128xf32, #tpu.memory_space<vmem>>, vector<2000x128xf32>
    %add3A = arith.addf %get3A_1, %get3A_4 : vector<2000x128xf32>
    %mul3A = arith.constant 0.00999999977 : f32
    %mul3A_5 = vector.broadcast %mul3A : f32 to vector<2000x128xf32>
    %mul3A_6 = arith.mulf %add3A, %mul3A_5 : vector<2000x128xf32>
    %get3A_7 = arith.constant 0 : index
    %get3A_8 = arith.constant 0 : index
    %get3A_9 = vector.load %arg1[%get3A_7, %get3A_8] : memref<2000x128xf32, #tpu.memory_space<vmem>>, vector<2000x128xf32>
    %get3A_10 = arith.constant 0 : index
    %get3A_11 = arith.constant 0 : index
    %get3A_12 = vector.load %arg4[%get3A_10, %get3A_11] : memref<128x128xf32, #tpu.memory_space<vmem>>, vector<128x128xf32>
    %dot_general3A = arith.constant dense<0.000000e+00> : vector<2000x128xf32>
    %dot_general3A_13 = tpu.matmul %get3A_9, %get3A_12, %dot_general3A {dimension_numbers = #tpu.dot_dimension_numbers<[1], [0], [0], [1], [0, 0, 1, 1], [], []>, transpose_lhs_hint = false} : vector<2000x128xf32>, vector<128x128xf32>, vector<2000x128xf32> -> vector<2000x128xf32>
    %get3A_14 = arith.constant 0 : index
    %get3A_15 = arith.constant 0 : index
    %get3A_16 = vector.load %arg5[%get3A_14, %get3A_15] : memref<128x128xf32, #tpu.memory_space<vmem>>, vector<128x128xf32>
    %dot_general3A_17 = arith.constant dense<0.000000e+00> : vector<2000x128xf32>
    %dot_general3A_18 = tpu.matmul %mul3A_6, %get3A_16, %dot_general3A_17 {dimension_numbers = #tpu.dot_dimension_numbers<[1], [0], [0], [1], [0, 0, 1, 1], [], []>, transpose_lhs_hint = false} : vector<2000x128xf32>, vector<128x128xf32>, vector<2000x128xf32> -> vector<2000x128xf32>
    %add3A_19 = arith.addf %dot_general3A_13, %dot_general3A_18 : vector<2000x128xf32>
    %get3A_20 = arith.constant 0 : index
    %get3A_21 = arith.constant 0 : index
    %get3A_22 = vector.load %arg6[%get3A_20, %get3A_21] : memref<1x128xf32, #tpu.memory_space<vmem>>, vector<1x128xf32>
    %add3A_23 = vector.broadcast %get3A_22 : vector<1x128xf32> to vector<2000x128xf32>
    %add3A_24 = arith.addf %add3A_19, %add3A_23 : vector<2000x128xf32>
    %logistic3A = arith.negf %add3A_24 : vector<2000x128xf32>
    %logistic3A_25 = math.exp %logistic3A : vector<2000x128xf32>
    %logistic3A_26 = arith.constant 1.000000e+00 : f32
    %logistic3A_27 = vector.broadcast %logistic3A_26 : f32 to vector<2000x128xf32>
    %logistic3A_28 = arith.addf %logistic3A_27, %logistic3A_25 : vector<2000x128xf32>
    %logistic3A_29 = arith.divf %logistic3A_27, %logistic3A_28 : vector<2000x128xf32>
    %mul3A_30 = arith.mulf %add3A_24, %logistic3A_29 : vector<2000x128xf32>
    %get3A_31 = arith.constant 0 : index
    %get3A_32 = arith.constant 0 : index
    %get3A_33 = vector.load %arg7[%get3A_31, %get3A_32] : memref<128x128xf32, #tpu.memory_space<vmem>>, vector<128x128xf32>
    %dot_general3A_34 = arith.constant dense<0.000000e+00> : vector<2000x128xf32>
    %dot_general3A_35 = tpu.matmul %mul3A_30, %get3A_33, %dot_general3A_34 {dimension_numbers = #tpu.dot_dimension_numbers<[1], [0], [0], [1], [0, 0, 1, 1], [], []>, transpose_lhs_hint = false} : vector<2000x128xf32>, vector<128x128xf32>, vector<2000x128xf32> -> vector<2000x128xf32>
    %get3A_36 = arith.constant 0 : index
    %get3A_37 = arith.constant 0 : index
    %get3A_38 = vector.load %arg8[%get3A_36, %get3A_37] : memref<1x128xf32, #tpu.memory_space<vmem>>, vector<1x128xf32>
    %add3A_39 = vector.broadcast %get3A_38 : vector<1x128xf32> to vector<2000x128xf32>
    %add3A_40 = arith.addf %dot_general3A_35, %add3A_39 : vector<2000x128xf32>
    %get3A_41 = arith.constant 0 : index
    %get3A_42 = arith.constant 0 : index
    %get3A_43 = vector.load %arg1[%get3A_41, %get3A_42] : memref<2000x128xf32, #tpu.memory_space<vmem>>, vector<2000x128xf32>
    %add3A_44 = arith.addf %get3A_43, %add3A_40 : vector<2000x128xf32>
    %swap3A = arith.constant 0 : index
    %swap3A_45 = arith.constant 0 : index
    %swap3A_46 = vector.load %arg9[%swap3A, %swap3A_45] : memref<2000x128xf32, #tpu.memory_space<vmem>>, vector<2000x128xf32>
    tpu.vector_store %arg9[%swap3A, %swap3A_45], %add3A_44 {strides = array<i32>} : memref<2000x128xf32, #tpu.memory_space<vmem>>, vector<2000x128xf32>,
    return
  }
  func.func @transform_0(%arg0: i32) -> (i32, i32) {
    %c0_i32 = arith.constant 0 : i32
    %c0_i32_0 = arith.constant 0 : i32
    return %arg0, %c0_i32 : i32, i32
  }
  func.func @transform_1(%arg0: i32) -> (i32, i32) {
    %c0_i32 = arith.constant 0 : i32
    %c0_i32_0 = arith.constant 0 : i32
    return %arg0, %c0_i32 : i32, i32
  }
  func.func @transform_2(%arg0: i32) -> (i32, i32) {
    %c0_i32 = arith.constant 0 : i32
    %c0_i32_0 = arith.constant 0 : i32
    return %arg0, %c0_i32 : i32, i32
  }
  func.func @transform_3(%arg0: i32) -> (i32, i32) {
    %c0_i32 = arith.constant 0 : i32
    %c0_i32_0 = arith.constant 0 : i32
    %c0_i32_1 = arith.constant 0 : i32
    return %c0_i32, %c0_i32_0 : i32, i32
  }
  func.func @transform_4(%arg0: i32) -> (i32, i32) {
    %c0_i32 = arith.constant 0 : i32
    %c0_i32_0 = arith.constant 0 : i32
    %c0_i32_1 = arith.constant 0 : i32
    return %c0_i32, %c0_i32_0 : i32, i32
  }
  func.func @transform_5(%arg0: i32) -> (i32, i32) {
    %c0_i32 = arith.constant 0 : i32
    %c0_i32_0 = arith.constant 0 : i32
    %c0_i32_1 = arith.constant 0 : i32
    return %c0_i32, %c0_i32_0 : i32, i32
  }
  func.func @transform_6(%arg0: i32) -> (i32, i32) {
    %c0_i32 = arith.constant 0 : i32
    %c0_i32_0 = arith.constant 0 : i32
    %c0_i32_1 = arith.constant 0 : i32
    return %c0_i32, %c0_i32_0 : i32, i32
  }
  func.func @transform_7(%arg0: i32) -> (i32, i32) {
    %c0_i32 = arith.constant 0 : i32
    %c0_i32_0 = arith.constant 0 : i32
    %c0_i32_1 = arith.constant 0 : i32
    return %c0_i32, %c0_i32_0 : i32, i32
  }
  func.func @transform_8(%arg0: i32) -> (i32, i32) {
    %c0_i32 = arith.constant 0 : i32
    %c0_i32_0 = arith.constant 0 : i32
    return %arg0, %c0_i32 : i32, i32
  }
}

module attributes {stable_mosaic.version = 14 : i64} {
  func.func @_eq_mlp_body(%arg0: i32, %arg1: memref<3200x128xf32, #tpu.memory_space<vmem>>, %arg2: memref<3200x128xf32, #tpu.memory_space<vmem>>, %arg3: memref<3200x16xf32, #tpu.memory_space<vmem>>, %arg4: memref<3200x1xf32, #tpu.memory_space<vmem>>, %arg5: memref<256x128xf32, #tpu.memory_space<vmem>>, %arg6: memref<1x128xf32, #tpu.memory_space<vmem>>, %arg7: memref<1x128xf32, #tpu.memory_space<vmem>>, %arg8: memref<1x128xf32, #tpu.memory_space<vmem>>, %arg9: memref<128x128xf32, #tpu.memory_space<vmem>>, %arg10: memref<1x128xf32, #tpu.memory_space<vmem>>, %arg11: memref<1x128xf32, #tpu.memory_space<vmem>>, %arg12: memref<3200x16xf32, #tpu.memory_space<vmem>>) attributes {dimension_semantics = [#tpu.dimension_semantics<arbitrary>], iteration_bounds = array<i64: 100>, scalar_prefetch = 0 : i64, scratch_operands = 0 : i64, tpu.core_type = #tpu.core_type<tc>, window_params = [{transform_indices = @transform_0, window_bounds = array<i64: 3200, 128>}, {transform_indices = @transform_1, window_bounds = array<i64: 3200, 128>}, {transform_indices = @transform_2, window_bounds = array<i64: 3200, 16>}, {transform_indices = @transform_3, window_bounds = array<i64: 3200, 1>}, {pipeline_mode = #tpu.pipeline_mode<synchronous>, transform_indices = @transform_4, window_bounds = array<i64: 256, 128>}, {pipeline_mode = #tpu.pipeline_mode<synchronous>, transform_indices = @transform_5, window_bounds = array<i64: 1, 128>}, {pipeline_mode = #tpu.pipeline_mode<synchronous>, transform_indices = @transform_6, window_bounds = array<i64: 1, 128>}, {pipeline_mode = #tpu.pipeline_mode<synchronous>, transform_indices = @transform_7, window_bounds = array<i64: 1, 128>}, {pipeline_mode = #tpu.pipeline_mode<synchronous>, transform_indices = @transform_8, window_bounds = array<i64: 128, 128>}, {pipeline_mode = #tpu.pipeline_mode<synchronous>, transform_indices = @transform_9, window_bounds = array<i64: 1, 128>}, {pipeline_mode = #tpu.pipeline_mode<synchronous>, transform_indices = @transform_10, window_bounds = array<i64: 1, 128>}, {transform_indices = @transform_11, window_bounds = array<i64: 3200, 16>}]} {
    %get3A = arith.constant 0 : index
    %get3A_0 = arith.constant 0 : index
    %get3A_1 = vector.load %arg3[%get3A, %get3A_0] : memref<3200x16xf32, #tpu.memory_space<vmem>>, vector<3200x16xf32>
    %slice3A = vector.extract_strided_slice %get3A_1 {offsets = [0, 8], sizes = [3200, 1], strides = [1, 1]} : vector<3200x16xf32> to vector<3200x1xf32>
    %get3A_2 = arith.constant 0 : index
    %get3A_3 = arith.constant 0 : index
    %get3A_4 = vector.load %arg1[%get3A_2, %get3A_3] : memref<3200x128xf32, #tpu.memory_space<vmem>>, vector<3200x128xf32>
    %get3A_5 = arith.constant 0 : index
    %get3A_6 = arith.constant 0 : index
    %get3A_7 = vector.load %arg2[%get3A_5, %get3A_6] : memref<3200x128xf32, #tpu.memory_space<vmem>>, vector<3200x128xf32>
    %concatenate3A = tpu.concatenate %get3A_4, %get3A_7 in 1 : vector<3200x128xf32>, vector<3200x128xf32> -> vector<3200x256xf32>
    %get3A_8 = arith.constant 0 : index
    %get3A_9 = arith.constant 0 : index
    %get3A_10 = vector.load %arg5[%get3A_8, %get3A_9] : memref<256x128xf32, #tpu.memory_space<vmem>>, vector<256x128xf32>
    %dot_general3A = arith.constant dense<0.000000e+00> : vector<3200x128xf32>
    %dot_general3A_11 = tpu.matmul %concatenate3A, %get3A_10, %dot_general3A {dimension_numbers = #tpu.dot_dimension_numbers<[1], [0], [0], [1], [0, 0, 1, 1], [], []>, transpose_lhs_hint = false} : vector<3200x256xf32>, vector<256x128xf32>, vector<3200x128xf32> -> vector<3200x128xf32>
    %get3A_12 = arith.constant 0 : index
    %get3A_13 = arith.constant 0 : index
    %get3A_14 = vector.load %arg6[%get3A_12, %get3A_13] : memref<1x128xf32, #tpu.memory_space<vmem>>, vector<1x128xf32>
    %mul3A = vector.broadcast %slice3A : vector<3200x1xf32> to vector<3200x128xf32>
    %mul3A_15 = vector.broadcast %get3A_14 : vector<1x128xf32> to vector<3200x128xf32>
    %mul3A_16 = arith.mulf %mul3A, %mul3A_15 : vector<3200x128xf32>
    %add3A = arith.addf %dot_general3A_11, %mul3A_16 : vector<3200x128xf32>
    %get3A_17 = arith.constant 0 : index
    %get3A_18 = arith.constant 0 : index
    %get3A_19 = vector.load %arg4[%get3A_17, %get3A_18] : memref<3200x1xf32, #tpu.memory_space<vmem>>, vector<3200x1xf32>
    %get3A_20 = arith.constant 0 : index
    %get3A_21 = arith.constant 0 : index
    %get3A_22 = vector.load %arg7[%get3A_20, %get3A_21] : memref<1x128xf32, #tpu.memory_space<vmem>>, vector<1x128xf32>
    %mul3A_23 = vector.broadcast %get3A_19 : vector<3200x1xf32> to vector<3200x128xf32>
    %mul3A_24 = vector.broadcast %get3A_22 : vector<1x128xf32> to vector<3200x128xf32>
    %mul3A_25 = arith.mulf %mul3A_23, %mul3A_24 : vector<3200x128xf32>
    %add3A_26 = arith.addf %add3A, %mul3A_25 : vector<3200x128xf32>
    %get3A_27 = arith.constant 0 : index
    %get3A_28 = arith.constant 0 : index
    %get3A_29 = vector.load %arg8[%get3A_27, %get3A_28] : memref<1x128xf32, #tpu.memory_space<vmem>>, vector<1x128xf32>
    %add3A_30 = vector.broadcast %get3A_29 : vector<1x128xf32> to vector<3200x128xf32>
    %add3A_31 = arith.addf %add3A_26, %add3A_30 : vector<3200x128xf32>
    %logistic3A = arith.negf %add3A_31 : vector<3200x128xf32>
    %logistic3A_32 = math.exp %logistic3A : vector<3200x128xf32>
    %logistic3A_33 = arith.constant 1.000000e+00 : f32
    %logistic3A_34 = vector.broadcast %logistic3A_33 : f32 to vector<3200x128xf32>
    %logistic3A_35 = arith.addf %logistic3A_34, %logistic3A_32 : vector<3200x128xf32>
    %logistic3A_36 = arith.divf %logistic3A_34, %logistic3A_35 : vector<3200x128xf32>
    %mul3A_37 = arith.mulf %add3A_31, %logistic3A_36 : vector<3200x128xf32>
    %get3A_38 = arith.constant 0 : index
    %get3A_39 = arith.constant 0 : index
    %get3A_40 = vector.load %arg9[%get3A_38, %get3A_39] : memref<128x128xf32, #tpu.memory_space<vmem>>, vector<128x128xf32>
    %dot_general3A_41 = arith.constant dense<0.000000e+00> : vector<3200x128xf32>
    %dot_general3A_42 = tpu.matmul %mul3A_37, %get3A_40, %dot_general3A_41 {dimension_numbers = #tpu.dot_dimension_numbers<[1], [0], [0], [1], [0, 0, 1, 1], [], []>, transpose_lhs_hint = false} : vector<3200x128xf32>, vector<128x128xf32>, vector<3200x128xf32> -> vector<3200x128xf32>
    %get3A_43 = arith.constant 0 : index
    %get3A_44 = arith.constant 0 : index
    %get3A_45 = vector.load %arg10[%get3A_43, %get3A_44] : memref<1x128xf32, #tpu.memory_space<vmem>>, vector<1x128xf32>
    %add3A_46 = vector.broadcast %get3A_45 : vector<1x128xf32> to vector<3200x128xf32>
    %add3A_47 = arith.addf %dot_general3A_42, %add3A_46 : vector<3200x128xf32>
    %logistic3A_48 = arith.negf %add3A_47 : vector<3200x128xf32>
    %logistic3A_49 = math.exp %logistic3A_48 : vector<3200x128xf32>
    %logistic3A_50 = arith.constant 1.000000e+00 : f32
    %logistic3A_51 = vector.broadcast %logistic3A_50 : f32 to vector<3200x128xf32>
    %logistic3A_52 = arith.addf %logistic3A_51, %logistic3A_49 : vector<3200x128xf32>
    %logistic3A_53 = arith.divf %logistic3A_51, %logistic3A_52 : vector<3200x128xf32>
    %mul3A_54 = arith.mulf %add3A_47, %logistic3A_53 : vector<3200x128xf32>
    %get3A_55 = arith.constant 0 : index
    %get3A_56 = arith.constant 0 : index
    %get3A_57 = vector.load %arg11[%get3A_55, %get3A_56] : memref<1x128xf32, #tpu.memory_space<vmem>>, vector<1x128xf32>
    %mul3A_58 = vector.broadcast %get3A_57 : vector<1x128xf32> to vector<3200x128xf32>
    %mul3A_59 = arith.mulf %mul3A_54, %mul3A_58 : vector<3200x128xf32>
    %reduce_sum3A = arith.constant dense<0.000000e+00> : vector<3200xf32>
    %reduce_sum3A_60 = vector.multi_reduction <add>, %mul3A_59, %reduce_sum3A [1] : vector<3200x128xf32> to vector<3200xf32>
    %broadcast_in_dim3A = vector.shape_cast %reduce_sum3A_60 : vector<3200xf32> to vector<3200x1xf32>
    %iota3A = tpu.iota {dimensions = array<i32: 1>} : vector<1x16xi32>
    %lt3A = arith.constant 3 : i32
    %lt3A_61 = vector.broadcast %lt3A : i32 to vector<1x16xi32>
    %lt3A_62 = arith.cmpi slt, %iota3A, %lt3A_61 : vector<1x16xi32>
    %jit3A = arith.constant 0.000000e+00 : f32
    %broadcast_in_dim3A_63 = vector.shape_cast %lt3A_62 : vector<1x16xi1> to vector<1x16xi1>
    %broadcast_in_dim3A_64 = vector.broadcast %broadcast_in_dim3A_63 : vector<1x16xi1> to vector<3200x16xi1>
    %broadcast_in_dim3A_65 = vector.broadcast %jit3A : f32 to vector<3200x16xf32>
    %select_n3A = arith.select %broadcast_in_dim3A_64, %get3A_1, %broadcast_in_dim3A_65 : vector<3200x16xi1>, vector<3200x16xf32>
    %mul3A_66 = vector.broadcast %broadcast_in_dim3A : vector<3200x1xf32> to vector<3200x16xf32>
    %mul3A_67 = arith.mulf %select_n3A, %mul3A_66 : vector<3200x16xf32>
    %swap3A = arith.constant 0 : index
    %swap3A_68 = arith.constant 0 : index
    %swap3A_69 = vector.load %arg12[%swap3A, %swap3A_68] : memref<3200x16xf32, #tpu.memory_space<vmem>>, vector<3200x16xf32>
    tpu.vector_store %arg12[%swap3A, %swap3A_68], %mul3A_67 {strides = array<i32>} : memref<3200x16xf32, #tpu.memory_space<vmem>>, vector<3200x16xf32>,
    return
  }
  func.func @transform_0(%arg0: i32) -> (i32, i32) {
    %c0_i32 = arith.constant 0 : i32
    %c0_i32_0 = arith.constant 0 : i32
    return %arg0, %c0_i32 : i32, i32
  }
  func.func @transform_1(%arg0: i32) -> (i32, i32) {
    %c0_i32 = arith.constant 0 : i32
    %c0_i32_0 = arith.constant 0 : i32
    return %arg0, %c0_i32 : i32, i32
  }
  func.func @transform_2(%arg0: i32) -> (i32, i32) {
    %c0_i32 = arith.constant 0 : i32
    %c0_i32_0 = arith.constant 0 : i32
    return %arg0, %c0_i32 : i32, i32
  }
  func.func @transform_3(%arg0: i32) -> (i32, i32) {
    %c0_i32 = arith.constant 0 : i32
    %c0_i32_0 = arith.constant 0 : i32
    return %arg0, %c0_i32 : i32, i32
  }
  func.func @transform_4(%arg0: i32) -> (i32, i32) {
    %c0_i32 = arith.constant 0 : i32
    %c0_i32_0 = arith.constant 0 : i32
    %c0_i32_1 = arith.constant 0 : i32
    return %c0_i32, %c0_i32_0 : i32, i32
  }
  func.func @transform_5(%arg0: i32) -> (i32, i32) {
    %c0_i32 = arith.constant 0 : i32
    %c0_i32_0 = arith.constant 0 : i32
    %c0_i32_1 = arith.constant 0 : i32
    return %c0_i32, %c0_i32_0 : i32, i32
  }
  func.func @transform_6(%arg0: i32) -> (i32, i32) {
    %c0_i32 = arith.constant 0 : i32
    %c0_i32_0 = arith.constant 0 : i32
    %c0_i32_1 = arith.constant 0 : i32
    return %c0_i32, %c0_i32_0 : i32, i32
  }
  func.func @transform_7(%arg0: i32) -> (i32, i32) {
    %c0_i32 = arith.constant 0 : i32
    %c0_i32_0 = arith.constant 0 : i32
    %c0_i32_1 = arith.constant 0 : i32
    return %c0_i32, %c0_i32_0 : i32, i32
  }
  func.func @transform_8(%arg0: i32) -> (i32, i32) {
    %c0_i32 = arith.constant 0 : i32
    %c0_i32_0 = arith.constant 0 : i32
    %c0_i32_1 = arith.constant 0 : i32
    return %c0_i32, %c0_i32_0 : i32, i32
  }
  func.func @transform_9(%arg0: i32) -> (i32, i32) {
    %c0_i32 = arith.constant 0 : i32
    %c0_i32_0 = arith.constant 0 : i32
    %c0_i32_1 = arith.constant 0 : i32
    return %c0_i32, %c0_i32_0 : i32, i32
  }
  func.func @transform_10(%arg0: i32) -> (i32, i32) {
    %c0_i32 = arith.constant 0 : i32
    %c0_i32_0 = arith.constant 0 : i32
    %c0_i32_1 = arith.constant 0 : i32
    return %c0_i32, %c0_i32_0 : i32, i32
  }
  func.func @transform_11(%arg0: i32) -> (i32, i32) {
    %c0_i32 = arith.constant 0 : i32
    %c0_i32_0 = arith.constant 0 : i32
    return %arg0, %c0_i32 : i32, i32
  }
}

module attributes {stable_mosaic.version = 14 : i64} {
  func.func @body(%arg0: i32, %arg1: memref<2000x3xf32, #tpu.memory_space<vmem>>, %arg2: memref<2000x16xf32, #tpu.memory_space<vmem>>, %arg3: memref<2000x16xf32, #tpu.memory_space<vmem>>, %arg4: memref<2000x3xf32, #tpu.memory_space<vmem>>) attributes {dimension_semantics = [#tpu.dimension_semantics<arbitrary>], iteration_bounds = array<i64: 5>, scalar_prefetch = 0 : i64, scratch_operands = 0 : i64, tpu.core_type = #tpu.core_type<tc>, window_params = [{transform_indices = @transform_0, window_bounds = array<i64: 2000, 3>}, {transform_indices = @transform_1, window_bounds = array<i64: 2000, 16>}, {transform_indices = @transform_2, window_bounds = array<i64: 2000, 16>}, {transform_indices = @transform_3, window_bounds = array<i64: 2000, 3>}]} {
    %get3A = arith.constant 0 : index
    %get3A_0 = arith.constant 0 : index
    %get3A_1 = vector.load %arg2[%get3A, %get3A_0] : memref<2000x16xf32, #tpu.memory_space<vmem>>, vector<2000x16xf32>
    %get3A_2 = arith.constant 0 : index
    %get3A_3 = arith.constant 0 : index
    %get3A_4 = vector.load %arg3[%get3A_2, %get3A_3] : memref<2000x16xf32, #tpu.memory_space<vmem>>, vector<2000x16xf32>
    %add3A = arith.addf %get3A_1, %get3A_4 : vector<2000x16xf32>
    %mul3A = arith.constant 0.00999999977 : f32
    %mul3A_5 = vector.broadcast %mul3A : f32 to vector<2000x16xf32>
    %mul3A_6 = arith.mulf %add3A, %mul3A_5 : vector<2000x16xf32>
    %get3A_7 = arith.constant 0 : index
    %get3A_8 = arith.constant 0 : index
    %get3A_9 = vector.load %arg1[%get3A_7, %get3A_8] : memref<2000x3xf32, #tpu.memory_space<vmem>>, vector<2000x3xf32>
    %slice3A = vector.extract_strided_slice %mul3A_6 {offsets = [0, 0], sizes = [2000, 3], strides = [1, 1]} : vector<2000x16xf32> to vector<2000x3xf32>
    %add3A_10 = arith.addf %get3A_9, %slice3A : vector<2000x3xf32>
    %swap3A = arith.constant 0 : index
    %swap3A_11 = arith.constant 0 : index
    %swap3A_12 = vector.load %arg4[%swap3A, %swap3A_11] : memref<2000x3xf32, #tpu.memory_space<vmem>>, vector<2000x3xf32>
    tpu.vector_store %arg4[%swap3A, %swap3A_11], %add3A_10 {strides = array<i32>} : memref<2000x3xf32, #tpu.memory_space<vmem>>, vector<2000x3xf32>,
    return
  }
  func.func @transform_0(%arg0: i32) -> (i32, i32) {
    %c0_i32 = arith.constant 0 : i32
    %c0_i32_0 = arith.constant 0 : i32
    return %arg0, %c0_i32 : i32, i32
  }
  func.func @transform_1(%arg0: i32) -> (i32, i32) {
    %c0_i32 = arith.constant 0 : i32
    %c0_i32_0 = arith.constant 0 : i32
    return %arg0, %c0_i32 : i32, i32
  }
  func.func @transform_2(%arg0: i32) -> (i32, i32) {
    %c0_i32 = arith.constant 0 : i32
    %c0_i32_0 = arith.constant 0 : i32
    return %arg0, %c0_i32 : i32, i32
  }
  func.func @transform_3(%arg0: i32) -> (i32, i32) {
    %c0_i32 = arith.constant 0 : i32
    %c0_i32_0 = arith.constant 0 : i32
    return %arg0, %c0_i32 : i32, i32
  }
}

</mosaic_0001>

<sc_bundles>
// kernel: kernel.11.cloned.1.call-start
scs
__scs_entry_jumppad:
0x0: {  	(pc) =	sbr.rel $0x88, $3  }
0x1: {  	(tag) =	ssettag $0x0;
	lr =	simm.s32 $0x1  }
0x2: {  	[smem:$0x3F88] =	sst lr;
	_ =	strace $0xD0000000  }
0x3: {  	_ = 	snop  }
0x4: {  	_ = 	snop  }
0x5: {  	_ = 	snop  }
0x6: {  	_ = 	snop  }
0x7: {  	_ = 	snop  }
__scs_overlays_trampoline_lowered:
0x8: {  	[smem:$0x3F97] =	sst s0  }
0x9: {  	[smem:$0x3F98] =	sst s1  }
0xa: {  	[smem:$0x3F99] =	sst s2  }
0xb: {  	[smem:$0x3F9A] =	sst s3  }
0xc: {  	[smem:$0x3F9B] =	sst s4  }
0xd: {  	[smem:$0x3F9C] =	sst s5  }
0xe: {  	[smem:$0x3F9D] =	sst s6  }
0xf: {  	[smem:$0x3F9E] =	sst s7  }
0x10: {  	[smem:$0x3F9F] =	sst s8  }
0x11: {  	[smem:$0x3FA0] =	sst s9;
	s0 =	simm.s32 @!p0 $0x0  }
0x12: {  	s1 =	sld [smem:$0x3F86];
	s0 =	simm.s32 @p0 $0x1  }
0x13: {  	[smem:$0x3FA1] =	sst s0;
	s0 =	simm.s32 @!p1 $0x0  }
0x14: {  	s2 =	sld [smem:$0x3F85];
	s0 =	simm.s32 @p1 $0x1  }
0x15: {  	[smem:$0x3FA2] =	sst s0;
	s0 =	simm.s32 @!p2 $0x0  }
0x16: {  	s3 =	sld [smem:$0x3FDB];
	s0 =	simm.s32 @p2 $0x1  }
0x17: {  	s4 =	simm.s32 $0x1BF5;
	[smem:$0x3FA4] =	sst s0  }
0x18: {  	s0 =	sld [smem:$0x3F87];
	_ =	swait.ge [sflag:s4], $0x0  }
0x19: {  	s7 =	sld [smem:$0x3F88]  }
0x1a: {  	s8 =	sadd.s32 $0xFFFFE003, lr  }
0x1b: {  	s9 =	sadd.s32 $0xFFFFFEF7, lr;
	s5 =	simm.s32 $0xFFFFFFFF;
	p2 =	slt.u32 s8, $0xFFFFF086  }
0x1c: {  	p1 =	slt.u32 s9, $0xF7A;
	s5 =	simm.s32 @!p2 $0x0  }
0x1d: {  	s5 =	simm.s32 @p1 $0x1;
	p0 =	seq.s32 s7, s2  }
0x1e: {  	s7 =	smul.u32 @!p0 $0xF7A, s2;
	p2 =	seq.s32 @!p0 s5, $0x0  }
0x1f: {  	s9 =	smul.u32 $0xF7A, s1;
	s8 =	simm.s32 @!p0 $0x1BF5;
	p2 =	por !p2, p0  }
0x20: {  	[sflag:s8] =	ssyncset.s32 @!p0 $0xFFFFF086;
	s6 =	sadd.s32 @!p0 s3, s7;
	s7 =	simm.s32 @!p0 $0x108  }
0x21: {  	s3 =	sadd.s32 s3, s9;
	s6 =	sadd.s32 @!p0 $0x88, s6;
	s7 =	simm.s32 @p2 $0x1082  }
0x22: {  	[simem:s7], [sflag:s8] =	dma.local @!p0 [hbm:s6], $0xF7A  }
0x23: {  	s9 =	sor.u32 $0xD0000000, s2;
	s6 =	simm.s32 $0x108;
	_ =	swait.ge @!p0 [sflag:s8], $0x0  }
0x24: {  	s3 =	sadd.s32 $0x88, s3;
	s6 =	simm.s32 @!p1 $0x1082;
	[sflag:s4] =	ssyncset.s32 $0xFFFFF086  }
0x25: {  	[simem:s6], [sflag:s4] =	dma.local [hbm:s3], $0xF7A  }
0x26: {  	[smem:$0x3F88] =	sst s1;
	(tag) =	ssettag s2;
	_ =	strace s9  }
0x27: {  	s1 =	sld [smem:$0x3F98]  }
0x28: {  	s2 =	sld [smem:$0x3F99]  }
0x29: {  	s4 =	sld [smem:$0x3F9B]  }
0x2a: {  	p0 =	seq.s32 s5, $0x0;
	s5 =	sld [smem:$0x3F9C]  }
0x2b: {  	s6 =	sld [smem:$0x3F9D]  }
0x2c: {  	s7 =	sld [smem:$0x3F9E]  }
0x2d: {  	s3 =	simm.s32 $0x108;
	s8 =	sld [smem:$0x3F9F]  }
0x2e: {  	s3 =	simm.s32 @!p0 $0x1082;
	s9 =	sld [smem:$0x3FA0]  }
0x2f: {  	lr =	sadd.s32 s0, s3;
	s0 =	sld [smem:$0x3F97]  }
0x30: {  	s3 =	sld [smem:$0x3F9A]  }
0x31: {  	[smem:$0x3FA3] =	sst s10  }
0x32: {  	s10 =	sld [smem:$0x3FA1];
	_ =	sdelay $0x3  }
0x33: {  	p0 =	seq.s32 s10, $0x1;
	s10 =	sld [smem:$0x3FA3];
	_ =	sdelay $0x3  }
0x34: {  	[smem:$0x3FA3] =	sst s10  }
0x35: {  	s10 =	sld [smem:$0x3FA2];
	_ =	sdelay $0x3  }
0x36: {  	p1 =	seq.s32 s10, $0x1;
	s10 =	sld [smem:$0x3FA3];
	_ =	sdelay $0x3  }
0x37: {  	[smem:$0x3FA3] =	sst s10  }
0x38: {  	s10 =	sld [smem:$0x3FA4]  }
0x39: {  	_ = 	snop;
	(pc) =	sbr.ind lr, $3  }
0x3a: {  	_ = 	snop  }
0x3b: {  	_ = 	snop  }
0x3c: {  	p2 =	seq.s32 s10, $0x1;
	s10 =	sld [smem:$0x3FA3]  }
0x3d: {  	_ =	shalt  }
0x3e: {  	_ =	shalt  }
0x3f: {  	_ =	shalt  }
0x40: {  	_ =	shalt  }
0x41: {  	_ =	shalt  }
0x42: {  	_ =	shalt  }
0x43: {  	_ =	shalt  }
0x44: {  	_ =	shalt  }
0x45: {  	_ =	shalt  }
0x46: {  	_ =	shalt  }
0x47: {  	_ =	shalt  }
0x48: {  	_ =	shalt  }
0x49: {  	_ =	shalt  }
0x4a: {  	_ =	shalt  }
0x4b: {  	_ =	shalt  }
0x4c: {  	_ =	shalt  }
0x4d: {  	_ =	shalt  }
0x4e: {  	_ =	shalt  }
0x4f: {  	_ =	shalt  }
0x50: {  	_ =	shalt  }
0x51: {  	_ =	shalt  }
0x52: {  	_ =	shalt  }
0x53: {  	_ =	shalt  }
0x54: {  	_ =	shalt  }
0x55: {  	_ =	shalt  }
0x56: {  	_ =	shalt  }
0x57: {  	_ =	shalt  }
0x58: {  	_ =	shalt  }
0x59: {  	_ =	shalt  }
0x5a: {  	_ =	shalt  }
0x5b: {  	_ =	shalt  }
0x5c: {  	_ =	shalt  }
0x5d: {  	_ =	shalt  }
0x5e: {  	_ =	shalt  }
0x5f: {  	_ =	shalt  }
0x60: {  	_ =	shalt  }
0x61: {  	_ =	shalt  }
0x62: {  	_ =	shalt  }
0x63: {  	_ =	shalt  }
0x64: {  	_ =	shalt  }
0x65: {  	_ =	shalt  }
0x66: {  	_ =	shalt  }
0x67: {  	_ =	shalt  }
0x68: {  	_ =	shalt  }
0x69: {  	_ =	shalt  }
0x6a: {  	_ =	shalt  }
0x6b: {  	_ =	shalt  }
0x6c: {  	_ =	shalt  }
0x6d: {  	_ =	shalt  }
0x6e: {  	_ =	shalt  }
0x6f: {  	_ =	shalt  }
0x70: {  	_ =	shalt  }
0x71: {  	_ =	shalt  }
0x72: {  	_ =	shalt  }
0x73: {  	_ =	shalt  }
0x74: {  	_ =	shalt  }
0x75: {  	_ =	shalt  }
0x76: {  	_ =	shalt  }
0x77: {  	_ =	shalt  }
0x78: {  	_ =	shalt  }
0x79: {  	_ =	shalt  }
0x7a: {  	_ =	shalt  }
0x7b: {  	_ =	shalt  }
0x7c: {  	_ =	shalt  }
0x7d: {  	_ =	shalt  }
0x7e: {  	_ =	shalt  }
0x7f: {  	_ =	shalt  }
0x80: {  	_ =	shalt  }
0x81: {  	_ =	shalt  }
0x82: {  	_ =	shalt  }
0x83: {  	_ =	shalt  }
0x84: {  	_ =	shalt  }
0x85: {  	_ =	shalt  }
0x86: {  	_ =	shalt  }
0x87: {  	_ =	shalt  }
.Lfunc_end0:
.L_simem_size_0:
called_computation.3_lowered:
.L_overlay_start_0:
0x88: {  	s2 =	sld [smem:$0x3FD9]  }
0x89: {  	s3 =	sld [smem:$0x3FFE];
	_ =	sdelay $0x1  }
0x8a: {  	s1 =	srdreg.scid  }
0x8b: {  	s0 =	sand.u32 $0x1, s1  }
0x8c: {  	s14 =	sshll.u32 s0, $0xA;
	s2 =	sadd.s32 s3, s2  }
0x8d: {  	s2 =	sadd.s32 s2, s14  }
0x8e: {  	[smem:$0x3FAF] =	sst s2  }
0x8f: {  	_ = 	snop  }
0x90: {  	s2 =	sld [smem:$0x3FD0];
	_ =	sdelay $0x2  }
0x91: {  	s4 =	simm.s32 $0xB;
	s5 =	simm.s32 $0x10;
	s15 =	sld [smem:$0x3FC9]  }
0x92: {  	[smem:s5], [sflag:s4] =	dma.local [hbm:s2], $0x1  }
0x93: {  	_ =	swait.eq [sflag:s4], $0x1  }
0x94: {  	[sflag:s4] =	ssyncset.done $0x0  }
0x95: {  	[sflag:s4] =	ssyncadd.s32 $0xFFFFFFFF  }
0x96: {  	s16 =	sld [smem:$0x10];
	(tm) =	ssettm $0x1  }
0x97: {  	s17 =	sld [smem:$0x3FFB];
	_ =	sdelay $0x3  }
0x98: {  	_ =	strace s17  }
0x99: {  	s4 =	sld [smem:$0x3FFC];
	_ =	sdelay $0x3  }
0x9a: {  	_ =	strace s4  }
0x9b: {  	s4 =	sld [smem:$0x3FFD];
	_ =	sdelay $0x3  }
0x9c: {  	_ =	strace s4  }
0x9d: {  	_ =	strace $0x8FFFFFFF  }
0x9e: {  	s18 =	sld [smem:$0x3FDB];
	_ =	sdelay $0x1  }
0x9f: {  	s19 =	simm.s32 $_scs_section_size  }
0xa0: {  	s6 =	simm.s32 $_size__tile_overlayer_lowered;
	s7 =	simm.s32 $_tile_overlayer_lowered  }
0xa1: {  	s22 =	simm.s32 $0x1BFF;
	s21 =	sshll.u32 s7, $0x1;
	s4 =	sadd.s32 s19, s18  }
0xa2: {  	s8 =	simm.s32 $0x0;
	s20 =	sshll.u32 s6, $0x1;
	s6 =	sadd.s32 s21, s4  }
0xa3: {  	[timem:s8], [sflag:s22] =	dma.local [hbm:s6], s20  }
0xa4: {  	_ =	swait.ge [sflag:s22], s20  }
0xa5: {  	s5 =	ssub.s32 $0x0, s20;
	[sflag:s22] =	ssyncset.done $0x0  }
0xa6: {  	[sflag:s22] =	ssyncadd.s32 s5;
	_ =	sdelay $0x1  }
0xa7: {  	s23 =	simm.s32 $0x1B8B  }
0xa8: {  	_ =	swait.ge [sflag:s23], $0x1  }
0xa9: {  	[sflag:s23] =	ssyncset.done $0x0  }
0xaa: {  	s25 =	simm.s32 $0x1B8E;
	s24 =	sld [smem:$0x3FFE];
	[sflag:s23] =	ssyncadd.s32 $0xFFFFFFFF  }
0xab: {  	s26 =	simm.s32 $execute0_lowered;
	[smem:$0x3FD2] =	sst s25  }
0xac: {  	s6 =	sshll.u32 s26, $0x1;
	_ =	strace $0x80000046;
	[dreg:$0x1] =	wrdreg $0xFFFFFFFF  }
0xad: {  	s28 =	simm.s32 $_size_execute0_lowered;
	s4 =	sadd.s32 s4, s6;
	[dreg:$0x0] =	wrdreg $0x0  }
0xae: {  	s6 =	sshll.u32 s28, $0x1;
	[dreg:$0x2] =	wrdreg s4  }
0xaf: {  	[dreg:$0x3] =	wrdreg s6  }
0xb0: {  	[dreg:$0x4] =	wrdreg $0xC0  }
0xb1: {  	_ =	task [dreg:s8], $0x5FFFF  }
0xb2: {  	[dreg:$0x1] =	wrdreg $0xFFFFFFFF  }
0xb3: {  	[dreg:$0x0] =	wrdreg $0x60  }
0xb4: {  	[dreg:$0x2] =	wrdreg s15  }
0xb5: {  	[dreg:$0x3] =	wrdreg s16  }
0xb6: {  	[dreg:$0x4] =	wrdreg s24  }
0xb7: {  	[dreg:$0x5] =	wrdreg $0x9  }
0xb8: {  	_ =	task.clear_ibuf [dreg:s8], $0x6FFFF;
	_ =	strace $0x90000046  }
0xb9: {  	s29 =	simm.s32 $0x9;
	_ =	strace $0x80000048  }
0xba: {  	_ =	swait.ge [sflag:s29], $0x1  }
0xbb: {  	[sflag:s29] =	ssyncadd.s32 $0xFFFFFFFF  }
0xbc: {  	_ =	strace $0x90000048  }
0xbd: {  	_ =	sfence  }
0xbe: {  	s30 =	sld [smem:$0x0];
	_ =	sdelay $0x2  }
0xbf: {  	s31 =	sshll.u32 s1, $0xD;
	s1 =	sshrl.u32 s1, $0x2  }
0xc0: {  	s3 =	sand.u32 $0x4000, s31;
	s1 =	sadd.s32 s1, s30  }
0xc1: {  	s0 =	sor.u32 s3, s0;
	s1 =	sshll.u32 s1, $0x11  }
0xc2: {  	s0 =	sor.u32 s1, s0  }
0xc3: {  	s0 =	sadd.s32 $0x8F2B, s0  }
0xc4: {  	[sflag:s0] =	ssyncadd.remote.s32 $0x1  }
0xc5: {  	_ =	sfence.sel $0xFFFF  }
0xc6: {  	[dreg:$0x0] =	wrdreg $0xFFFFFFFF;
	(pc) =	sbr.abs _section_cstart, $3  }
0xc7: {  	[dreg:$0x1] =	wrdreg $0xFFFFFFFF  }
0xc8: {  	_ =	task.clear_ibuf [dreg:s8], $0x2FFFF;
	_ =	strace $0x9FFFFFFF  }
0xc9: {  	(tm) =	ssettm $0x7FFFFFFF  }
tec
execute0_lowered:
.L_overlay_start_1:
0x0: {  	(tag) =	ssettag $0x1  }
0x1: {  	s1 =	rddreg [dreg:$0x0]  }
0x2: {  	s2 =	rddreg [dreg:$0x1]  }
0x3: {  	s5 =	rddreg [dreg:$0x2]  }
0x4: {  	s0 =	rddreg [dreg:$0x3];
	s4 =	simm.s32 $0x0;
	s6 =	srdreg.scid  }
0x5: {  	s3 =	stileid.u32;
	s12 =	simm.s32 $0x5;
	s13 =	simm.s32 $0x50  }
0x6: {  	s14 =	simm.s32 $0x8000;
	s15 =	simm.s32 $0xA800;
	s16 =	simm.s32 $0xD000  }
0x7: {  	s17 =	simm.s32 $0xF800;
	s18 =	simm.s32 $0x1;
	s19 =	simm.s32 $0x2  }
0x8: {  	s20 =	simm.s32 $0x3;
	s21 =	simm.s32 $0x4;
	[smem:$0x7FF] =	sst s4  }
0x9: {  	s6 =	sand.u32 $0x1, s6;
	s7 =	sshll.u32 s3, $0xC;
	s8 =	smul.u32 $0x4E200, s3  }
0xa: {  	_ =	strace $0x80000047;
	s9 =	sshll.u32 s6, $0xB;
	s10 =	ssub.s32 $0x2, s6  }
0xb: {  	s6 =	smul.u32 $0x27100, s6;
	s7 =	sor.u32 s9, s7;
	s31 =	sshrl.u32 s10, $0x1  }
0xc: {  	s8 =	sadd.s32 s8, s5;
	s7 =	sadd.s32 s7, s5;
	s9 =	ssub.s32 s10, s31  }
0xd: {  	s11 =	sadd.s32 s6, s8;
	s5 =	sadd.s32 $0x4C00, s7;
	s6 =	sadd.s32 $0x14C00, s7  }
0xe: {  	s7 =	sadd.s32 $0x4BE00, s11;
	s8 =	smax.u32 s9, $0x1;
	s9 =	sadd.s32 $0x52DE00, s11  }
0xf: {  	s22 =	simm.s32 $0x0;
	s10 =	sadd.s32 $0xA0FE00, s11;
	s11 =	sadd.s32 $0xEF1E00, s11  }
.LBB2_1:
0x10: {  	[tilespmem:s4], [sflag:$0x5] =	stream.linear.gather [hbm4b:s5+s4], $0x3E80, $0x38;
	[tilespmem:$0x12000] =	vst v63  }
0x11: {  	_ =	swait.ge [sflag:s12], $0x3E80  }
0x12: {  	[sflag:s12] =	ssyncset.done $0x0  }
0x13: {  	s23 =	simm.s32 $0x4000;
	[sflag:s12] =	ssyncadd.s32 $0xFFFFC180  }
0x14: {  	[tilespmem:s23], [sflag:$0x5] =	stream.linear.gather [hbm4b:s6+s4], $0x3E80, $0x38;
	[tilespmem:$0x12000] =	vst v63  }
0x15: {  	_ =	swait.ge [sflag:s12], $0x3E80  }
0x16: {  	[sflag:s12] =	ssyncset.done $0x0  }
0x17: {  	[sflag:s12] =	ssyncadd.s32 $0xFFFFC180  }
0x18: {  	[tilespmem:s14], [sflag:$0x1] =	stream.indirect.gather [hbm4b:s1+s13], $0x80, s4, s13, $0xb8;
	[tilespmem:$0x12000] =	vst v63  }
0x19: {  	_ = 	snop  }
0x1a: {  	[tilespmem:s15], [sflag:$0x2] =	stream.indirect.gather [hbm4b:s1+s13], $0x80, s23, s13, $0xb8;
	[tilespmem:$0x12000] =	vst v63  }
0x1b: {  	_ = 	snop  }
0x1c: {  	[tilespmem:s16], [sflag:$0x3] =	stream.indirect.gather [hbm4b:s2+s13], $0x80, s4, s13, $0xb8;
	[tilespmem:$0x12000] =	vst v63  }
0x1d: {  	_ = 	snop  }
0x1e: {  	[tilespmem:s17], [sflag:$0x4] =	stream.indirect.gather [hbm4b:s2+s13], $0x80, s23, s13, $0xb8;
	[tilespmem:$0x12000] =	vst v63  }
0x1f: {  	_ =	swait.ge [sflag:s18], $0x2800  }
0x20: {  	[sflag:s18] =	ssyncset.done $0x0  }
0x21: {  	s24 =	sadd.s32 $0x0, s7;
	[sflag:s18] =	ssyncadd.s32 $0xFFFFD800  }
0x22: {  	[hbm4b:s24+s4] =	stream.linear.scatter [tilespmem:s14], [sflag:$0x5], $0x2800, $0x38;
	[tilespmem:$0x12000] =	vst v63  }
0x23: {  	_ =	swait.ge [sflag:s12], $0x2800  }
0x24: {  	[sflag:s12] =	ssyncset.done $0x0  }
0x25: {  	[sflag:s12] =	ssyncadd.s32 $0xFFFFD800  }
0x26: {  	_ =	swait.ge [sflag:s19], $0x2800  }
0x27: {  	[sflag:s19] =	ssyncset.done $0x0  }
0x28: {  	s29 =	sadd.s32 $0x0, s9;
	[sflag:s19] =	ssyncadd.s32 $0xFFFFD800  }
0x29: {  	[hbm4b:s29+s4] =	stream.linear.scatter [tilespmem:s15], [sflag:$0x5], $0x2800, $0x38;
	[tilespmem:$0x12000] =	vst v63  }
0x2a: {  	_ =	swait.ge [sflag:s12], $0x2800  }
0x2b: {  	[sflag:s12] =	ssyncset.done $0x0  }
0x2c: {  	[sflag:s12] =	ssyncadd.s32 $0xFFFFD800  }
0x2d: {  	_ =	swait.ge [sflag:s20], $0x2800  }
0x2e: {  	[sflag:s20] =	ssyncset.done $0x0  }
0x2f: {  	s30 =	sadd.s32 $0x0, s10;
	[sflag:s20] =	ssyncadd.s32 $0xFFFFD800  }
0x30: {  	[hbm4b:s30+s4] =	stream.linear.scatter [tilespmem:s16], [sflag:$0x5], $0x2800, $0x38;
	[tilespmem:$0x12000] =	vst v63  }
0x31: {  	_ =	swait.ge [sflag:s12], $0x2800  }
0x32: {  	[sflag:s12] =	ssyncset.done $0x0  }
0x33: {  	[sflag:s12] =	ssyncadd.s32 $0xFFFFD800  }
0x34: {  	_ =	swait.ge [sflag:s21], $0x2800  }
0x35: {  	[sflag:s21] =	ssyncset.done $0x0  }
0x36: {  	s31 =	sadd.s32 $0x0, s11;
	[sflag:s21] =	ssyncadd.s32 $0xFFFFD800  }
0x37: {  	[hbm4b:s31+s4] =	stream.linear.scatter [tilespmem:s17], [sflag:$0x5], $0x2800, $0x38;
	[tilespmem:$0x12000] =	vst v63  }
0x38: {  	_ =	swait.ge [sflag:s12], $0x2800  }
0x39: {  	s25 =	simm.s32 $0x0;
	s24 =	simm.s32 $0x500;
	[sflag:s12] =	ssyncset.done $0x0  }
.LBB2_2:
0x3a: {  	[sflag:s12] =	ssyncadd.s32 $0xFFFFD800;
	s25 =	sadd.s32 $0x80, s25;
	s23 =	sadd.s32 $0x80, s23  }
0x3b: {  	[tilespmem:s14], [sflag:$0x1] =	stream.indirect.gather [hbm4b:s1+s13], $0x80, s25, s13, $0xb8;
	[tilespmem:$0x12000] =	vst v63  }
0x3c: {  	p0 =	sne.s32 s24, $0x26C00;
	s26 =	smov.u32 s24;
	s24 =	sadd.s32 $0x500, s24  }
0x3d: {  	[tilespmem:s15], [sflag:$0x2] =	stream.indirect.gather [hbm4b:s1+s13], $0x80, s23, s13, $0xb8;
	[tilespmem:$0x12000] =	vst v63  }
0x3e: {  	_ = 	snop  }
0x3f: {  	[tilespmem:s16], [sflag:$0x3] =	stream.indirect.gather [hbm4b:s2+s13], $0x80, s25, s13, $0xb8;
	[tilespmem:$0x12000] =	vst v63  }
0x40: {  	_ = 	snop  }
0x41: {  	[tilespmem:s17], [sflag:$0x4] =	stream.indirect.gather [hbm4b:s2+s13], $0x80, s23, s13, $0xb8;
	[tilespmem:$0x12000] =	vst v63  }
0x42: {  	_ =	swait.ge [sflag:s18], $0x2800  }
0x43: {  	[sflag:s18] =	ssyncset.done $0x0  }
0x44: {  	s28 =	sadd.s32 s26, s7;
	[sflag:s18] =	ssyncadd.s32 $0xFFFFD800  }
0x45: {  	[hbm4b:s28+s4] =	stream.linear.scatter [tilespmem:s14], [sflag:$0x5], $0x2800, $0x38;
	[tilespmem:$0x12000] =	vst v63  }
0x46: {  	_ =	swait.ge [sflag:s12], $0x2800  }
0x47: {  	[sflag:s12] =	ssyncset.done $0x0  }
0x48: {  	[sflag:s12] =	ssyncadd.s32 $0xFFFFD800  }
0x49: {  	_ =	swait.ge [sflag:s19], $0x2800  }
0x4a: {  	[sflag:s19] =	ssyncset.done $0x0  }
0x4b: {  	s28 =	sadd.s32 s26, s9;
	[sflag:s19] =	ssyncadd.s32 $0xFFFFD800  }
0x4c: {  	[hbm4b:s28+s4] =	stream.linear.scatter [tilespmem:s15], [sflag:$0x5], $0x2800, $0x38;
	[tilespmem:$0x12000] =	vst v63  }
0x4d: {  	_ =	swait.ge [sflag:s12], $0x2800  }
0x4e: {  	[sflag:s12] =	ssyncset.done $0x0  }
0x4f: {  	[sflag:s12] =	ssyncadd.s32 $0xFFFFD800  }
0x50: {  	_ =	swait.ge [sflag:s20], $0x2800  }
0x51: {  	[sflag:s20] =	ssyncset.done $0x0  }
0x52: {  	s28 =	sadd.s32 s26, s10;
	[sflag:s20] =	ssyncadd.s32 $0xFFFFD800  }
0x53: {  	[hbm4b:s28+s4] =	stream.linear.scatter [tilespmem:s16], [sflag:$0x5], $0x2800, $0x38;
	[tilespmem:$0x12000] =	vst v63  }
0x54: {  	_ =	swait.ge [sflag:s12], $0x2800  }
0x55: {  	[sflag:s12] =	ssyncset.done $0x0  }
0x56: {  	[sflag:s12] =	ssyncadd.s32 $0xFFFFD800  }
0x57: {  	_ =	swait.ge [sflag:s21], $0x2800  }
.Ltmp0:
0x58: {  	[sflag:s21] =	ssyncset.done $0x0;
	(pc) =	sbr.rel @p0 .LBB2_2-.Ltmp0, $4  }
0x59: {  	s26 =	sadd.s32 s26, s11;
	[sflag:s21] =	ssyncadd.s32 $0xFFFFD800  }
0x5a: {  	[hbm4b:s26+s4] =	stream.linear.scatter [tilespmem:s17], [sflag:$0x5], $0x2800, $0x38;
	[tilespmem:$0x12000] =	vst v63  }
0x5b: {  	_ =	swait.ge [sflag:s12], $0x2800  }
0x5c: {  	[sflag:s12] =	ssyncset.done $0x0  }
0x5d: {  	s22 =	sadd.s32 $0x1, s22  }
0x5e: {  	p0 =	sne.s32 s22, s8  }
.Ltmp1:
0x5f: {  	_ = 	snop;
	(pc) =	sbr.rel @p0 .LBB2_1-.Ltmp1, $2  }
0x60: {  	_ =	sdelay $0x2  }
0x61: {  	[sflag:s12] =	ssyncadd.s32 $0xFFFFD800  }
0x62: {  	_ =	sfence.sel $0x180000  }
0x63: {  	[bflag:$0x0] =	sbarrier.arrive $0xFFFF  }
0x64: {  	p0 =	sne.s32 s3, $0x0;
	_ =	strace $0x90000047  }
0x65: {  	s0 =	sadd.s32 @!p0 $0x100000, s0;
	[bflag:$0x2] =	sbarrier.arrive $0xFFFF  }
0x66: {  	[sflag:s0] =	ssyncadd.tile.s32 @!p0 $0x1;
	_ =	shalt  }
.Lfunc_end2:
_tile_overlayer_lowered:
.L_overlay_start_2:
0x67: {  	(tag) =	ssettag $0x2  }
0x68: {  	s0 =	rddreg [dreg:$0x0];
	s2 =	stileid.u32  }
0x69: {  	s1 =	rddreg [dreg:$0x1];
	p0 =	sne.s32 s2, $0x0  }
0x6a: {  	s3 =	rddreg [dreg:$0x2];
	[bflag:$0x3] =	sbarrier.arrive $0xFFFF;
	s2 =	simm.s32 @!p0 $0x1C05  }
0x6b: {  	[timem:s3], [sflag:s2] =	dma.local @!p0 [hbm:s0], s1  }
0x6c: {  	s0 =	simm.s32 @!p0 $0x5  }
0x6d: {  	_ =	swait.ge @!p0 [sflag:s0], s1  }
0x6e: {  	s1 =	ssub.s32 @!p0 $0x0, s1;
	[sflag:s0] =	ssyncset.done @!p0 $0x0  }
0x6f: {  	[sflag:s0] =	ssyncadd.s32 @!p0 s1  }
0x70: {  	[bflag:$0x3] =	sbarrier.arrive $0xFFFF  }
0x71: {  	_ =	shalt  }

// kernel: kernel.14.cloned.1.call-start
scs
__scs_entry_jumppad:
0x0: {  	(pc) =	sbr.rel $0x88, $3  }
0x1: {  	(tag) =	ssettag $0x0;
	lr =	simm.s32 $0x1  }
0x2: {  	[smem:$0x3F88] =	sst lr;
	_ =	strace $0xD0000000  }
0x3: {  	_ = 	snop  }
0x4: {  	_ = 	snop  }
0x5: {  	_ = 	snop  }
0x6: {  	_ = 	snop  }
0x7: {  	_ = 	snop  }
__scs_overlays_trampoline_lowered:
0x8: {  	[smem:$0x3F97] =	sst s0  }
0x9: {  	[smem:$0x3F98] =	sst s1  }
0xa: {  	[smem:$0x3F99] =	sst s2  }
0xb: {  	[smem:$0x3F9A] =	sst s3  }
0xc: {  	[smem:$0x3F9B] =	sst s4  }
0xd: {  	[smem:$0x3F9C] =	sst s5  }
0xe: {  	[smem:$0x3F9D] =	sst s6  }
0xf: {  	[smem:$0x3F9E] =	sst s7  }
0x10: {  	[smem:$0x3F9F] =	sst s8  }
0x11: {  	[smem:$0x3FA0] =	sst s9;
	s0 =	simm.s32 @!p0 $0x0  }
0x12: {  	s1 =	sld [smem:$0x3F86];
	s0 =	simm.s32 @p0 $0x1  }
0x13: {  	[smem:$0x3FA1] =	sst s0;
	s0 =	simm.s32 @!p1 $0x0  }
0x14: {  	s2 =	sld [smem:$0x3F85];
	s0 =	simm.s32 @p1 $0x1  }
0x15: {  	[smem:$0x3FA2] =	sst s0;
	s0 =	simm.s32 @!p2 $0x0  }
0x16: {  	s3 =	sld [smem:$0x3FDB];
	s0 =	simm.s32 @p2 $0x1  }
0x17: {  	s4 =	simm.s32 $0x1BF5;
	[smem:$0x3FA4] =	sst s0  }
0x18: {  	s0 =	sld [smem:$0x3F87];
	_ =	swait.ge [sflag:s4], $0x0  }
0x19: {  	s7 =	sld [smem:$0x3F88]  }
0x1a: {  	s8 =	sadd.s32 $0xFFFFE003, lr  }
0x1b: {  	s9 =	sadd.s32 $0xFFFFFEF7, lr;
	s5 =	simm.s32 $0xFFFFFFFF;
	p2 =	slt.u32 s8, $0xFFFFF086  }
0x1c: {  	p1 =	slt.u32 s9, $0xF7A;
	s5 =	simm.s32 @!p2 $0x0  }
0x1d: {  	s5 =	simm.s32 @p1 $0x1;
	p0 =	seq.s32 s7, s2  }
0x1e: {  	s7 =	smul.u32 @!p0 $0xF7A, s2;
	p2 =	seq.s32 @!p0 s5, $0x0  }
0x1f: {  	s9 =	smul.u32 $0xF7A, s1;
	s8 =	simm.s32 @!p0 $0x1BF5;
	p2 =	por !p2, p0  }
0x20: {  	[sflag:s8] =	ssyncset.s32 @!p0 $0xFFFFF086;
	s6 =	sadd.s32 @!p0 s3, s7;
	s7 =	simm.s32 @!p0 $0x108  }
0x21: {  	s3 =	sadd.s32 s3, s9;
	s6 =	sadd.s32 @!p0 $0x88, s6;
	s7 =	simm.s32 @p2 $0x1082  }
0x22: {  	[simem:s7], [sflag:s8] =	dma.local @!p0 [hbm:s6], $0xF7A  }
0x23: {  	s9 =	sor.u32 $0xD0000000, s2;
	s6 =	simm.s32 $0x108;
	_ =	swait.ge @!p0 [sflag:s8], $0x0  }
0x24: {  	s3 =	sadd.s32 $0x88, s3;
	s6 =	simm.s32 @!p1 $0x1082;
	[sflag:s4] =	ssyncset.s32 $0xFFFFF086  }
0x25: {  	[simem:s6], [sflag:s4] =	dma.local [hbm:s3], $0xF7A  }
0x26: {  	[smem:$0x3F88] =	sst s1;
	(tag) =	ssettag s2;
	_ =	strace s9  }
0x27: {  	s1 =	sld [smem:$0x3F98]  }
0x28: {  	s2 =	sld [smem:$0x3F99]  }
0x29: {  	s4 =	sld [smem:$0x3F9B]  }
0x2a: {  	p0 =	seq.s32 s5, $0x0;
	s5 =	sld [smem:$0x3F9C]  }
0x2b: {  	s6 =	sld [smem:$0x3F9D]  }
0x2c: {  	s7 =	sld [smem:$0x3F9E]  }
0x2d: {  	s3 =	simm.s32 $0x108;
	s8 =	sld [smem:$0x3F9F]  }
0x2e: {  	s3 =	simm.s32 @!p0 $0x1082;
	s9 =	sld [smem:$0x3FA0]  }
0x2f: {  	lr =	sadd.s32 s0, s3;
	s0 =	sld [smem:$0x3F97]  }
0x30: {  	s3 =	sld [smem:$0x3F9A]  }
0x31: {  	[smem:$0x3FA3] =	sst s10  }
0x32: {  	s10 =	sld [smem:$0x3FA1];
	_ =	sdelay $0x3  }
0x33: {  	p0 =	seq.s32 s10, $0x1;
	s10 =	sld [smem:$0x3FA3];
	_ =	sdelay $0x3  }
0x34: {  	[smem:$0x3FA3] =	sst s10  }
0x35: {  	s10 =	sld [smem:$0x3FA2];
	_ =	sdelay $0x3  }
0x36: {  	p1 =	seq.s32 s10, $0x1;
	s10 =	sld [smem:$0x3FA3];
	_ =	sdelay $0x3  }
0x37: {  	[smem:$0x3FA3] =	sst s10  }
0x38: {  	s10 =	sld [smem:$0x3FA4]  }
0x39: {  	_ = 	snop;
	(pc) =	sbr.ind lr, $3  }
0x3a: {  	_ = 	snop  }
0x3b: {  	_ = 	snop  }
0x3c: {  	p2 =	seq.s32 s10, $0x1;
	s10 =	sld [smem:$0x3FA3]  }
0x3d: {  	_ =	shalt  }
0x3e: {  	_ =	shalt  }
0x3f: {  	_ =	shalt  }
0x40: {  	_ =	shalt  }
0x41: {  	_ =	shalt  }
0x42: {  	_ =	shalt  }
0x43: {  	_ =	shalt  }
0x44: {  	_ =	shalt  }
0x45: {  	_ =	shalt  }
0x46: {  	_ =	shalt  }
0x47: {  	_ =	shalt  }
0x48: {  	_ =	shalt  }
0x49: {  	_ =	shalt  }
0x4a: {  	_ =	shalt  }
0x4b: {  	_ =	shalt  }
0x4c: {  	_ =	shalt  }
0x4d: {  	_ =	shalt  }
0x4e: {  	_ =	shalt  }
0x4f: {  	_ =	shalt  }
0x50: {  	_ =	shalt  }
0x51: {  	_ =	shalt  }
0x52: {  	_ =	shalt  }
0x53: {  	_ =	shalt  }
0x54: {  	_ =	shalt  }
0x55: {  	_ =	shalt  }
0x56: {  	_ =	shalt  }
0x57: {  	_ =	shalt  }
0x58: {  	_ =	shalt  }
0x59: {  	_ =	shalt  }
0x5a: {  	_ =	shalt  }
0x5b: {  	_ =	shalt  }
0x5c: {  	_ =	shalt  }
0x5d: {  	_ =	shalt  }
0x5e: {  	_ =	shalt  }
0x5f: {  	_ =	shalt  }
0x60: {  	_ =	shalt  }
0x61: {  	_ =	shalt  }
0x62: {  	_ =	shalt  }
0x63: {  	_ =	shalt  }
0x64: {  	_ =	shalt  }
0x65: {  	_ =	shalt  }
0x66: {  	_ =	shalt  }
0x67: {  	_ =	shalt  }
0x68: {  	_ =	shalt  }
0x69: {  	_ =	shalt  }
0x6a: {  	_ =	shalt  }
0x6b: {  	_ =	shalt  }
0x6c: {  	_ =	shalt  }
0x6d: {  	_ =	shalt  }
0x6e: {  	_ =	shalt  }
0x6f: {  	_ =	shalt  }
0x70: {  	_ =	shalt  }
0x71: {  	_ =	shalt  }
0x72: {  	_ =	shalt  }
0x73: {  	_ =	shalt  }
0x74: {  	_ =	shalt  }
0x75: {  	_ =	shalt  }
0x76: {  	_ =	shalt  }
0x77: {  	_ =	shalt  }
0x78: {  	_ =	shalt  }
0x79: {  	_ =	shalt  }
0x7a: {  	_ =	shalt  }
0x7b: {  	_ =	shalt  }
0x7c: {  	_ =	shalt  }
0x7d: {  	_ =	shalt  }
0x7e: {  	_ =	shalt  }
0x7f: {  	_ =	shalt  }
0x80: {  	_ =	shalt  }
0x81: {  	_ =	shalt  }
0x82: {  	_ =	shalt  }
0x83: {  	_ =	shalt  }
0x84: {  	_ =	shalt  }
0x85: {  	_ =	shalt  }
0x86: {  	_ =	shalt  }
0x87: {  	_ =	shalt  }
.Lfunc_end0:
.L_simem_size_0:
called_computation.4_lowered:
.L_overlay_start_0:
0x88: {  	s2 =	sld [smem:$0x3FD9]  }
0x89: {  	s3 =	sld [smem:$0x3FFE];
	_ =	sdelay $0x1  }
0x8a: {  	s1 =	srdreg.scid  }
0x8b: {  	s0 =	sand.u32 $0x1, s1  }
0x8c: {  	s14 =	sshll.u32 s0, $0xA;
	s2 =	sadd.s32 s3, s2  }
0x8d: {  	s2 =	sadd.s32 s2, s14  }
0x8e: {  	[smem:$0x3FAF] =	sst s2  }
0x8f: {  	_ = 	snop  }
0x90: {  	s2 =	sld [smem:$0x3FD0];
	_ =	sdelay $0x2  }
0x91: {  	s15 =	simm.s32 $0xB;
	s4 =	simm.s32 $0x10  }
0x92: {  	[smem:s4], [sflag:s15] =	dma.local [hbm:s2], $0x1  }
0x93: {  	_ =	swait.eq [sflag:s15], $0x1  }
0x94: {  	[sflag:s15] =	ssyncset.done $0x0  }
0x95: {  	[sflag:s15] =	ssyncadd.s32 $0xFFFFFFFF  }
0x96: {  	s16 =	sld [smem:$0x10];
	(tm) =	ssettm $0x1  }
0x97: {  	s17 =	sld [smem:$0x3FFB];
	_ =	sdelay $0x3  }
0x98: {  	_ =	strace s17  }
0x99: {  	s3 =	sld [smem:$0x3FFC];
	_ =	sdelay $0x3  }
0x9a: {  	_ =	strace s3  }
0x9b: {  	s3 =	sld [smem:$0x3FFD];
	_ =	sdelay $0x3  }
0x9c: {  	_ =	strace s3  }
0x9d: {  	_ =	strace $0x8FFFFFFF  }
0x9e: {  	s18 =	sld [smem:$0x3FDB];
	_ =	sdelay $0x1  }
0x9f: {  	s19 =	simm.s32 $_scs_section_size  }
0xa0: {  	s5 =	simm.s32 $_size__tile_overlayer_lowered;
	s6 =	simm.s32 $_tile_overlayer_lowered  }
0xa1: {  	s22 =	simm.s32 $0x1BFF;
	s21 =	sshll.u32 s6, $0x1;
	s3 =	sadd.s32 s19, s18  }
0xa2: {  	s7 =	simm.s32 $0x0;
	s20 =	sshll.u32 s5, $0x1;
	s5 =	sadd.s32 s21, s3  }
0xa3: {  	[timem:s7], [sflag:s22] =	dma.local [hbm:s5], s20  }
0xa4: {  	_ =	swait.ge [sflag:s22], s20  }
0xa5: {  	s4 =	ssub.s32 $0x0, s20;
	[sflag:s22] =	ssyncset.done $0x0  }
0xa6: {  	[sflag:s22] =	ssyncadd.s32 s4;
	_ =	sdelay $0x1  }
0xa7: {  	s23 =	simm.s32 $0x1B8B  }
0xa8: {  	_ =	swait.ge [sflag:s23], $0x1  }
0xa9: {  	[sflag:s23] =	ssyncset.done $0x0  }
0xaa: {  	s25 =	simm.s32 $0x1B8E;
	s24 =	sld [smem:$0x3FFE];
	[sflag:s23] =	ssyncadd.s32 $0xFFFFFFFF  }
0xab: {  	s26 =	simm.s32 $execute0_lowered;
	[smem:$0x3FD2] =	sst s25  }
0xac: {  	s5 =	sshll.u32 s26, $0x1;
	_ =	strace $0x8000004F;
	[dreg:$0x1] =	wrdreg $0xFFFFFFFF  }
0xad: {  	s28 =	simm.s32 $_size_execute0_lowered;
	s3 =	sadd.s32 s3, s5;
	[dreg:$0x0] =	wrdreg $0x0  }
0xae: {  	s5 =	sshll.u32 s28, $0x1;
	[dreg:$0x2] =	wrdreg s3  }
0xaf: {  	[dreg:$0x3] =	wrdreg s5  }
0xb0: {  	[dreg:$0x4] =	wrdreg $0xC0  }
0xb1: {  	_ =	task [dreg:s7], $0x5FFFF  }
0xb2: {  	[dreg:$0x1] =	wrdreg $0xFFFFFFFF  }
0xb3: {  	[dreg:$0x0] =	wrdreg $0x60  }
0xb4: {  	[dreg:$0x2] =	wrdreg s16  }
0xb5: {  	[dreg:$0x3] =	wrdreg s24  }
0xb6: {  	[dreg:$0x4] =	wrdreg $0x9  }
0xb7: {  	_ =	task.clear_ibuf [dreg:s7], $0x5FFFF;
	_ =	strace $0x9000004F  }
0xb8: {  	s29 =	simm.s32 $0x9;
	_ =	strace $0x80000051  }
0xb9: {  	_ =	swait.ge [sflag:s29], $0x1  }
0xba: {  	[sflag:s29] =	ssyncadd.s32 $0xFFFFFFFF  }
0xbb: {  	_ =	strace $0x90000051  }
0xbc: {  	_ =	sfence  }
0xbd: {  	s30 =	sld [smem:$0x0];
	_ =	sdelay $0x2  }
0xbe: {  	s31 =	sshll.u32 s1, $0xD;
	s1 =	sshrl.u32 s1, $0x2  }
0xbf: {  	s3 =	sand.u32 $0x4000, s31;
	s1 =	sadd.s32 s1, s30  }
0xc0: {  	s0 =	sor.u32 s3, s0;
	s1 =	sshll.u32 s1, $0x11  }
0xc1: {  	s0 =	sor.u32 s1, s0  }
0xc2: {  	s0 =	sadd.s32 $0x8F2B, s0  }
0xc3: {  	[sflag:s0] =	ssyncadd.remote.s32 $0x1  }
0xc4: {  	_ =	sfence.sel $0xFFFF  }
0xc5: {  	[dreg:$0x0] =	wrdreg $0xFFFFFFFF;
	(pc) =	sbr.abs _section_cstart, $3  }
0xc6: {  	[dreg:$0x1] =	wrdreg $0xFFFFFFFF  }
0xc7: {  	_ =	task.clear_ibuf [dreg:s7], $0x2FFFF;
	_ =	strace $0x9FFFFFFF  }
0xc8: {  	(tm) =	ssettm $0x7FFFFFFF  }
0xc9: {  	_ =	shalt  }
tec
execute0_lowered:
.L_overlay_start_1:
0x0: {  	(tag) =	ssettag $0x1  }
0x1: {  	s1 =	rddreg [dreg:$0x0]  }
0x2: {  	s4 =	rddreg [dreg:$0x1]  }
0x3: {  	s0 =	rddreg [dreg:$0x2]  }
0x4: {  	s3 =	simm.s32 $0x0;
	s5 =	srdreg.scid;
	s2 =	stileid.u32  }
0x5: {  	s9 =	simm.s32 $0x3;
	s10 =	simm.s32 $0x4000;
	s11 =	simm.s32 $0x50  }
0x6: {  	s12 =	simm.s32 $0x8000;
	s13 =	simm.s32 $0xA800;
	s14 =	simm.s32 $0x1  }
0x7: {  	s15 =	simm.s32 $0x2;
	s16 =	simm.s32 $0x0;
	[smem:$0x7FF] =	sst s3  }
0x8: {  	s5 =	sand.u32 $0x1, s5;
	s6 =	sshll.u32 s2, $0xC;
	s8 =	smul.u32 $0x4E200, s2  }
0x9: {  	_ =	strace $0x80000050;
	s7 =	sshll.u32 s5, $0xB;
	s30 =	ssub.s32 $0x2, s5  }
0xa: {  	s5 =	smul.u32 $0x27100, s5;
	s6 =	sor.u32 s7, s6;
	s31 =	sshrl.u32 s30, $0x1  }
0xb: {  	s8 =	sadd.s32 s8, s4;
	s6 =	sadd.s32 s6, s4;
	s7 =	ssub.s32 s30, s31  }
0xc: {  	s8 =	sadd.s32 s5, s8;
	s4 =	sadd.s32 $0x4C00, s6;
	s5 =	sadd.s32 $0x14C00, s6  }
0xd: {  	s6 =	smax.u32 s7, $0x1;
	s7 =	sadd.s32 $0x18C9A00, s8;
	s8 =	sadd.s32 $0x73600, s8  }
.LBB2_1:
0xe: {  	[tilespmem:s3], [sflag:$0x3] =	stream.linear.gather [hbm4b:s4+s3], $0x3E80, $0x38;
	[tilespmem:$0xD000] =	vst v63  }
0xf: {  	_ =	swait.ge [sflag:s9], $0x3E80  }
0x10: {  	[sflag:s9] =	ssyncset.done $0x0  }
0x11: {  	[sflag:s9] =	ssyncadd.s32 $0xFFFFC180  }
0x12: {  	[tilespmem:s10], [sflag:$0x3] =	stream.linear.gather [hbm4b:s5+s3], $0x3E80, $0x38;
	[tilespmem:$0xD000] =	vst v63  }
0x13: {  	_ =	swait.ge [sflag:s9], $0x3E80  }
0x14: {  	[sflag:s9] =	ssyncset.done $0x0  }
0x15: {  	s17 =	simm.s32 $0x0;
	[sflag:s9] =	ssyncadd.s32 $0xFFFFC180  }
0x16: {  	[tilespmem:s12], [sflag:$0x1] =	stream.indirect.gather [hbm4b:s1+s11], $0x80, s17, s11, $0xb8;
	[tilespmem:$0xD000] =	vst v63  }
0x17: {  	s31 =	simm.s32 $0x4000  }
0x18: {  	[tilespmem:s13], [sflag:$0x2] =	stream.indirect.gather [hbm4b:s1+s11], $0x80, s31, s11, $0xb8;
	[tilespmem:$0xD000] =	vst v63  }
0x19: {  	_ =	swait.ge [sflag:s14], $0x2800  }
0x1a: {  	[sflag:s14] =	ssyncset.done $0x0  }
0x1b: {  	[sflag:s14] =	ssyncadd.s32 $0xFFFFD800  }
0x1c: {  	[hbm4b:s7+s3] =	stream.linear.scatter [tilespmem:s12], [sflag:$0x3], $0x2800, $0x38;
	[tilespmem:$0xD000] =	vst v63  }
0x1d: {  	_ =	swait.ge [sflag:s9], $0x2800  }
0x1e: {  	[sflag:s9] =	ssyncset.done $0x0  }
0x1f: {  	[sflag:s9] =	ssyncadd.s32 $0xFFFFD800  }
0x20: {  	_ =	swait.ge [sflag:s15], $0x2800  }
0x21: {  	[sflag:s15] =	ssyncset.done $0x0  }
0x22: {  	[sflag:s15] =	ssyncadd.s32 $0xFFFFD800  }
0x23: {  	[hbm4b:s8+s3] =	stream.linear.scatter [tilespmem:s13], [sflag:$0x3], $0x2800, $0x38;
	[tilespmem:$0xD000] =	vst v63  }
0x24: {  	s19 =	simm.s32 $0x200;
	s20 =	simm.s32 $0x400;
	_ =	swait.ge [sflag:s9], $0x2800  }
0x25: {  	s18 =	sadd.s32 $0x500, s7;
	s17 =	sadd.s32 $0x500, s8;
	[sflag:s9] =	ssyncset.done $0x0  }
.LBB2_2:
0x26: {  	s21 =	sshra.s32 s19, $0x2  }
0x27: {  	[sflag:s9] =	ssyncadd.s32 $0xFFFFD800;
	s19 =	smov.u32 s20;
	s22 =	sadd.s32 $0x200, s20  }
0x28: {  	[tilespmem:s12], [sflag:$0x1] =	stream.indirect.gather [hbm4b:s1+s11], $0x80, s21, s11, $0xb8;
	[tilespmem:$0xD000] =	vst v63  }
0x29: {  	p0 =	sne.s32 s20, $0xF800;
	s20 =	sadd.s32 $0x4000, s21  }
0x2a: {  	[tilespmem:s13], [sflag:$0x2] =	stream.indirect.gather [hbm4b:s1+s11], $0x80, s20, s11, $0xb8;
	[tilespmem:$0xD000] =	vst v63  }
0x2b: {  	_ =	swait.ge [sflag:s14], $0x2800  }
0x2c: {  	[sflag:s14] =	ssyncset.done $0x0  }
0x2d: {  	[sflag:s14] =	ssyncadd.s32 $0xFFFFD800  }
0x2e: {  	[hbm4b:s18+s3] =	stream.linear.scatter [tilespmem:s12], [sflag:$0x3], $0x2800, $0x38;
	[tilespmem:$0xD000] =	vst v63  }
0x2f: {  	_ =	swait.ge [sflag:s9], $0x2800  }
0x30: {  	[sflag:s9] =	ssyncset.done $0x0  }
0x31: {  	[sflag:s9] =	ssyncadd.s32 $0xFFFFD800  }
0x32: {  	_ =	swait.ge [sflag:s15], $0x2800  }
.Ltmp0:
0x33: {  	[sflag:s15] =	ssyncset.done $0x0;
	(pc) =	sbr.rel @p0 .LBB2_2-.Ltmp0, $4  }
0x34: {  	[sflag:s15] =	ssyncadd.s32 $0xFFFFD800  }
0x35: {  	[hbm4b:s17+s3] =	stream.linear.scatter [tilespmem:s13], [sflag:$0x3], $0x2800, $0x38;
	[tilespmem:$0xD000] =	vst v63  }
0x36: {  	s20 =	smov.u32 s22;
	_ =	swait.ge [sflag:s9], $0x2800  }
0x37: {  	s18 =	sadd.s32 $0x500, s18;
	s17 =	sadd.s32 $0x500, s17;
	[sflag:s9] =	ssyncset.done $0x0  }
0x38: {  	s19 =	sshra.s32 s19, $0x2;
	[sflag:s9] =	ssyncadd.s32 $0xFFFFD800  }
0x39: {  	[tilespmem:s12], [sflag:$0x1] =	stream.indirect.gather [hbm4b:s1+s11], $0x80, s19, s11, $0xb8;
	[tilespmem:$0xD000] =	vst v63  }
0x3a: {  	s19 =	sadd.s32 $0x4000, s19  }
0x3b: {  	[tilespmem:s13], [sflag:$0x2] =	stream.indirect.gather [hbm4b:s1+s11], $0x80, s19, s11, $0xb8;
	[tilespmem:$0xD000] =	vst v63  }
0x3c: {  	_ =	swait.ge [sflag:s14], $0x2800  }
0x3d: {  	[sflag:s14] =	ssyncset.done $0x0  }
0x3e: {  	[sflag:s14] =	ssyncadd.s32 $0xFFFFD800  }
0x3f: {  	[hbm4b:s18+s3] =	stream.linear.scatter [tilespmem:s12], [sflag:$0x3], $0x2800, $0x38;
	[tilespmem:$0xD000] =	vst v63  }
0x40: {  	_ =	swait.ge [sflag:s9], $0x2800  }
0x41: {  	[sflag:s9] =	ssyncset.done $0x0  }
0x42: {  	[sflag:s9] =	ssyncadd.s32 $0xFFFFD800  }
0x43: {  	s16 =	sadd.s32 $0x1, s16;
	_ =	swait.ge [sflag:s15], $0x2800  }
0x44: {  	p0 =	sne.s32 s16, s6;
	[sflag:s15] =	ssyncset.done $0x0  }
.Ltmp1:
0x45: {  	[sflag:s15] =	ssyncadd.s32 $0xFFFFD800;
	(pc) =	sbr.rel @p0 .LBB2_1-.Ltmp1, $4  }
0x46: {  	[hbm4b:s17+s3] =	stream.linear.scatter [tilespmem:s13], [sflag:$0x3], $0x2800, $0x38;
	[tilespmem:$0xD000] =	vst v63  }
0x47: {  	_ =	swait.ge [sflag:s9], $0x2800  }
0x48: {  	[sflag:s9] =	ssyncset.done $0x0  }
0x49: {  	[sflag:s9] =	ssyncadd.s32 $0xFFFFD800  }
0x4a: {  	_ =	sfence.sel $0x180000  }
0x4b: {  	[bflag:$0x0] =	sbarrier.arrive $0xFFFF  }
0x4c: {  	p0 =	sne.s32 s2, $0x0;
	_ =	strace $0x90000050  }
0x4d: {  	s0 =	sadd.s32 @!p0 $0x100000, s0;
	[bflag:$0x2] =	sbarrier.arrive $0xFFFF  }
0x4e: {  	[sflag:s0] =	ssyncadd.tile.s32 @!p0 $0x1;
	_ =	shalt  }
.Lfunc_end2:
_tile_overlayer_lowered:
.L_overlay_start_2:
0x4f: {  	(tag) =	ssettag $0x2  }
0x50: {  	s0 =	rddreg [dreg:$0x0];
	s2 =	stileid.u32  }
0x51: {  	s1 =	rddreg [dreg:$0x1];
	p0 =	sne.s32 s2, $0x0  }
0x52: {  	s3 =	rddreg [dreg:$0x2];
	[bflag:$0x3] =	sbarrier.arrive $0xFFFF;
	s2 =	simm.s32 @!p0 $0x1C03  }
0x53: {  	[timem:s3], [sflag:s2] =	dma.local @!p0 [hbm:s0], s1  }
0x54: {  	s0 =	simm.s32 @!p0 $0x3  }
0x55: {  	_ =	swait.ge @!p0 [sflag:s0], s1  }
0x56: {  	s1 =	ssub.s32 @!p0 $0x0, s1;
	[sflag:s0] =	ssyncset.done @!p0 $0x0  }
0x57: {  	[sflag:s0] =	ssyncadd.s32 @!p0 s1  }
0x58: {  	[bflag:$0x3] =	sbarrier.arrive $0xFFFF  }
0x59: {  	_ =	shalt  }

// kernel: kernel.17.cloned.1.call-start
scs
__scs_entry_jumppad:
0x0: {  	(pc) =	sbr.rel $0x88, $3  }
0x1: {  	(tag) =	ssettag $0x0;
	lr =	simm.s32 $0x1  }
0x2: {  	[smem:$0x3F88] =	sst lr;
	_ =	strace $0xD0000000  }
0x3: {  	_ = 	snop  }
0x4: {  	_ = 	snop  }
0x5: {  	_ = 	snop  }
0x6: {  	_ = 	snop  }
0x7: {  	_ = 	snop  }
__scs_overlays_trampoline_lowered:
0x8: {  	[smem:$0x3F97] =	sst s0  }
0x9: {  	[smem:$0x3F98] =	sst s1  }
0xa: {  	[smem:$0x3F99] =	sst s2  }
0xb: {  	[smem:$0x3F9A] =	sst s3  }
0xc: {  	[smem:$0x3F9B] =	sst s4  }
0xd: {  	[smem:$0x3F9C] =	sst s5  }
0xe: {  	[smem:$0x3F9D] =	sst s6  }
0xf: {  	[smem:$0x3F9E] =	sst s7  }
0x10: {  	[smem:$0x3F9F] =	sst s8  }
0x11: {  	[smem:$0x3FA0] =	sst s9;
	s0 =	simm.s32 @!p0 $0x0  }
0x12: {  	s1 =	sld [smem:$0x3F86];
	s0 =	simm.s32 @p0 $0x1  }
0x13: {  	[smem:$0x3FA1] =	sst s0;
	s0 =	simm.s32 @!p1 $0x0  }
0x14: {  	s2 =	sld [smem:$0x3F85];
	s0 =	simm.s32 @p1 $0x1  }
0x15: {  	[smem:$0x3FA2] =	sst s0;
	s0 =	simm.s32 @!p2 $0x0  }
0x16: {  	s3 =	sld [smem:$0x3FDB];
	s0 =	simm.s32 @p2 $0x1  }
0x17: {  	s4 =	simm.s32 $0x1BF5;
	[smem:$0x3FA4] =	sst s0  }
0x18: {  	s0 =	sld [smem:$0x3F87];
	_ =	swait.ge [sflag:s4], $0x0  }
0x19: {  	s7 =	sld [smem:$0x3F88]  }
0x1a: {  	s8 =	sadd.s32 $0xFFFFE003, lr  }
0x1b: {  	s9 =	sadd.s32 $0xFFFFFEF7, lr;
	s5 =	simm.s32 $0xFFFFFFFF;
	p2 =	slt.u32 s8, $0xFFFFF086  }
0x1c: {  	p1 =	slt.u32 s9, $0xF7A;
	s5 =	simm.s32 @!p2 $0x0  }
0x1d: {  	s5 =	simm.s32 @p1 $0x1;
	p0 =	seq.s32 s7, s2  }
0x1e: {  	s7 =	smul.u32 @!p0 $0xF7A, s2;
	p2 =	seq.s32 @!p0 s5, $0x0  }
0x1f: {  	s9 =	smul.u32 $0xF7A, s1;
	s8 =	simm.s32 @!p0 $0x1BF5;
	p2 =	por !p2, p0  }
0x20: {  	[sflag:s8] =	ssyncset.s32 @!p0 $0xFFFFF086;
	s6 =	sadd.s32 @!p0 s3, s7;
	s7 =	simm.s32 @!p0 $0x108  }
0x21: {  	s3 =	sadd.s32 s3, s9;
	s6 =	sadd.s32 @!p0 $0x88, s6;
	s7 =	simm.s32 @p2 $0x1082  }
0x22: {  	[simem:s7], [sflag:s8] =	dma.local @!p0 [hbm:s6], $0xF7A  }
0x23: {  	s9 =	sor.u32 $0xD0000000, s2;
	s6 =	simm.s32 $0x108;
	_ =	swait.ge @!p0 [sflag:s8], $0x0  }
0x24: {  	s3 =	sadd.s32 $0x88, s3;
	s6 =	simm.s32 @!p1 $0x1082;
	[sflag:s4] =	ssyncset.s32 $0xFFFFF086  }
0x25: {  	[simem:s6], [sflag:s4] =	dma.local [hbm:s3], $0xF7A  }
0x26: {  	[smem:$0x3F88] =	sst s1;
	(tag) =	ssettag s2;
	_ =	strace s9  }
0x27: {  	s1 =	sld [smem:$0x3F98]  }
0x28: {  	s2 =	sld [smem:$0x3F99]  }
0x29: {  	s4 =	sld [smem:$0x3F9B]  }
0x2a: {  	p0 =	seq.s32 s5, $0x0;
	s5 =	sld [smem:$0x3F9C]  }
0x2b: {  	s6 =	sld [smem:$0x3F9D]  }
0x2c: {  	s7 =	sld [smem:$0x3F9E]  }
0x2d: {  	s3 =	simm.s32 $0x108;
	s8 =	sld [smem:$0x3F9F]  }
0x2e: {  	s3 =	simm.s32 @!p0 $0x1082;
	s9 =	sld [smem:$0x3FA0]  }
0x2f: {  	lr =	sadd.s32 s0, s3;
	s0 =	sld [smem:$0x3F97]  }
0x30: {  	s3 =	sld [smem:$0x3F9A]  }
0x31: {  	[smem:$0x3FA3] =	sst s10  }
0x32: {  	s10 =	sld [smem:$0x3FA1];
	_ =	sdelay $0x3  }
0x33: {  	p0 =	seq.s32 s10, $0x1;
	s10 =	sld [smem:$0x3FA3];
	_ =	sdelay $0x3  }
0x34: {  	[smem:$0x3FA3] =	sst s10  }
0x35: {  	s10 =	sld [smem:$0x3FA2];
	_ =	sdelay $0x3  }
0x36: {  	p1 =	seq.s32 s10, $0x1;
	s10 =	sld [smem:$0x3FA3];
	_ =	sdelay $0x3  }
0x37: {  	[smem:$0x3FA3] =	sst s10  }
0x38: {  	s10 =	sld [smem:$0x3FA4]  }
0x39: {  	_ = 	snop;
	(pc) =	sbr.ind lr, $3  }
0x3a: {  	_ = 	snop  }
0x3b: {  	_ = 	snop  }
0x3c: {  	p2 =	seq.s32 s10, $0x1;
	s10 =	sld [smem:$0x3FA3]  }
0x3d: {  	_ =	shalt  }
0x3e: {  	_ =	shalt  }
0x3f: {  	_ =	shalt  }
0x40: {  	_ =	shalt  }
0x41: {  	_ =	shalt  }
0x42: {  	_ =	shalt  }
0x43: {  	_ =	shalt  }
0x44: {  	_ =	shalt  }
0x45: {  	_ =	shalt  }
0x46: {  	_ =	shalt  }
0x47: {  	_ =	shalt  }
0x48: {  	_ =	shalt  }
0x49: {  	_ =	shalt  }
0x4a: {  	_ =	shalt  }
0x4b: {  	_ =	shalt  }
0x4c: {  	_ =	shalt  }
0x4d: {  	_ =	shalt  }
0x4e: {  	_ =	shalt  }
0x4f: {  	_ =	shalt  }
0x50: {  	_ =	shalt  }
0x51: {  	_ =	shalt  }
0x52: {  	_ =	shalt  }
0x53: {  	_ =	shalt  }
0x54: {  	_ =	shalt  }
0x55: {  	_ =	shalt  }
0x56: {  	_ =	shalt  }
0x57: {  	_ =	shalt  }
0x58: {  	_ =	shalt  }
0x59: {  	_ =	shalt  }
0x5a: {  	_ =	shalt  }
0x5b: {  	_ =	shalt  }
0x5c: {  	_ =	shalt  }
0x5d: {  	_ =	shalt  }
0x5e: {  	_ =	shalt  }
0x5f: {  	_ =	shalt  }
0x60: {  	_ =	shalt  }
0x61: {  	_ =	shalt  }
0x62: {  	_ =	shalt  }
0x63: {  	_ =	shalt  }
0x64: {  	_ =	shalt  }
0x65: {  	_ =	shalt  }
0x66: {  	_ =	shalt  }
0x67: {  	_ =	shalt  }
0x68: {  	_ =	shalt  }
0x69: {  	_ =	shalt  }
0x6a: {  	_ =	shalt  }
0x6b: {  	_ =	shalt  }
0x6c: {  	_ =	shalt  }
0x6d: {  	_ =	shalt  }
0x6e: {  	_ =	shalt  }
0x6f: {  	_ =	shalt  }
0x70: {  	_ =	shalt  }
0x71: {  	_ =	shalt  }
0x72: {  	_ =	shalt  }
0x73: {  	_ =	shalt  }
0x74: {  	_ =	shalt  }
0x75: {  	_ =	shalt  }
0x76: {  	_ =	shalt  }
0x77: {  	_ =	shalt  }
0x78: {  	_ =	shalt  }
0x79: {  	_ =	shalt  }
0x7a: {  	_ =	shalt  }
0x7b: {  	_ =	shalt  }
0x7c: {  	_ =	shalt  }
0x7d: {  	_ =	shalt  }
0x7e: {  	_ =	shalt  }
0x7f: {  	_ =	shalt  }
0x80: {  	_ =	shalt  }
0x81: {  	_ =	shalt  }
0x82: {  	_ =	shalt  }
0x83: {  	_ =	shalt  }
0x84: {  	_ =	shalt  }
0x85: {  	_ =	shalt  }
0x86: {  	_ =	shalt  }
0x87: {  	_ =	shalt  }
.Lfunc_end0:
.L_simem_size_0:
called_computation.5_lowered:
.L_overlay_start_0:
0x88: {  	s2 =	sld [smem:$0x3FD9]  }
0x89: {  	s3 =	sld [smem:$0x3FFE];
	_ =	sdelay $0x1  }
0x8a: {  	s1 =	srdreg.scid  }
0x8b: {  	s0 =	sand.u32 $0x1, s1  }
0x8c: {  	s14 =	sshll.u32 s0, $0xA;
	s2 =	sadd.s32 s3, s2  }
0x8d: {  	s2 =	sadd.s32 s2, s14  }
0x8e: {  	[smem:$0x3FAF] =	sst s2  }
0x8f: {  	_ = 	snop  }
0x90: {  	s2 =	sld [smem:$0x3FD0];
	_ =	sdelay $0x2  }
0x91: {  	s15 =	simm.s32 $0xB;
	s4 =	simm.s32 $0x10  }
0x92: {  	[smem:s4], [sflag:s15] =	dma.local [hbm:s2], $0x1  }
0x93: {  	_ =	swait.eq [sflag:s15], $0x1  }
0x94: {  	[sflag:s15] =	ssyncset.done $0x0  }
0x95: {  	[sflag:s15] =	ssyncadd.s32 $0xFFFFFFFF  }
0x96: {  	s16 =	sld [smem:$0x10];
	(tm) =	ssettm $0x1  }
0x97: {  	s17 =	sld [smem:$0x3FFB];
	_ =	sdelay $0x3  }
0x98: {  	_ =	strace s17  }
0x99: {  	s3 =	sld [smem:$0x3FFC];
	_ =	sdelay $0x3  }
0x9a: {  	_ =	strace s3  }
0x9b: {  	s3 =	sld [smem:$0x3FFD];
	_ =	sdelay $0x3  }
0x9c: {  	_ =	strace s3  }
0x9d: {  	_ =	strace $0x8FFFFFFF  }
0x9e: {  	s18 =	sld [smem:$0x3FDB];
	_ =	sdelay $0x1  }
0x9f: {  	s19 =	simm.s32 $_scs_section_size  }
0xa0: {  	s5 =	simm.s32 $_size__tile_overlayer_lowered;
	s6 =	simm.s32 $_tile_overlayer_lowered  }
0xa1: {  	s22 =	simm.s32 $0x1BFF;
	s21 =	sshll.u32 s6, $0x1;
	s3 =	sadd.s32 s19, s18  }
0xa2: {  	s7 =	simm.s32 $0x0;
	s20 =	sshll.u32 s5, $0x1;
	s5 =	sadd.s32 s21, s3  }
0xa3: {  	[timem:s7], [sflag:s22] =	dma.local [hbm:s5], s20  }
0xa4: {  	_ =	swait.ge [sflag:s22], s20  }
0xa5: {  	s4 =	ssub.s32 $0x0, s20;
	[sflag:s22] =	ssyncset.done $0x0  }
0xa6: {  	[sflag:s22] =	ssyncadd.s32 s4;
	_ =	sdelay $0x1  }
0xa7: {  	s23 =	simm.s32 $0x1B8B  }
0xa8: {  	_ =	swait.ge [sflag:s23], $0x1  }
0xa9: {  	[sflag:s23] =	ssyncset.done $0x0  }
0xaa: {  	s25 =	simm.s32 $0x1B8E;
	s24 =	sld [smem:$0x3FFE];
	[sflag:s23] =	ssyncadd.s32 $0xFFFFFFFF  }
0xab: {  	s26 =	simm.s32 $execute0_lowered;
	[smem:$0x3FD2] =	sst s25  }
0xac: {  	s5 =	sshll.u32 s26, $0x1;
	_ =	strace $0x80000058;
	[dreg:$0x1] =	wrdreg $0xFFFFFFFF  }
0xad: {  	s28 =	simm.s32 $_size_execute0_lowered;
	s3 =	sadd.s32 s3, s5;
	[dreg:$0x0] =	wrdreg $0x0  }
0xae: {  	s5 =	sshll.u32 s28, $0x1;
	[dreg:$0x2] =	wrdreg s3  }
0xaf: {  	[dreg:$0x3] =	wrdreg s5  }
0xb0: {  	[dreg:$0x4] =	wrdreg $0xC0  }
0xb1: {  	_ =	task [dreg:s7], $0x5FFFF  }
0xb2: {  	[dreg:$0x1] =	wrdreg $0xFFFFFFFF  }
0xb3: {  	[dreg:$0x0] =	wrdreg $0x60  }
0xb4: {  	[dreg:$0x2] =	wrdreg s16  }
0xb5: {  	[dreg:$0x3] =	wrdreg s24  }
0xb6: {  	[dreg:$0x4] =	wrdreg $0x9  }
0xb7: {  	_ =	task.clear_ibuf [dreg:s7], $0x5FFFF;
	_ =	strace $0x90000058  }
0xb8: {  	s29 =	simm.s32 $0x9;
	_ =	strace $0x8000005A  }
0xb9: {  	_ =	swait.ge [sflag:s29], $0x1  }
0xba: {  	[sflag:s29] =	ssyncadd.s32 $0xFFFFFFFF  }
0xbb: {  	_ =	strace $0x9000005A  }
0xbc: {  	_ =	sfence  }
0xbd: {  	s30 =	sld [smem:$0x0];
	_ =	sdelay $0x2  }
0xbe: {  	s31 =	sshll.u32 s1, $0xD;
	s1 =	sshrl.u32 s1, $0x2  }
0xbf: {  	s3 =	sand.u32 $0x4000, s31;
	s1 =	sadd.s32 s1, s30  }
0xc0: {  	s0 =	sor.u32 s3, s0;
	s1 =	sshll.u32 s1, $0x11  }
0xc1: {  	s0 =	sor.u32 s1, s0  }
0xc2: {  	s0 =	sadd.s32 $0x8F2B, s0  }
0xc3: {  	[sflag:s0] =	ssyncadd.remote.s32 $0x1  }
0xc4: {  	_ =	sfence.sel $0xFFFF  }
0xc5: {  	[dreg:$0x0] =	wrdreg $0xFFFFFFFF;
	(pc) =	sbr.abs _section_cstart, $3  }
0xc6: {  	[dreg:$0x1] =	wrdreg $0xFFFFFFFF  }
0xc7: {  	_ =	task.clear_ibuf [dreg:s7], $0x2FFFF;
	_ =	strace $0x9FFFFFFF  }
0xc8: {  	(tm) =	ssettm $0x7FFFFFFF  }
0xc9: {  	_ =	shalt  }
tec
execute0_lowered:
.L_overlay_start_1:
0x0: {  	(tag) =	ssettag $0x1  }
0x1: {  	s1 =	rddreg [dreg:$0x0]  }
0x2: {  	s4 =	rddreg [dreg:$0x1]  }
0x3: {  	s0 =	rddreg [dreg:$0x2]  }
0x4: {  	s3 =	simm.s32 $0x0;
	s5 =	srdreg.scid;
	s2 =	stileid.u32  }
0x5: {  	s9 =	simm.s32 $0x3;
	s10 =	simm.s32 $0x4000;
	s11 =	simm.s32 $0x50  }
0x6: {  	s12 =	simm.s32 $0x8000;
	s13 =	simm.s32 $0xA800;
	s14 =	simm.s32 $0x1  }
0x7: {  	s15 =	simm.s32 $0x2;
	s16 =	simm.s32 $0x0;
	[smem:$0x7FF] =	sst s3  }
0x8: {  	s5 =	sand.u32 $0x1, s5;
	s6 =	sshll.u32 s2, $0xC;
	s8 =	smul.u32 $0x4E200, s2  }
0x9: {  	_ =	strace $0x80000059;
	s7 =	sshll.u32 s5, $0xB;
	s30 =	ssub.s32 $0x2, s5  }
0xa: {  	s5 =	smul.u32 $0x27100, s5;
	s6 =	sor.u32 s7, s6;
	s31 =	sshrl.u32 s30, $0x1  }
0xb: {  	s8 =	sadd.s32 s8, s4;
	s6 =	sadd.s32 s6, s4;
	s7 =	ssub.s32 s30, s31  }
0xc: {  	s8 =	sadd.s32 s5, s8;
	s4 =	sadd.s32 $0x4C00, s6;
	s5 =	sadd.s32 $0x14C00, s6  }
0xd: {  	s6 =	smax.u32 s7, $0x1;
	s7 =	sadd.s32 $0x18C9A00, s8;
	s8 =	sadd.s32 $0x4BE00, s8  }
.LBB2_1:
0xe: {  	[tilespmem:s3], [sflag:$0x3] =	stream.linear.gather [hbm4b:s4+s3], $0x3E80, $0x38;
	[tilespmem:$0xD000] =	vst v63  }
0xf: {  	_ =	swait.ge [sflag:s9], $0x3E80  }
0x10: {  	[sflag:s9] =	ssyncset.done $0x0  }
0x11: {  	[sflag:s9] =	ssyncadd.s32 $0xFFFFC180  }
0x12: {  	[tilespmem:s10], [sflag:$0x3] =	stream.linear.gather [hbm4b:s5+s3], $0x3E80, $0x38;
	[tilespmem:$0xD000] =	vst v63  }
0x13: {  	_ =	swait.ge [sflag:s9], $0x3E80  }
0x14: {  	[sflag:s9] =	ssyncset.done $0x0  }
0x15: {  	s17 =	simm.s32 $0x0;
	[sflag:s9] =	ssyncadd.s32 $0xFFFFC180  }
0x16: {  	[tilespmem:s12], [sflag:$0x1] =	stream.indirect.gather [hbm4b:s1+s11], $0x80, s17, s11, $0xb8;
	[tilespmem:$0xD000] =	vst v63  }
0x17: {  	s31 =	simm.s32 $0x4000  }
0x18: {  	[tilespmem:s13], [sflag:$0x2] =	stream.indirect.gather [hbm4b:s1+s11], $0x80, s31, s11, $0xb8;
	[tilespmem:$0xD000] =	vst v63  }
0x19: {  	_ =	swait.ge [sflag:s14], $0x2800  }
0x1a: {  	[sflag:s14] =	ssyncset.done $0x0  }
0x1b: {  	[sflag:s14] =	ssyncadd.s32 $0xFFFFD800  }
0x1c: {  	[hbm4b:s7+s3] =	stream.linear.scatter [tilespmem:s12], [sflag:$0x3], $0x2800, $0x38;
	[tilespmem:$0xD000] =	vst v63  }
0x1d: {  	_ =	swait.ge [sflag:s9], $0x2800  }
0x1e: {  	[sflag:s9] =	ssyncset.done $0x0  }
0x1f: {  	[sflag:s9] =	ssyncadd.s32 $0xFFFFD800  }
0x20: {  	_ =	swait.ge [sflag:s15], $0x2800  }
0x21: {  	[sflag:s15] =	ssyncset.done $0x0  }
0x22: {  	[sflag:s15] =	ssyncadd.s32 $0xFFFFD800  }
0x23: {  	[hbm4b:s8+s3] =	stream.linear.scatter [tilespmem:s13], [sflag:$0x3], $0x2800, $0x38;
	[tilespmem:$0xD000] =	vst v63  }
0x24: {  	s19 =	simm.s32 $0x200;
	s20 =	simm.s32 $0x400;
	_ =	swait.ge [sflag:s9], $0x2800  }
0x25: {  	s18 =	sadd.s32 $0x500, s7;
	s17 =	sadd.s32 $0x500, s8;
	[sflag:s9] =	ssyncset.done $0x0  }
.LBB2_2:
0x26: {  	s21 =	sshra.s32 s19, $0x2  }
0x27: {  	[sflag:s9] =	ssyncadd.s32 $0xFFFFD800;
	s19 =	smov.u32 s20;
	s22 =	sadd.s32 $0x200, s20  }
0x28: {  	[tilespmem:s12], [sflag:$0x1] =	stream.indirect.gather [hbm4b:s1+s11], $0x80, s21, s11, $0xb8;
	[tilespmem:$0xD000] =	vst v63  }
0x29: {  	p0 =	sne.s32 s20, $0xF800;
	s20 =	sadd.s32 $0x4000, s21  }
0x2a: {  	[tilespmem:s13], [sflag:$0x2] =	stream.indirect.gather [hbm4b:s1+s11], $0x80, s20, s11, $0xb8;
	[tilespmem:$0xD000] =	vst v63  }
0x2b: {  	_ =	swait.ge [sflag:s14], $0x2800  }
0x2c: {  	[sflag:s14] =	ssyncset.done $0x0  }
0x2d: {  	[sflag:s14] =	ssyncadd.s32 $0xFFFFD800  }
0x2e: {  	[hbm4b:s18+s3] =	stream.linear.scatter [tilespmem:s12], [sflag:$0x3], $0x2800, $0x38;
	[tilespmem:$0xD000] =	vst v63  }
0x2f: {  	_ =	swait.ge [sflag:s9], $0x2800  }
0x30: {  	[sflag:s9] =	ssyncset.done $0x0  }
0x31: {  	[sflag:s9] =	ssyncadd.s32 $0xFFFFD800  }
0x32: {  	_ =	swait.ge [sflag:s15], $0x2800  }
.Ltmp0:
0x33: {  	[sflag:s15] =	ssyncset.done $0x0;
	(pc) =	sbr.rel @p0 .LBB2_2-.Ltmp0, $4  }
0x34: {  	[sflag:s15] =	ssyncadd.s32 $0xFFFFD800  }
0x35: {  	[hbm4b:s17+s3] =	stream.linear.scatter [tilespmem:s13], [sflag:$0x3], $0x2800, $0x38;
	[tilespmem:$0xD000] =	vst v63  }
0x36: {  	s20 =	smov.u32 s22;
	_ =	swait.ge [sflag:s9], $0x2800  }
0x37: {  	s18 =	sadd.s32 $0x500, s18;
	s17 =	sadd.s32 $0x500, s17;
	[sflag:s9] =	ssyncset.done $0x0  }
0x38: {  	s19 =	sshra.s32 s19, $0x2;
	[sflag:s9] =	ssyncadd.s32 $0xFFFFD800  }
0x39: {  	[tilespmem:s12], [sflag:$0x1] =	stream.indirect.gather [hbm4b:s1+s11], $0x80, s19, s11, $0xb8;
	[tilespmem:$0xD000] =	vst v63  }
0x3a: {  	s19 =	sadd.s32 $0x4000, s19  }
0x3b: {  	[tilespmem:s13], [sflag:$0x2] =	stream.indirect.gather [hbm4b:s1+s11], $0x80, s19, s11, $0xb8;
	[tilespmem:$0xD000] =	vst v63  }
0x3c: {  	_ =	swait.ge [sflag:s14], $0x2800  }
0x3d: {  	[sflag:s14] =	ssyncset.done $0x0  }
0x3e: {  	[sflag:s14] =	ssyncadd.s32 $0xFFFFD800  }
0x3f: {  	[hbm4b:s18+s3] =	stream.linear.scatter [tilespmem:s12], [sflag:$0x3], $0x2800, $0x38;
	[tilespmem:$0xD000] =	vst v63  }
0x40: {  	_ =	swait.ge [sflag:s9], $0x2800  }
0x41: {  	[sflag:s9] =	ssyncset.done $0x0  }
0x42: {  	[sflag:s9] =	ssyncadd.s32 $0xFFFFD800  }
0x43: {  	s16 =	sadd.s32 $0x1, s16;
	_ =	swait.ge [sflag:s15], $0x2800  }
0x44: {  	p0 =	sne.s32 s16, s6;
	[sflag:s15] =	ssyncset.done $0x0  }
.Ltmp1:
0x45: {  	[sflag:s15] =	ssyncadd.s32 $0xFFFFD800;
	(pc) =	sbr.rel @p0 .LBB2_1-.Ltmp1, $4  }
0x46: {  	[hbm4b:s17+s3] =	stream.linear.scatter [tilespmem:s13], [sflag:$0x3], $0x2800, $0x38;
	[tilespmem:$0xD000] =	vst v63  }
0x47: {  	_ =	swait.ge [sflag:s9], $0x2800  }
0x48: {  	[sflag:s9] =	ssyncset.done $0x0  }
0x49: {  	[sflag:s9] =	ssyncadd.s32 $0xFFFFD800  }
0x4a: {  	_ =	sfence.sel $0x180000  }
0x4b: {  	[bflag:$0x0] =	sbarrier.arrive $0xFFFF  }
0x4c: {  	p0 =	sne.s32 s2, $0x0;
	_ =	strace $0x90000059  }
0x4d: {  	s0 =	sadd.s32 @!p0 $0x100000, s0;
	[bflag:$0x2] =	sbarrier.arrive $0xFFFF  }
0x4e: {  	[sflag:s0] =	ssyncadd.tile.s32 @!p0 $0x1;
	_ =	shalt  }
.Lfunc_end2:
_tile_overlayer_lowered:
.L_overlay_start_2:
0x4f: {  	(tag) =	ssettag $0x2  }
0x50: {  	s0 =	rddreg [dreg:$0x0];
	s2 =	stileid.u32  }
0x51: {  	s1 =	rddreg [dreg:$0x1];
	p0 =	sne.s32 s2, $0x0  }
0x52: {  	s3 =	rddreg [dreg:$0x2];
	[bflag:$0x3] =	sbarrier.arrive $0xFFFF;
	s2 =	simm.s32 @!p0 $0x1C03  }
0x53: {  	[timem:s3], [sflag:s2] =	dma.local @!p0 [hbm:s0], s1  }
0x54: {  	s0 =	simm.s32 @!p0 $0x3  }
0x55: {  	_ =	swait.ge @!p0 [sflag:s0], s1  }
0x56: {  	s1 =	ssub.s32 @!p0 $0x0, s1;
	[sflag:s0] =	ssyncset.done @!p0 $0x0  }
0x57: {  	[sflag:s0] =	ssyncadd.s32 @!p0 s1  }
0x58: {  	[bflag:$0x3] =	sbarrier.arrive $0xFFFF  }
0x59: {  	_ =	shalt  }

// kernel: scatter_offload_async_start.1
scs
__scs_entry_jumppad:
0x0: {  	(pc) =	sbr.rel $0x88, $3  }
0x1: {  	(tag) =	ssettag $0x0;
	lr =	simm.s32 $0x1  }
0x2: {  	[smem:$0x3F88] =	sst lr;
	_ =	strace $0xD0000000  }
0x3: {  	_ = 	snop  }
0x4: {  	_ = 	snop  }
0x5: {  	_ = 	snop  }
0x6: {  	_ = 	snop  }
0x7: {  	_ = 	snop  }
__scs_overlays_trampoline_lowered:
0x8: {  	[smem:$0x3F97] =	sst s0  }
0x9: {  	[smem:$0x3F98] =	sst s1  }
0xa: {  	[smem:$0x3F99] =	sst s2  }
0xb: {  	[smem:$0x3F9A] =	sst s3  }
0xc: {  	[smem:$0x3F9B] =	sst s4  }
0xd: {  	[smem:$0x3F9C] =	sst s5  }
0xe: {  	[smem:$0x3F9D] =	sst s6  }
0xf: {  	[smem:$0x3F9E] =	sst s7  }
0x10: {  	[smem:$0x3F9F] =	sst s8  }
0x11: {  	[smem:$0x3FA0] =	sst s9;
	s0 =	simm.s32 @!p0 $0x0  }
0x12: {  	s1 =	sld [smem:$0x3F86];
	s0 =	simm.s32 @p0 $0x1  }
0x13: {  	[smem:$0x3FA1] =	sst s0;
	s0 =	simm.s32 @!p1 $0x0  }
0x14: {  	s2 =	sld [smem:$0x3F85];
	s0 =	simm.s32 @p1 $0x1  }
0x15: {  	[smem:$0x3FA2] =	sst s0;
	s0 =	simm.s32 @!p2 $0x0  }
0x16: {  	s3 =	sld [smem:$0x3FDB];
	s0 =	simm.s32 @p2 $0x1  }
0x17: {  	s4 =	simm.s32 $0x1BF5;
	[smem:$0x3FA4] =	sst s0  }
0x18: {  	s0 =	sld [smem:$0x3F87];
	_ =	swait.ge [sflag:s4], $0x0  }
0x19: {  	s7 =	sld [smem:$0x3F88]  }
0x1a: {  	s8 =	sadd.s32 $0xFFFFE003, lr  }
0x1b: {  	s9 =	sadd.s32 $0xFFFFFEF7, lr;
	s5 =	simm.s32 $0xFFFFFFFF;
	p2 =	slt.u32 s8, $0xFFFFF086  }
0x1c: {  	p1 =	slt.u32 s9, $0xF7A;
	s5 =	simm.s32 @!p2 $0x0  }
0x1d: {  	s5 =	simm.s32 @p1 $0x1;
	p0 =	seq.s32 s7, s2  }
0x1e: {  	s7 =	smul.u32 @!p0 $0xF7A, s2;
	p2 =	seq.s32 @!p0 s5, $0x0  }
0x1f: {  	s9 =	smul.u32 $0xF7A, s1;
	s8 =	simm.s32 @!p0 $0x1BF5;
	p2 =	por !p2, p0  }
0x20: {  	[sflag:s8] =	ssyncset.s32 @!p0 $0xFFFFF086;
	s6 =	sadd.s32 @!p0 s3, s7;
	s7 =	simm.s32 @!p0 $0x108  }
0x21: {  	s3 =	sadd.s32 s3, s9;
	s6 =	sadd.s32 @!p0 $0x88, s6;
	s7 =	simm.s32 @p2 $0x1082  }
0x22: {  	[simem:s7], [sflag:s8] =	dma.local @!p0 [hbm:s6], $0xF7A  }
0x23: {  	s9 =	sor.u32 $0xD0000000, s2;
	s6 =	simm.s32 $0x108;
	_ =	swait.ge @!p0 [sflag:s8], $0x0  }
0x24: {  	s3 =	sadd.s32 $0x88, s3;
	s6 =	simm.s32 @!p1 $0x1082;
	[sflag:s4] =	ssyncset.s32 $0xFFFFF086  }
0x25: {  	[simem:s6], [sflag:s4] =	dma.local [hbm:s3], $0xF7A  }
0x26: {  	[smem:$0x3F88] =	sst s1;
	(tag) =	ssettag s2;
	_ =	strace s9  }
0x27: {  	s1 =	sld [smem:$0x3F98]  }
0x28: {  	s2 =	sld [smem:$0x3F99]  }
0x29: {  	s4 =	sld [smem:$0x3F9B]  }
0x2a: {  	p0 =	seq.s32 s5, $0x0;
	s5 =	sld [smem:$0x3F9C]  }
0x2b: {  	s6 =	sld [smem:$0x3F9D]  }
0x2c: {  	s7 =	sld [smem:$0x3F9E]  }
0x2d: {  	s3 =	simm.s32 $0x108;
	s8 =	sld [smem:$0x3F9F]  }
0x2e: {  	s3 =	simm.s32 @!p0 $0x1082;
	s9 =	sld [smem:$0x3FA0]  }
0x2f: {  	lr =	sadd.s32 s0, s3;
	s0 =	sld [smem:$0x3F97]  }
0x30: {  	s3 =	sld [smem:$0x3F9A]  }
0x31: {  	[smem:$0x3FA3] =	sst s10  }
0x32: {  	s10 =	sld [smem:$0x3FA1];
	_ =	sdelay $0x3  }
0x33: {  	p0 =	seq.s32 s10, $0x1;
	s10 =	sld [smem:$0x3FA3];
	_ =	sdelay $0x3  }
0x34: {  	[smem:$0x3FA3] =	sst s10  }
0x35: {  	s10 =	sld [smem:$0x3FA2];
	_ =	sdelay $0x3  }
0x36: {  	p1 =	seq.s32 s10, $0x1;
	s10 =	sld [smem:$0x3FA3];
	_ =	sdelay $0x3  }
0x37: {  	[smem:$0x3FA3] =	sst s10  }
0x38: {  	s10 =	sld [smem:$0x3FA4]  }
0x39: {  	_ = 	snop;
	(pc) =	sbr.ind lr, $3  }
0x3a: {  	_ = 	snop  }
0x3b: {  	_ = 	snop  }
0x3c: {  	p2 =	seq.s32 s10, $0x1;
	s10 =	sld [smem:$0x3FA3]  }
0x3d: {  	_ =	shalt  }
0x3e: {  	_ =	shalt  }
0x3f: {  	_ =	shalt  }
0x40: {  	_ =	shalt  }
0x41: {  	_ =	shalt  }
0x42: {  	_ =	shalt  }
0x43: {  	_ =	shalt  }
0x44: {  	_ =	shalt  }
0x45: {  	_ =	shalt  }
0x46: {  	_ =	shalt  }
0x47: {  	_ =	shalt  }
0x48: {  	_ =	shalt  }
0x49: {  	_ =	shalt  }
0x4a: {  	_ =	shalt  }
0x4b: {  	_ =	shalt  }
0x4c: {  	_ =	shalt  }
0x4d: {  	_ =	shalt  }
0x4e: {  	_ =	shalt  }
0x4f: {  	_ =	shalt  }
0x50: {  	_ =	shalt  }
0x51: {  	_ =	shalt  }
0x52: {  	_ =	shalt  }
0x53: {  	_ =	shalt  }
0x54: {  	_ =	shalt  }
0x55: {  	_ =	shalt  }
0x56: {  	_ =	shalt  }
0x57: {  	_ =	shalt  }
0x58: {  	_ =	shalt  }
0x59: {  	_ =	shalt  }
0x5a: {  	_ =	shalt  }
0x5b: {  	_ =	shalt  }
0x5c: {  	_ =	shalt  }
0x5d: {  	_ =	shalt  }
0x5e: {  	_ =	shalt  }
0x5f: {  	_ =	shalt  }
0x60: {  	_ =	shalt  }
0x61: {  	_ =	shalt  }
0x62: {  	_ =	shalt  }
0x63: {  	_ =	shalt  }
0x64: {  	_ =	shalt  }
0x65: {  	_ =	shalt  }
0x66: {  	_ =	shalt  }
0x67: {  	_ =	shalt  }
0x68: {  	_ =	shalt  }
0x69: {  	_ =	shalt  }
0x6a: {  	_ =	shalt  }
0x6b: {  	_ =	shalt  }
0x6c: {  	_ =	shalt  }
0x6d: {  	_ =	shalt  }
0x6e: {  	_ =	shalt  }
0x6f: {  	_ =	shalt  }
0x70: {  	_ =	shalt  }
0x71: {  	_ =	shalt  }
0x72: {  	_ =	shalt  }
0x73: {  	_ =	shalt  }
0x74: {  	_ =	shalt  }
0x75: {  	_ =	shalt  }
0x76: {  	_ =	shalt  }
0x77: {  	_ =	shalt  }
0x78: {  	_ =	shalt  }
0x79: {  	_ =	shalt  }
0x7a: {  	_ =	shalt  }
0x7b: {  	_ =	shalt  }
0x7c: {  	_ =	shalt  }
0x7d: {  	_ =	shalt  }
0x7e: {  	_ =	shalt  }
0x7f: {  	_ =	shalt  }
0x80: {  	_ =	shalt  }
0x81: {  	_ =	shalt  }
0x82: {  	_ =	shalt  }
0x83: {  	_ =	shalt  }
0x84: {  	_ =	shalt  }
0x85: {  	_ =	shalt  }
0x86: {  	_ =	shalt  }
0x87: {  	_ =	shalt  }
.Lfunc_end0:
.L_simem_size_0:
called_computation.1_lowered:
.L_overlay_start_0:
0x88: {  	s2 =	sld [smem:$0x3FD9]  }
0x89: {  	s3 =	sld [smem:$0x3FFE];
	_ =	sdelay $0x1  }
0x8a: {  	s1 =	srdreg.scid  }
0x8b: {  	s0 =	sand.u32 $0x1, s1  }
0x8c: {  	s15 =	sshll.u32 s0, $0xA;
	s2 =	sadd.s32 s3, s2  }
0x8d: {  	s2 =	sadd.s32 s2, s15  }
0x8e: {  	[smem:$0x3FAF] =	sst s2  }
0x8f: {  	_ = 	snop  }
0x90: {  	(tm) =	ssettm $0x1  }
0x91: {  	s16 =	sld [smem:$0x3FFB];
	_ =	sdelay $0x3  }
0x92: {  	_ =	strace s16  }
0x93: {  	s2 =	sld [smem:$0x3FFC];
	_ =	sdelay $0x3  }
0x94: {  	_ =	strace s2  }
0x95: {  	s2 =	sld [smem:$0x3FFD];
	_ =	sdelay $0x3  }
0x96: {  	_ =	strace s2  }
0x97: {  	_ =	strace $0x8FFFFFFF  }
0x98: {  	s17 =	sld [smem:$0x3FDB];
	_ =	sdelay $0x1  }
0x99: {  	s18 =	simm.s32 $_scs_section_size  }
0x9a: {  	s4 =	simm.s32 $_size__tile_overlayer_lowered;
	s5 =	simm.s32 $_tile_overlayer_lowered  }
0x9b: {  	s6 =	simm.s32 $0x1BFF;
	s19 =	sshll.u32 s5, $0x1;
	s3 =	sadd.s32 s18, s17  }
0x9c: {  	s20 =	simm.s32 $0x0;
	s4 =	sshll.u32 s4, $0x1;
	s5 =	sadd.s32 s19, s3  }
0x9d: {  	[timem:s20], [sflag:s6] =	dma.local [hbm:s5], s4  }
0x9e: {  	_ =	swait.ge [sflag:s6], s4  }
0x9f: {  	s4 =	ssub.s32 $0x0, s4;
	[sflag:s6] =	ssyncset.done $0x0  }
0xa0: {  	[sflag:s6] =	ssyncadd.s32 s4;
	_ =	sdelay $0x1  }
0xa1: {  	s21 =	simm.s32 $0x1B8B  }
0xa2: {  	_ =	swait.ge [sflag:s21], $0x1  }
0xa3: {  	[sflag:s21] =	ssyncset.done $0x0  }
0xa4: {  	s22 =	sld [smem:$0x3FFE];
	[sflag:s21] =	ssyncadd.s32 $0xFFFFFFFF  }
0xa5: {  	s24 =	simm.s32 $0x1B8E;
	s23 =	sld [smem:$0x0]  }
0xa6: {  	s25 =	simm.s32 $execute0_lowered;
	[smem:$0x3FD2] =	sst s24  }
0xa7: {  	s6 =	sshll.u32 s25, $0x1;
	_ =	strace $0x80000052;
	[dreg:$0x1] =	wrdreg $0xFFFFFFFF  }
0xa8: {  	s7 =	simm.s32 $_size_execute0_lowered;
	s6 =	sadd.s32 s3, s6;
	[dreg:$0x0] =	wrdreg $0x0  }
0xa9: {  	s7 =	sshll.u32 s7, $0x1;
	[dreg:$0x2] =	wrdreg s6  }
0xaa: {  	[dreg:$0x3] =	wrdreg s7  }
0xab: {  	[dreg:$0x4] =	wrdreg $0xC0  }
0xac: {  	s26 =	simm.s32 $execute1_lowered;
	_ =	task [dreg:s20], $0x5FFFF  }
0xad: {  	s6 =	sshll.u32 s26, $0x1;
	[dreg:$0x1] =	wrdreg $0xFFFFFFFF  }
0xae: {  	s3 =	sadd.s32 s3, s6;
	[dreg:$0x0] =	wrdreg $0x60  }
0xaf: {  	[dreg:$0x2] =	wrdreg s3  }
0xb0: {  	[dreg:$0x3] =	wrdreg s22  }
0xb1: {  	[dreg:$0x4] =	wrdreg $0x9  }
0xb2: {  	_ =	task.clear_ibuf [dreg:s20], $0x5FFFF;
	_ =	strace $0x90000052  }
0xb3: {  	s28 =	simm.s32 $0x9;
	_ =	strace $0x80000054  }
0xb4: {  	_ =	swait.ge [sflag:s28], $0x1  }
0xb5: {  	[sflag:s28] =	ssyncadd.s32 $0xFFFFFFFF  }
0xb6: {  	_ =	strace $0x90000054  }
0xb7: {  	s3 =	sld [smem:$0x0]  }
0xb8: {  	s6 =	sand.u32 $0xFFFFFFFE, s1  }
0xb9: {  	p0 =	sne.s32 s1, s6  }
0xba: {  	s6 =	sshll.u32 @p0 s6, $0xE  }
0xbb: {  	s6 =	sadd.s32 @p0 $0x11BF3, s6;
	s7 =	sshll.u32 @p0 s3, $0x11  }
0xbc: {  	s6 =	sor.u32 @p0 s7, s6  }
0xbd: {  	[sflag:s6] =	ssyncadd.remote.s32 @p0 $0x1;
	_ =	sdelay $0x1  }
0xbe: {  	s6 =	simm.s32 @p0 $0x1BF3  }
0xbf: {  	_ =	swait.eq @p0 [sflag:s6], $0x1  }
0xc0: {  	[sflag:s6] =	ssyncadd.s32 @p0 $0xFFFFFFFF  }
0xc1: {  	s7 =	sshll.u32 @!p0 s1, $0xE  }
0xc2: {  	s7 =	sor.u32 @!p0 $0x4000, s7;
	s6 =	simm.s32 @!p0 $0x1BF3  }
0xc3: {  	s3 =	sshll.u32 @!p0 s3, $0x11;
	s7 =	sadd.s32 @!p0 $0x11BF3, s7;
	_ =	swait.eq @!p0 [sflag:s6], $0x1  }
0xc4: {  	s3 =	sor.u32 @!p0 s3, s7;
	[sflag:s6] =	ssyncadd.s32 @!p0 $0xFFFFFFFF  }
0xc5: {  	[sflag:s3] =	ssyncadd.remote.s32 @!p0 $0x1  }
0xc6: {  	_ =	strace $0x80000055;
	[dreg:$0x1] =	wrdreg $0xFFFFFFFF  }
0xc7: {  	[dreg:$0x0] =	wrdreg $0x2030  }
0xc8: {  	[dreg:$0x2] =	wrdreg s22  }
0xc9: {  	[dreg:$0x3] =	wrdreg s1  }
0xca: {  	[dreg:$0x4] =	wrdreg s23  }
0xcb: {  	[dreg:$0x5] =	wrdreg $0xA  }
0xcc: {  	_ =	task.clear_ibuf [dreg:s20], $0x6FFFF;
	_ =	strace $0x90000055  }
0xcd: {  	s29 =	simm.s32 $0xA;
	_ =	strace $0x80000057  }
0xce: {  	_ =	swait.ge [sflag:s29], $0x1  }
0xcf: {  	[sflag:s29] =	ssyncadd.s32 $0xFFFFFFFF  }
0xd0: {  	_ =	strace $0x90000057  }
0xd1: {  	_ =	sfence  }
0xd2: {  	s30 =	sld [smem:$0x0];
	_ =	sdelay $0x2  }
0xd3: {  	s31 =	sshll.u32 s1, $0xD;
	s1 =	sshrl.u32 s1, $0x2  }
0xd4: {  	s4 =	sand.u32 $0x4000, s31;
	s1 =	sadd.s32 s1, s30  }
0xd5: {  	s0 =	sor.u32 s4, s0;
	s1 =	sshll.u32 s1, $0x11  }
0xd6: {  	s0 =	sor.u32 s1, s0  }
0xd7: {  	s0 =	sadd.s32 $0x8F2B, s0  }
0xd8: {  	[sflag:s0] =	ssyncadd.remote.s32 $0x1  }
0xd9: {  	_ =	sfence.sel $0xFFFF  }
0xda: {  	[dreg:$0x0] =	wrdreg $0xFFFFFFFF;
	(pc) =	sbr.abs _section_cstart, $3  }
0xdb: {  	[dreg:$0x1] =	wrdreg $0xFFFFFFFF  }
0xdc: {  	_ =	task.clear_ibuf [dreg:s20], $0x2FFFF;
	_ =	strace $0x9FFFFFFF  }
0xdd: {  	(tm) =	ssettm $0x7FFFFFFF  }
tec
execute0_lowered:
.L_overlay_start_1:
0x0: {  	(tag) =	ssettag $0x1  }
0x1: {  	s2 =	rddreg [dreg:$0x0]  }
0x2: {  	s4 =	rddreg [dreg:$0x1]  }
0x3: {  	s0 =	rddreg [dreg:$0x2];
	s3 =	stileid.u32;
	[bflag:$0x3] =	sbarrier.arrive $0xFFFF  }
0x4: {  	s1 =	simm.s32 $_size_execute1_lowered;
	s29 =	srdreg.scid;
	p0 =	sne.s32 s3, $0x0  }
0x5: {  	s1 =	sshll.u32 s1, $0x1;
	s5 =	simm.s32 @!p0 $0x1C3F;
	s6 =	simm.s32 @!p0 $0x4060  }
0x6: {  	[timem:s6], [sflag:s5] =	dma.local @!p0 [hbm:s2], s1  }
0x7: {  	s2 =	sshll.u32 s29, $0x7  }
0x8: {  	s7 =	simm.s32 $0x1;
	s3 =	sshll.u32 s3, $0x8;
	s2 =	sand.u32 $0x80, s2  }
0x9: {  	s8 =	simm.s32 $0x2;
	s9 =	simm.s32 $0x0;
	s2 =	sor.u32 s3, s2  }
0xa: {  	s12 =	simm.s32 $0x0;
	s11 =	simm.s32 $0x0;
	s30 =	ssub.s32 $0x2780, s2  }
.Ltmp0:
0xb: {  	s5 =	simm.s32 $0x1;
	s31 =	sand.u32 $0xF80, s30;
	(pc) =	sbr.rel .LBB2_1-.Ltmp0, $4  }
0xc: {  	_ =	strace $0x80000053;
	s3 =	sadd.s32 $0x4BE00, s4;
	p1 =	sne.s32 s31, $0x0  }
0xd: {  	[sflag:s5] =	ssyncpa.u1 $0x0;
	s6 =	sshrl.u32 s30, $0xC;
	s7 =	simm.s32 @!p1 $0x0  }
0xe: {  	s4 =	sadd.s32 $0x73600, s4;
	[sflag:s8] =	ssyncpa.u1 $0x0;
	s6 =	sadd.s32 s7, s6  }
0xf: {  	s8 =	simm.s32 $0x0;
	s10 =	smov.u32 s2;
	s7 =	sadd.s32 $0x1, s6  }
.LBB2_4:
0x10: {  	_ =	sdelay $0x3  }
0x11: {  	[tilespmem:v0+s14+$0xFFFFFFA0 ss:$0x1] =	vst.idx.msk $0xffff, v6  }
0x12: {  	v56 =	vld.idx.msk [tilespmem:v1+s15+$0x30 ss:$0x1], $0xffff;
	[tilespmem:v0+s14+$0xFFFFFFB0 ss:$0x1] =	vst.idx.msk $0xffff, v4  }
0x13: {  	v57 =	vld.idx.msk [tilespmem:v1+s15+$0xFFFFFFC0 ss:$0x1], $0xffff;
	[tilespmem:v0+s14+$0xFFFFFFC0 ss:$0x1] =	vst.idx.msk $0xffff, v2  }
0x14: {  	v58 =	vld.idx.msk [tilespmem:v1+s15+$0xFFFFFFD0 ss:$0x1], $0xffff;
	[tilespmem:v0+s14+$0xFFFFFFD0 ss:$0x1] =	vst.idx.msk $0xffff, v3  }
0x15: {  	v59 =	vld.idx.msk [tilespmem:v1+s15+$0xFFFFFFE0 ss:$0x1], $0xffff;
	[tilespmem:v0+s14+$0xFFFFFFE0 ss:$0x1] =	vst.idx.msk $0xffff, v5  }
0x16: {  	v60 =	vld.idx.msk [tilespmem:v1+s15+$0xFFFFFFF0 ss:$0x1], $0xffff;
	[tilespmem:v0+s14+$0xFFFFFFF0 ss:$0x1] =	vst.idx.msk $0xffff, v7;
	s12 =	sand.u32 $0x1FFFFFF, s12  }
0x17: {  	v61 =	vld.idx.msk [tilespmem:v1+s15+$0x0 ss:$0x1], $0xffff;
	s31 =	smulhi.u32 $0xCF6475, s12;
	[tilespmem:v0+s15+$0x0 ss:$0x1] =	vst.idx.msk $0xffff, v56  }
0x18: {  	v62 =	vld.idx.msk [tilespmem:v1+s15+$0x10 ss:$0x1], $0xffff;
	[tilespmem:v0+s15+$0xFFFFFF90 ss:$0x1] =	vst.idx.msk $0xffff, v57  }
0x19: {  	v63 =	vld.idx.msk [tilespmem:v1+s15+$0x20 ss:$0x1], $0xffff;
	s14 =	sshrl.u32 s31, $0x5;
	[tilespmem:v0+s15+$0xFFFFFFA0 ss:$0x1] =	vst.idx.msk $0xffff, v58  }
0x1a: {  	s14 =	smul.u32 $0x2780, s14;
	[tilespmem:v0+s15+$0xFFFFFFB0 ss:$0x1] =	vst.idx.msk $0xffff, v59  }
0x1b: {  	[tilespmem:v0+s15+$0xFFFFFFC0 ss:$0x1] =	vst.idx.msk $0xffff, v60  }
0x1c: {  	[tilespmem:v0+s15+$0xFFFFFFD0 ss:$0x1] =	vst.idx.msk $0xffff, v61;
	s12 =	ssub.s32 s12, s14  }
0x1d: {  	[tilespmem:v0+s15+$0xFFFFFFE0 ss:$0x1] =	vst.idx.msk $0xffff, v62;
	s12 =	sshll.u32 s12, $0x4  }
0x1e: {  	[tilespmem:v0+s15+$0xFFFFFFF0 ss:$0x1] =	vst.idx.msk $0xffff, v63;
	s12 =	sadd.s32 s4, s12  }
0x1f: {  	[hbm4b:s12+s8] =	stream.linear.scatter [tilespmem:s13], [sflag:$0x2], $0x4000, $0x38;
	[tilespmem:$0x10000] =	vst v63  }
.LBB2_5:
0x20: {  	s14 =	sadd.s32 $0x1000, s10  }
0x21: {  	p2 =	sgt.s32 s14, $0x277F  }
0x22: {  	s14 =	smov.u32 @p2 s2;
	p2 =	sne.s32 s11, s7  }
.Ltmp1:
0x23: {  	p1 =	slt.u32 s11, $0x2;
	(pc) =	sbr.rel @!p2 .LBB2_6-.Ltmp1, $4  }
0x24: {  	s13 =	simm.s32 @!p1 $0x2  }
0x25: {  	s15 =	sadd.s32 $0x1, s11;
	_ =	swait.ge @!p1 [sflag:s13], $0x4000  }
0x26: {  	s12 =	smov.u32 s10;
	s9 =	sadd.s32 $0x4000, s9;
	[sflag:s13] =	ssyncset.done @!p1 $0x0  }
0x27: {  	s11 =	smov.u32 s15;
	s10 =	smov.u32 s14;
	[sflag:s13] =	ssyncadd.s32 @!p1 $0xFFFFC000  }
.LBB2_1:
0x28: {  	p1 =	sge.u32 s11, s6  }
0x29: {  	s13 =	sand.u32 @!p1 $0x1FFFFFF, s10  }
0x2a: {  	s14 =	smulhi.u32 @!p1 $0xCF6475, s13;
	_ =	sdelay $0x1  }
0x2b: {  	s14 =	sshrl.u32 @!p1 s14, $0x5  }
0x2c: {  	s14 =	smul.u32 @!p1 $0x2780, s14;
	_ =	sdelay $0x1  }
0x2d: {  	s15 =	sxor.u32 @!p1 $0xFFFFFFFF, s11;
	s13 =	ssub.s32 @!p1 s13, s14  }
0x2e: {  	s31 =	sadd.s32 $0xFFFFFFFF, s11;
	s14 =	sshll.u32 @!p1 s15, $0xE;
	s13 =	sshll.u32 @!p1 s13, $0x4  }
0x2f: {  	s15 =	simm.s32 @!p1 $0x0;
	s14 =	sand.u32 @!p1 $0x4000, s14;
	s13 =	sadd.s32 @!p1 s3, s13  }
0x30: {  	[tilespmem:s14], [sflag:$0x1] =	stream.linear.gather @!p1 [hbm4b:s13+s15], $0x4000, $0x38;
	[tilespmem:$0x10000] =	vst v63  }
0x31: {  	p1 =	sge.u32 s31, s6  }
.Ltmp2:
0x32: {  	_ = 	snop;
	(pc) =	sbr.rel @p1 .LBB2_5-.Ltmp2, $1  }
0x33: {  	_ =	sdelay $0x3  }
0x34: {  	s13 =	sand.u32 $0x4000, s9  }
0x35: {  	s14 =	sor.u32 $0x40, s13  }
0x36: {  	v1 =	vmov s14;
	_ =	sdelay $0x1  }
0x37: {  	_ =	swait.ge [sflag:s5], $0x4000  }
0x38: {  	[sflag:s5] =	ssyncset.done $0x0  }
0x39: {  	[sflag:s5] =	ssyncadd.s32 $0xFFFFC000;
	s14 =	simm.s32 $0x0  }
0x3a: {  	s13 =	sor.u32 $0x8070, s13;
	v7 =	vld.idx.msk [tilespmem:v1+s14+$0x30 ss:$0x1], $0xffff  }
0x3b: {  	v0 =	vmov s13;
	v8 =	vld.idx.msk [tilespmem:v1+s14+$0xFFFFFFC0 ss:$0x1], $0xffff  }
0x3c: {  	v6 =	vld.idx.msk [tilespmem:v1+s14+$0xFFFFFFD0 ss:$0x1], $0xffff  }
0x3d: {  	v4 =	vld.idx.msk [tilespmem:v1+s14+$0xFFFFFFE0 ss:$0x1], $0xffff  }
0x3e: {  	v2 =	vld.idx.msk [tilespmem:v1+s14+$0xFFFFFFF0 ss:$0x1], $0xffff  }
0x3f: {  	s31 =	sshll.u32 s11, $0xE;
	v3 =	vld.idx.msk [tilespmem:v1+s14+$0x0 ss:$0x1], $0xffff  }
0x40: {  	s13 =	sand.u32 $0x4000, s31;
	v5 =	vld.idx.msk [tilespmem:v1+s14+$0x10 ss:$0x1], $0xffff;
	[tilespmem:v0+s14+$0x0 ss:$0x1] =	vst.idx.msk $0xffff, v7  }
0x41: {  	s15 =	simm.s32 $0x80;
	s16 =	simm.s32 $0x400;
	s13 =	sor.u32 $0x8000, s13;
	[tilespmem:v0+s14+$0xFFFFFF90 ss:$0x1] =	vst.idx.msk $0xffff, v8;
	v7 =	vld.idx.msk [tilespmem:v1+s14+$0x20 ss:$0x1], $0xffff  }
.LBB2_3:
0x42: {  	p1 =	sne.s32 s16, $0xFE00;
	v8 =	vld.idx.msk [tilespmem:v1+s15+$0x30 ss:$0x1], $0xffff;
	[tilespmem:v0+s14+$0xFFFFFFA0 ss:$0x1] =	vst.idx.msk $0xffff, v6  }
0x43: {  	v9 =	vld.idx.msk [tilespmem:v1+s15+$0xFFFFFFC0 ss:$0x1], $0xffff;
	[tilespmem:v0+s14+$0xFFFFFFB0 ss:$0x1] =	vst.idx.msk $0xffff, v4  }
0x44: {  	v6 =	vld.idx.msk [tilespmem:v1+s15+$0xFFFFFFD0 ss:$0x1], $0xffff;
	[tilespmem:v0+s14+$0xFFFFFFC0 ss:$0x1] =	vst.idx.msk $0xffff, v2  }
.Ltmp3:
0x45: {  	v4 =	vld.idx.msk [tilespmem:v1+s15+$0xFFFFFFE0 ss:$0x1], $0xffff;
	[tilespmem:v0+s14+$0xFFFFFFD0 ss:$0x1] =	vst.idx.msk $0xffff, v3;
	(pc) =	sbr.rel @p1 .LBB2_3-.Ltmp3, $4  }
0x46: {  	v2 =	vld.idx.msk [tilespmem:v1+s15+$0xFFFFFFF0 ss:$0x1], $0xffff;
	[tilespmem:v0+s14+$0xFFFFFFE0 ss:$0x1] =	vst.idx.msk $0xffff, v5  }
0x47: {  	v3 =	vld.idx.msk [tilespmem:v1+s15+$0x0 ss:$0x1], $0xffff;
	[tilespmem:v0+s14+$0xFFFFFFF0 ss:$0x1] =	vst.idx.msk $0xffff, v7;
	s14 =	smov.u32 s15  }
0x48: {  	v5 =	vld.idx.msk [tilespmem:v1+s14+$0x10 ss:$0x1], $0xffff;
	[tilespmem:v0+s14+$0x0 ss:$0x1] =	vst.idx.msk $0xffff, v8  }
0x49: {  	s15 =	sshra.s32 s16, $0x2;
	s16 =	sadd.s32 $0x200, s16;
	[tilespmem:v0+s14+$0xFFFFFF90 ss:$0x1] =	vst.idx.msk $0xffff, v9;
	v7 =	vld.idx.msk [tilespmem:v1+s14+$0x20 ss:$0x1], $0xffff  }
.Ltmp4:
0x4a: {  	_ = 	snop;
	(pc) =	sbr.rel .LBB2_4-.Ltmp4, $1  }
0x4b: {  	_ =	sdelay $0x3  }
.LBB2_6:
0x4c: {  	_ =	sfence.sel $0x180000  }
0x4d: {  	s2 =	simm.s32 $0x1;
	[bflag:$0x0] =	sbarrier.arrive $0xFFFF  }
0x4e: {  	s31 =	simm.s32 $0x2;
	[sflag:s2] =	ssyncpa.u1 $0x1  }
0x4f: {  	[sflag:s31] =	ssyncpa.u1 $0x1  }
0x50: {  	_ =	strace $0x90000053  }
0x51: {  	s0 =	sadd.s32 @!p0 $0x100000, s0;
	[bflag:$0x2] =	sbarrier.arrive $0xFFFF  }
0x52: {  	[sflag:s0] =	ssyncadd.tile.s32 @!p0 $0x1;
	s0 =	simm.s32 @!p0 $0x3F  }
0x53: {  	_ =	swait.ge @!p0 [sflag:s0], s1  }
0x54: {  	s1 =	ssub.s32 @!p0 $0x0, s1;
	[sflag:s0] =	ssyncset.done @!p0 $0x0  }
0x55: {  	[sflag:s0] =	ssyncadd.s32 @!p0 s1  }
0x56: {  	[bflag:$0x3] =	sbarrier.arrive $0xFFFF  }
0x57: {  	_ =	shalt  }
.Lfunc_end2:
execute1_lowered:
.L_overlay_start_2:
0x58: {  	(tag) =	ssettag $0x2  }
0x59: {  	s2 =	rddreg [dreg:$0x0]  }
0x5a: {  	s3 =	rddreg [dreg:$0x1];
	_ =	strace $0x80000056;
	s0 =	simm.s32 $0x1  }
0x5b: {  	v0 =	vimm.s32 $0x0;
	[sflag:s0] =	ssyncpa.u1 $0x0;
	s0 =	simm.s32 $0x108  }
0x5c: {  	[tilespmem:s0+$0x70] =	vst v0  }
0x5d: {  	[tilespmem:s0+$0x60] =	vst v0  }
0x5e: {  	[tilespmem:s0+$0x50] =	vst v0  }
0x5f: {  	[tilespmem:s0+$0x40] =	vst v0  }
0x60: {  	s1 =	sadd.s32 $0x73600, s2;
	[tilespmem:s0+$0x30] =	vst v0  }
0x61: {  	s15 =	sadd.s32 $0x18B5E00, s2;
	s6 =	sadd.s32 $0x555600, s2;
	[tilespmem:s0+$0x20] =	vst v0  }
0x62: {  	s14 =	sadd.s32 $0x18BFC00, s2;
	s5 =	sand.u32 $0x1, s3;
	s3 =	simm.s32 $0x40;
	[tilespmem:s0+$0x10] =	vst v0  }
.LBB3_1:
0x63: {  	s3 =	sadd.s32 $0x40, s3;
	[tilespmem:s0+$0x0] =	vst v0;
	s0 =	sadd.s32 $0x80, s0  }
0x64: {  	p0 =	slt.u32 s3, $0x3C40;
	[tilespmem:s0+$0x70] =	vst v0  }
0x65: {  	[tilespmem:s0+$0x60] =	vst v0  }
.Ltmp5:
0x66: {  	[tilespmem:s0+$0x50] =	vst v0;
	(pc) =	sbr.rel @p0 .LBB3_1-.Ltmp5, $4  }
0x67: {  	[tilespmem:s0+$0x40] =	vst v0  }
0x68: {  	[tilespmem:s0+$0x30] =	vst v0  }
0x69: {  	[tilespmem:s0+$0x20] =	vst v0  }
0x6a: {  	[tilespmem:s0+$0x10] =	vst v0  }
0x6b: {  	s9 =	stileid.u32  }
0x6c: {  	s2 =	smul.u32 $0x29, s9  }
0x6d: {  	s3 =	smin.u32 s9, $0xB  }
0x6e: {  	s2 =	sadd.s32 s3, s2  }
0x6f: {  	p0 =	slt.u32 s9, $0xB;
	s7 =	smul.u32 $0xF0, s2;
	s2 =	simm.s32 $0x2760  }
0x70: {  	s2 =	simm.s32 @!p0 $0x2670  }
0x71: {  	s2 =	sadd.s32 s2, s7  }
0x72: {  	s8 =	smin.u32 s2, $0x27100  }
0x73: {  	s2 =	ssub.s32 s8, s7  }
0x74: {  	p0 =	sgt.s32 s2, $0x0  }
0x75: {  	s29 =	simm.s32 $0x2;
	s10 =	simm.s32 $0x9;
	s2 =	simm.s32 @!p0 $0x0  }
0x76: {  	s4 =	simm.s32 $0xA;
	s11 =	simm.s32 $0xB;
	s28 =	smulhi.u32 $0x88888889, s2  }
0x77: {  	[dreg:$0x4] =	wrdreg s5;
	s31 =	smul.u32 $0x4E20, s5;
	s12 =	simm.s32 $0x1  }
0x78: {  	s22 =	simm.s32 $0x0;
	s18 =	simm.s32 $0xC;
	s30 =	sshrl.u32 s28, $0x7  }
0x79: {  	s20 =	simm.s32 $0x0;
	s21 =	simm.s32 $0x0;
	s3 =	smul.u32 $0xF0, s30  }
.Ltmp6:
0x7a: {  	[tilespmem:s0+$0x0] =	vst v0;
	v0 =	vimm.s32 $0xFFFFFFFF;
	[sflag:s29] =	ssyncpa.u1 $0x0;
	s16 =	sshll.u32 s9, $0x8;
	(pc) =	sbr.rel .LBB3_3-.Ltmp6, $4  }
0x7b: {  	[tilespmem:$0xF208] =	vst v0;
	[sflag:s10] =	ssyncpa.u1 $0x0;
	p0 =	sne.s32 s2, s3;
	s2 =	simm.s32 $0x1  }
0x7c: {  	s14 =	sadd.s32 s31, s14;
	[sflag:s4] =	ssyncpa.u1 $0x0;
	s2 =	simm.s32 @!p0 $0x0  }
0x7d: {  	s15 =	sadd.s32 s31, s15;
	[sflag:s11] =	ssyncpa.u1 $0x0;
	s13 =	sadd.s32 s2, s30  }
0x7e: {  	v0 =	vlaneseq.u32;
	s19 =	smov.u32 s7;
	p0 =	por $0x0, $0x0;
	s17 =	sadd.s32 $0x1, s13  }
.LBB3_18:
0x7f: {  	s0 =	sshrl.u32 s31, $0x2  }
.LBB3_20:
0x80: {  	_ =	swait.ge [sflag:s18], s0  }
0x81: {  	s31 =	ssub.s32 $0x0, s0;
	v1 =	vmov s24;
	vm0 =	veq.s32 v0, $0x0;
	[sflag:s18] =	ssyncset.done $0x0  }
0x82: {  	vm15 =	veq.s32 v0, $0x2;
	v1 =	vsel vm0, s30, v1;
	[sflag:s18] =	ssyncadd.s32 s31  }
0x83: {  	v1 =	vsel vm15, s22, v1;
	[sflag:s18] =	ssyncpa.u1 $0x1  }
0x84: {  	[tilespmem:$0xF208] =	vst v1  }
.LBB3_21:
0x85: {  	s0 =	sadd.s32 $0xF0, s19  }
0x86: {  	s2 =	smov.u32 s7;
	p1 =	slt.s32 s0, s8  }
0x87: {  	s2 =	smov.u32 @p1 s0;
	p1 =	sne.s32 s21, s17  }
.Ltmp7:
0x88: {  	_ = 	snop;
	(pc) =	sbr.rel @!p1 .LBB3_22-.Ltmp7, $3  }
0x89: {  	_ =	sdelay $0x1  }
0x8a: {  	s22 =	smov.u32 s20;
	s31 =	sadd.s32 $0x1, s21;
	s20 =	smov.u32 s19  }
0x8b: {  	p0 =	por !p0, !p0;
	s21 =	smov.u32 s31;
	s19 =	smov.u32 s2  }
.LBB3_3:
0x8c: {  	p1 =	sge.u32 s21, s13  }
0x8d: {  	s0 =	smulhi.u32 @!p1 $0xAAAAAAAB, s21  }
0x8e: {  	s2 =	smov.u32 s19;
	p2 =	sgt.s32 @!p1 s19, $0x27010  }
0x8f: {  	s3 =	sshra.s32 @!p1 s19, $0x1F;
	p2 =	por !p2, p1;
	s0 =	sshrl.u32 @!p1 s0, $0x1  }
0x90: {  	s3 =	sand.u32 @!p1 s3, s19;
	s2 =	simm.s32 @p2 $0x27010;
	s0 =	smul.u32 @!p1 $0x3, s0  }
0x91: {  	s2 =	ssub.s32 @!p1 s2, s3  }
0x92: {  	s2 =	sadd.s32 @!p1 $0xFFFD8FF0, s2;
	s0 =	ssub.s32 @!p1 s21, s0  }
0x93: {  	s3 =	sshll.u32 @!p1 s2, $0x2;
	p2 =	sgt.s32 @!p1 s2, $0xEF;
	s0 =	smul.u32 @!p1 $0x3C0, s0  }
0x94: {  	s4 =	sand.u32 @!p1 $0x7, s19;
	s2 =	ssub.s32 @!p1 $0x3C0, s3;
	p2 =	por !p2, p1  }
0x95: {  	s3 =	sshrl.u32 @!p1 s19, $0x3;
	s2 =	sshrl.u32 @!p1 s2, $0x2;
	s0 =	sshrl.u32 @!p1 s0, $0x2  }
0x96: {  	s3 =	sadd.s32 @!p1 s3, s14;
	s2 =	simm.s32 @!p2 $0x0;
	s0 =	sadd.s32 @!p1 $0x10248, s0  }
0x97: {  	[tilespmem:s0], [sflag:$0xA] =	stream.linear.gather @!p1 [hbm4b:s3+s4], s2, $0x38;
	[tilespmem:$0x1F6F8] =	vst v63  }
0x98: {  	s0 =	sadd.s32 $0xFFFFFFFF, s21  }
0x99: {  	p1 =	sge.u32 s0, s13  }
0x9a: {  	p2 =	sgt.s32 @!p1 s20, $0x27010  }
0x9b: {  	s2 =	smov.u32 s20;
	s3 =	sshra.s32 @!p1 s20, $0x1F;
	p2 =	por !p2, p1  }
0x9c: {  	s3 =	sand.u32 @!p1 s3, s20;
	s2 =	simm.s32 @p2 $0x27010  }
0x9d: {  	s2 =	ssub.s32 @!p1 s2, s3  }
0x9e: {  	s2 =	sadd.s32 @!p1 $0xFFFD8FF0, s2  }
0x9f: {  	s4 =	sand.u32 @!p1 $0x1, s0;
	s3 =	sshll.u32 @!p1 s2, $0x2  }
0xa0: {  	p2 =	sgt.s32 @!p1 s2, $0xEF;
	s2 =	ssub.s32 @!p1 $0x3C0, s3;
	s3 =	smulhi.u32 @!p1 $0xAAAAAAAB, s0  }
0xa1: {  	s23 =	smul.u32 @!p1 $0x3C0, s4;
	p2 =	por !p2, p1;
	s2 =	sshrl.u32 @!p1 s2, $0x2  }
0xa2: {  	s5 =	simm.s32 @!p1 $0xA;
	s2 =	simm.s32 @!p2 $0x0;
	s3 =	sshrl.u32 @!p1 s3, $0x1  }
0xa3: {  	s23 =	sshrl.u32 @!p1 s23, $0x2;
	_ =	swait.ge @!p1 [sflag:s5], s2;
	s3 =	smul.u32 @!p1 $0x3, s3  }
0xa4: {  	s23 =	sadd.s32 @!p1 $0x10518, s23;
	s24 =	ssub.s32 @!p1 $0x0, s2;
	[sflag:s5] =	ssyncset.done @!p1 $0x0  }
0xa5: {  	[sflag:s5] =	ssyncadd.s32 @!p1 s24;
	s5 =	sshrl.u32 @!p1 s20, $0x3;
	s0 =	ssub.s32 @!p1 s0, s3  }
0xa6: {  	s24 =	sand.u32 @!p1 $0x7, s20;
	s5 =	sadd.s32 @!p1 s5, s15;
	s0 =	smul.u32 @!p1 $0x3C0, s0  }
0xa7: {  	[tilespmem:s23], [sflag:$0xB] =	stream.linear.gather @!p1 [hbm4b:s5+s24], s2, $0x38;
	[tilespmem:$0x1F6F8] =	vst v63  }
0xa8: {  	s3 =	ssub.s32 @!p1 $0x27100, s20;
	s2 =	smul.u32 @!p1 $0x1E000, s4  }
0xa9: {  	p2 =	slt.s32 @!p1 s3, $0xF0  }
0xaa: {  	p2 =	por !p2, p1;
	s0 =	sshrl.u32 @!p1 s0, $0x2;
	s2 =	sshrl.u32 @!p1 s2, $0x2  }
0xab: {  	s3 =	simm.s32 @p2 $0xF0;
	s0 =	sadd.s32 @!p1 $0x10248, s0;
	s2 =	sor.u32 @!p1 $0x106F8, s2  }
0xac: {  	[tilespmem:s2], [sflag:$0x9] =	stream.indirect.gather @!p1 [hbm4b:s6+s3], $0x80, s0, s3, $0xb8;
	[tilespmem:$0x1F6F8] =	vst v63  }
0xad: {  	p1 =	slt.u32 s21, $0x2  }
.Ltmp8:
0xae: {  	_ = 	snop;
	(pc) =	sbr.rel @p1 .LBB3_21-.Ltmp8, $1  }
0xaf: {  	_ =	sdelay $0x3  }
0xb0: {  	p1 =	sgt.s32 s22, $0x27010  }
0xb1: {  	s0 =	smov.u32 s22;
	s2 =	sshra.s32 s22, $0x1F;
	s3 =	ssub.s32 $0x27100, s22  }
0xb2: {  	s0 =	simm.s32 @!p1 $0x27010;
	s2 =	sand.u32 s2, s22;
	p1 =	slt.s32 s3, $0xF0  }
0xb3: {  	s0 =	ssub.s32 s0, s2;
	s3 =	simm.s32 @!p1 $0xF0  }
0xb4: {  	s0 =	sadd.s32 $0xFFFD8FF0, s0;
	s25 =	sshll.u32 s3, $0x7  }
0xb5: {  	s26 =	sshll.u32 s0, $0x2;
	s2 =	sand.u32 $0x3FFFFF80, s25  }
0xb6: {  	p1 =	sgt.s32 s0, $0xEF;
	s29 =	ssub.s32 $0x3C0, s26;
	_ =	swait.ge [sflag:s10], s2  }
0xb7: {  	s2 =	ssub.s32 $0x0, s2;
	[sflag:s10] =	ssyncset.done $0x0;
	s0 =	sshrl.u32 s29, $0x2  }
0xb8: {  	[sflag:s10] =	ssyncadd.s32 s2;
	s0 =	simm.s32 @p1 $0x0  }
0xb9: {  	_ =	swait.ge [sflag:s11], s0  }
0xba: {  	s0 =	ssub.s32 $0x0, s0;
	[sflag:s11] =	ssyncset.done $0x0  }
0xbb: {  	[sflag:s11] =	ssyncadd.s32 s0  }
0xbc: {  	v1 =	vld [tilespmem:$0xF208];
	_ =	sdelay $0x4  }
0xbd: {  	(v2sf) =	vpush v1, $0x0  }
0xbe: {  	(v2sf) =	vpush v1, $0x1  }
0xbf: {  	(v2sf) =	vpush v1, $0x2;
	_ =	sdelay $0x3  }
0xc0: {  	s0 =	sadd.s32 $0xF0, s22  }
0xc1: {  	s2 =	ssub.s32 $0x4E200, s22;
	p1 =	slt.s32 s8, s0  }
0xc2: {  	s0 =	smov.u32 @p1 s8;
	p1 =	sgt.s32 s2, $0x0  }
0xc3: {  	s26 =	ssub.s32 s0, s22;
	s2 =	simm.s32 @!p1 $0x0  }
0xc4: {  	p1 =	slt.s32 s2, s26  }
0xc5: {  	s26 =	smov.u32 @p1 s2  }
0xc6: {  	s25 =	simm.s32 $0x1;
	p1 =	slt.s32 s26, $0x1  }
.Ltmp9:
0xc7: {  	s25 =	simm.s32 @!p0 $0x0;
	(pc) =	sbr.rel @p1 .LBB3_8-.Ltmp9, $4  }
0xc8: {  	s31 =	smul.u32 $0x3C0, s25  }
0xc9: {  	s28 =	spop (v2sf)  }
0xca: {  	s0 =	sshrl.u32 s31, $0x2;
	s30 =	spop (v2sf)  }
0xcb: {  	s23 =	sadd.s32 $0x10518, s0;
	s22 =	spop (v2sf)  }
0xcc: {  	s0 =	smin.u32 s26, $0x10  }
0xcd: {  	v1 =	vmov s0  }
0xce: {  	p2 =	sgt.s32 s26, $0x10;
	vm1 =	vgt.u32 v1, v0  }
.Ltmp10:
0xcf: {  	_ = 	snop;
	(pc) =	sbr.rel @!p2 .LBB3_7-.Ltmp10, $2  }
0xd0: {  	_ =	sdelay $0x2  }
0xd1: {  	s4 =	simm.s32 $0x10;
	s24 =	sadd.s32 $0xFFFFFFF0, s26;
	s0 =	smov.u32 s23;
	vm0 =	vmmov vm1  }
.LBB3_6:
0xd2: {  	s2 =	smin.u32 s24, $0x10;
	s4 =	sadd.s32 $0x10, s4;
	v1 =	vld.msk [tilespmem:s0+$0x0 ss:$0x1], vm1  }
0xd3: {  	v2 =	vmov s2;
	p2 =	slt.s32 s4, s26  }
0xd4: {  	vm1 =	vgt.u32 v2, v0  }
.Ltmp11:
0xd5: {  	(pc) =	sbr.rel @p2 .LBB3_6-.Ltmp11, $3  }
0xd6: {  	_ =	sdelay $0x1  }
0xd7: {  	v1 =	vshll.u32 v1, $0x4  }
0xd8: {  	s24 =	sadd.s32 $0xFFFFFFF0, s24;
	[tilespmem:s0+$0x0] =	vst.msk vm0, v1;
	s0 =	sadd.s32 $0x10, s0;
	vm0 =	vmmov vm1  }
.LBB3_7:
0xd9: {  	_ =	sdelay $0x4  }
0xda: {  	v1 =	vld.msk [tilespmem:s0+$0x0 ss:$0x1], vm1;
	_ =	sdelay $0x4  }
0xdb: {  	v1 =	vshll.u32 v1, $0x4  }
0xdc: {  	[tilespmem:s0+$0x0] =	vst.msk vm0, v1  }
.LBB3_8:
0xdd: {  	s0 =	sand.u32 $0x1, s21  }
0xde: {  	s0 =	smul.u32 $0xF0, s0  }
0xdf: {  	p2 =	sne.s32 s30, $0xFFFFFFFF  }
0xe0: {  	v1 =	vld.msk @!p2 [tilespmem:s0+$0x10518], $0x1;
	_ =	sdelay $0x4  }
0xe1: {  	(v2sf) =	vpush @!p2 v1, $0x0;
	_ =	sdelay $0xc  }
.Ltmp12:
0xe2: {  	_ = 	snop;
	(pc) =	sbr.rel @p1 .LBB3_19-.Ltmp12, $4  }
0xe3: {  	_ = 	snop  }
0xe4: {  	s29 =	spop @!p2 (v2sf)  }
0xe5: {  	s22 =	simm.s32 @!p2 $0x0;
	s24 =	smov.u32 s29  }
0xe6: {  	[sflag:s18] =	ssyncpa.u1 $0x0;
	s29 =	smov.u32 @p2 s28;
	s24 =	smov.u32 @p2 s30  }
0xe7: {  	v1 =	vld.msk [tilespmem:s23+$0x0], $0x1;
	_ =	sdelay $0x4  }
0xe8: {  	(v2sf) =	vpush v1, $0x0;
	_ =	sdelay $0xe  }
0xe9: {  	s2 =	smul.u32 $0x1E000, s25;
	s0 =	spop (v2sf)  }
0xea: {  	s26 =	ssub.s32 $0x0, s26;
	p1 =	seq.s32 s29, s0  }
0xeb: {  	s30 =	sadd.s32 $0x1, s26;
	s2 =	sshrl.u32 s2, $0x2;
	p2 =	sgt.s32 @!p1 s29, $0x0  }
0xec: {  	s25 =	sor.u32 $0x10738, s2;
	s2 =	smov.u32 s29;
	p2 =	por !p2, p1  }
0xed: {  	s2 =	simm.s32 @p2 $0x0;
	p2 =	seq.s32 s30, $0x0  }
.Ltmp13:
0xee: {  	_ = 	snop;
	(pc) =	sbr.rel @p2 .LBB3_11-.Ltmp13, $4  }
0xef: {  	_ = 	snop  }
0xf0: {  	s28 =	simm.s32 $0x0;
	s31 =	sadd.s32 $0x1, s23;
	s2 =	smin.u32 @!p1 s2, $0x277F0  }
0xf1: {  	s4 =	simm.s32 @!p1 $0x1;
	s5 =	simm.s32 @!p1 $0x7988;
	s3 =	sand.u32 @!p1 $0x3FFF8, s2  }
0xf2: {  	s4 =	smov.u32 @p1 s28;
	s2 =	sand.u32 @!p1 $0x7, s2;
	s3 =	sadd.s32 @!p1 s1, s3  }
.LBB3_10:
0xf3: {  	s9 =	smov.u32 s4  }
0xf4: {  	[tilespmem:s5], [sflag:$0x2] =	stream.linear.gather @!p1 [hbm4b:s3+s2], $0x80, $0x38;
	[tilespmem:$0x1F6F8] =	vst v63  }
0xf5: {  	s30 =	sadd.s32 $0x1, s30;
	s2 =	smov.u32 s0;
	v1 =	vld.msk [tilespmem:s31+$0x0], $0x1  }
0xf6: {  	p2 =	seq.s32 s30, $0x0;
	_ =	sdelay $0x3  }
0xf7: {  	(v2sf) =	vpush v1, $0x0;
	_ =	sdelay $0xe  }
0xf8: {  	s0 =	spop (v2sf)  }
0xf9: {  	p1 =	seq.s32 s2, s0  }
0xfa: {  	p3 =	sgt.s32 @!p1 s2, $0x0;
	s3 =	sshll.u32 @!p1 s4, $0x9;
	s4 =	sadd.s32 @!p1 $0x1, s4  }
.Ltmp14:
0xfb: {  	p3 =	por !p3, p1;
	s3 =	sshra.s32 @!p1 s3, $0x2;
	(pc) =	sbr.rel @!p2 .LBB3_10-.Ltmp14, $4  }
0xfc: {  	s4 =	smov.u32 @p1 s9;
	s2 =	simm.s32 @p3 $0x0;
	s5 =	sadd.s32 @!p1 $0x7988, s3  }
0xfd: {  	s2 =	smin.u32 @!p1 s2, $0x277F0  }
0xfe: {  	s3 =	sand.u32 @!p1 $0x3FFF8, s2;
	s2 =	sand.u32 @!p1 $0x7, s2  }
0xff: {  	s31 =	sadd.s32 $0x1, s31;
	s3 =	sadd.s32 @!p1 s1, s3  }
.LBB3_11:
0x100: {  	[tilespmem:s5], [sflag:$0x2] =	stream.linear.gather @!p1 [hbm4b:s3+s2], $0x80, $0x38;
	[tilespmem:$0x1F6F8] =	vst v63  }
.Ltmp15:
0x101: {  	s0 =	sshll.u32 s4, $0x7;
	(pc) =	sbr.rel .LBB3_12-.Ltmp15, $4  }
0x102: {  	s30 =	simm.s32 $0x2;
	s0 =	sand.u32 $0x3FFFFF80, s0  }
0x103: {  	_ =	swait.ge [sflag:s30], s0  }
0x104: {  	s0 =	ssub.s32 $0x0, s0;
	[sflag:s30] =	ssyncset.done $0x0  }
0x105: {  	s31 =	simm.s32 $0x0;
	[sflag:s30] =	ssyncadd.s32 s0  }
.LBB3_13:
0x106: {  	v1 =	vld [tilespmem:s25+$0xFFFFFFC0];
	_ =	sdelay $0x3  }
0x107: {  	s0 =	sshra.s32 s0, $0x2  }
0x108: {  	[tilespmem:s0+$0x108] =	vst.add.f32.msk $0xffff, v1  }
0x109: {  	v1 =	vld [tilespmem:s25+$0xFFFFFFD0];
	_ =	sdelay $0x4  }
0x10a: {  	[tilespmem:s0+$0x118] =	vst.add.f32.msk $0xffff, v1  }
0x10b: {  	v1 =	vld [tilespmem:s25+$0xFFFFFFE0];
	_ =	sdelay $0x4  }
0x10c: {  	[tilespmem:s0+$0x128] =	vst.add.f32.msk $0xffff, v1  }
0x10d: {  	v1 =	vld [tilespmem:s25+$0xFFFFFFF0];
	_ =	sdelay $0x4  }
0x10e: {  	[tilespmem:s0+$0x138] =	vst.add.f32.msk $0xffff, v1  }
0x10f: {  	v1 =	vld [tilespmem:s25+$0x0];
	_ =	sdelay $0x4  }
0x110: {  	[tilespmem:s0+$0x148] =	vst.add.f32.msk $0xffff, v1  }
0x111: {  	v1 =	vld [tilespmem:s25+$0x10];
	_ =	sdelay $0x4  }
0x112: {  	[tilespmem:s0+$0x158] =	vst.add.f32.msk $0xffff, v1  }
0x113: {  	v1 =	vld [tilespmem:s25+$0x20];
	_ =	sdelay $0x4  }
0x114: {  	[tilespmem:s0+$0x168] =	vst.add.f32.msk $0xffff, v1  }
0x115: {  	v1 =	vld [tilespmem:s25+$0x30];
	_ =	sdelay $0x4  }
0x116: {  	[tilespmem:s0+$0x178] =	vst.add.f32.msk $0xffff, v1  }
.LBB3_17:
0x117: {  	s26 =	sadd.s32 $0x1, s26  }
0x118: {  	p1 =	seq.s32 s26, $0x0  }
.Ltmp16:
0x119: {  	_ = 	snop;
	(pc) =	sbr.rel @p1 .LBB3_18-.Ltmp16, $2  }
0x11a: {  	_ =	sdelay $0x2  }
0x11b: {  	s23 =	sadd.s32 $0x1, s23;
	s25 =	sadd.s32 $0x80, s25;
	s29 =	smov.u32 s30  }
.LBB3_12:
0x11c: {  	v1 =	vld.msk [tilespmem:s23+$0x0], $0x1;
	_ =	sdelay $0x4  }
0x11d: {  	(v2sf) =	vpush v1, $0x0;
	_ =	sdelay $0xe  }
0x11e: {  	s30 =	spop (v2sf)  }
0x11f: {  	p1 =	sne.s32 s29, s30  }
.Ltmp17:
0x120: {  	_ = 	snop;
	(pc) =	sbr.rel @!p1 .LBB3_13-.Ltmp17, $2  }
0x121: {  	_ =	sdelay $0x2  }
0x122: {  	s0 =	sshll.u32 s22, $0x9  }
0x123: {  	p1 =	seq.s32 s29, s24  }
.Ltmp18:
0x124: {  	_ = 	snop;
	(pc) =	sbr.rel @!p1 .LBB3_15-.Ltmp18, $1  }
0x125: {  	_ =	sdelay $0x3  }
0x126: {  	s0 =	sshra.s32 s0, $0x2  }
.Ltmp19:
0x127: {  	s0 =	sadd.s32 $0x108, s0;
	(pc) =	sbr.rel .LBB3_16-.Ltmp19, $4  }
0x128: {  	[spmem:s16] =	stream.linear.scatter [tilespmem:s0], [sflag:$0x1], $0x80, $0x38;
	[tilespmem:$0x1F6F8] =	vst v63  }
0x129: {  	_ =	swait.ge [sflag:s12], $0x80  }
0x12a: {  	[sflag:s12] =	ssyncset.done $0x0  }
0x12b: {  	[sflag:s12] =	ssyncadd.s32 $0xFFFFFF80  }
.LBB3_15:
0x12c: {  	s2 =	sshll.u32 s28, $0x9  }
0x12d: {  	s2 =	sshra.s32 s2, $0x2  }
0x12e: {  	v1 =	vld [tilespmem:s2+$0x7988];
	_ =	sdelay $0x3  }
0x12f: {  	s0 =	sshra.s32 s0, $0x2  }
0x130: {  	[tilespmem:s0+$0x108] =	vst.add.f32.msk $0xffff, v1  }
0x131: {  	v1 =	vld [tilespmem:s2+$0x7998];
	_ =	sdelay $0x4  }
0x132: {  	[tilespmem:s0+$0x118] =	vst.add.f32.msk $0xffff, v1  }
0x133: {  	v1 =	vld [tilespmem:s2+$0x79A8];
	_ =	sdelay $0x4  }
0x134: {  	[tilespmem:s0+$0x128] =	vst.add.f32.msk $0xffff, v1  }
0x135: {  	v1 =	vld [tilespmem:s2+$0x79B8];
	_ =	sdelay $0x4  }
0x136: {  	[tilespmem:s0+$0x138] =	vst.add.f32.msk $0xffff, v1  }
0x137: {  	v1 =	vld [tilespmem:s2+$0x79C8];
	_ =	sdelay $0x4  }
0x138: {  	[tilespmem:s0+$0x148] =	vst.add.f32.msk $0xffff, v1  }
0x139: {  	v1 =	vld [tilespmem:s2+$0x79D8];
	_ =	sdelay $0x4  }
0x13a: {  	[tilespmem:s0+$0x158] =	vst.add.f32.msk $0xffff, v1  }
0x13b: {  	v1 =	vld [tilespmem:s2+$0x79E8];
	_ =	sdelay $0x4  }
0x13c: {  	[tilespmem:s0+$0x168] =	vst.add.f32.msk $0xffff, v1  }
0x13d: {  	v1 =	vld [tilespmem:s2+$0x79F8];
	_ =	sdelay $0x2  }
0x13e: {  	p1 =	sgt.u32 s29, $0x277F0  }
0x13f: {  	s2 =	sand.u32 @!p1 $0x3FFF8, s29  }
0x140: {  	s3 =	sadd.s32 $0x108, s0;
	[tilespmem:s0+$0x178] =	vst.add.f32.msk $0xffff, v1;
	s0 =	sadd.s32 @!p1 s1, s2;
	s2 =	sand.u32 @!p1 $0x7, s29  }
0x141: {  	[hbm4b:s0+s2] =	stream.linear.scatter @!p1 [tilespmem:s3], [sflag:$0xC], $0x80, $0x38;
	[tilespmem:$0x1F6F8] =	vst v63  }
0x142: {  	s0 =	simm.s32 $0x0  }
0x143: {  	s0 =	simm.s32 @!p1 $0x200  }
0x144: {  	s31 =	sadd.s32 s0, s31  }
.LBB3_16:
0x145: {  	s0 =	sadd.s32 $0x1, s22  }
0x146: {  	s2 =	smulhi.u32 $0x88888889, s0;
	_ =	sdelay $0x1  }
0x147: {  	v1 =	vld [tilespmem:s25+$0xFFFFFFC0];
	s2 =	sshrl.u32 s2, $0x7  }
0x148: {  	s2 =	smul.u32 $0xF0, s2;
	_ =	sdelay $0x1  }
0x149: {  	s22 =	ssub.s32 s0, s2  }
0x14a: {  	s0 =	sshll.u32 s22, $0x7  }
0x14b: {  	[tilespmem:s0+$0x108] =	vst v1  }
0x14c: {  	v1 =	vld [tilespmem:s25+$0xFFFFFFD0];
	_ =	sdelay $0x4  }
0x14d: {  	[tilespmem:s0+$0x118] =	vst v1  }
0x14e: {  	v1 =	vld [tilespmem:s25+$0xFFFFFFE0];
	_ =	sdelay $0x4  }
0x14f: {  	[tilespmem:s0+$0x128] =	vst v1  }
0x150: {  	v1 =	vld [tilespmem:s25+$0xFFFFFFF0];
	_ =	sdelay $0x4  }
0x151: {  	[tilespmem:s0+$0x138] =	vst v1  }
0x152: {  	v1 =	vld [tilespmem:s25+$0x0];
	_ =	sdelay $0x4  }
0x153: {  	[tilespmem:s0+$0x148] =	vst v1  }
0x154: {  	v1 =	vld [tilespmem:s25+$0x10];
	_ =	sdelay $0x4  }
0x155: {  	[tilespmem:s0+$0x158] =	vst v1  }
0x156: {  	v1 =	vld [tilespmem:s25+$0x20];
	_ =	sdelay $0x4  }
0x157: {  	[tilespmem:s0+$0x168] =	vst v1  }
0x158: {  	v1 =	vld [tilespmem:s25+$0x30]  }
.Ltmp20:
0x159: {  	_ = 	snop;
	(pc) =	sbr.rel .LBB3_17-.Ltmp20, $2  }
0x15a: {  	_ =	sdelay $0x2  }
0x15b: {  	s28 =	sadd.s32 $0x1, s28;
	[tilespmem:s0+$0x178] =	vst v1  }
.LBB3_19:
.Ltmp21:
0x15c: {  	(pc) =	sbr.rel .LBB3_20-.Ltmp21, $4  }
0x15d: {  	_ = 	snop  }
0x15e: {  	s0 =	simm.s32 $0x2  }
0x15f: {  	_ =	swait.ge [sflag:s0], $0x0  }
0x160: {  	s30 =	smov.u32 s29;
	[sflag:s0] =	ssyncset.done $0x0;
	s0 =	simm.s32 $0x0  }
.LBB3_22:
0x161: {  	_ =	sfence.sel $0x180000  }
0x162: {  	s0 =	simm.s32 $0x9;
	[bflag:$0x0] =	sbarrier.arrive $0xFFFF  }
0x163: {  	s24 =	simm.s32 $0xA;
	[sflag:s0] =	ssyncpa.u1 $0x1  }
0x164: {  	s25 =	simm.s32 $0xB;
	[sflag:s24] =	ssyncpa.u1 $0x1  }
0x165: {  	s26 =	simm.s32 $0x2;
	[sflag:s25] =	ssyncpa.u1 $0x1  }
0x166: {  	[sflag:s26] =	ssyncpa.u1 $0x1  }
0x167: {  	v0 =	vld [tilespmem:$0xF208];
	_ =	sdelay $0x4  }
0x168: {  	(v2sf) =	vpush v0, $0x0  }
0x169: {  	(v2sf) =	vpush v0, $0x1;
	_ =	sdelay $0x1  }
0x16a: {  	(v2sf) =	vpush v0, $0x2;
	_ =	sdelay $0xb  }
0x16b: {  	s0 =	spop (v2sf)  }
0x16c: {  	s2 =	spop (v2sf)  }
0x16d: {  	s3 =	smov.u32 s0;
	p0 =	sne.s32 s0, s2  }
0x16e: {  	s4 =	spop (v2sf);
	s3 =	simm.s32 @!p0 $0xFFFFFFFF  }
0x16f: {  	v2 =	vimm.s32 $0x1;
	v3 =	vlaneseq.u32;
	p0 =	seq.s32 s4, $0xFFFFFFFF;
	v1 =	vmov s3  }
0x170: {  	s16 =	stileid.u32;
	v0 =	vperm.xlane v0, v2;
	p1 =	sne.s32 @!p0 s0, s2;
	v1 =	vperm.xlane v1, v3  }
0x171: {  	vm0 =	vcmask $0x3F04;
	s6 =	simm.s32 $0xF208;
	s0 =	simm.s32 @!p0 $0x1;
	p1 =	por !p1, p0  }
0x172: {  	s3 =	sshll.u32 s16, $0x1;
	s2 =	sshll.u32 @!p0 s4, $0x9;
	s0 =	simm.s32 @p1 $0x0;
	v0 =	vsel vm0, v1, v0  }
0x173: {  	s5 =	sor.u32 $0x1000, s3;
	s2 =	sshra.s32 @!p0 s2, $0x2;
	s0 =	sor.u32 @!p0 s0, s3;
	[tilespmem:$0xF208] =	vst v0  }
0x174: {  	[spmem:s5] =	stream.linear.scatter [tilespmem:s6], [sflag:$0x1], $0x2, $0x38;
	[tilespmem:$0x1F6F8] =	vst v63  }
0x175: {  	s2 =	sadd.s32 @!p0 $0x108, s2;
	s0 =	sshll.u32 @!p0 s0, $0x7  }
0x176: {  	[spmem:s0] =	stream.linear.scatter @!p0 [tilespmem:s2], [sflag:$0x1], $0x80, $0x38;
	[tilespmem:$0x1F6F8] =	vst v63  }
0x177: {  	s0 =	simm.s32 @!p0 $0x82  }
0x178: {  	s28 =	simm.s32 $0x1;
	s0 =	simm.s32 @p0 $0x2  }
0x179: {  	_ =	swait.ge [sflag:s28], s0  }
0x17a: {  	s0 =	ssub.s32 $0x0, s0;
	[sflag:s28] =	ssyncset.done $0x0  }
0x17b: {  	p0 =	sne.s32 s16, $0x0;
	[sflag:s28] =	ssyncadd.s32 s0  }
.Ltmp22:
0x17c: {  	_ =	sfence.stream.spmem;
	(pc) =	sbr.rel @p0 .LBB3_39-.Ltmp22, $4  }
0x17d: {  	s29 =	simm.s32 $0x3;
	[bflag:$0x0] =	sbarrier.arrive $0xFFFF  }
0x17e: {  	s30 =	simm.s32 $0x4;
	[sflag:s29] =	ssyncpa.u1 $0x1  }
0x17f: {  	s31 =	simm.s32 $0x3C;
	[sflag:s30] =	ssyncpa.u1 $0x1  }
0x180: {  	s15 =	rddreg [dreg:$0x4];
	[sflag:s31] =	ssyncpa.u1 $0x1  }
0x181: {  	_ =	sfence.stream.spmem;
	s0 =	simm.s32 $0x5  }
0x182: {  	s2 =	simm.s32 $0x1000;
	s3 =	simm.s32 $0xF218;
	[sflag:s0] =	ssyncpa.u1 $0x0  }
0x183: {  	[tilespmem:s3], [sflag:$0x5] =	stream.linear.gather [spmem:s2], $0x20, $0x38;
	[tilespmem:$0x1F6F8] =	vst v63  }
0x184: {  	s26 =	simm.s32 $0x0;
	s28 =	simm.s32 $0xF238  }
0x185: {  	[tilespmem:s28], [sflag:$0x5] =	stream.linear.gather [spmem:s26], $0x1000, $0x38;
	[tilespmem:$0x1F6F8] =	vst v63  }
0x186: {  	_ =	swait.ge [sflag:s0], $0x1020  }
0x187: {  	[sflag:s0] =	ssyncset.done $0x0  }
0x188: {  	s29 =	simm.s32 $0x0;
	[sflag:s0] =	ssyncadd.s32 $0xFFFFEFE0  }
0x189: {  	v0 =	vld.msk [tilespmem:s29+$0xF218], $0x1;
	_ =	sdelay $0x1  }
0x18a: {  	s30 =	simm.s32 $0x1  }
0x18b: {  	v1 =	vld.msk [tilespmem:s30+$0xF218], $0x1;
	_ =	sdelay $0x1  }
0x18c: {  	(v2sf) =	vpush v0, $0x0;
	_ =	sdelay $0x2  }
0x18d: {  	(v2sf) =	vpush v1, $0x0;
	_ =	sdelay $0x2  }
0x18e: {  	s31 =	simm.s32 $0x2  }
0x18f: {  	v0 =	vld.msk [tilespmem:s31+$0xF218], $0x1;
	_ =	sdelay $0x2  }
0x190: {  	s4 =	simm.s32 $0xFFFFFFFF;
	s5 =	simm.s32 $0xFFFFFFFF;
	s0 =	simm.s32 $0xC  }
.LBB3_24:
0x191: {  	s2 =	smov.u32 s5;
	s3 =	smov.u32 s4  }
0x192: {  	s4 =	sshra.s32 s0, $0x2;
	p1 =	sne.s32 s0, $0x7C;
	s0 =	sadd.s32 $0x4, s0;
	(v2sf) =	vpush v0, $0x0  }
0x193: {  	v0 =	vld.msk [tilespmem:s4+$0xF218], $0x1  }
.Ltmp23:
0x194: {  	(pc) =	sbr.rel @p1 .LBB3_24-.Ltmp23, $4  }
0x195: {  	s5 =	spop (v2sf)  }
0x196: {  	p2 =	sne.s32 s3, $0xFFFFFFFF;
	s4 =	smov.u32 s5  }
0x197: {  	p3 =	seq.s32 s5, $0xFFFFFFFF;
	s4 =	smov.u32 @p2 s3  }
0x198: {  	s5 =	smov.u32 @p3 s2;
	s4 =	smov.u32 @p3 s3  }
0x199: {  	(v2sf) =	vpush v0, $0x0;
	_ =	sdelay $0x8  }
0x19a: {  	s0 =	spop (v2sf)  }
0x19b: {  	p1 =	sne.s32 s4, $0xFFFFFFFF;
	s2 =	smov.u32 s0  }
0x19c: {  	s9 =	simm.s32 $0x6;
	p2 =	seq.s32 s0, $0xFFFFFFFF;
	s2 =	smov.u32 @p1 s4  }
0x19d: {  	s6 =	simm.s32 $0x0;
	s2 =	smov.u32 @p2 s4;
	s3 =	spop (v2sf)  }
0x19e: {  	s0 =	smov.u32 @p2 s5;
	p1 =	sne.s32 s2, $0xFFFFFFFF;
	s4 =	smov.u32 s3  }
.Ltmp24:
0x19f: {  	p2 =	seq.s32 s3, $0xFFFFFFFF;
	s4 =	smov.u32 @p1 s2;
	(pc) =	sbr.rel .LBB3_26-.Ltmp24, $4  }
0x1a0: {  	s10 =	simm.s32 $0xF188;
	s4 =	smov.u32 @p2 s2;
	s7 =	spop (v2sf)  }
0x1a1: {  	s11 =	simm.s32 $0x0;
	p1 =	sne.s32 s4, $0xFFFFFFFF;
	s8 =	smov.u32 s7  }
0x1a2: {  	s3 =	smov.u32 @p2 s0;
	p2 =	seq.s32 s7, $0xFFFFFFFF;
	s8 =	smov.u32 @p1 s4  }
0x1a3: {  	[sflag:s9] =	ssyncpa.u1 $0x0;
	s7 =	smov.u32 @p2 s3;
	s8 =	smov.u32 @p2 s4  }
.LBB3_32:
0x1a4: {  	p1 =	sgt.u32 s12, $0x277F0  }
0x1a5: {  	p2 =	seq.s32 @!p1 s12, s8  }
0x1a6: {  	p1 =	por p1, p2  }
0x1a7: {  	p2 =	sne.s32 @!p1 s12, s7  }
0x1a8: {  	p1 =	por p1, !p2  }
0x1a9: {  	s0 =	sshll.u32 @p1 s11, $0x9  }
0x1aa: {  	s0 =	sand.u32 @!p1 $0x3FFF8, s12  }
0x1ab: {  	s2 =	sand.u32 @!p1 $0x7, s12;
	s0 =	sadd.s32 @!p1 s1, s0  }
0x1ac: {  	[tilespmem:s10], [sflag:$0x6] =	stream.linear.gather @!p1 [hbm4b:s0+s2], $0x80, $0x38;
	[tilespmem:$0x1F6F8] =	vst v63  }
0x1ad: {  	_ =	swait.ge @!p1 [sflag:s9], $0x80  }
0x1ae: {  	[sflag:s9] =	ssyncset.done @!p1 $0x0  }
0x1af: {  	[sflag:s9] =	ssyncadd.s32 @!p1 $0xFFFFFF80  }
0x1b0: {  	v1 =	vld @!p1 [tilespmem:$0xF188];
	_ =	sdelay $0x2  }
0x1b1: {  	s0 =	sshll.u32 @!p1 s11, $0x9  }
0x1b2: {  	s2 =	sshrl.u32 @!p1 s0, $0x2  }
0x1b3: {  	[tilespmem:s2+$0xF238] =	vst.add.f32.msk @!p1 $0xffff, v1  }
0x1b4: {  	v1 =	vld @!p1 [tilespmem:$0xF198];
	_ =	sdelay $0x4  }
0x1b5: {  	[tilespmem:s2+$0xF248] =	vst.add.f32.msk @!p1 $0xffff, v1  }
0x1b6: {  	v1 =	vld @!p1 [tilespmem:$0xF1A8];
	_ =	sdelay $0x4  }
0x1b7: {  	[tilespmem:s2+$0xF258] =	vst.add.f32.msk @!p1 $0xffff, v1  }
0x1b8: {  	v1 =	vld @!p1 [tilespmem:$0xF1B8];
	_ =	sdelay $0x4  }
0x1b9: {  	[tilespmem:s2+$0xF268] =	vst.add.f32.msk @!p1 $0xffff, v1  }
0x1ba: {  	v1 =	vld @!p1 [tilespmem:$0xF1C8];
	_ =	sdelay $0x4  }
0x1bb: {  	[tilespmem:s2+$0xF278] =	vst.add.f32.msk @!p1 $0xffff, v1  }
0x1bc: {  	v1 =	vld @!p1 [tilespmem:$0xF1D8];
	_ =	sdelay $0x4  }
0x1bd: {  	[tilespmem:s2+$0xF288] =	vst.add.f32.msk @!p1 $0xffff, v1  }
0x1be: {  	v1 =	vld @!p1 [tilespmem:$0xF1E8];
	_ =	sdelay $0x4  }
0x1bf: {  	[tilespmem:s2+$0xF298] =	vst.add.f32.msk @!p1 $0xffff, v1  }
0x1c0: {  	v1 =	vld @!p1 [tilespmem:$0xF1F8];
	_ =	sdelay $0x4  }
0x1c1: {  	[tilespmem:s2+$0xF2A8] =	vst.add.f32.msk @!p1 $0xffff, v1  }
0x1c2: {  	s0 =	sshrl.u32 s0, $0x2;
	[tilespmem:s6+$0xF218] =	vst.msk $0x1, v0  }
0x1c3: {  	v0 =	vld [tilespmem:s0+$0xF238];
	_ =	sdelay $0x2  }
0x1c4: {  	s31 =	sshll.u32 s6, $0x9  }
0x1c5: {  	s2 =	sshra.s32 s31, $0x2  }
0x1c6: {  	[tilespmem:s2+$0xF238] =	vst v0  }
0x1c7: {  	v0 =	vld [tilespmem:s0+$0xF248];
	_ =	sdelay $0x4  }
0x1c8: {  	[tilespmem:s2+$0xF248] =	vst v0  }
0x1c9: {  	v0 =	vld [tilespmem:s0+$0xF258];
	_ =	sdelay $0x4  }
0x1ca: {  	[tilespmem:s2+$0xF258] =	vst v0  }
0x1cb: {  	v0 =	vld [tilespmem:s0+$0xF268];
	_ =	sdelay $0x4  }
0x1cc: {  	[tilespmem:s2+$0xF268] =	vst v0  }
0x1cd: {  	v0 =	vld [tilespmem:s0+$0xF278];
	_ =	sdelay $0x4  }
0x1ce: {  	[tilespmem:s2+$0xF278] =	vst v0  }
0x1cf: {  	v0 =	vld [tilespmem:s0+$0xF288];
	_ =	sdelay $0x4  }
0x1d0: {  	[tilespmem:s2+$0xF288] =	vst v0  }
0x1d1: {  	v0 =	vld [tilespmem:s0+$0xF298];
	_ =	sdelay $0x4  }
0x1d2: {  	[tilespmem:s2+$0xF298] =	vst v0  }
0x1d3: {  	v0 =	vld [tilespmem:s0+$0xF2A8];
	_ =	sdelay $0x4  }
0x1d4: {  	s6 =	sadd.s32 $0x1, s6;
	[tilespmem:s2+$0xF2A8] =	vst v0  }
.LBB3_33:
0x1d5: {  	s11 =	sadd.s32 $0x1, s11  }
0x1d6: {  	p1 =	sne.s32 s11, $0x20  }
.Ltmp25:
0x1d7: {  	_ = 	snop;
	(pc) =	sbr.rel @!p1 .LBB3_34-.Ltmp25, $1  }
0x1d8: {  	_ =	sdelay $0x3  }
.LBB3_26:
0x1d9: {  	v0 =	vld.msk [tilespmem:s11+$0xF218], $0x1;
	_ =	sdelay $0x4  }
0x1da: {  	(v2sf) =	vpush v0, $0x0;
	_ =	sdelay $0xe  }
0x1db: {  	s12 =	spop (v2sf)  }
0x1dc: {  	p1 =	seq.s32 s12, $0xFFFFFFFF  }
.Ltmp26:
0x1dd: {  	_ = 	snop;
	(pc) =	sbr.rel @p1 .LBB3_33-.Ltmp26, $1  }
0x1de: {  	_ =	sdelay $0x3  }
0x1df: {  	p1 =	slt.s32 s6, $0x1  }
.Ltmp27:
0x1e0: {  	_ = 	snop;
	(pc) =	sbr.rel @p1 .LBB3_32-.Ltmp27, $1  }
0x1e1: {  	_ =	sdelay $0x3  }
0x1e2: {  	s13 =	simm.s32 $0xF218;
	p1 =	por $0x0, $0x0  }
0x1e3: {  	v1 =	vld.msk @!p1 [tilespmem:s13+$0x0], $0x1;
	_ =	sdelay $0x4  }
0x1e4: {  	(v2sf) =	vpush @!p1 v1, $0x0;
	_ =	sdelay $0xd  }
0x1e5: {  	p3 =	sne.s32 s6, $0x1  }
.Ltmp28:
0x1e6: {  	s0 =	spop @!p1 (v2sf);
	(pc) =	sbr.rel @!p3 .LBB3_30-.Ltmp28, $4  }
0x1e7: {  	p2 =	seq.s32 @!p1 s12, s0  }
0x1e8: {  	s14 =	simm.s32 $0x0;
	p2 =	por !p2, p1  }
0x1e9: {  	s2 =	simm.s32 $0xFFFFFFFF;
	s14 =	simm.s32 @p2 $0xFFFFFFFF  }
0x1ea: {  	s0 =	simm.s32 $0x1;
	s14 =	smov.u32 @p1 s2  }
.LBB3_29:
0x1eb: {  	s2 =	smov.u32 s14;
	p1 =	sne.s32 s14, $0xFFFFFFFF  }
0x1ec: {  	s13 =	sadd.s32 $0x1, s13;
	s14 =	smov.u32 s0;
	s0 =	sadd.s32 $0x1, s0  }
0x1ed: {  	p2 =	sne.s32 s6, s0;
	v1 =	vld.msk @!p1 [tilespmem:s13+$0x0], $0x1;
	_ =	sdelay $0x4  }
0x1ee: {  	(v2sf) =	vpush @!p1 v1, $0x0;
	_ =	sdelay $0xe  }
.Ltmp29:
0x1ef: {  	s3 =	spop @!p1 (v2sf);
	(pc) =	sbr.rel @p2 .LBB3_29-.Ltmp29, $4  }
0x1f0: {  	p3 =	seq.s32 @!p1 s12, s3  }
0x1f1: {  	p3 =	por !p3, p1  }
0x1f2: {  	s14 =	simm.s32 @p3 $0xFFFFFFFF  }
0x1f3: {  	s14 =	smov.u32 @p1 s2  }
.LBB3_30:
0x1f4: {  	p1 =	seq.s32 s14, $0xFFFFFFFF  }
.Ltmp30:
0x1f5: {  	_ = 	snop;
	(pc) =	sbr.rel @p1 .LBB3_32-.Ltmp30, $1  }
0x1f6: {  	_ =	sdelay $0x3  }
0x1f7: {  	s0 =	sshll.u32 s11, $0x7  }
0x1f8: {  	s0 =	sand.u32 $0x3FFFFF80, s0  }
0x1f9: {  	v0 =	vld [tilespmem:s0+$0xF238];
	_ =	sdelay $0x2  }
0x1fa: {  	s2 =	sshll.u32 s14, $0x9  }
0x1fb: {  	s2 =	sshra.s32 s2, $0x2  }
0x1fc: {  	[tilespmem:s2+$0xF238] =	vst.add.f32.msk $0xffff, v0  }
0x1fd: {  	v0 =	vld [tilespmem:s0+$0xF248];
	_ =	sdelay $0x4  }
0x1fe: {  	[tilespmem:s2+$0xF248] =	vst.add.f32.msk $0xffff, v0  }
0x1ff: {  	v0 =	vld [tilespmem:s0+$0xF258];
	_ =	sdelay $0x4  }
0x200: {  	[tilespmem:s2+$0xF258] =	vst.add.f32.msk $0xffff, v0  }
0x201: {  	v0 =	vld [tilespmem:s0+$0xF268];
	_ =	sdelay $0x4  }
0x202: {  	[tilespmem:s2+$0xF268] =	vst.add.f32.msk $0xffff, v0  }
0x203: {  	v0 =	vld [tilespmem:s0+$0xF278];
	_ =	sdelay $0x4  }
0x204: {  	[tilespmem:s2+$0xF278] =	vst.add.f32.msk $0xffff, v0  }
0x205: {  	v0 =	vld [tilespmem:s0+$0xF288];
	_ =	sdelay $0x4  }
0x206: {  	[tilespmem:s2+$0xF288] =	vst.add.f32.msk $0xffff, v0  }
0x207: {  	v0 =	vld [tilespmem:s0+$0xF298];
	_ =	sdelay $0x4  }
0x208: {  	[tilespmem:s2+$0xF298] =	vst.add.f32.msk $0xffff, v0  }
0x209: {  	v0 =	vld [tilespmem:s0+$0xF2A8]  }
.Ltmp31:
0x20a: {  	_ = 	snop;
	(pc) =	sbr.rel .LBB3_33-.Ltmp31, $2  }
0x20b: {  	_ =	sdelay $0x2  }
0x20c: {  	[tilespmem:s2+$0xF2A8] =	vst.add.f32.msk $0xffff, v0  }
.LBB3_34:
0x20d: {  	s0 =	simm.s32 $0x6;
	p1 =	seq.s32 s6, $0x0  }
0x20e: {  	[sflag:s0] =	ssyncpa.u1 $0x1;
	v0 =	vimm.s32 @p1 $0xFFFFFFFF  }
0x20f: {  	s9 =	sadd.s32 $0xFFFFFFFF, s6;
	[tilespmem:$0x10238] =	vst @p1 v0  }
0x210: {  	v0 =	vld.msk @!p1 [tilespmem:s9+$0xF218], $0x1;
	_ =	sdelay $0x1  }
0x211: {  	v1 =	vld.msk @!p1 [tilespmem:$0xF218], $0x1;
	_ =	sdelay $0x2  }
0x212: {  	p2 =	seq.s32 @!p1 s9, $0x0;
	v0 =	vbroadcast @!p1 v0, $0x0  }
0x213: {  	vm0 =	vmmov @!p1 $0x1;
	p2 =	por !p2, p1  }
0x214: {  	v1 =	vnsel @!p1 vm0, $0xFFFFFFFF, v1;
	vm0 =	vcmask @!p1 $0x308;
	v0 =	vpsel !p2, $0xFFFFFFFF, v0  }
0x215: {  	p2 =	sne.s32 @!p1 s8, s7;
	v0 =	vsel @!p1 vm0, v1, v0  }
0x216: {  	s0 =	simm.s32 @!p1 $0xF238;
	s2 =	simm.s32 @!p1 $0x0;
	p3 =	por !p2, p1;
	[tilespmem:$0x10238] =	vst @!p1 v0  }
0x217: {  	[spmem:s2] =	stream.linear.scatter @!p1 [tilespmem:s0], [sflag:$0x1], $0x80, $0x38;
	[tilespmem:$0x1F6F8] =	vst v63  }
0x218: {  	s0 =	sshll.u32 @!p3 s9, $0x9  }
0x219: {  	s0 =	sshra.s32 @!p3 s0, $0x2  }
0x21a: {  	s2 =	simm.s32 @!p3 $0x80;
	s0 =	sadd.s32 @!p3 $0xF238, s0  }
0x21b: {  	[spmem:s2] =	stream.linear.scatter @!p3 [tilespmem:s0], [sflag:$0x1], $0x80, $0x38;
	[tilespmem:$0x1F6F8] =	vst v63  }
0x21c: {  	s0 =	simm.s32 @!p3 $0x1  }
0x21d: {  	_ =	swait.ge @!p3 [sflag:s0], $0x100  }
0x21e: {  	p1 =	por p2, p1;
	[sflag:s0] =	ssyncset.done @!p3 $0x0  }
0x21f: {  	[sflag:s0] =	ssyncadd.s32 @!p3 $0xFFFFFF00;
	s0 =	simm.s32 @!p1 $0x1  }
0x220: {  	_ =	swait.ge @!p1 [sflag:s0], $0x80  }
0x221: {  	s29 =	simm.s32 $0x10238;
	[sflag:s0] =	ssyncset.done @!p1 $0x0  }
0x222: {  	s30 =	simm.s32 $0x1000;
	s31 =	simm.s32 $0x1;
	[sflag:s0] =	ssyncadd.s32 @!p1 $0xFFFFFF80  }
0x223: {  	[spmem:s30] =	stream.linear.scatter [tilespmem:s29], [sflag:$0x1], $0x10, $0x38;
	[tilespmem:$0x1F6F8] =	vst v63  }
0x224: {  	_ =	swait.ge [sflag:s31], $0x10  }
0x225: {  	[sflag:s31] =	ssyncset.done $0x0  }
0x226: {  	p1 =	seq.s32 s15, $0x0;
	s8 =	rddreg [dreg:$0x1];
	[sflag:s31] =	ssyncadd.s32 $0xFFFFFFF0  }
0x227: {  	s2 =	sshll.u32 @p1 s8, $0xE;
	s7 =	rddreg [dreg:$0x2]  }
0x228: {  	s0 =	sadd.s32 @p1 $0x15C3C, s2;
	s2 =	sshll.u32 @p1 s7, $0x11  }
0x229: {  	_ =	sfence.stream.spmem;
	s0 =	sor.u32 @p1 s2, s0  }
0x22a: {  	[sflag:s0] =	ssyncadd.remote.s32 @p1 $0x1;
	s0 =	simm.s32 @p1 $0x4  }
0x22b: {  	s3 =	simm.s32 @!p1 $0x3C;
	s2 =	sand.u32 $0xFFFFFFFE, s8;
	_ =	swait.ge @p1 [sflag:s0], $0x22  }
0x22c: {  	s4 =	simm.s32 @!p1 $0x0;
	s2 =	sadd.s32 @!p1 $0x4, s2;
	[sflag:s0] =	ssyncset.done @p1 $0x0  }
0x22d: {  	s5 =	simm.s32 @!p1 $0x100;
	[sflag:s0] =	ssyncadd.s32 @p1 $0xFFFFFFDE;
	s0 =	sshll.u32 @!p1 s2, $0x1A  }
0x22e: {  	s2 =	sshll.u32 @!p1 s2, $0xD;
	s0 =	sor.u32 @!p1 s0, s7;
	_ =	swait.eq @!p1 [sflag:s3], $0x1  }
0x22f: {  	s2 =	sor.u32 @!p1 $0x1C04, s2;
	s3 =	simm.s32 @!p1 $0x1C03;
	s0 =	sor.u32 @!p1 $0x80004000, s0  }
0x230: {  	[spmem:s5], [sflag:s2] =	dma.general @!p1 [spmem:s4], [sflag:s3], length:$0x20, [dreg:$0x0], stride_count:$0x0, ici_dest:s0, dma_misc:DstOpCode:WRITE  }
0x231: {  	p2 =	slt.s32 s9, $0x2;
	s4 =	simm.s32 @!p1 $0x200;
	s5 =	simm.s32 @!p1 $0x202  }
0x232: {  	[spmem:s5], [sflag:s2] =	dma.general @!p1 [spmem:s4], [sflag:s3], length:$0x2, [dreg:$0x0], stride_count:$0x0, ici_dest:s0, dma_misc:DstOpCode:WRITE  }
.Ltmp32:
0x233: {  	s0 =	simm.s32 @!p1 $0x3;
	(pc) =	sbr.rel @p2 .LBB3_38-.Ltmp32, $4  }
0x234: {  	s2 =	sshll.u32 @!p1 s8, $0xE;
	_ =	swait.ge @!p1 [sflag:s0], $0x22  }
0x235: {  	s3 =	sshll.u32 @!p1 s7, $0x11;
	s2 =	sadd.s32 @!p1 $0x11C3C, s2;
	[sflag:s0] =	ssyncset.done @!p1 $0x0  }
0x236: {  	[sflag:s0] =	ssyncadd.s32 @!p1 $0xFFFFFFDE;
	s0 =	sor.u32 @!p1 s3, s2  }
0x237: {  	[sflag:s0] =	ssyncadd.remote.s32 @!p1 $0xFFFFFFFF;
	s0 =	simm.s32 $0x0  }
0x238: {  	s0 =	simm.s32 $0xF219  }
0x239: {  	v0 =	vld.msk [tilespmem:s0+$0x0], $0x1;
	_ =	sdelay $0x4  }
0x23a: {  	(v2sf) =	vpush v0, $0x0;
	_ =	sdelay $0xb  }
0x23b: {  	s31 =	sadd.s32 $0xFFFFFFFE, s6  }
0x23c: {  	s0 =	sadd.s32 $0xFFFFFFFF, s31  }
0x23d: {  	p2 =	sne.s32 s0, $0x0  }
.Ltmp33:
0x23e: {  	s2 =	spop (v2sf);
	(pc) =	sbr.rel @!p2 .LBB3_37-.Ltmp33, $4  }
0x23f: {  	s4 =	simm.s32 $0xF2B8;
	s7 =	simm.s32 $0x0;
	p1 =	sgt.u32 s2, $0x277F0  }
0x240: {  	s5 =	simm.s32 $0x0;
	s6 =	simm.s32 $0xF21A;
	s3 =	sand.u32 @!p1 $0x3FFF8, s2  }
0x241: {  	s2 =	sand.u32 @!p1 $0x7, s2;
	s7 =	simm.s32 @!p1 $0x200;
	s3 =	sadd.s32 @!p1 s1, s3  }
0x242: {  	[hbm4b:s3+s2] =	stream.linear.scatter @!p1 [tilespmem:s4], [sflag:$0x5], $0x80, $0x38;
	[tilespmem:$0x1F6F8] =	vst v63  }
.LBB3_36:
0x243: {  	v0 =	vld.msk [tilespmem:s6+$0x0], $0x1;
	s0 =	sadd.s32 $0xFFFFFFFF, s0;
	s5 =	sadd.s32 s5, s7  }
0x244: {  	p1 =	sne.s32 s0, $0x0;
	_ =	sdelay $0x3  }
0x245: {  	(v2sf) =	vpush v0, $0x0;
	_ =	sdelay $0xe  }
.Ltmp34:
0x246: {  	s2 =	spop (v2sf);
	(pc) =	sbr.rel @p1 .LBB3_36-.Ltmp34, $4  }
0x247: {  	s7 =	simm.s32 $0x0;
	p2 =	sgt.u32 s2, $0x277F0  }
0x248: {  	s4 =	sadd.s32 $0x80, s4;
	s7 =	simm.s32 @!p2 $0x200;
	s3 =	sand.u32 @!p2 $0x3FFF8, s2  }
0x249: {  	s6 =	sadd.s32 $0x1, s6;
	s2 =	sand.u32 @!p2 $0x7, s2;
	s3 =	sadd.s32 @!p2 s1, s3  }
0x24a: {  	[hbm4b:s3+s2] =	stream.linear.scatter @!p2 [tilespmem:s4], [sflag:$0x5], $0x80, $0x38;
	[tilespmem:$0x1F6F8] =	vst v63  }
.LBB3_37:
0x24b: {  	s0 =	sadd.s32 s5, s7  }
0x24c: {  	s0 =	sshrl.u32 s0, $0x2  }
.LBB3_38:
0x24d: {  	s2 =	simm.s32 $0x5  }
0x24e: {  	_ =	swait.ge [sflag:s2], s0  }
0x24f: {  	s31 =	ssub.s32 $0x0, s0;
	[sflag:s2] =	ssyncset.done $0x0  }
0x250: {  	[sflag:s2] =	ssyncadd.s32 s31  }
0x251: {  	[sflag:s2] =	ssyncpa.u1 $0x1  }
.LBB3_39:
0x252: {  	s0 =	sor.u32 s15, s16  }
0x253: {  	p1 =	sne.s32 s0, $0x0  }
.Ltmp35:
0x254: {  	_ = 	snop;
	(pc) =	sbr.rel @p1 .LBB3_54-.Ltmp35, $3  }
0x255: {  	_ =	sdelay $0x1  }
0x256: {  	[bflag:$0x0] =	sbarrier.arrive $0xFFFF  }
0x257: {  	_ =	sfence  }
0x258: {  	s0 =	simm.s32 $0x7  }
0x259: {  	s2 =	simm.s32 $0x1000;
	s3 =	simm.s32 $0xF218;
	[sflag:s0] =	ssyncpa.u1 $0x0  }
0x25a: {  	[tilespmem:s3], [sflag:$0x7] =	stream.linear.gather [spmem:s2], $0x20, $0x38;
	[tilespmem:$0x1F6F8] =	vst v63  }
0x25b: {  	s30 =	simm.s32 $0xF238;
	s2 =	simm.s32 $0x0  }
0x25c: {  	[tilespmem:s30], [sflag:$0x7] =	stream.linear.gather [spmem:s2], $0x1000, $0x38;
	[tilespmem:$0x1F6F8] =	vst v63  }
.Ltmp36:
0x25d: {  	_ = 	snop;
	(pc) =	sbr.rel .LBB3_41-.Ltmp36, $4  }
0x25e: {  	_ =	swait.ge [sflag:s0], $0x1020  }
0x25f: {  	[sflag:s0] =	ssyncset.done $0x0  }
0x260: {  	s31 =	simm.s32 $0x8;
	[sflag:s0] =	ssyncadd.s32 $0xFFFFEFE0  }
0x261: {  	s3 =	simm.s32 $0x0;
	[sflag:s31] =	ssyncpa.u1 $0x0  }
.LBB3_47:
0x262: {  	p1 =	slt.u32 s4, $0x277F1  }
0x263: {  	s0 =	sand.u32 @p1 $0x3FFF8, s4  }
0x264: {  	s4 =	sand.u32 @p1 $0x7, s4;
	s5 =	simm.s32 @p1 $0xF188;
	s0 =	sadd.s32 @p1 s1, s0  }
0x265: {  	[tilespmem:s5], [sflag:$0x8] =	stream.linear.gather @p1 [hbm4b:s0+s4], $0x80, $0x38;
	[tilespmem:$0x1F6F8] =	vst v63  }
0x266: {  	s0 =	simm.s32 @p1 $0x8  }
0x267: {  	_ =	swait.ge @p1 [sflag:s0], $0x80  }
0x268: {  	[sflag:s0] =	ssyncset.done @p1 $0x0  }
0x269: {  	[sflag:s0] =	ssyncadd.s32 @p1 $0xFFFFFF80  }
0x26a: {  	v1 =	vld @p1 [tilespmem:$0xF188];
	_ =	sdelay $0x2  }
0x26b: {  	s0 =	sshll.u32 @p1 s3, $0x9  }
0x26c: {  	s4 =	sshrl.u32 @p1 s0, $0x2  }
0x26d: {  	[tilespmem:s4+$0xF238] =	vst.add.f32.msk @p1 $0xffff, v1  }
0x26e: {  	v1 =	vld @p1 [tilespmem:$0xF198];
	_ =	sdelay $0x4  }
0x26f: {  	[tilespmem:s4+$0xF248] =	vst.add.f32.msk @p1 $0xffff, v1  }
0x270: {  	v1 =	vld @p1 [tilespmem:$0xF1A8];
	_ =	sdelay $0x4  }
0x271: {  	[tilespmem:s4+$0xF258] =	vst.add.f32.msk @p1 $0xffff, v1  }
0x272: {  	v1 =	vld @p1 [tilespmem:$0xF1B8];
	_ =	sdelay $0x4  }
0x273: {  	[tilespmem:s4+$0xF268] =	vst.add.f32.msk @p1 $0xffff, v1  }
0x274: {  	v1 =	vld @p1 [tilespmem:$0xF1C8];
	_ =	sdelay $0x4  }
0x275: {  	[tilespmem:s4+$0xF278] =	vst.add.f32.msk @p1 $0xffff, v1  }
0x276: {  	v1 =	vld @p1 [tilespmem:$0xF1D8];
	_ =	sdelay $0x4  }
0x277: {  	[tilespmem:s4+$0xF288] =	vst.add.f32.msk @p1 $0xffff, v1  }
0x278: {  	v1 =	vld @p1 [tilespmem:$0xF1E8];
	_ =	sdelay $0x4  }
0x279: {  	[tilespmem:s4+$0xF298] =	vst.add.f32.msk @p1 $0xffff, v1  }
0x27a: {  	v1 =	vld @p1 [tilespmem:$0xF1F8];
	_ =	sdelay $0x3  }
0x27b: {  	s5 =	sshll.u32 @!p1 s3, $0x9  }
0x27c: {  	s5 =	smov.u32 @p1 s0;
	[tilespmem:s4+$0xF2A8] =	vst.add.f32.msk @p1 $0xffff, v1  }
0x27d: {  	s0 =	sshrl.u32 s5, $0x2;
	[tilespmem:s2+$0xF218] =	vst.msk $0x1, v0  }
0x27e: {  	v0 =	vld [tilespmem:s0+$0xF238];
	_ =	sdelay $0x2  }
0x27f: {  	s31 =	sshll.u32 s2, $0x9  }
0x280: {  	s4 =	sshra.s32 s31, $0x2  }
0x281: {  	[tilespmem:s4+$0xF238] =	vst v0  }
0x282: {  	v0 =	vld [tilespmem:s0+$0xF248];
	_ =	sdelay $0x4  }
0x283: {  	[tilespmem:s4+$0xF248] =	vst v0  }
0x284: {  	v0 =	vld [tilespmem:s0+$0xF258];
	_ =	sdelay $0x4  }
0x285: {  	[tilespmem:s4+$0xF258] =	vst v0  }
0x286: {  	v0 =	vld [tilespmem:s0+$0xF268];
	_ =	sdelay $0x4  }
0x287: {  	[tilespmem:s4+$0xF268] =	vst v0  }
0x288: {  	v0 =	vld [tilespmem:s0+$0xF278];
	_ =	sdelay $0x4  }
0x289: {  	[tilespmem:s4+$0xF278] =	vst v0  }
0x28a: {  	v0 =	vld [tilespmem:s0+$0xF288];
	_ =	sdelay $0x4  }
0x28b: {  	[tilespmem:s4+$0xF288] =	vst v0  }
0x28c: {  	v0 =	vld [tilespmem:s0+$0xF298];
	_ =	sdelay $0x4  }
0x28d: {  	[tilespmem:s4+$0xF298] =	vst v0  }
0x28e: {  	v0 =	vld [tilespmem:s0+$0xF2A8];
	_ =	sdelay $0x4  }
0x28f: {  	s2 =	sadd.s32 $0x1, s2;
	[tilespmem:s4+$0xF2A8] =	vst v0  }
.LBB3_48:
0x290: {  	s3 =	sadd.s32 $0x1, s3  }
0x291: {  	p1 =	sne.s32 s3, $0x20  }
.Ltmp37:
0x292: {  	_ = 	snop;
	(pc) =	sbr.rel @!p1 .LBB3_49-.Ltmp37, $1  }
0x293: {  	_ =	sdelay $0x3  }
.LBB3_41:
0x294: {  	v0 =	vld.msk [tilespmem:s3+$0xF218], $0x1;
	_ =	sdelay $0x4  }
0x295: {  	(v2sf) =	vpush v0, $0x0;
	_ =	sdelay $0xe  }
0x296: {  	s4 =	spop (v2sf)  }
0x297: {  	p1 =	seq.s32 s4, $0xFFFFFFFF  }
.Ltmp38:
0x298: {  	_ = 	snop;
	(pc) =	sbr.rel @p1 .LBB3_48-.Ltmp38, $1  }
0x299: {  	_ =	sdelay $0x3  }
0x29a: {  	p1 =	slt.s32 s2, $0x1  }
.Ltmp39:
0x29b: {  	_ = 	snop;
	(pc) =	sbr.rel @p1 .LBB3_47-.Ltmp39, $1  }
0x29c: {  	_ =	sdelay $0x3  }
0x29d: {  	s5 =	simm.s32 $0xF218;
	p1 =	por $0x0, $0x0  }
0x29e: {  	v1 =	vld.msk @!p1 [tilespmem:s5+$0x0], $0x1;
	_ =	sdelay $0x4  }
0x29f: {  	(v2sf) =	vpush @!p1 v1, $0x0;
	_ =	sdelay $0xd  }
0x2a0: {  	p3 =	sne.s32 s2, $0x1  }
.Ltmp40:
0x2a1: {  	s0 =	spop @!p1 (v2sf);
	(pc) =	sbr.rel @!p3 .LBB3_45-.Ltmp40, $4  }
0x2a2: {  	p2 =	seq.s32 @!p1 s4, s0  }
0x2a3: {  	s6 =	simm.s32 $0x0;
	p2 =	por !p2, p1  }
0x2a4: {  	s7 =	simm.s32 $0xFFFFFFFF;
	s6 =	simm.s32 @p2 $0xFFFFFFFF  }
0x2a5: {  	s0 =	simm.s32 $0x1;
	s6 =	smov.u32 @p1 s7  }
.LBB3_44:
0x2a6: {  	s7 =	smov.u32 s6;
	p1 =	sne.s32 s6, $0xFFFFFFFF  }
0x2a7: {  	s5 =	sadd.s32 $0x1, s5;
	s6 =	smov.u32 s0;
	s0 =	sadd.s32 $0x1, s0  }
0x2a8: {  	p2 =	sne.s32 s2, s0;
	v1 =	vld.msk @!p1 [tilespmem:s5+$0x0], $0x1;
	_ =	sdelay $0x4  }
0x2a9: {  	(v2sf) =	vpush @!p1 v1, $0x0;
	_ =	sdelay $0xe  }
.Ltmp41:
0x2aa: {  	s8 =	spop @!p1 (v2sf);
	(pc) =	sbr.rel @p2 .LBB3_44-.Ltmp41, $4  }
0x2ab: {  	p3 =	seq.s32 @!p1 s4, s8  }
0x2ac: {  	p3 =	por !p3, p1  }
0x2ad: {  	s6 =	simm.s32 @p3 $0xFFFFFFFF  }
0x2ae: {  	s6 =	smov.u32 @p1 s7  }
.LBB3_45:
0x2af: {  	p1 =	seq.s32 s6, $0xFFFFFFFF  }
.Ltmp42:
0x2b0: {  	_ = 	snop;
	(pc) =	sbr.rel @p1 .LBB3_47-.Ltmp42, $1  }
0x2b1: {  	_ =	sdelay $0x3  }
0x2b2: {  	s0 =	sshll.u32 s3, $0x7  }
0x2b3: {  	s0 =	sand.u32 $0x3FFFFF80, s0  }
0x2b4: {  	v0 =	vld [tilespmem:s0+$0xF238];
	_ =	sdelay $0x2  }
0x2b5: {  	s4 =	sshll.u32 s6, $0x9  }
0x2b6: {  	s4 =	sshra.s32 s4, $0x2  }
0x2b7: {  	[tilespmem:s4+$0xF238] =	vst.add.f32.msk $0xffff, v0  }
0x2b8: {  	v0 =	vld [tilespmem:s0+$0xF248];
	_ =	sdelay $0x4  }
0x2b9: {  	[tilespmem:s4+$0xF248] =	vst.add.f32.msk $0xffff, v0  }
0x2ba: {  	v0 =	vld [tilespmem:s0+$0xF258];
	_ =	sdelay $0x4  }
0x2bb: {  	[tilespmem:s4+$0xF258] =	vst.add.f32.msk $0xffff, v0  }
0x2bc: {  	v0 =	vld [tilespmem:s0+$0xF268];
	_ =	sdelay $0x4  }
0x2bd: {  	[tilespmem:s4+$0xF268] =	vst.add.f32.msk $0xffff, v0  }
0x2be: {  	v0 =	vld [tilespmem:s0+$0xF278];
	_ =	sdelay $0x4  }
0x2bf: {  	[tilespmem:s4+$0xF278] =	vst.add.f32.msk $0xffff, v0  }
0x2c0: {  	v0 =	vld [tilespmem:s0+$0xF288];
	_ =	sdelay $0x4  }
0x2c1: {  	[tilespmem:s4+$0xF288] =	vst.add.f32.msk $0xffff, v0  }
0x2c2: {  	v0 =	vld [tilespmem:s0+$0xF298];
	_ =	sdelay $0x4  }
0x2c3: {  	[tilespmem:s4+$0xF298] =	vst.add.f32.msk $0xffff, v0  }
0x2c4: {  	v0 =	vld [tilespmem:s0+$0xF2A8]  }
.Ltmp43:
0x2c5: {  	_ = 	snop;
	(pc) =	sbr.rel .LBB3_48-.Ltmp43, $2  }
0x2c6: {  	_ =	sdelay $0x2  }
0x2c7: {  	[tilespmem:s4+$0xF2A8] =	vst.add.f32.msk $0xffff, v0  }
.LBB3_49:
0x2c8: {  	p1 =	slt.s32 s2, $0x1  }
.Ltmp44:
0x2c9: {  	_ = 	snop;
	(pc) =	sbr.rel @p1 .LBB3_53-.Ltmp44, $3  }
0x2ca: {  	_ =	sdelay $0x1  }
0x2cb: {  	s0 =	simm.s32 $0x8  }
0x2cc: {  	s3 =	simm.s32 $0x0;
	[sflag:s0] =	ssyncpa.u1 $0x1  }
0x2cd: {  	s0 =	simm.s32 $0xF218  }
0x2ce: {  	v0 =	vld.msk [tilespmem:s0+$0x0], $0x1;
	_ =	sdelay $0x4  }
0x2cf: {  	(v2sf) =	vpush v0, $0x0;
	_ =	sdelay $0xe  }
0x2d0: {  	s0 =	sadd.s32 $0xFFFFFFFF, s2;
	s5 =	spop (v2sf)  }
0x2d1: {  	p2 =	sne.s32 s0, $0x0;
	p1 =	sgt.u32 s5, $0x277F0  }
.Ltmp45:
0x2d2: {  	s6 =	sand.u32 @!p1 $0x3FFF8, s5;
	(pc) =	sbr.rel @!p2 .LBB3_52-.Ltmp45, $4  }
0x2d3: {  	s4 =	simm.s32 $0xF238;
	s5 =	sand.u32 @!p1 $0x7, s5;
	s2 =	sadd.s32 @!p1 s1, s6  }
0x2d4: {  	[hbm4b:s2+s5] =	stream.linear.scatter @!p1 [tilespmem:s4], [sflag:$0x7], $0x80, $0x38;
	[tilespmem:$0x1F6F8] =	vst v63  }
0x2d5: {  	s5 =	simm.s32 $0x0  }
0x2d6: {  	s2 =	simm.s32 $0xF219;
	s5 =	simm.s32 @!p1 $0x200  }
.LBB3_51:
0x2d7: {  	v0 =	vld.msk [tilespmem:s2+$0x0], $0x1;
	s0 =	sadd.s32 $0xFFFFFFFF, s0;
	s3 =	sadd.s32 s3, s5  }
0x2d8: {  	p1 =	sne.s32 s0, $0x0;
	_ =	sdelay $0x3  }
0x2d9: {  	(v2sf) =	vpush v0, $0x0;
	_ =	sdelay $0xe  }
.Ltmp46:
0x2da: {  	s6 =	spop (v2sf);
	(pc) =	sbr.rel @p1 .LBB3_51-.Ltmp46, $4  }
0x2db: {  	s5 =	simm.s32 $0x0;
	p2 =	sgt.u32 s6, $0x277F0  }
0x2dc: {  	s4 =	sadd.s32 $0x80, s4;
	s5 =	simm.s32 @!p2 $0x200;
	s7 =	sand.u32 @!p2 $0x3FFF8, s6  }
0x2dd: {  	s2 =	sadd.s32 $0x1, s2;
	s6 =	sand.u32 @!p2 $0x7, s6;
	s7 =	sadd.s32 @!p2 s1, s7  }
0x2de: {  	[hbm4b:s7+s6] =	stream.linear.scatter @!p2 [tilespmem:s4], [sflag:$0x7], $0x80, $0x38;
	[tilespmem:$0x1F6F8] =	vst v63  }
.LBB3_52:
0x2df: {  	s0 =	sadd.s32 s3, s5  }
0x2e0: {  	s3 =	sshrl.u32 s0, $0x2  }
.LBB3_53:
0x2e1: {  	s0 =	simm.s32 $0x7  }
0x2e2: {  	_ =	swait.ge [sflag:s0], s3  }
0x2e3: {  	s1 =	ssub.s32 $0x0, s3;
	[sflag:s0] =	ssyncset.done $0x0  }
0x2e4: {  	[sflag:s0] =	ssyncadd.s32 s1  }
0x2e5: {  	[sflag:s0] =	ssyncpa.u1 $0x1  }
.LBB3_54:
0x2e6: {  	_ =	sfence;
	s0 =	simm.s32 $0x1  }
0x2e7: {  	[sflag:s0] =	ssyncpa.u1 $0x1  }
0x2e8: {  	_ =	strace $0x90000056  }
0x2e9: {  	[bflag:$0x2] =	sbarrier.arrive $0xFFFF  }
0x2ea: {  	s0 =	rddreg [dreg:$0x3]  }
0x2eb: {  	s0 =	sadd.s32 @!p0 $0x100000, s0  }
0x2ec: {  	[sflag:s0] =	ssyncadd.tile.s32 @!p0 $0x1;
	_ =	shalt  }
.Lfunc_end3:
_tile_overlayer_lowered:
.L_overlay_start_3:
0x2ed: {  	(tag) =	ssettag $0x3  }
0x2ee: {  	s0 =	rddreg [dreg:$0x0];
	s2 =	stileid.u32  }
0x2ef: {  	s1 =	rddreg [dreg:$0x1];
	p0 =	sne.s32 s2, $0x0  }
0x2f0: {  	s3 =	rddreg [dreg:$0x2];
	[bflag:$0x3] =	sbarrier.arrive $0xFFFF;
	s2 =	simm.s32 @!p0 $0x1C01  }
0x2f1: {  	[timem:s3], [sflag:s2] =	dma.local @!p0 [hbm:s0], s1  }
0x2f2: {  	s0 =	simm.s32 @!p0 $0x1  }
0x2f3: {  	_ =	swait.ge @!p0 [sflag:s0], s1  }
0x2f4: {  	s1 =	ssub.s32 @!p0 $0x0, s1;
	[sflag:s0] =	ssyncset.done @!p0 $0x0  }
0x2f5: {  	[sflag:s0] =	ssyncadd.s32 @!p0 s1  }
0x2f6: {  	[bflag:$0x3] =	sbarrier.arrive $0xFFFF  }
0x2f7: {  	_ =	shalt  }

// kernel: scatter_offload_async_start.2
scs
__scs_entry_jumppad:
0x0: {  	(pc) =	sbr.rel $0x88, $3  }
0x1: {  	(tag) =	ssettag $0x0;
	lr =	simm.s32 $0x1  }
0x2: {  	[smem:$0x3F88] =	sst lr;
	_ =	strace $0xD0000000  }
0x3: {  	_ = 	snop  }
0x4: {  	_ = 	snop  }
0x5: {  	_ = 	snop  }
0x6: {  	_ = 	snop  }
0x7: {  	_ = 	snop  }
__scs_overlays_trampoline_lowered:
0x8: {  	[smem:$0x3F97] =	sst s0  }
0x9: {  	[smem:$0x3F98] =	sst s1  }
0xa: {  	[smem:$0x3F99] =	sst s2  }
0xb: {  	[smem:$0x3F9A] =	sst s3  }
0xc: {  	[smem:$0x3F9B] =	sst s4  }
0xd: {  	[smem:$0x3F9C] =	sst s5  }
0xe: {  	[smem:$0x3F9D] =	sst s6  }
0xf: {  	[smem:$0x3F9E] =	sst s7  }
0x10: {  	[smem:$0x3F9F] =	sst s8  }
0x11: {  	[smem:$0x3FA0] =	sst s9;
	s0 =	simm.s32 @!p0 $0x0  }
0x12: {  	s1 =	sld [smem:$0x3F86];
	s0 =	simm.s32 @p0 $0x1  }
0x13: {  	[smem:$0x3FA1] =	sst s0;
	s0 =	simm.s32 @!p1 $0x0  }
0x14: {  	s2 =	sld [smem:$0x3F85];
	s0 =	simm.s32 @p1 $0x1  }
0x15: {  	[smem:$0x3FA2] =	sst s0;
	s0 =	simm.s32 @!p2 $0x0  }
0x16: {  	s3 =	sld [smem:$0x3FDB];
	s0 =	simm.s32 @p2 $0x1  }
0x17: {  	s4 =	simm.s32 $0x1BF5;
	[smem:$0x3FA4] =	sst s0  }
0x18: {  	s0 =	sld [smem:$0x3F87];
	_ =	swait.ge [sflag:s4], $0x0  }
0x19: {  	s7 =	sld [smem:$0x3F88]  }
0x1a: {  	s8 =	sadd.s32 $0xFFFFE003, lr  }
0x1b: {  	s9 =	sadd.s32 $0xFFFFFEF7, lr;
	s5 =	simm.s32 $0xFFFFFFFF;
	p2 =	slt.u32 s8, $0xFFFFF086  }
0x1c: {  	p1 =	slt.u32 s9, $0xF7A;
	s5 =	simm.s32 @!p2 $0x0  }
0x1d: {  	s5 =	simm.s32 @p1 $0x1;
	p0 =	seq.s32 s7, s2  }
0x1e: {  	s7 =	smul.u32 @!p0 $0xF7A, s2;
	p2 =	seq.s32 @!p0 s5, $0x0  }
0x1f: {  	s9 =	smul.u32 $0xF7A, s1;
	s8 =	simm.s32 @!p0 $0x1BF5;
	p2 =	por !p2, p0  }
0x20: {  	[sflag:s8] =	ssyncset.s32 @!p0 $0xFFFFF086;
	s6 =	sadd.s32 @!p0 s3, s7;
	s7 =	simm.s32 @!p0 $0x108  }
0x21: {  	s3 =	sadd.s32 s3, s9;
	s6 =	sadd.s32 @!p0 $0x88, s6;
	s7 =	simm.s32 @p2 $0x1082  }
0x22: {  	[simem:s7], [sflag:s8] =	dma.local @!p0 [hbm:s6], $0xF7A  }
0x23: {  	s9 =	sor.u32 $0xD0000000, s2;
	s6 =	simm.s32 $0x108;
	_ =	swait.ge @!p0 [sflag:s8], $0x0  }
0x24: {  	s3 =	sadd.s32 $0x88, s3;
	s6 =	simm.s32 @!p1 $0x1082;
	[sflag:s4] =	ssyncset.s32 $0xFFFFF086  }
0x25: {  	[simem:s6], [sflag:s4] =	dma.local [hbm:s3], $0xF7A  }
0x26: {  	[smem:$0x3F88] =	sst s1;
	(tag) =	ssettag s2;
	_ =	strace s9  }
0x27: {  	s1 =	sld [smem:$0x3F98]  }
0x28: {  	s2 =	sld [smem:$0x3F99]  }
0x29: {  	s4 =	sld [smem:$0x3F9B]  }
0x2a: {  	p0 =	seq.s32 s5, $0x0;
	s5 =	sld [smem:$0x3F9C]  }
0x2b: {  	s6 =	sld [smem:$0x3F9D]  }
0x2c: {  	s7 =	sld [smem:$0x3F9E]  }
0x2d: {  	s3 =	simm.s32 $0x108;
	s8 =	sld [smem:$0x3F9F]  }
0x2e: {  	s3 =	simm.s32 @!p0 $0x1082;
	s9 =	sld [smem:$0x3FA0]  }
0x2f: {  	lr =	sadd.s32 s0, s3;
	s0 =	sld [smem:$0x3F97]  }
0x30: {  	s3 =	sld [smem:$0x3F9A]  }
0x31: {  	[smem:$0x3FA3] =	sst s10  }
0x32: {  	s10 =	sld [smem:$0x3FA1];
	_ =	sdelay $0x3  }
0x33: {  	p0 =	seq.s32 s10, $0x1;
	s10 =	sld [smem:$0x3FA3];
	_ =	sdelay $0x3  }
0x34: {  	[smem:$0x3FA3] =	sst s10  }
0x35: {  	s10 =	sld [smem:$0x3FA2];
	_ =	sdelay $0x3  }
0x36: {  	p1 =	seq.s32 s10, $0x1;
	s10 =	sld [smem:$0x3FA3];
	_ =	sdelay $0x3  }
0x37: {  	[smem:$0x3FA3] =	sst s10  }
0x38: {  	s10 =	sld [smem:$0x3FA4]  }
0x39: {  	_ = 	snop;
	(pc) =	sbr.ind lr, $3  }
0x3a: {  	_ = 	snop  }
0x3b: {  	_ = 	snop  }
0x3c: {  	p2 =	seq.s32 s10, $0x1;
	s10 =	sld [smem:$0x3FA3]  }
0x3d: {  	_ =	shalt  }
0x3e: {  	_ =	shalt  }
0x3f: {  	_ =	shalt  }
0x40: {  	_ =	shalt  }
0x41: {  	_ =	shalt  }
0x42: {  	_ =	shalt  }
0x43: {  	_ =	shalt  }
0x44: {  	_ =	shalt  }
0x45: {  	_ =	shalt  }
0x46: {  	_ =	shalt  }
0x47: {  	_ =	shalt  }
0x48: {  	_ =	shalt  }
0x49: {  	_ =	shalt  }
0x4a: {  	_ =	shalt  }
0x4b: {  	_ =	shalt  }
0x4c: {  	_ =	shalt  }
0x4d: {  	_ =	shalt  }
0x4e: {  	_ =	shalt  }
0x4f: {  	_ =	shalt  }
0x50: {  	_ =	shalt  }
0x51: {  	_ =	shalt  }
0x52: {  	_ =	shalt  }
0x53: {  	_ =	shalt  }
0x54: {  	_ =	shalt  }
0x55: {  	_ =	shalt  }
0x56: {  	_ =	shalt  }
0x57: {  	_ =	shalt  }
0x58: {  	_ =	shalt  }
0x59: {  	_ =	shalt  }
0x5a: {  	_ =	shalt  }
0x5b: {  	_ =	shalt  }
0x5c: {  	_ =	shalt  }
0x5d: {  	_ =	shalt  }
0x5e: {  	_ =	shalt  }
0x5f: {  	_ =	shalt  }
0x60: {  	_ =	shalt  }
0x61: {  	_ =	shalt  }
0x62: {  	_ =	shalt  }
0x63: {  	_ =	shalt  }
0x64: {  	_ =	shalt  }
0x65: {  	_ =	shalt  }
0x66: {  	_ =	shalt  }
0x67: {  	_ =	shalt  }
0x68: {  	_ =	shalt  }
0x69: {  	_ =	shalt  }
0x6a: {  	_ =	shalt  }
0x6b: {  	_ =	shalt  }
0x6c: {  	_ =	shalt  }
0x6d: {  	_ =	shalt  }
0x6e: {  	_ =	shalt  }
0x6f: {  	_ =	shalt  }
0x70: {  	_ =	shalt  }
0x71: {  	_ =	shalt  }
0x72: {  	_ =	shalt  }
0x73: {  	_ =	shalt  }
0x74: {  	_ =	shalt  }
0x75: {  	_ =	shalt  }
0x76: {  	_ =	shalt  }
0x77: {  	_ =	shalt  }
0x78: {  	_ =	shalt  }
0x79: {  	_ =	shalt  }
0x7a: {  	_ =	shalt  }
0x7b: {  	_ =	shalt  }
0x7c: {  	_ =	shalt  }
0x7d: {  	_ =	shalt  }
0x7e: {  	_ =	shalt  }
0x7f: {  	_ =	shalt  }
0x80: {  	_ =	shalt  }
0x81: {  	_ =	shalt  }
0x82: {  	_ =	shalt  }
0x83: {  	_ =	shalt  }
0x84: {  	_ =	shalt  }
0x85: {  	_ =	shalt  }
0x86: {  	_ =	shalt  }
0x87: {  	_ =	shalt  }
.Lfunc_end0:
.L_simem_size_0:
called_computation.2_lowered:
.L_overlay_start_0:
0x88: {  	s2 =	sld [smem:$0x3FD9]  }
0x89: {  	s3 =	sld [smem:$0x3FFE];
	_ =	sdelay $0x1  }
0x8a: {  	s1 =	srdreg.scid  }
0x8b: {  	s0 =	sand.u32 $0x1, s1  }
0x8c: {  	s15 =	sshll.u32 s0, $0xA;
	s2 =	sadd.s32 s3, s2  }
0x8d: {  	s2 =	sadd.s32 s2, s15  }
0x8e: {  	[smem:$0x3FAF] =	sst s2  }
0x8f: {  	_ = 	snop  }
0x90: {  	(tm) =	ssettm $0x1  }
0x91: {  	s16 =	sld [smem:$0x3FFB];
	_ =	sdelay $0x3  }
0x92: {  	_ =	strace s16  }
0x93: {  	s2 =	sld [smem:$0x3FFC];
	_ =	sdelay $0x3  }
0x94: {  	_ =	strace s2  }
0x95: {  	s2 =	sld [smem:$0x3FFD];
	_ =	sdelay $0x3  }
0x96: {  	_ =	strace s2  }
0x97: {  	_ =	strace $0x8FFFFFFF  }
0x98: {  	s17 =	sld [smem:$0x3FDB];
	_ =	sdelay $0x1  }
0x99: {  	s18 =	simm.s32 $_scs_section_size  }
0x9a: {  	s4 =	simm.s32 $_size__tile_overlayer_lowered;
	s5 =	simm.s32 $_tile_overlayer_lowered  }
0x9b: {  	s6 =	simm.s32 $0x1BFF;
	s19 =	sshll.u32 s5, $0x1;
	s3 =	sadd.s32 s18, s17  }
0x9c: {  	s20 =	simm.s32 $0x0;
	s4 =	sshll.u32 s4, $0x1;
	s5 =	sadd.s32 s19, s3  }
0x9d: {  	[timem:s20], [sflag:s6] =	dma.local [hbm:s5], s4  }
0x9e: {  	_ =	swait.ge [sflag:s6], s4  }
0x9f: {  	s4 =	ssub.s32 $0x0, s4;
	[sflag:s6] =	ssyncset.done $0x0  }
0xa0: {  	[sflag:s6] =	ssyncadd.s32 s4;
	_ =	sdelay $0x1  }
0xa1: {  	s21 =	simm.s32 $0x1B8B  }
0xa2: {  	_ =	swait.ge [sflag:s21], $0x1  }
0xa3: {  	[sflag:s21] =	ssyncset.done $0x0  }
0xa4: {  	s22 =	sld [smem:$0x3FFE];
	[sflag:s21] =	ssyncadd.s32 $0xFFFFFFFF  }
0xa5: {  	s24 =	simm.s32 $0x1B8E;
	s23 =	sld [smem:$0x0]  }
0xa6: {  	s25 =	simm.s32 $execute0_lowered;
	[smem:$0x3FD2] =	sst s24  }
0xa7: {  	s6 =	sshll.u32 s25, $0x1;
	_ =	strace $0x8000005B;
	[dreg:$0x1] =	wrdreg $0xFFFFFFFF  }
0xa8: {  	s7 =	simm.s32 $_size_execute0_lowered;
	s6 =	sadd.s32 s3, s6;
	[dreg:$0x0] =	wrdreg $0x0  }
0xa9: {  	s7 =	sshll.u32 s7, $0x1;
	[dreg:$0x2] =	wrdreg s6  }
0xaa: {  	[dreg:$0x3] =	wrdreg s7  }
0xab: {  	[dreg:$0x4] =	wrdreg $0xC0  }
0xac: {  	s26 =	simm.s32 $execute1_lowered;
	_ =	task [dreg:s20], $0x5FFFF  }
0xad: {  	s6 =	sshll.u32 s26, $0x1;
	[dreg:$0x1] =	wrdreg $0xFFFFFFFF  }
0xae: {  	s3 =	sadd.s32 s3, s6;
	[dreg:$0x0] =	wrdreg $0x60  }
0xaf: {  	[dreg:$0x2] =	wrdreg s3  }
0xb0: {  	[dreg:$0x3] =	wrdreg s22  }
0xb1: {  	[dreg:$0x4] =	wrdreg $0x9  }
0xb2: {  	_ =	task.clear_ibuf [dreg:s20], $0x5FFFF;
	_ =	strace $0x9000005B  }
0xb3: {  	s28 =	simm.s32 $0x9;
	_ =	strace $0x8000005D  }
0xb4: {  	_ =	swait.ge [sflag:s28], $0x1  }
0xb5: {  	[sflag:s28] =	ssyncadd.s32 $0xFFFFFFFF  }
0xb6: {  	_ =	strace $0x9000005D  }
0xb7: {  	s3 =	sld [smem:$0x0]  }
0xb8: {  	s6 =	sand.u32 $0xFFFFFFFE, s1  }
0xb9: {  	p0 =	sne.s32 s1, s6  }
0xba: {  	s6 =	sshll.u32 @p0 s6, $0xE  }
0xbb: {  	s6 =	sadd.s32 @p0 $0x11BF3, s6;
	s7 =	sshll.u32 @p0 s3, $0x11  }
0xbc: {  	s6 =	sor.u32 @p0 s7, s6  }
0xbd: {  	[sflag:s6] =	ssyncadd.remote.s32 @p0 $0x1;
	_ =	sdelay $0x1  }
0xbe: {  	s6 =	simm.s32 @p0 $0x1BF3  }
0xbf: {  	_ =	swait.eq @p0 [sflag:s6], $0x1  }
0xc0: {  	[sflag:s6] =	ssyncadd.s32 @p0 $0xFFFFFFFF  }
0xc1: {  	s7 =	sshll.u32 @!p0 s1, $0xE  }
0xc2: {  	s7 =	sor.u32 @!p0 $0x4000, s7;
	s6 =	simm.s32 @!p0 $0x1BF3  }
0xc3: {  	s3 =	sshll.u32 @!p0 s3, $0x11;
	s7 =	sadd.s32 @!p0 $0x11BF3, s7;
	_ =	swait.eq @!p0 [sflag:s6], $0x1  }
0xc4: {  	s3 =	sor.u32 @!p0 s3, s7;
	[sflag:s6] =	ssyncadd.s32 @!p0 $0xFFFFFFFF  }
0xc5: {  	[sflag:s3] =	ssyncadd.remote.s32 @!p0 $0x1  }
0xc6: {  	_ =	strace $0x8000005E;
	[dreg:$0x1] =	wrdreg $0xFFFFFFFF  }
0xc7: {  	[dreg:$0x0] =	wrdreg $0x2030  }
0xc8: {  	[dreg:$0x2] =	wrdreg s22  }
0xc9: {  	[dreg:$0x3] =	wrdreg s1  }
0xca: {  	[dreg:$0x4] =	wrdreg s23  }
0xcb: {  	[dreg:$0x5] =	wrdreg $0xA  }
0xcc: {  	_ =	task.clear_ibuf [dreg:s20], $0x6FFFF;
	_ =	strace $0x9000005E  }
0xcd: {  	s29 =	simm.s32 $0xA;
	_ =	strace $0x80000060  }
0xce: {  	_ =	swait.ge [sflag:s29], $0x1  }
0xcf: {  	[sflag:s29] =	ssyncadd.s32 $0xFFFFFFFF  }
0xd0: {  	_ =	strace $0x90000060  }
0xd1: {  	_ =	sfence  }
0xd2: {  	s30 =	sld [smem:$0x0];
	_ =	sdelay $0x2  }
0xd3: {  	s31 =	sshll.u32 s1, $0xD;
	s1 =	sshrl.u32 s1, $0x2  }
0xd4: {  	s4 =	sand.u32 $0x4000, s31;
	s1 =	sadd.s32 s1, s30  }
0xd5: {  	s0 =	sor.u32 s4, s0;
	s1 =	sshll.u32 s1, $0x11  }
0xd6: {  	s0 =	sor.u32 s1, s0  }
0xd7: {  	s0 =	sadd.s32 $0x8F2B, s0  }
0xd8: {  	[sflag:s0] =	ssyncadd.remote.s32 $0x1  }
0xd9: {  	_ =	sfence.sel $0xFFFF  }
0xda: {  	[dreg:$0x0] =	wrdreg $0xFFFFFFFF;
	(pc) =	sbr.abs _section_cstart, $3  }
0xdb: {  	[dreg:$0x1] =	wrdreg $0xFFFFFFFF  }
0xdc: {  	_ =	task.clear_ibuf [dreg:s20], $0x2FFFF;
	_ =	strace $0x9FFFFFFF  }
0xdd: {  	(tm) =	ssettm $0x7FFFFFFF  }
tec
execute0_lowered:
.L_overlay_start_1:
0x0: {  	(tag) =	ssettag $0x1  }
0x1: {  	s2 =	rddreg [dreg:$0x0]  }
0x2: {  	s7 =	rddreg [dreg:$0x1]  }
0x3: {  	s0 =	rddreg [dreg:$0x2]  }
0x4: {  	s3 =	stileid.u32;
	[bflag:$0x3] =	sbarrier.arrive $0xFFFF;
	s1 =	simm.s32 $_size_execute1_lowered  }
0x5: {  	s29 =	srdreg.scid;
	s9 =	simm.s32 $0x2;
	p0 =	sne.s32 s3, $0x0  }
0x6: {  	s1 =	sshll.u32 s1, $0x1;
	s4 =	simm.s32 @!p0 $0x1C3F;
	s5 =	simm.s32 @!p0 $0x4060  }
0x7: {  	[timem:s5], [sflag:s4] =	dma.local @!p0 [hbm:s2], s1  }
0x8: {  	s13 =	simm.s32 $0x0;
	s10 =	simm.s32 $0x80;
	s2 =	sshll.u32 s29, $0x9  }
0x9: {  	s12 =	simm.s32 $0x0;
	s3 =	sshll.u32 s3, $0xA;
	s2 =	sand.u32 $0x200, s2  }
0xa: {  	s11 =	simm.s32 $0x0;
	_ =	strace $0x8000005C;
	s2 =	sor.u32 s3, s2  }
0xb: {  	s3 =	sshll.u32 s2, $0x4;
	p1 =	slt.u32 s2, $0x2780;
	s31 =	smax.u32 s2, $0x2580  }
0xc: {  	s5 =	ssub.s32 $0x2780, s2;
	s4 =	sadd.s32 $0xFFFD8800, s3;
	s6 =	sshll.u32 s31, $0x7  }
0xd: {  	s4 =	smov.u32 @p1 s3;
	s3 =	simm.s32 $0x1;
	p1 =	sgt.s32 s5, $0x0  }
0xe: {  	s6 =	ssub.s32 $0x13C000, s6;
	s8 =	sadd.s32 s4, s7;
	[sflag:s3] =	ssyncpa.u1 $0x0  }
.Ltmp0:
0xf: {  	s5 =	simm.s32 @!p1 $0x0;
	s4 =	simm.s32 $0x1;
	(pc) =	sbr.rel .LBB2_1-.Ltmp0, $4  }
0x10: {  	s6 =	sshrl.u32 s6, $0x2;
	s7 =	sadd.s32 $0x73600, s7;
	s30 =	sand.u32 $0x3F80, s5  }
0x11: {  	s5 =	simm.s32 $0x3;
	[sflag:s9] =	ssyncpa.u1 $0x0;
	p1 =	sne.s32 s30, $0x0  }
0x12: {  	s4 =	simm.s32 @!p1 $0x0;
	s5 =	simm.s32 @!p1 $0x2;
	p1 =	sgt.u32 s2, $0x277F  }
0x13: {  	s8 =	sadd.s32 $0x4BE00, s8;
	s9 =	simm.s32 $0x20;
	s6 =	simm.s32 @p1 $0x0  }
.LBB2_5:
0x14: {  	_ =	sdelay $0x3  }
0x15: {  	[tilespmem:v1+s16+$0x0 ss:$0x1] =	vst.idx.msk $0xffff, v2  }
.LBB2_6:
0x16: {  	s16 =	smulhi.u32 $0xCF6474A9, s12;
	_ =	sdelay $0x1  }
0x17: {  	s16 =	sshrl.u32 s16, $0xD  }
0x18: {  	s16 =	smul.u32 $0x2780, s16;
	_ =	sdelay $0x1  }
0x19: {  	s16 =	ssub.s32 s12, s16  }
0x1a: {  	s16 =	sshll.u32 s16, $0x4  }
0x1b: {  	s16 =	sadd.s32 s7, s16  }
0x1c: {  	[hbm4b:s16+s9] =	stream.strided.scatter [tilespmem:s15], [sflag:$0x2], s14, s10, s9, $0x38;
	[tilespmem:$0x10000] =	vst v63  }
.LBB2_7:
0x1d: {  	p1 =	slt.u32 s11, $0x2  }
0x1e: {  	p2 =	sgt.s32 @!p1 s13, $0x2580  }
0x1f: {  	p2 =	por !p2, p1  }
0x20: {  	p3 =	sgt.s32 @!p1 s13, $0x277F;
	s13 =	simm.s32 @p2 $0x2580  }
0x21: {  	s13 =	sshll.u32 @!p1 s13, $0x7  }
0x22: {  	s13 =	ssub.s32 @!p1 $0x13C000, s13  }
0x23: {  	s11 =	sadd.s32 $0x1, s11;
	p2 =	por !p3, p1;
	s13 =	sshrl.u32 @!p1 s13, $0x2  }
0x24: {  	s13 =	simm.s32 @!p2 $0x0;
	p2 =	sne.s32 s11, s5  }
.Ltmp1:
0x25: {  	_ = 	snop;
	(pc) =	sbr.rel @!p2 .LBB2_8-.Ltmp1, $4  }
0x26: {  	s14 =	simm.s32 @!p1 $0x2  }
0x27: {  	_ =	swait.ge @!p1 [sflag:s14], s13  }
0x28: {  	s15 =	ssub.s32 @!p1 $0x0, s13;
	[sflag:s14] =	ssyncset.done @!p1 $0x0  }
0x29: {  	s13 =	smov.u32 s12;
	s12 =	smov.u32 s2;
	[sflag:s14] =	ssyncadd.s32 @!p1 s15  }
.LBB2_1:
0x2a: {  	p1 =	sge.u32 s11, s4;
	s31 =	sadd.s32 $0xFFFFFFFF, s11  }
0x2b: {  	s14 =	simm.s32 @!p1 $0x20;
	s15 =	simm.s32 @!p1 $0x80;
	s16 =	simm.s32 @!p1 $0x4000  }
0x2c: {  	[tilespmem:s16], [sflag:$0x1] =	stream.strided.gather @!p1 [hbm4b:s8+s14], s6, s15, s14, $0x38;
	[tilespmem:$0x10000] =	vst v63  }
0x2d: {  	p1 =	sge.u32 s31, s4  }
.Ltmp2:
0x2e: {  	_ = 	snop;
	(pc) =	sbr.rel @p1 .LBB2_7-.Ltmp2, $1  }
0x2f: {  	_ =	sdelay $0x3  }
0x30: {  	p1 =	sgt.s32 s12, $0x2580;
	s14 =	smov.u32 s12  }
0x31: {  	s14 =	simm.s32 @!p1 $0x2580  }
0x32: {  	s14 =	sshll.u32 s14, $0x7  }
0x33: {  	s14 =	ssub.s32 $0x13C000, s14  }
0x34: {  	p1 =	sgt.u32 s12, $0x277F;
	s14 =	sshrl.u32 s14, $0x2  }
0x35: {  	s15 =	smov.u32 s12;
	s14 =	simm.s32 @p1 $0x0;
	p1 =	slt.s32 s12, $0x2580  }
0x36: {  	s15 =	simm.s32 @!p1 $0x2580  }
0x37: {  	s16 =	ssub.s32 s15, s12  }
0x38: {  	p1 =	slt.s32 s16, $0xFFFFFE01  }
.Ltmp3:
0x39: {  	_ = 	snop;
	(pc) =	sbr.rel @p1 .LBB2_6-.Ltmp3, $4  }
0x3a: {  	_ = 	snop  }
0x3b: {  	s17 =	sshll.u32 s11, $0xE;
	_ =	swait.ge [sflag:s3], s14  }
0x3c: {  	s17 =	sand.u32 $0x4000, s17;
	s18 =	ssub.s32 $0x0, s14;
	[sflag:s3] =	ssyncset.done $0x0  }
0x3d: {  	s15 =	sor.u32 $0x8000, s17;
	[sflag:s3] =	ssyncadd.s32 s18  }
0x3e: {  	v0 =	vmov s17;
	_ =	sdelay $0x1  }
0x3f: {  	s30 =	sadd.s32 $0x200, s16  }
0x40: {  	s31 =	simm.s32 $0x0;
	p1 =	sne.s32 s30, $0x1  }
.Ltmp4:
0x41: {  	s16 =	sand.u32 $0x3FE0, s31;
	(pc) =	sbr.rel @!p1 .LBB2_5-.Ltmp4, $2  }
0x42: {  	v1 =	vmov s15;
	v2 =	vld.idx.msk [tilespmem:v0+s16+$0x0 ss:$0x1], $0xffff;
	_ =	sdelay $0x2  }
0x43: {  	s18 =	simm.s32 $0x20;
	s17 =	sadd.s32 $0xFFFFFFFF, s30  }
.LBB2_4:
0x44: {  	s19 =	sand.u32 $0x3FE0, s18;
	p1 =	sne.s32 s17, $0x1;
	s17 =	sadd.s32 $0xFFFFFFFF, s17  }
.Ltmp5:
0x45: {  	[tilespmem:v1+s16+$0x0 ss:$0x1] =	vst.idx.msk $0xffff, v2;
	v2 =	vld.idx.msk [tilespmem:v0+s19+$0x0 ss:$0x1], $0xffff;
	s16 =	smov.u32 s19;
	(pc) =	sbr.rel @p1 .LBB2_4-.Ltmp5, $2  }
0x46: {  	_ =	sdelay $0x2  }
0x47: {  	s18 =	sadd.s32 $0x20, s18  }
.Ltmp6:
0x48: {  	_ = 	snop;
	(pc) =	sbr.rel .LBB2_5-.Ltmp6, $1  }
0x49: {  	_ =	sdelay $0x3  }
.LBB2_8:
0x4a: {  	_ =	sfence.sel $0x180000  }
0x4b: {  	s2 =	simm.s32 $0x1;
	[bflag:$0x0] =	sbarrier.arrive $0xFFFF  }
0x4c: {  	s31 =	simm.s32 $0x2;
	[sflag:s2] =	ssyncpa.u1 $0x1  }
0x4d: {  	[sflag:s31] =	ssyncpa.u1 $0x1  }
0x4e: {  	_ =	strace $0x9000005C  }
0x4f: {  	s0 =	sadd.s32 @!p0 $0x100000, s0;
	[bflag:$0x2] =	sbarrier.arrive $0xFFFF  }
0x50: {  	[sflag:s0] =	ssyncadd.tile.s32 @!p0 $0x1;
	s0 =	simm.s32 @!p0 $0x3F  }
0x51: {  	_ =	swait.ge @!p0 [sflag:s0], s1  }
0x52: {  	s1 =	ssub.s32 @!p0 $0x0, s1;
	[sflag:s0] =	ssyncset.done @!p0 $0x0  }
0x53: {  	[sflag:s0] =	ssyncadd.s32 @!p0 s1  }
0x54: {  	[bflag:$0x3] =	sbarrier.arrive $0xFFFF  }
0x55: {  	_ =	shalt  }
.Lfunc_end2:
execute1_lowered:
.L_overlay_start_2:
0x56: {  	(tag) =	ssettag $0x2  }
0x57: {  	s11 =	rddreg [dreg:$0x0]  }
0x58: {  	s2 =	rddreg [dreg:$0x1];
	_ =	strace $0x8000005F;
	s12 =	simm.s32 $0x1  }
0x59: {  	v0 =	vimm.s32 $0x0;
	[sflag:s12] =	ssyncpa.u1 $0x0  }
0x5a: {  	[tilespmem:$0x28] =	vst v0  }
0x5b: {  	[tilespmem:$0x38] =	vst v0  }
0x5c: {  	[tilespmem:$0x48] =	vst v0  }
0x5d: {  	[tilespmem:$0x58] =	vst v0  }
0x5e: {  	[tilespmem:$0x68] =	vst v0  }
0x5f: {  	[tilespmem:$0x78] =	vst v0  }
0x60: {  	[tilespmem:$0x88] =	vst v0  }
0x61: {  	[tilespmem:$0x98] =	vst v0  }
0x62: {  	[tilespmem:$0xA8] =	vst v0  }
0x63: {  	[tilespmem:$0xB8] =	vst v0  }
0x64: {  	[tilespmem:$0xC8] =	vst v0  }
0x65: {  	[tilespmem:$0xD8] =	vst v0  }
0x66: {  	[tilespmem:$0xE8] =	vst v0  }
0x67: {  	[tilespmem:$0xF8] =	vst v0  }
0x68: {  	[tilespmem:$0x108] =	vst v0  }
0x69: {  	[tilespmem:$0x118] =	vst v0  }
0x6a: {  	[tilespmem:$0x128] =	vst v0  }
0x6b: {  	[tilespmem:$0x138] =	vst v0  }
0x6c: {  	[tilespmem:$0x148] =	vst v0  }
0x6d: {  	[tilespmem:$0x158] =	vst v0  }
0x6e: {  	[tilespmem:$0x168] =	vst v0  }
0x6f: {  	[tilespmem:$0x178] =	vst v0  }
0x70: {  	[tilespmem:$0x188] =	vst v0  }
0x71: {  	[tilespmem:$0x198] =	vst v0  }
0x72: {  	[tilespmem:$0x1A8] =	vst v0  }
0x73: {  	[tilespmem:$0x1B8] =	vst v0  }
0x74: {  	[tilespmem:$0x1C8] =	vst v0  }
0x75: {  	[tilespmem:$0x1D8] =	vst v0  }
0x76: {  	[tilespmem:$0x1E8] =	vst v0  }
0x77: {  	[tilespmem:$0x1F8] =	vst v0  }
0x78: {  	[tilespmem:$0x208] =	vst v0  }
0x79: {  	[tilespmem:$0x218] =	vst v0  }
0x7a: {  	[tilespmem:$0x228] =	vst v0  }
0x7b: {  	[tilespmem:$0x238] =	vst v0  }
0x7c: {  	[tilespmem:$0x248] =	vst v0  }
0x7d: {  	[tilespmem:$0x258] =	vst v0  }
0x7e: {  	[tilespmem:$0x268] =	vst v0  }
0x7f: {  	[tilespmem:$0x278] =	vst v0  }
0x80: {  	[tilespmem:$0x288] =	vst v0  }
0x81: {  	[tilespmem:$0x298] =	vst v0  }
0x82: {  	[tilespmem:$0x2A8] =	vst v0  }
0x83: {  	[tilespmem:$0x2B8] =	vst v0  }
0x84: {  	[tilespmem:$0x2C8] =	vst v0  }
0x85: {  	[tilespmem:$0x2D8] =	vst v0  }
0x86: {  	[tilespmem:$0x2E8] =	vst v0  }
0x87: {  	[tilespmem:$0x2F8] =	vst v0  }
0x88: {  	[tilespmem:$0x308] =	vst v0  }
0x89: {  	[tilespmem:$0x318] =	vst v0  }
0x8a: {  	[tilespmem:$0x328] =	vst v0  }
0x8b: {  	[tilespmem:$0x338] =	vst v0  }
0x8c: {  	[tilespmem:$0x348] =	vst v0  }
0x8d: {  	[tilespmem:$0x358] =	vst v0  }
0x8e: {  	[tilespmem:$0x368] =	vst v0  }
0x8f: {  	[tilespmem:$0x378] =	vst v0  }
0x90: {  	[tilespmem:$0x388] =	vst v0  }
0x91: {  	[tilespmem:$0x398] =	vst v0  }
0x92: {  	[tilespmem:$0x3A8] =	vst v0  }
0x93: {  	[tilespmem:$0x3B8] =	vst v0  }
0x94: {  	[tilespmem:$0x3C8] =	vst v0  }
0x95: {  	[tilespmem:$0x3D8] =	vst v0  }
0x96: {  	[tilespmem:$0x3E8] =	vst v0  }
0x97: {  	[tilespmem:$0x3F8] =	vst v0  }
0x98: {  	[tilespmem:$0x408] =	vst v0  }
0x99: {  	[tilespmem:$0x418] =	vst v0  }
0x9a: {  	[tilespmem:$0x428] =	vst v0  }
0x9b: {  	[tilespmem:$0x438] =	vst v0  }
0x9c: {  	[tilespmem:$0x448] =	vst v0  }
0x9d: {  	[tilespmem:$0x458] =	vst v0  }
0x9e: {  	[tilespmem:$0x468] =	vst v0  }
0x9f: {  	[tilespmem:$0x478] =	vst v0  }
0xa0: {  	[tilespmem:$0x488] =	vst v0  }
0xa1: {  	[tilespmem:$0x498] =	vst v0  }
0xa2: {  	[tilespmem:$0x4A8] =	vst v0  }
0xa3: {  	[tilespmem:$0x4B8] =	vst v0  }
0xa4: {  	[tilespmem:$0x4C8] =	vst v0  }
0xa5: {  	[tilespmem:$0x4D8] =	vst v0  }
0xa6: {  	[tilespmem:$0x4E8] =	vst v0  }
0xa7: {  	[tilespmem:$0x4F8] =	vst v0  }
0xa8: {  	[tilespmem:$0x508] =	vst v0  }
0xa9: {  	[tilespmem:$0x518] =	vst v0  }
0xaa: {  	[tilespmem:$0x528] =	vst v0  }
0xab: {  	[tilespmem:$0x538] =	vst v0  }
0xac: {  	[tilespmem:$0x548] =	vst v0  }
0xad: {  	[tilespmem:$0x558] =	vst v0  }
0xae: {  	[tilespmem:$0x568] =	vst v0  }
0xaf: {  	[tilespmem:$0x578] =	vst v0  }
0xb0: {  	[tilespmem:$0x588] =	vst v0  }
0xb1: {  	[tilespmem:$0x598] =	vst v0  }
0xb2: {  	[tilespmem:$0x5A8] =	vst v0  }
0xb3: {  	[tilespmem:$0x5B8] =	vst v0  }
0xb4: {  	[tilespmem:$0x5C8] =	vst v0  }
0xb5: {  	[tilespmem:$0x5D8] =	vst v0  }
0xb6: {  	[tilespmem:$0x5E8] =	vst v0  }
0xb7: {  	[tilespmem:$0x5F8] =	vst v0  }
0xb8: {  	[tilespmem:$0x608] =	vst v0  }
0xb9: {  	[tilespmem:$0x618] =	vst v0  }
0xba: {  	[tilespmem:$0x628] =	vst v0  }
0xbb: {  	[tilespmem:$0x638] =	vst v0  }
0xbc: {  	[tilespmem:$0x648] =	vst v0  }
0xbd: {  	[tilespmem:$0x658] =	vst v0  }
0xbe: {  	[tilespmem:$0x668] =	vst v0  }
0xbf: {  	[tilespmem:$0x678] =	vst v0  }
0xc0: {  	[tilespmem:$0x688] =	vst v0  }
0xc1: {  	[tilespmem:$0x698] =	vst v0  }
0xc2: {  	[tilespmem:$0x6A8] =	vst v0  }
0xc3: {  	[tilespmem:$0x6B8] =	vst v0  }
0xc4: {  	[tilespmem:$0x6C8] =	vst v0  }
0xc5: {  	[tilespmem:$0x6D8] =	vst v0  }
0xc6: {  	[tilespmem:$0x6E8] =	vst v0  }
0xc7: {  	[tilespmem:$0x6F8] =	vst v0  }
0xc8: {  	[tilespmem:$0x708] =	vst v0  }
0xc9: {  	[tilespmem:$0x718] =	vst v0  }
0xca: {  	[tilespmem:$0x728] =	vst v0  }
0xcb: {  	[tilespmem:$0x738] =	vst v0  }
0xcc: {  	[tilespmem:$0x748] =	vst v0  }
0xcd: {  	[tilespmem:$0x758] =	vst v0  }
0xce: {  	[tilespmem:$0x768] =	vst v0  }
0xcf: {  	[tilespmem:$0x778] =	vst v0  }
0xd0: {  	[tilespmem:$0x788] =	vst v0  }
0xd1: {  	[tilespmem:$0x798] =	vst v0  }
0xd2: {  	[tilespmem:$0x7A8] =	vst v0  }
0xd3: {  	[tilespmem:$0x7B8] =	vst v0  }
0xd4: {  	[tilespmem:$0x7C8] =	vst v0  }
0xd5: {  	[tilespmem:$0x7D8] =	vst v0  }
0xd6: {  	[tilespmem:$0x7E8] =	vst v0  }
0xd7: {  	[tilespmem:$0x7F8] =	vst v0  }
0xd8: {  	[tilespmem:$0x808] =	vst v0  }
0xd9: {  	[tilespmem:$0x818] =	vst v0  }
0xda: {  	[tilespmem:$0x828] =	vst v0  }
0xdb: {  	[tilespmem:$0x838] =	vst v0  }
0xdc: {  	[tilespmem:$0x848] =	vst v0  }
0xdd: {  	[tilespmem:$0x858] =	vst v0  }
0xde: {  	[tilespmem:$0x868] =	vst v0  }
0xdf: {  	[tilespmem:$0x878] =	vst v0  }
0xe0: {  	[tilespmem:$0x888] =	vst v0  }
0xe1: {  	[tilespmem:$0x898] =	vst v0  }
0xe2: {  	[tilespmem:$0x8A8] =	vst v0  }
0xe3: {  	[tilespmem:$0x8B8] =	vst v0  }
0xe4: {  	[tilespmem:$0x8C8] =	vst v0  }
0xe5: {  	[tilespmem:$0x8D8] =	vst v0  }
0xe6: {  	[tilespmem:$0x8E8] =	vst v0  }
0xe7: {  	[tilespmem:$0x8F8] =	vst v0  }
0xe8: {  	[tilespmem:$0x908] =	vst v0  }
0xe9: {  	[tilespmem:$0x918] =	vst v0  }
0xea: {  	[tilespmem:$0x928] =	vst v0  }
0xeb: {  	[tilespmem:$0x938] =	vst v0  }
0xec: {  	[tilespmem:$0x948] =	vst v0  }
0xed: {  	[tilespmem:$0x958] =	vst v0  }
0xee: {  	[tilespmem:$0x968] =	vst v0  }
0xef: {  	[tilespmem:$0x978] =	vst v0  }
0xf0: {  	[tilespmem:$0x988] =	vst v0  }
0xf1: {  	[tilespmem:$0x998] =	vst v0  }
0xf2: {  	[tilespmem:$0x9A8] =	vst v0  }
0xf3: {  	[tilespmem:$0x9B8] =	vst v0  }
0xf4: {  	[tilespmem:$0x9C8] =	vst v0  }
0xf5: {  	[tilespmem:$0x9D8] =	vst v0  }
0xf6: {  	[tilespmem:$0x9E8] =	vst v0  }
0xf7: {  	[tilespmem:$0x9F8] =	vst v0  }
0xf8: {  	[tilespmem:$0xA08] =	vst v0  }
0xf9: {  	[tilespmem:$0xA18] =	vst v0  }
0xfa: {  	[tilespmem:$0xA28] =	vst v0  }
0xfb: {  	[tilespmem:$0xA38] =	vst v0  }
0xfc: {  	[tilespmem:$0xA48] =	vst v0  }
0xfd: {  	[tilespmem:$0xA58] =	vst v0  }
0xfe: {  	[tilespmem:$0xA68] =	vst v0  }
0xff: {  	[tilespmem:$0xA78] =	vst v0  }
0x100: {  	[tilespmem:$0xA88] =	vst v0  }
0x101: {  	[tilespmem:$0xA98] =	vst v0  }
0x102: {  	[tilespmem:$0xAA8] =	vst v0  }
0x103: {  	[tilespmem:$0xAB8] =	vst v0  }
0x104: {  	[tilespmem:$0xAC8] =	vst v0  }
0x105: {  	[tilespmem:$0xAD8] =	vst v0  }
0x106: {  	[tilespmem:$0xAE8] =	vst v0  }
0x107: {  	[tilespmem:$0xAF8] =	vst v0  }
0x108: {  	[tilespmem:$0xB08] =	vst v0  }
0x109: {  	[tilespmem:$0xB18] =	vst v0  }
0x10a: {  	[tilespmem:$0xB28] =	vst v0  }
0x10b: {  	[tilespmem:$0xB38] =	vst v0  }
0x10c: {  	[tilespmem:$0xB48] =	vst v0  }
0x10d: {  	[tilespmem:$0xB58] =	vst v0  }
0x10e: {  	[tilespmem:$0xB68] =	vst v0  }
0x10f: {  	[tilespmem:$0xB78] =	vst v0  }
0x110: {  	[tilespmem:$0xB88] =	vst v0  }
0x111: {  	[tilespmem:$0xB98] =	vst v0  }
0x112: {  	[tilespmem:$0xBA8] =	vst v0  }
0x113: {  	[tilespmem:$0xBB8] =	vst v0  }
0x114: {  	[tilespmem:$0xBC8] =	vst v0  }
0x115: {  	[tilespmem:$0xBD8] =	vst v0  }
0x116: {  	[tilespmem:$0xBE8] =	vst v0  }
0x117: {  	[tilespmem:$0xBF8] =	vst v0  }
0x118: {  	[tilespmem:$0xC08] =	vst v0  }
0x119: {  	[tilespmem:$0xC18] =	vst v0  }
0x11a: {  	[tilespmem:$0xC28] =	vst v0  }
0x11b: {  	[tilespmem:$0xC38] =	vst v0  }
0x11c: {  	[tilespmem:$0xC48] =	vst v0  }
0x11d: {  	[tilespmem:$0xC58] =	vst v0  }
0x11e: {  	[tilespmem:$0xC68] =	vst v0  }
0x11f: {  	[tilespmem:$0xC78] =	vst v0  }
0x120: {  	[tilespmem:$0xC88] =	vst v0  }
0x121: {  	[tilespmem:$0xC98] =	vst v0  }
0x122: {  	[tilespmem:$0xCA8] =	vst v0  }
0x123: {  	[tilespmem:$0xCB8] =	vst v0  }
0x124: {  	[tilespmem:$0xCC8] =	vst v0  }
0x125: {  	[tilespmem:$0xCD8] =	vst v0  }
0x126: {  	[tilespmem:$0xCE8] =	vst v0  }
0x127: {  	[tilespmem:$0xCF8] =	vst v0  }
0x128: {  	[tilespmem:$0xD08] =	vst v0  }
0x129: {  	[tilespmem:$0xD18] =	vst v0  }
0x12a: {  	[tilespmem:$0xD28] =	vst v0  }
0x12b: {  	[tilespmem:$0xD38] =	vst v0  }
0x12c: {  	[tilespmem:$0xD48] =	vst v0  }
0x12d: {  	[tilespmem:$0xD58] =	vst v0  }
0x12e: {  	[tilespmem:$0xD68] =	vst v0  }
0x12f: {  	[tilespmem:$0xD78] =	vst v0  }
0x130: {  	[tilespmem:$0xD88] =	vst v0  }
0x131: {  	[tilespmem:$0xD98] =	vst v0  }
0x132: {  	[tilespmem:$0xDA8] =	vst v0  }
0x133: {  	[tilespmem:$0xDB8] =	vst v0  }
0x134: {  	[tilespmem:$0xDC8] =	vst v0  }
0x135: {  	[tilespmem:$0xDD8] =	vst v0  }
0x136: {  	[tilespmem:$0xDE8] =	vst v0  }
0x137: {  	[tilespmem:$0xDF8] =	vst v0  }
0x138: {  	[tilespmem:$0xE08] =	vst v0  }
0x139: {  	[tilespmem:$0xE18] =	vst v0  }
0x13a: {  	[tilespmem:$0xE28] =	vst v0  }
0x13b: {  	[tilespmem:$0xE38] =	vst v0  }
0x13c: {  	[tilespmem:$0xE48] =	vst v0  }
0x13d: {  	[tilespmem:$0xE58] =	vst v0  }
0x13e: {  	[tilespmem:$0xE68] =	vst v0  }
0x13f: {  	[tilespmem:$0xE78] =	vst v0  }
0x140: {  	[tilespmem:$0xE88] =	vst v0  }
0x141: {  	[tilespmem:$0xE98] =	vst v0  }
0x142: {  	[tilespmem:$0xEA8] =	vst v0  }
0x143: {  	[tilespmem:$0xEB8] =	vst v0  }
0x144: {  	[tilespmem:$0xEC8] =	vst v0  }
0x145: {  	[tilespmem:$0xED8] =	vst v0  }
0x146: {  	[tilespmem:$0xEE8] =	vst v0  }
0x147: {  	[tilespmem:$0xEF8] =	vst v0  }
0x148: {  	[tilespmem:$0xF08] =	vst v0  }
0x149: {  	[tilespmem:$0xF18] =	vst v0  }
0x14a: {  	[tilespmem:$0xF28] =	vst v0  }
0x14b: {  	[tilespmem:$0xF38] =	vst v0  }
0x14c: {  	[tilespmem:$0xF48] =	vst v0  }
0x14d: {  	[tilespmem:$0xF58] =	vst v0  }
0x14e: {  	[tilespmem:$0xF68] =	vst v0  }
0x14f: {  	[tilespmem:$0xF78] =	vst v0  }
0x150: {  	[tilespmem:$0xF88] =	vst v0  }
0x151: {  	[tilespmem:$0xF98] =	vst v0  }
0x152: {  	[tilespmem:$0xFA8] =	vst v0  }
0x153: {  	[tilespmem:$0xFB8] =	vst v0  }
0x154: {  	[tilespmem:$0xFC8] =	vst v0  }
0x155: {  	[tilespmem:$0xFD8] =	vst v0  }
0x156: {  	[tilespmem:$0xFE8] =	vst v0  }
0x157: {  	[tilespmem:$0xFF8] =	vst v0  }
0x158: {  	[tilespmem:$0x1028] =	vst v0  }
0x159: {  	[tilespmem:$0x10E8] =	vst v0  }
0x15a: {  	[tilespmem:$0x1068] =	vst v0  }
0x15b: {  	[tilespmem:$0x1B28] =	vst v0  }
0x15c: {  	[tilespmem:$0x1B18] =	vst v0  }
0x15d: {  	[tilespmem:$0x1B08] =	vst v0  }
0x15e: {  	[tilespmem:$0x1AF8] =	vst v0  }
0x15f: {  	[tilespmem:$0x1AE8] =	vst v0  }
0x160: {  	[tilespmem:$0x1AD8] =	vst v0  }
0x161: {  	[tilespmem:$0x1AC8] =	vst v0  }
0x162: {  	[tilespmem:$0x1AB8] =	vst v0  }
0x163: {  	[tilespmem:$0x1AA8] =	vst v0  }
0x164: {  	[tilespmem:$0x1A98] =	vst v0  }
0x165: {  	[tilespmem:$0x1A88] =	vst v0  }
0x166: {  	[tilespmem:$0x1A78] =	vst v0  }
0x167: {  	[tilespmem:$0x1A68] =	vst v0  }
0x168: {  	[tilespmem:$0x1A58] =	vst v0  }
0x169: {  	[tilespmem:$0x1A48] =	vst v0  }
0x16a: {  	[tilespmem:$0x1A38] =	vst v0  }
0x16b: {  	[tilespmem:$0x1A28] =	vst v0  }
0x16c: {  	[tilespmem:$0x1A18] =	vst v0  }
0x16d: {  	[tilespmem:$0x1A08] =	vst v0  }
0x16e: {  	[tilespmem:$0x19F8] =	vst v0  }
0x16f: {  	[tilespmem:$0x19E8] =	vst v0  }
0x170: {  	[tilespmem:$0x19D8] =	vst v0  }
0x171: {  	[tilespmem:$0x19C8] =	vst v0  }
0x172: {  	[tilespmem:$0x19B8] =	vst v0  }
0x173: {  	[tilespmem:$0x19A8] =	vst v0  }
0x174: {  	[tilespmem:$0x1998] =	vst v0  }
0x175: {  	[tilespmem:$0x1988] =	vst v0  }
0x176: {  	[tilespmem:$0x1978] =	vst v0  }
0x177: {  	[tilespmem:$0x1968] =	vst v0  }
0x178: {  	[tilespmem:$0x1958] =	vst v0  }
0x179: {  	[tilespmem:$0x1948] =	vst v0  }
0x17a: {  	[tilespmem:$0x1938] =	vst v0  }
0x17b: {  	[tilespmem:$0x1928] =	vst v0  }
0x17c: {  	[tilespmem:$0x1918] =	vst v0  }
0x17d: {  	[tilespmem:$0x1908] =	vst v0  }
0x17e: {  	[tilespmem:$0x18F8] =	vst v0  }
0x17f: {  	[tilespmem:$0x18E8] =	vst v0  }
0x180: {  	[tilespmem:$0x18D8] =	vst v0  }
0x181: {  	[tilespmem:$0x18C8] =	vst v0  }
0x182: {  	[tilespmem:$0x18B8] =	vst v0  }
0x183: {  	[tilespmem:$0x18A8] =	vst v0  }
0x184: {  	[tilespmem:$0x1898] =	vst v0  }
0x185: {  	[tilespmem:$0x1888] =	vst v0  }
0x186: {  	[tilespmem:$0x1878] =	vst v0  }
0x187: {  	[tilespmem:$0x1868] =	vst v0  }
0x188: {  	[tilespmem:$0x1858] =	vst v0  }
0x189: {  	[tilespmem:$0x1848] =	vst v0  }
0x18a: {  	[tilespmem:$0x1838] =	vst v0  }
0x18b: {  	[tilespmem:$0x1828] =	vst v0  }
0x18c: {  	[tilespmem:$0x1818] =	vst v0  }
0x18d: {  	[tilespmem:$0x1808] =	vst v0  }
0x18e: {  	[tilespmem:$0x17F8] =	vst v0  }
0x18f: {  	[tilespmem:$0x17E8] =	vst v0  }
0x190: {  	[tilespmem:$0x17D8] =	vst v0  }
0x191: {  	[tilespmem:$0x17C8] =	vst v0  }
0x192: {  	[tilespmem:$0x17B8] =	vst v0  }
0x193: {  	[tilespmem:$0x17A8] =	vst v0  }
0x194: {  	[tilespmem:$0x1798] =	vst v0  }
0x195: {  	[tilespmem:$0x1788] =	vst v0  }
0x196: {  	[tilespmem:$0x1778] =	vst v0  }
0x197: {  	[tilespmem:$0x1768] =	vst v0  }
0x198: {  	[tilespmem:$0x1758] =	vst v0  }
0x199: {  	[tilespmem:$0x1748] =	vst v0  }
0x19a: {  	[tilespmem:$0x1738] =	vst v0  }
0x19b: {  	[tilespmem:$0x1728] =	vst v0  }
0x19c: {  	[tilespmem:$0x1718] =	vst v0  }
0x19d: {  	[tilespmem:$0x1708] =	vst v0  }
0x19e: {  	[tilespmem:$0x16F8] =	vst v0  }
0x19f: {  	[tilespmem:$0x16E8] =	vst v0  }
0x1a0: {  	[tilespmem:$0x16D8] =	vst v0  }
0x1a1: {  	[tilespmem:$0x16C8] =	vst v0  }
0x1a2: {  	[tilespmem:$0x16B8] =	vst v0  }
0x1a3: {  	[tilespmem:$0x16A8] =	vst v0  }
0x1a4: {  	[tilespmem:$0x1698] =	vst v0  }
0x1a5: {  	[tilespmem:$0x1688] =	vst v0  }
0x1a6: {  	[tilespmem:$0x1678] =	vst v0  }
0x1a7: {  	[tilespmem:$0x1668] =	vst v0  }
0x1a8: {  	[tilespmem:$0x1658] =	vst v0  }
0x1a9: {  	[tilespmem:$0x1648] =	vst v0  }
0x1aa: {  	[tilespmem:$0x1638] =	vst v0  }
0x1ab: {  	[tilespmem:$0x1628] =	vst v0  }
0x1ac: {  	[tilespmem:$0x1618] =	vst v0  }
0x1ad: {  	[tilespmem:$0x1608] =	vst v0  }
0x1ae: {  	[tilespmem:$0x15F8] =	vst v0  }
0x1af: {  	[tilespmem:$0x15E8] =	vst v0  }
0x1b0: {  	[tilespmem:$0x15D8] =	vst v0  }
0x1b1: {  	[tilespmem:$0x15C8] =	vst v0  }
0x1b2: {  	[tilespmem:$0x15B8] =	vst v0  }
0x1b3: {  	[tilespmem:$0x15A8] =	vst v0  }
0x1b4: {  	[tilespmem:$0x1598] =	vst v0  }
0x1b5: {  	[tilespmem:$0x1588] =	vst v0  }
0x1b6: {  	[tilespmem:$0x1578] =	vst v0  }
0x1b7: {  	[tilespmem:$0x1568] =	vst v0  }
0x1b8: {  	[tilespmem:$0x1558] =	vst v0  }
0x1b9: {  	[tilespmem:$0x1548] =	vst v0  }
0x1ba: {  	[tilespmem:$0x1538] =	vst v0  }
0x1bb: {  	[tilespmem:$0x1528] =	vst v0  }
0x1bc: {  	[tilespmem:$0x1518] =	vst v0  }
0x1bd: {  	[tilespmem:$0x1508] =	vst v0  }
0x1be: {  	[tilespmem:$0x14F8] =	vst v0  }
0x1bf: {  	[tilespmem:$0x14E8] =	vst v0  }
0x1c0: {  	[tilespmem:$0x14D8] =	vst v0  }
0x1c1: {  	[tilespmem:$0x14C8] =	vst v0  }
0x1c2: {  	[tilespmem:$0x14B8] =	vst v0  }
0x1c3: {  	[tilespmem:$0x14A8] =	vst v0  }
0x1c4: {  	[tilespmem:$0x1498] =	vst v0  }
0x1c5: {  	[tilespmem:$0x1488] =	vst v0  }
0x1c6: {  	[tilespmem:$0x1478] =	vst v0  }
0x1c7: {  	[tilespmem:$0x1468] =	vst v0  }
0x1c8: {  	[tilespmem:$0x1458] =	vst v0  }
0x1c9: {  	[tilespmem:$0x1448] =	vst v0  }
0x1ca: {  	[tilespmem:$0x1438] =	vst v0  }
0x1cb: {  	[tilespmem:$0x1428] =	vst v0  }
0x1cc: {  	[tilespmem:$0x1418] =	vst v0  }
0x1cd: {  	[tilespmem:$0x1408] =	vst v0  }
0x1ce: {  	[tilespmem:$0x13F8] =	vst v0  }
0x1cf: {  	[tilespmem:$0x13E8] =	vst v0  }
0x1d0: {  	[tilespmem:$0x13D8] =	vst v0  }
0x1d1: {  	[tilespmem:$0x13C8] =	vst v0  }
0x1d2: {  	[tilespmem:$0x13B8] =	vst v0  }
0x1d3: {  	[tilespmem:$0x13A8] =	vst v0  }
0x1d4: {  	[tilespmem:$0x1398] =	vst v0  }
0x1d5: {  	[tilespmem:$0x1388] =	vst v0  }
0x1d6: {  	[tilespmem:$0x1378] =	vst v0  }
0x1d7: {  	[tilespmem:$0x1368] =	vst v0  }
0x1d8: {  	[tilespmem:$0x1358] =	vst v0  }
0x1d9: {  	[tilespmem:$0x1348] =	vst v0  }
0x1da: {  	[tilespmem:$0x1338] =	vst v0  }
0x1db: {  	[tilespmem:$0x1328] =	vst v0  }
0x1dc: {  	[tilespmem:$0x1318] =	vst v0  }
0x1dd: {  	[tilespmem:$0x1308] =	vst v0  }
0x1de: {  	[tilespmem:$0x12F8] =	vst v0  }
0x1df: {  	[tilespmem:$0x12E8] =	vst v0  }
0x1e0: {  	[tilespmem:$0x12D8] =	vst v0  }
0x1e1: {  	[tilespmem:$0x12C8] =	vst v0  }
0x1e2: {  	[tilespmem:$0x12B8] =	vst v0  }
0x1e3: {  	[tilespmem:$0x12A8] =	vst v0  }
0x1e4: {  	[tilespmem:$0x1298] =	vst v0  }
0x1e5: {  	[tilespmem:$0x1288] =	vst v0  }
0x1e6: {  	[tilespmem:$0x1278] =	vst v0  }
0x1e7: {  	[tilespmem:$0x1268] =	vst v0  }
0x1e8: {  	[tilespmem:$0x1258] =	vst v0  }
0x1e9: {  	[tilespmem:$0x1248] =	vst v0  }
0x1ea: {  	[tilespmem:$0x1238] =	vst v0  }
0x1eb: {  	[tilespmem:$0x1228] =	vst v0  }
0x1ec: {  	[tilespmem:$0x1218] =	vst v0  }
0x1ed: {  	[tilespmem:$0x1208] =	vst v0  }
0x1ee: {  	[tilespmem:$0x11F8] =	vst v0  }
0x1ef: {  	[tilespmem:$0x11E8] =	vst v0  }
0x1f0: {  	[tilespmem:$0x11D8] =	vst v0  }
0x1f1: {  	[tilespmem:$0x11C8] =	vst v0  }
0x1f2: {  	[tilespmem:$0x11B8] =	vst v0  }
0x1f3: {  	[tilespmem:$0x11A8] =	vst v0  }
0x1f4: {  	[tilespmem:$0x1198] =	vst v0  }
0x1f5: {  	[tilespmem:$0x1188] =	vst v0  }
0x1f6: {  	[tilespmem:$0x1178] =	vst v0  }
0x1f7: {  	[tilespmem:$0x1168] =	vst v0  }
0x1f8: {  	[tilespmem:$0x1158] =	vst v0  }
0x1f9: {  	[tilespmem:$0x1148] =	vst v0  }
0x1fa: {  	[tilespmem:$0x1138] =	vst v0  }
0x1fb: {  	[tilespmem:$0x1128] =	vst v0  }
0x1fc: {  	[tilespmem:$0x1118] =	vst v0  }
0x1fd: {  	s4 =	stileid.u32;
	[tilespmem:$0x1108] =	vst v0  }
0x1fe: {  	s0 =	smul.u32 $0x17, s4;
	[tilespmem:$0x10F8] =	vst v0  }
0x1ff: {  	s1 =	smin.u32 s4, $0x3;
	[tilespmem:$0x10C8] =	vst v0  }
0x200: {  	[tilespmem:$0x10D8] =	vst v0;
	s0 =	sadd.s32 s1, s0  }
0x201: {  	p0 =	slt.u32 s4, $0x3;
	[tilespmem:$0x10B8] =	vst v0;
	s1 =	simm.s32 $0x2880;
	s6 =	smul.u32 $0x1B0, s0  }
0x202: {  	s1 =	simm.s32 @!p0 $0x26D0;
	[tilespmem:$0x1038] =	vst v0  }
0x203: {  	[tilespmem:$0x10A8] =	vst v0;
	s0 =	sadd.s32 s1, s6  }
0x204: {  	s3 =	simm.s32 $0x2;
	s8 =	simm.s32 $0x9;
	[tilespmem:$0x1098] =	vst v0;
	s7 =	smin.u32 s0, $0x27100  }
0x205: {  	s10 =	simm.s32 $0xA;
	s30 =	simm.s32 $0xB;
	[tilespmem:$0x1088] =	vst v0;
	s0 =	ssub.s32 s7, s6  }
0x206: {  	s16 =	simm.s32 $0x0;
	p4 =	por $0x0, $0x0;
	[tilespmem:$0x1078] =	vst v0;
	p0 =	sgt.s32 s0, $0x0  }
0x207: {  	s17 =	simm.s32 $0xC;
	s21 =	simm.s32 $0x0;
	[tilespmem:$0x1058] =	vst v0;
	s0 =	simm.s32 @!p0 $0x0  }
0x208: {  	s18 =	simm.s32 $0x0;
	s2 =	sand.u32 $0x1, s2;
	[tilespmem:$0x1048] =	vst v0;
	s29 =	smulhi.u32 $0x4BDA12F7, s0  }
0x209: {  	s20 =	simm.s32 $0x0;
	s31 =	sshll.u32 s4, $0x5;
	[tilespmem:$0x1018] =	vst v0;
	[dreg:$0x5] =	wrdreg s2  }
0x20a: {  	s2 =	smul.u32 $0x4E20, s2;
	[tilespmem:$0x1008] =	vst v0;
	[sflag:s3] =	ssyncpa.u1 $0x0;
	s1 =	sshrl.u32 s29, $0x7  }
0x20b: {  	v0 =	vimm.s32 $0xFFFFFFFF;
	s3 =	sadd.s32 $0x73600, s11;
	[dreg:$0x4] =	wrdreg s31;
	s5 =	smul.u32 $0x1B0, s1  }
.Ltmp7:
0x20c: {  	[tilespmem:$0x3648] =	vst v0;
	[sflag:s8] =	ssyncpa.u1 $0x0;
	s2 =	sadd.s32 s2, s11;
	(pc) =	sbr.rel .LBB3_1-.Ltmp7, $4  }
0x20d: {  	[sflag:s10] =	ssyncpa.u1 $0x0;
	s11 =	sadd.s32 $0x52DE00, s11;
	p0 =	sne.s32 s0, s5  }
0x20e: {  	[sflag:s30] =	ssyncpa.u1 $0x0;
	s14 =	sadd.s32 $0x18BFC00, s2;
	s12 =	simm.s32 @!p0 $0x0  }
0x20f: {  	s15 =	sadd.s32 $0x18B5E00, s2;
	s19 =	smov.u32 s6;
	s12 =	sadd.s32 s12, s1  }
0x210: {  	v0 =	vlaneseq.u32;
	[dreg:$0x6] =	wrdreg s6;
	p0 =	por $0x1, $0x1;
	s4 =	sadd.s32 $0x1, s12  }
.LBB3_18:
0x211: {  	s0 =	simm.s32 $0x2  }
0x212: {  	_ =	swait.ge [sflag:s0], $0x0  }
0x213: {  	[sflag:s0] =	ssyncset.done $0x0;
	s0 =	simm.s32 $0x0  }
.LBB3_19:
0x214: {  	_ =	swait.ge [sflag:s17], s0  }
0x215: {  	s31 =	ssub.s32 $0x0, s0;
	v1 =	vmov s23;
	vm0 =	veq.s32 v0, $0x0;
	[sflag:s17] =	ssyncset.done $0x0  }
0x216: {  	vm15 =	veq.s32 v0, $0x2;
	v1 =	vsel vm0, s28, v1;
	[sflag:s17] =	ssyncadd.s32 s31  }
0x217: {  	v1 =	vsel vm15, s21, v1;
	[sflag:s17] =	ssyncpa.u1 $0x1  }
0x218: {  	[tilespmem:$0x3648] =	vst v1  }
.LBB3_20:
0x219: {  	s0 =	sadd.s32 $0x1B0, s19  }
0x21a: {  	s1 =	smov.u32 s6;
	p1 =	slt.s32 s0, s7  }
0x21b: {  	s1 =	smov.u32 @p1 s0;
	p1 =	sne.s32 s20, s4  }
.Ltmp8:
0x21c: {  	_ = 	snop;
	(pc) =	sbr.rel @!p1 .LBB3_21-.Ltmp8, $4  }
0x21d: {  	_ = 	snop  }
0x21e: {  	s21 =	smov.u32 s18  }
0x21f: {  	s31 =	sadd.s32 $0x1, s20;
	s18 =	smov.u32 s19;
	p0 =	por !p0, !p0  }
0x220: {  	p4 =	por !p4, !p4;
	s20 =	smov.u32 s31;
	s19 =	smov.u32 s1  }
.LBB3_1:
0x221: {  	p2 =	sge.u32 s20, s12  }
0x222: {  	s0 =	smulhi.u32 @!p2 $0xAAAAAAAB, s20  }
0x223: {  	s1 =	smov.u32 s19;
	p3 =	sgt.s32 @!p2 s19, $0x26F50  }
0x224: {  	s2 =	sshra.s32 @!p2 s19, $0x1F;
	p3 =	por !p3, p2;
	s0 =	sshrl.u32 @!p2 s0, $0x1  }
0x225: {  	s2 =	sand.u32 @!p2 s2, s19;
	s1 =	simm.s32 @p3 $0x26F50;
	s0 =	smul.u32 @!p2 $0x3, s0  }
0x226: {  	s1 =	ssub.s32 @!p2 s1, s2  }
0x227: {  	s23 =	sadd.s32 $0xFFFFFFFF, s20;
	s1 =	sadd.s32 @!p2 $0xFFFD90B0, s1;
	s0 =	ssub.s32 @!p2 s20, s0  }
0x228: {  	s2 =	sshll.u32 @!p2 s1, $0x2;
	p3 =	sgt.s32 @!p2 s1, $0x1AF;
	s0 =	smul.u32 @!p2 $0x6C0, s0  }
0x229: {  	s5 =	sand.u32 @!p2 $0x7, s19;
	s1 =	ssub.s32 @!p2 $0x6C0, s2;
	p3 =	por !p3, p2  }
0x22a: {  	s2 =	sshrl.u32 @!p2 s19, $0x3;
	s1 =	sshrl.u32 @!p2 s1, $0x2;
	s0 =	sshrl.u32 @!p2 s0, $0x2  }
0x22b: {  	s2 =	sadd.s32 @!p2 s2, s14;
	s1 =	simm.s32 @!p3 $0x0;
	s0 =	sadd.s32 @!p2 $0x3888, s0  }
0x22c: {  	[tilespmem:s0], [sflag:$0xA] =	stream.linear.gather @!p2 [hbm4b:s2+s5], s1, $0x38;
	[tilespmem:$0x1F0F8] =	vst v63  }
0x22d: {  	p2 =	sge.u32 s23, s12  }
0x22e: {  	p3 =	sgt.s32 @!p2 s18, $0x26F50  }
0x22f: {  	s0 =	smov.u32 s18;
	s1 =	sshra.s32 @!p2 s18, $0x1F;
	p3 =	por !p3, p2  }
0x230: {  	s1 =	sand.u32 @!p2 s1, s18;
	s0 =	simm.s32 @p3 $0x26F50  }
0x231: {  	s0 =	ssub.s32 @!p2 s0, s1  }
0x232: {  	s0 =	sadd.s32 @!p2 $0xFFFD90B0, s0  }
0x233: {  	s1 =	sshll.u32 @!p2 s0, $0x2  }
0x234: {  	p3 =	sgt.s32 @!p2 s0, $0x1AF;
	s0 =	ssub.s32 @!p2 $0x6C0, s1  }
0x235: {  	s22 =	ssub.s32 @!p2 $0x27100, s18;
	p3 =	por !p3, p2;
	s0 =	sshrl.u32 @!p2 s0, $0x2  }
0x236: {  	s1 =	sand.u32 @!p2 $0x1, s23;
	s0 =	simm.s32 @!p3 $0x0;
	p3 =	slt.s32 @!p2 s22, $0x1  }
0x237: {  	s2 =	simm.s32 @!p2 $0xA;
	s1 =	smul.u32 @!p2 $0x6C0, s1;
	p3 =	por p2, p3  }
.Ltmp9:
0x238: {  	_ =	swait.ge @!p2 [sflag:s2], s0;
	(pc) =	sbr.rel @p3 .LBB3_7-.Ltmp9, $4  }
0x239: {  	s5 =	ssub.s32 @!p2 $0x0, s0;
	[sflag:s2] =	ssyncset.done @!p2 $0x0  }
0x23a: {  	s1 =	sshrl.u32 @!p2 s1, $0x2;
	[sflag:s2] =	ssyncadd.s32 @!p2 s5;
	s2 =	sshrl.u32 @!p2 s18, $0x3  }
0x23b: {  	s1 =	sadd.s32 @!p2 $0x3D98, s1;
	s5 =	sand.u32 @!p2 $0x7, s18;
	s2 =	sadd.s32 @!p2 s2, s15  }
0x23c: {  	[tilespmem:s1], [sflag:$0xB] =	stream.linear.gather @!p2 [hbm4b:s2+s5], s0, $0x38;
	[tilespmem:$0x1F0F8] =	vst v63  }
0x23d: {  	s0 =	smulhi.u32 $0xAAAAAAAB, s23;
	_ =	sdelay $0x1  }
0x23e: {  	s0 =	sshrl.u32 s0, $0x1  }
0x23f: {  	s0 =	smul.u32 $0x3, s0;
	_ =	sdelay $0x1  }
0x240: {  	s0 =	ssub.s32 s23, s0  }
0x241: {  	s1 =	simm.s32 $0x1;
	s0 =	smul.u32 $0x6C0, s0  }
.Ltmp10:
0x242: {  	s1 =	simm.s32 @!p0 $0x0;
	(pc) =	sbr.rel .LBB3_4-.Ltmp10, $4  }
0x243: {  	s1 =	smul.u32 $0x36000, s1  }
0x244: {  	p3 =	slt.s32 @!p2 s22, $0x1B0;
	s0 =	sshrl.u32 s0, $0x2  }
0x245: {  	p2 =	por !p3, p2;
	s1 =	sshrl.u32 s1, $0x2;
	s0 =	sadd.s32 $0x3888, s0  }
0x246: {  	s24 =	simm.s32 $0x0;
	s22 =	simm.s32 @p2 $0x1B0;
	s23 =	sadd.s32 $0x40F8, s1;
	v1 =	vmov s0  }
.LBB3_3:
0x247: {  	p2 =	sge.s32 s24, s22  }
.Ltmp11:
0x248: {  	_ = 	snop;
	(pc) =	sbr.rel @p2 .LBB3_7-.Ltmp11, $2  }
0x249: {  	_ =	sdelay $0x2  }
0x24a: {  	s23 =	sadd.s32 $0x800, s23  }
.LBB3_4:
0x24b: {  	p2 =	sle.s32 s22, s24  }
.Ltmp12:
0x24c: {  	_ = 	snop;
	(pc) =	sbr.rel @p2 .LBB3_3-.Ltmp12, $2  }
0x24d: {  	_ =	sdelay $0x2  }
0x24e: {  	s0 =	smov.u32 s24;
	s24 =	sadd.s32 $0x10, s24  }
0x24f: {  	s1 =	ssub.s32 s22, s0  }
0x250: {  	p2 =	slt.s32 s1, $0x10  }
0x251: {  	s1 =	simm.s32 @!p2 $0x10  }
0x252: {  	v2 =	vmov s1  }
0x253: {  	vm0 =	vgt.s32 v2, v0;
	_ =	sdelay $0x5  }
0x254: {  	v2 =	vld.idx.msk [tilespmem:v1+s0+$0x0 ss:$0x1], vm0;
	_ =	sdelay $0x2  }
0x255: {  	p2 =	slt.s32 s24, s22;
	s1 =	smov.u32 s22  }
0x256: {  	s2 =	smov.u32 s23;
	s25 =	simm.s32 $0x0;
	s1 =	smov.u32 @p2 s24  }
.LBB3_6:
0x257: {  	(v2sf) =	vpush v2, s25;
	_ =	sdelay $0xc  }
0x258: {  	s25 =	sadd.s32 $0x1, s25  }
0x259: {  	s31 =	sadd.s32 s25, s0  }
0x25a: {  	p2 =	slt.s32 s31, s1;
	s5 =	spop (v2sf)  }
.Ltmp13:
0x25b: {  	s5 =	sshll.u32 s5, $0x4;
	(pc) =	sbr.rel @p2 .LBB3_6-.Ltmp13, $4  }
0x25c: {  	s5 =	sand.u32 $0x1FFFFFF0, s5  }
0x25d: {  	s5 =	sadd.s32 s11, s5  }
0x25e: {  	[tilespmem:s2], [sflag:$0x9] =	stream.linear.gather [hbm4b:s5+s16], $0x10, $0x38;
	[tilespmem:$0x1F0F8] =	vst v63  }
0x25f: {  	s2 =	sadd.s32 $0x80, s2  }
.Ltmp14:
0x260: {  	_ = 	snop;
	(pc) =	sbr.rel .LBB3_3-.Ltmp14, $1  }
0x261: {  	_ =	sdelay $0x3  }
.LBB3_7:
0x262: {  	p2 =	slt.u32 s20, $0x2  }
.Ltmp15:
0x263: {  	_ = 	snop;
	(pc) =	sbr.rel @p2 .LBB3_20-.Ltmp15, $1  }
0x264: {  	_ =	sdelay $0x3  }
0x265: {  	p2 =	sgt.s32 s21, $0x26F50  }
0x266: {  	s0 =	smov.u32 s21;
	s1 =	sshra.s32 s21, $0x1F;
	s2 =	ssub.s32 $0x27100, s21  }
0x267: {  	s0 =	simm.s32 @!p2 $0x26F50;
	s1 =	sand.u32 s1, s21;
	p2 =	slt.s32 s2, $0x1B0  }
0x268: {  	s0 =	ssub.s32 s0, s1;
	s2 =	simm.s32 @!p2 $0x1B0  }
0x269: {  	s0 =	sadd.s32 $0xFFFD90B0, s0;
	s24 =	sshll.u32 s2, $0x4  }
0x26a: {  	s28 =	simm.s32 $0x9;
	s25 =	sshll.u32 s0, $0x2;
	s1 =	sand.u32 $0x3FFFFFF0, s24  }
0x26b: {  	p2 =	sgt.s32 s0, $0x1AF;
	s26 =	ssub.s32 $0x6C0, s25;
	_ =	swait.ge [sflag:s28], s1  }
0x26c: {  	s1 =	ssub.s32 $0x0, s1;
	[sflag:s28] =	ssyncset.done $0x0;
	s0 =	sshrl.u32 s26, $0x2  }
0x26d: {  	s30 =	simm.s32 $0xB;
	[sflag:s28] =	ssyncadd.s32 s1;
	s0 =	simm.s32 @p2 $0x0  }
0x26e: {  	_ =	swait.ge [sflag:s30], s0  }
0x26f: {  	s0 =	ssub.s32 $0x0, s0;
	[sflag:s30] =	ssyncset.done $0x0  }
0x270: {  	[sflag:s30] =	ssyncadd.s32 s0  }
0x271: {  	v1 =	vld [tilespmem:$0x3648];
	_ =	sdelay $0x4  }
0x272: {  	(v2sf) =	vpush v1, $0x0  }
0x273: {  	(v2sf) =	vpush v1, $0x1  }
0x274: {  	(v2sf) =	vpush v1, $0x2;
	_ =	sdelay $0x3  }
0x275: {  	s0 =	sadd.s32 $0x1B0, s21  }
0x276: {  	s1 =	ssub.s32 $0x4E200, s21;
	p2 =	slt.s32 s7, s0  }
0x277: {  	s0 =	smov.u32 @p2 s7;
	p2 =	sgt.s32 s1, $0x0  }
0x278: {  	s25 =	ssub.s32 s0, s21;
	s1 =	simm.s32 @!p2 $0x0  }
0x279: {  	p2 =	slt.s32 s1, s25  }
0x27a: {  	s25 =	smov.u32 @p2 s1  }
0x27b: {  	s24 =	simm.s32 $0x1;
	p2 =	slt.s32 s25, $0x1  }
.Ltmp16:
0x27c: {  	s24 =	simm.s32 @!p4 $0x0;
	(pc) =	sbr.rel @p2 .LBB3_12-.Ltmp16, $4  }
0x27d: {  	s31 =	smul.u32 $0x6C0, s24  }
0x27e: {  	s26 =	spop (v2sf)  }
0x27f: {  	s0 =	sshrl.u32 s31, $0x2;
	s29 =	spop (v2sf)  }
0x280: {  	s22 =	sadd.s32 $0x3D98, s0;
	s21 =	spop (v2sf)  }
0x281: {  	s0 =	smin.u32 s25, $0x10  }
0x282: {  	v1 =	vmov s0  }
0x283: {  	p3 =	sgt.s32 s25, $0x10;
	vm1 =	vgt.u32 v1, v0  }
.Ltmp17:
0x284: {  	_ = 	snop;
	(pc) =	sbr.rel @!p3 .LBB3_11-.Ltmp17, $2  }
0x285: {  	_ =	sdelay $0x2  }
0x286: {  	s23 =	simm.s32 $0x10;
	s28 =	sadd.s32 $0xFFFFFFF0, s25;
	s0 =	smov.u32 s22;
	vm0 =	vmmov vm1  }
.LBB3_10:
0x287: {  	s1 =	smin.u32 s28, $0x10;
	s23 =	sadd.s32 $0x10, s23;
	v1 =	vld.msk [tilespmem:s0+$0x0 ss:$0x1], vm1  }
0x288: {  	v2 =	vmov s1;
	p3 =	slt.s32 s23, s25  }
0x289: {  	vm1 =	vgt.u32 v2, v0  }
.Ltmp18:
0x28a: {  	(pc) =	sbr.rel @p3 .LBB3_10-.Ltmp18, $3  }
0x28b: {  	_ =	sdelay $0x1  }
0x28c: {  	v1 =	vshll.u32 v1, $0x4  }
0x28d: {  	s28 =	sadd.s32 $0xFFFFFFF0, s28;
	[tilespmem:s0+$0x0] =	vst.msk vm0, v1;
	s0 =	sadd.s32 $0x10, s0;
	vm0 =	vmmov vm1  }
.LBB3_11:
0x28e: {  	_ =	sdelay $0x4  }
0x28f: {  	v1 =	vld.msk [tilespmem:s0+$0x0 ss:$0x1], vm1;
	_ =	sdelay $0x4  }
0x290: {  	v1 =	vshll.u32 v1, $0x4  }
0x291: {  	[tilespmem:s0+$0x0] =	vst.msk vm0, v1  }
.LBB3_12:
0x292: {  	s0 =	sand.u32 $0x1, s20  }
0x293: {  	s0 =	smul.u32 $0x1B0, s0  }
0x294: {  	p3 =	sne.s32 s29, $0xFFFFFFFF  }
0x295: {  	v1 =	vld.msk @!p3 [tilespmem:s0+$0x3D98], $0x1;
	_ =	sdelay $0x4  }
0x296: {  	(v2sf) =	vpush @!p3 v1, $0x0;
	_ =	sdelay $0xc  }
.Ltmp19:
0x297: {  	_ = 	snop;
	(pc) =	sbr.rel @p2 .LBB3_18-.Ltmp19, $4  }
0x298: {  	_ = 	snop  }
0x299: {  	s28 =	spop @!p3 (v2sf)  }
0x29a: {  	s21 =	simm.s32 @!p3 $0x0;
	s23 =	smov.u32 s28  }
0x29b: {  	[sflag:s17] =	ssyncpa.u1 $0x0;
	s28 =	smov.u32 @p3 s26;
	s23 =	smov.u32 @p3 s29  }
0x29c: {  	v1 =	vld.msk [tilespmem:s22+$0x0], $0x1;
	_ =	sdelay $0x4  }
0x29d: {  	(v2sf) =	vpush v1, $0x0;
	_ =	sdelay $0xe  }
0x29e: {  	s0 =	simm.s32 @!p4 $0x0;
	s26 =	smul.u32 $0x36000, s24;
	s31 =	spop (v2sf)  }
0x29f: {  	s29 =	ssub.s32 $0x0, s25;
	s0 =	simm.s32 @p4 $0x1;
	p2 =	seq.s32 s28, s31  }
0x2a0: {  	s1 =	smov.u32 s28;
	[smem:$0x7FD] =	sst s0;
	p3 =	sgt.s32 @!p2 s28, $0x0  }
0x2a1: {  	s0 =	sshrl.u32 s26, $0x2;
	s26 =	sadd.s32 $0x1, s29;
	p3 =	por !p3, p2  }
0x2a2: {  	s1 =	simm.s32 @p3 $0x0;
	p3 =	seq.s32 s26, $0x0  }
.Ltmp20:
0x2a3: {  	_ = 	snop;
	(pc) =	sbr.rel @p3 .LBB3_15-.Ltmp20, $4  }
0x2a4: {  	s6 =	smov.u32 s4;
	s25 =	simm.s32 $0x0  }
0x2a5: {  	s24 =	sadd.s32 $0x40F8, s0;
	s0 =	simm.s32 @!p2 $0x1;
	s2 =	smin.u32 @!p2 s1, $0x277FE  }
0x2a6: {  	s30 =	sadd.s32 $0x1, s22;
	s0 =	smov.u32 @p2 s25;
	s5 =	sand.u32 @!p2 $0x3FFF8, s2  }
0x2a7: {  	s1 =	simm.s32 @!p2 $0x1B38;
	s2 =	sand.u32 @!p2 $0x7, s2;
	s5 =	sadd.s32 @!p2 s3, s5  }
.LBB3_14:
0x2a8: {  	s4 =	smov.u32 s0  }
0x2a9: {  	[tilespmem:s1], [sflag:$0x2] =	stream.linear.gather @!p2 [hbm4b:s5+s2], $0x10, $0x38;
	[tilespmem:$0x1F0F8] =	vst v63  }
0x2aa: {  	s26 =	sadd.s32 $0x1, s26;
	s2 =	smov.u32 s31;
	v1 =	vld.msk [tilespmem:s30+$0x0], $0x1  }
0x2ab: {  	p3 =	seq.s32 s26, $0x0;
	_ =	sdelay $0x3  }
0x2ac: {  	(v2sf) =	vpush v1, $0x0;
	_ =	sdelay $0xe  }
0x2ad: {  	s31 =	spop (v2sf)  }
0x2ae: {  	p2 =	seq.s32 s2, s31  }
0x2af: {  	p4 =	sgt.s32 @!p2 s2, $0x0;
	s1 =	sshll.u32 @!p2 s0, $0x6;
	s0 =	sadd.s32 @!p2 $0x1, s0  }
.Ltmp21:
0x2b0: {  	p4 =	por !p4, p2;
	s1 =	sshra.s32 @!p2 s1, $0x2;
	(pc) =	sbr.rel @!p3 .LBB3_14-.Ltmp21, $4  }
0x2b1: {  	s0 =	smov.u32 @p2 s4;
	s2 =	simm.s32 @p4 $0x0;
	s1 =	sadd.s32 @!p2 $0x1B38, s1  }
0x2b2: {  	s2 =	smin.u32 @!p2 s2, $0x277FE  }
0x2b3: {  	s4 =	sand.u32 @!p2 $0x3FFF8, s2;
	s2 =	sand.u32 @!p2 $0x7, s2  }
0x2b4: {  	s30 =	sadd.s32 $0x1, s30;
	s5 =	sadd.s32 @!p2 s3, s4  }
.LBB3_15:
0x2b5: {  	[tilespmem:s1], [sflag:$0x2] =	stream.linear.gather @!p2 [hbm4b:s5+s2], $0x10, $0x38;
	[tilespmem:$0x1F0F8] =	vst v63  }
0x2b6: {  	s0 =	sshll.u32 s0, $0x4  }
0x2b7: {  	s31 =	simm.s32 $0x2;
	s0 =	sand.u32 $0x3FFFFFF0, s0  }
0x2b8: {  	_ =	swait.ge [sflag:s31], s0  }
0x2b9: {  	s0 =	ssub.s32 $0x0, s0;
	[sflag:s31] =	ssyncset.done $0x0  }
0x2ba: {  	[sflag:s31] =	ssyncadd.s32 s0  }
0x2bb: {  	v1 =	vld.msk [tilespmem:s22+$0x0], $0x1;
	_ =	sdelay $0x4  }
0x2bc: {  	(v2sf) =	vpush v1, $0x0;
	_ =	sdelay $0xe  }
0x2bd: {  	s26 =	spop (v2sf)  }
0x2be: {  	p2 =	sne.s32 s28, s26  }
0x2bf: {  	p4 =	sne.s32 @p2 s28, s23  }
0x2c0: {  	p3 =	por !p4, !p2  }
0x2c1: {  	s0 =	simm.s32 @!p3 $0x0  }
0x2c2: {  	v1 =	vld @!p3 [tilespmem:s0+$0x1B38]  }
0x2c3: {  	p5 =	sgt.u32 @!p3 s28, $0x277FE  }
0x2c4: {  	s1 =	sshll.u32 @!p3 s21, $0x6;
	p6 =	por @p2 p5, !p4  }
0x2c5: {  	s1 =	sshra.s32 @!p3 s1, $0x2;
	p1 =	por p6, !p2;
	p6 =	por p4, !p2  }
0x2c6: {  	s2 =	sadd.s32 @!p3 $0x28, s1;
	s4 =	sand.u32 @!p1 $0x3FFF8, s28;
	s5 =	sshll.u32 @!p6 s21, $0x6  }
0x2c7: {  	s28 =	sand.u32 @!p1 $0x7, s28;
	[tilespmem:s1+$0x28] =	vst.add.f32.msk @!p3 $0xffff, v1;
	s1 =	sadd.s32 @!p1 s3, s4;
	s4 =	sshra.s32 @!p6 s5, $0x2  }
0x2c8: {  	[hbm4b:s1+s28] =	stream.linear.scatter @!p1 [tilespmem:s2], [sflag:$0xC], $0x10, $0x38;
	[tilespmem:$0x1F0F8] =	vst v63  }
0x2c9: {  	s0 =	rddreg [dreg:$0x4];
	s1 =	sadd.s32 @!p6 $0x28, s4;
	s2 =	simm.s32 @!p6 $0x1  }
0x2ca: {  	[spmem:s0] =	stream.linear.scatter @!p6 [tilespmem:s1], [sflag:$0x1], $0x10, $0x38;
	[tilespmem:$0x1F0F8] =	vst v63  }
0x2cb: {  	s0 =	sadd.s32 @p2 $0x1, s21;
	_ =	swait.ge @!p6 [sflag:s2], $0x10  }
0x2cc: {  	s1 =	sshrl.u32 @p2 s0, $0x4;
	[sflag:s2] =	ssyncset.done @!p6 $0x0  }
0x2cd: {  	s1 =	smulhi.u32 @p2 $0x97B425F, s1;
	[sflag:s2] =	ssyncadd.s32 @!p6 $0xFFFFFFF0  }
0x2ce: {  	s28 =	sadd.s32 $0x1, s29;
	v1 =	vld @p2 [tilespmem:s24+$0x0]  }
0x2cf: {  	p1 =	por @p2 !p5, !p4;
	p4 =	seq.s32 s28, $0x0;
	s1 =	smul.u32 @p2 $0x1B0, s1  }
.Ltmp22:
0x2d0: {  	p1 =	por !p1, !p2;
	s2 =	simm.s32 @!p3 $0x0;
	(pc) =	sbr.rel @p4 .LBB3_17-.Ltmp22, $4  }
0x2d1: {  	s4 =	sshll.u32 @!p2 s21, $0x6;
	s2 =	simm.s32 @!p1 $0x40;
	s0 =	ssub.s32 @p2 s0, s1  }
0x2d2: {  	s29 =	simm.s32 $0x0;
	s2 =	sadd.s32 @!p3 $0x0, s2;
	s5 =	sshll.u32 @p2 s0, $0x4  }
0x2d3: {  	s30 =	sshra.s32 @!p2 s4, $0x2;
	s1 =	simm.s32 @p2 $0x1;
	s2 =	smov.u32 @p3 s25;
	[tilespmem:s5+$0x28] =	vst @p2 v1  }
0x2d4: {  	s21 =	smov.u32 @p2 s0;
	s29 =	smov.u32 @p2 s2;
	s25 =	smov.u32 @p2 s1;
	v1 =	vld @!p2 [tilespmem:s24+$0x0]  }
.LBB3_16:
0x2d5: {  	_ =	sdelay $0x3  }
0x2d6: {  	s22 =	sadd.s32 $0x1, s22;
	[tilespmem:s30+$0x28] =	vst.add.f32.msk @!p2 $0xffff, v1  }
0x2d7: {  	v1 =	vld.msk [tilespmem:s22+$0x0], $0x1;
	_ =	sdelay $0x4  }
0x2d8: {  	(v2sf) =	vpush v1, $0x0;
	_ =	sdelay $0xe  }
0x2d9: {  	s0 =	smov.u32 s26;
	s26 =	spop (v2sf)  }
0x2da: {  	p2 =	sne.s32 s0, s26  }
0x2db: {  	p5 =	sne.s32 @p2 s0, s23  }
0x2dc: {  	s4 =	sshll.u32 @!p2 s21, $0x6;
	p4 =	por !p5, !p2  }
0x2dd: {  	s30 =	sshra.s32 @!p2 s4, $0x2;
	s4 =	sshll.u32 @!p4 s25, $0x6  }
0x2de: {  	s4 =	sshra.s32 @!p4 s4, $0x2  }
0x2df: {  	p1 =	sgt.u32 @!p4 s0, $0x277FE;
	v1 =	vld @!p4 [tilespmem:s4+$0x1B38]  }
0x2e0: {  	s31 =	sshll.u32 @!p4 s21, $0x6;
	p6 =	por @p2 p1, !p5;
	p1 =	por @p2 !p1, !p5  }
0x2e1: {  	s8 =	simm.s32 @!p4 $0x0;
	s31 =	sshra.s32 @!p4 s31, $0x2;
	p1 =	por !p1, !p2  }
0x2e2: {  	p5 =	por p5, !p2;
	s8 =	simm.s32 @!p1 $0x40;
	p1 =	por p6, !p2  }
0x2e3: {  	s4 =	sadd.s32 @!p4 $0x28, s31;
	s13 =	sshll.u32 @!p5 s21, $0x6;
	s10 =	sand.u32 @!p1 $0x3FFF8, s0  }
0x2e4: {  	s13 =	sshra.s32 @!p5 s13, $0x2;
	s0 =	sand.u32 @!p1 $0x7, s0;
	s10 =	sadd.s32 @!p1 s3, s10;
	[tilespmem:s31+$0x28] =	vst.add.f32.msk @!p4 $0xffff, v1  }
0x2e5: {  	[hbm4b:s10+s0] =	stream.linear.scatter @!p1 [tilespmem:s4], [sflag:$0xC], $0x10, $0x38;
	[tilespmem:$0x1F0F8] =	vst v63  }
0x2e6: {  	s1 =	rddreg [dreg:$0x4];
	s0 =	sadd.s32 @!p5 $0x28, s13;
	s4 =	simm.s32 @!p5 $0x1  }
0x2e7: {  	[spmem:s1] =	stream.linear.scatter @!p5 [tilespmem:s0], [sflag:$0x1], $0x10, $0x38;
	[tilespmem:$0x1F0F8] =	vst v63  }
0x2e8: {  	s2 =	sadd.s32 @p2 $0x1, s21;
	_ =	swait.ge @!p5 [sflag:s4], $0x10  }
0x2e9: {  	s5 =	sshrl.u32 @p2 s2, $0x4;
	[sflag:s4] =	ssyncset.done @!p5 $0x0  }
0x2ea: {  	s24 =	sadd.s32 $0x80, s24;
	s5 =	smulhi.u32 @p2 $0x97B425F, s5;
	[sflag:s4] =	ssyncadd.s32 @!p5 $0xFFFFFFF0  }
0x2eb: {  	s28 =	sadd.s32 $0x1, s28;
	v1 =	vld @p2 [tilespmem:s24+$0x0]  }
0x2ec: {  	p3 =	seq.s32 s28, $0x0;
	s5 =	smul.u32 @p2 $0x1B0, s5  }
.Ltmp23:
0x2ed: {  	_ = 	snop;
	(pc) =	sbr.rel @!p3 .LBB3_16-.Ltmp23, $4  }
0x2ee: {  	s2 =	ssub.s32 @p2 s2, s5  }
0x2ef: {  	s8 =	sadd.s32 @!p4 s8, s29;
	s5 =	sshll.u32 @p2 s2, $0x4  }
0x2f0: {  	s9 =	sadd.s32 @p2 $0x1, s25;
	s8 =	smov.u32 @p4 s29;
	[tilespmem:s5+$0x28] =	vst @p2 v1  }
0x2f1: {  	s25 =	smov.u32 @p2 s9;
	s21 =	smov.u32 @p2 s2;
	s29 =	smov.u32 @p2 s8;
	v1 =	vld @!p2 [tilespmem:s24+$0x0]  }
.LBB3_17:
.Ltmp24:
0x2f2: {  	_ = 	snop;
	(pc) =	sbr.rel .LBB3_19-.Ltmp24, $3  }
0x2f3: {  	s1 =	sld [smem:$0x7FD];
	_ =	sdelay $0x1  }
0x2f4: {  	s0 =	sshrl.u32 s29, $0x2;
	s28 =	smov.u32 s26  }
0x2f5: {  	s4 =	smov.u32 s6;
	s6 =	rddreg [dreg:$0x6];
	p4 =	seq.s32 s1, $0x1;
	[tilespmem:s30+$0x28] =	vst.add.f32.msk @!p2 $0xffff, v1  }
.LBB3_21:
0x2f6: {  	_ =	sfence.sel $0x180000  }
0x2f7: {  	s0 =	simm.s32 $0x9;
	[bflag:$0x0] =	sbarrier.arrive $0xFFFF  }
0x2f8: {  	s24 =	simm.s32 $0xA;
	[sflag:s0] =	ssyncpa.u1 $0x1  }
0x2f9: {  	s25 =	simm.s32 $0xB;
	[sflag:s24] =	ssyncpa.u1 $0x1  }
0x2fa: {  	s26 =	simm.s32 $0x2;
	[sflag:s25] =	ssyncpa.u1 $0x1  }
0x2fb: {  	[sflag:s26] =	ssyncpa.u1 $0x1  }
0x2fc: {  	v0 =	vld [tilespmem:$0x3648];
	_ =	sdelay $0x4  }
0x2fd: {  	(v2sf) =	vpush v0, $0x0  }
0x2fe: {  	(v2sf) =	vpush v0, $0x1;
	_ =	sdelay $0x1  }
0x2ff: {  	(v2sf) =	vpush v0, $0x2;
	_ =	sdelay $0xb  }
0x300: {  	s0 =	spop (v2sf)  }
0x301: {  	s1 =	spop (v2sf)  }
0x302: {  	s2 =	smov.u32 s0;
	p0 =	sne.s32 s0, s1  }
0x303: {  	s4 =	spop (v2sf);
	s2 =	simm.s32 @!p0 $0xFFFFFFFF  }
0x304: {  	v2 =	vimm.s32 $0x1;
	v3 =	vlaneseq.u32;
	p0 =	seq.s32 s4, $0xFFFFFFFF;
	v1 =	vmov s2  }
0x305: {  	s16 =	stileid.u32;
	v0 =	vperm.xlane v0, v2;
	p1 =	sne.s32 @!p0 s0, s1;
	v1 =	vperm.xlane v1, v3  }
0x306: {  	vm0 =	vcmask $0x3F04;
	s6 =	simm.s32 $0x3648;
	s0 =	simm.s32 @!p0 $0x1;
	p1 =	por !p1, p0  }
0x307: {  	s2 =	sshll.u32 s16, $0x1;
	s1 =	sshll.u32 @!p0 s4, $0x6;
	s0 =	simm.s32 @p1 $0x0;
	v0 =	vsel vm0, v1, v0  }
0x308: {  	s5 =	sor.u32 $0x200, s2;
	s1 =	sshra.s32 @!p0 s1, $0x2;
	s0 =	sor.u32 @!p0 s0, s2;
	[tilespmem:$0x3648] =	vst v0  }
0x309: {  	[spmem:s5] =	stream.linear.scatter [tilespmem:s6], [sflag:$0x1], $0x2, $0x38;
	[tilespmem:$0x1F0F8] =	vst v63  }
0x30a: {  	s1 =	sadd.s32 @!p0 $0x28, s1;
	s0 =	sshll.u32 @!p0 s0, $0x4  }
0x30b: {  	[spmem:s0] =	stream.linear.scatter @!p0 [tilespmem:s1], [sflag:$0x1], $0x10, $0x38;
	[tilespmem:$0x1F0F8] =	vst v63  }
0x30c: {  	s0 =	simm.s32 @!p0 $0x12  }
0x30d: {  	s28 =	simm.s32 $0x1;
	s0 =	simm.s32 @p0 $0x2  }
0x30e: {  	_ =	swait.ge [sflag:s28], s0  }
0x30f: {  	s0 =	ssub.s32 $0x0, s0;
	[sflag:s28] =	ssyncset.done $0x0  }
0x310: {  	p0 =	sne.s32 s16, $0x0;
	[sflag:s28] =	ssyncadd.s32 s0  }
.Ltmp25:
0x311: {  	_ =	sfence.stream.spmem;
	(pc) =	sbr.rel @p0 .LBB3_38-.Ltmp25, $4  }
0x312: {  	s29 =	simm.s32 $0x3;
	[bflag:$0x0] =	sbarrier.arrive $0xFFFF  }
0x313: {  	s30 =	simm.s32 $0x4;
	[sflag:s29] =	ssyncpa.u1 $0x1  }
0x314: {  	s31 =	simm.s32 $0x3C;
	[sflag:s30] =	ssyncpa.u1 $0x1  }
0x315: {  	s17 =	rddreg [dreg:$0x5];
	[sflag:s31] =	ssyncpa.u1 $0x1  }
0x316: {  	_ =	sfence.stream.spmem;
	s0 =	simm.s32 $0x5  }
0x317: {  	s1 =	simm.s32 $0x200;
	s2 =	simm.s32 $0x3658;
	[sflag:s0] =	ssyncpa.u1 $0x0  }
0x318: {  	[tilespmem:s2], [sflag:$0x5] =	stream.linear.gather [spmem:s1], $0x20, $0x38;
	[tilespmem:$0x1F0F8] =	vst v63  }
0x319: {  	s26 =	simm.s32 $0x0;
	s28 =	simm.s32 $0x3678  }
0x31a: {  	[tilespmem:s28], [sflag:$0x5] =	stream.linear.gather [spmem:s26], $0x200, $0x38;
	[tilespmem:$0x1F0F8] =	vst v63  }
0x31b: {  	_ =	swait.ge [sflag:s0], $0x220  }
0x31c: {  	[sflag:s0] =	ssyncset.done $0x0  }
0x31d: {  	s29 =	simm.s32 $0x0;
	[sflag:s0] =	ssyncadd.s32 $0xFFFFFDE0  }
0x31e: {  	v0 =	vld.msk [tilespmem:s29+$0x3658], $0x1;
	_ =	sdelay $0x1  }
0x31f: {  	s30 =	simm.s32 $0x1  }
0x320: {  	v1 =	vld.msk [tilespmem:s30+$0x3658], $0x1;
	_ =	sdelay $0x1  }
0x321: {  	(v2sf) =	vpush v0, $0x0;
	_ =	sdelay $0x2  }
0x322: {  	(v2sf) =	vpush v1, $0x0;
	_ =	sdelay $0x2  }
0x323: {  	s31 =	simm.s32 $0x2  }
0x324: {  	v0 =	vld.msk [tilespmem:s31+$0x3658], $0x1;
	_ =	sdelay $0x2  }
0x325: {  	s6 =	simm.s32 $0xFFFFFFFF;
	s1 =	simm.s32 $0xFFFFFFFF;
	s0 =	simm.s32 $0xC  }
.LBB3_23:
0x326: {  	s2 =	smov.u32 s6;
	s4 =	smov.u32 s1  }
0x327: {  	s1 =	sshra.s32 s0, $0x2;
	p1 =	sne.s32 s0, $0x7C;
	s0 =	sadd.s32 $0x4, s0;
	(v2sf) =	vpush v0, $0x0  }
0x328: {  	v0 =	vld.msk [tilespmem:s1+$0x3658], $0x1  }
.Ltmp26:
0x329: {  	(pc) =	sbr.rel @p1 .LBB3_23-.Ltmp26, $4  }
0x32a: {  	s6 =	spop (v2sf)  }
0x32b: {  	p2 =	sne.s32 s4, $0xFFFFFFFF;
	s1 =	smov.u32 s6  }
0x32c: {  	p3 =	seq.s32 s6, $0xFFFFFFFF;
	s1 =	smov.u32 @p2 s4  }
0x32d: {  	s6 =	smov.u32 @p3 s2;
	s1 =	smov.u32 @p3 s4  }
0x32e: {  	(v2sf) =	vpush v0, $0x0;
	_ =	sdelay $0x8  }
0x32f: {  	s0 =	spop (v2sf)  }
0x330: {  	p1 =	sne.s32 s1, $0xFFFFFFFF;
	s2 =	smov.u32 s0  }
0x331: {  	s9 =	simm.s32 $0x6;
	p2 =	seq.s32 s0, $0xFFFFFFFF;
	s2 =	smov.u32 @p1 s1  }
0x332: {  	s10 =	simm.s32 $0x3638;
	s2 =	smov.u32 @p2 s1;
	s1 =	spop (v2sf)  }
0x333: {  	s0 =	smov.u32 @p2 s6;
	p1 =	sne.s32 s2, $0xFFFFFFFF;
	s4 =	smov.u32 s1  }
.Ltmp27:
0x334: {  	p2 =	seq.s32 s1, $0xFFFFFFFF;
	s4 =	smov.u32 @p1 s2;
	(pc) =	sbr.rel .LBB3_25-.Ltmp27, $4  }
0x335: {  	s11 =	simm.s32 $0x0;
	s4 =	smov.u32 @p2 s2;
	s7 =	spop (v2sf)  }
0x336: {  	[sflag:s9] =	ssyncpa.u1 $0x0;
	p1 =	sne.s32 s4, $0xFFFFFFFF;
	s8 =	smov.u32 s7  }
0x337: {  	s1 =	smov.u32 @p2 s0;
	p2 =	seq.s32 s7, $0xFFFFFFFF;
	s8 =	smov.u32 @p1 s4  }
0x338: {  	s6 =	simm.s32 $0x0;
	s7 =	smov.u32 @p2 s1;
	s8 =	smov.u32 @p2 s4  }
.LBB3_30:
0x339: {  	p1 =	sgt.u32 s12, $0x277FE  }
0x33a: {  	p2 =	seq.s32 @!p1 s12, s8  }
0x33b: {  	p1 =	por p1, p2  }
0x33c: {  	p2 =	sne.s32 @!p1 s12, s7  }
0x33d: {  	p1 =	por p1, !p2  }
0x33e: {  	s0 =	sshll.u32 @p1 s11, $0x6  }
0x33f: {  	s0 =	sand.u32 @!p1 $0x3FFF8, s12  }
0x340: {  	s1 =	sand.u32 @!p1 $0x7, s12;
	s0 =	sadd.s32 @!p1 s3, s0  }
0x341: {  	[tilespmem:s10], [sflag:$0x6] =	stream.linear.gather @!p1 [hbm4b:s0+s1], $0x10, $0x38;
	[tilespmem:$0x1F0F8] =	vst v63  }
0x342: {  	_ =	swait.ge @!p1 [sflag:s9], $0x10  }
0x343: {  	[sflag:s9] =	ssyncset.done @!p1 $0x0  }
0x344: {  	[sflag:s9] =	ssyncadd.s32 @!p1 $0xFFFFFFF0  }
0x345: {  	v1 =	vld @!p1 [tilespmem:$0x3638];
	_ =	sdelay $0x2  }
0x346: {  	s0 =	sshll.u32 @!p1 s11, $0x6  }
0x347: {  	s1 =	sshrl.u32 @!p1 s0, $0x2  }
0x348: {  	[tilespmem:s1+$0x3678] =	vst.add.f32.msk @!p1 $0xffff, v1  }
0x349: {  	s0 =	sshrl.u32 s0, $0x2;
	[tilespmem:s6+$0x3658] =	vst.msk $0x1, v0  }
0x34a: {  	v0 =	vld [tilespmem:s0+$0x3678];
	_ =	sdelay $0x2  }
0x34b: {  	s31 =	sshll.u32 s6, $0x6  }
0x34c: {  	s0 =	sshra.s32 s31, $0x2  }
0x34d: {  	s6 =	sadd.s32 $0x1, s6;
	[tilespmem:s0+$0x3678] =	vst v0  }
.LBB3_32:
0x34e: {  	s11 =	sadd.s32 $0x1, s11  }
0x34f: {  	p1 =	sne.s32 s11, $0x20  }
.Ltmp28:
0x350: {  	_ = 	snop;
	(pc) =	sbr.rel @!p1 .LBB3_33-.Ltmp28, $1  }
0x351: {  	_ =	sdelay $0x3  }
.LBB3_25:
0x352: {  	v0 =	vld.msk [tilespmem:s11+$0x3658], $0x1;
	_ =	sdelay $0x4  }
0x353: {  	(v2sf) =	vpush v0, $0x0;
	_ =	sdelay $0xe  }
0x354: {  	s12 =	spop (v2sf)  }
0x355: {  	p1 =	seq.s32 s12, $0xFFFFFFFF  }
.Ltmp29:
0x356: {  	_ = 	snop;
	(pc) =	sbr.rel @p1 .LBB3_32-.Ltmp29, $1  }
0x357: {  	_ =	sdelay $0x3  }
0x358: {  	p1 =	slt.s32 s6, $0x1  }
.Ltmp30:
0x359: {  	_ = 	snop;
	(pc) =	sbr.rel @p1 .LBB3_30-.Ltmp30, $1  }
0x35a: {  	_ =	sdelay $0x3  }
0x35b: {  	s13 =	simm.s32 $0x3658;
	p1 =	por $0x0, $0x0  }
0x35c: {  	v1 =	vld.msk @!p1 [tilespmem:s13+$0x0], $0x1;
	_ =	sdelay $0x4  }
0x35d: {  	(v2sf) =	vpush @!p1 v1, $0x0;
	_ =	sdelay $0xd  }
0x35e: {  	p3 =	sne.s32 s6, $0x1  }
.Ltmp31:
0x35f: {  	s0 =	spop @!p1 (v2sf);
	(pc) =	sbr.rel @!p3 .LBB3_29-.Ltmp31, $4  }
0x360: {  	p2 =	seq.s32 @!p1 s12, s0  }
0x361: {  	s14 =	simm.s32 $0x0;
	p2 =	por !p2, p1  }
0x362: {  	s0 =	simm.s32 $0xFFFFFFFF;
	s14 =	simm.s32 @p2 $0xFFFFFFFF  }
0x363: {  	s15 =	simm.s32 $0x1;
	s14 =	smov.u32 @p1 s0  }
.LBB3_28:
0x364: {  	s0 =	smov.u32 s14;
	p1 =	sne.s32 s14, $0xFFFFFFFF  }
0x365: {  	s13 =	sadd.s32 $0x1, s13;
	s14 =	smov.u32 s15;
	s15 =	sadd.s32 $0x1, s15  }
0x366: {  	p2 =	sne.s32 s6, s15;
	v1 =	vld.msk @!p1 [tilespmem:s13+$0x0], $0x1;
	_ =	sdelay $0x4  }
0x367: {  	(v2sf) =	vpush @!p1 v1, $0x0;
	_ =	sdelay $0xe  }
.Ltmp32:
0x368: {  	s1 =	spop @!p1 (v2sf);
	(pc) =	sbr.rel @p2 .LBB3_28-.Ltmp32, $4  }
0x369: {  	p3 =	seq.s32 @!p1 s12, s1  }
0x36a: {  	p3 =	por !p3, p1  }
0x36b: {  	s14 =	simm.s32 @p3 $0xFFFFFFFF  }
0x36c: {  	s14 =	smov.u32 @p1 s0  }
.LBB3_29:
0x36d: {  	p1 =	sne.s32 s14, $0xFFFFFFFF  }
.Ltmp33:
0x36e: {  	_ = 	snop;
	(pc) =	sbr.rel @!p1 .LBB3_30-.Ltmp33, $1  }
0x36f: {  	_ =	sdelay $0x3  }
0x370: {  	s0 =	sshll.u32 s11, $0x4  }
0x371: {  	s0 =	sand.u32 $0x3FFFFFF0, s0  }
0x372: {  	v0 =	vld [tilespmem:s0+$0x3678]  }
.Ltmp34:
0x373: {  	_ = 	snop;
	(pc) =	sbr.rel .LBB3_32-.Ltmp34, $4  }
0x374: {  	_ = 	snop  }
0x375: {  	s31 =	sshll.u32 s14, $0x6  }
0x376: {  	s0 =	sshra.s32 s31, $0x2  }
0x377: {  	[tilespmem:s0+$0x3678] =	vst.add.f32.msk $0xffff, v0  }
.LBB3_33:
0x378: {  	s0 =	simm.s32 $0x6;
	p1 =	seq.s32 s6, $0x0  }
0x379: {  	[sflag:s0] =	ssyncpa.u1 $0x1;
	v0 =	vimm.s32 @p1 $0xFFFFFFFF  }
0x37a: {  	s9 =	sadd.s32 $0xFFFFFFFF, s6;
	[tilespmem:$0x3878] =	vst @p1 v0  }
0x37b: {  	v0 =	vld.msk @!p1 [tilespmem:s9+$0x3658], $0x1;
	_ =	sdelay $0x1  }
0x37c: {  	v1 =	vld.msk @!p1 [tilespmem:$0x3658], $0x1;
	_ =	sdelay $0x2  }
0x37d: {  	p2 =	seq.s32 @!p1 s9, $0x0;
	v0 =	vbroadcast @!p1 v0, $0x0  }
0x37e: {  	vm0 =	vmmov @!p1 $0x1;
	p2 =	por !p2, p1  }
0x37f: {  	v1 =	vnsel @!p1 vm0, $0xFFFFFFFF, v1;
	vm0 =	vcmask @!p1 $0x308;
	v0 =	vpsel !p2, $0xFFFFFFFF, v0  }
0x380: {  	p2 =	sne.s32 @!p1 s8, s7;
	v0 =	vsel @!p1 vm0, v1, v0  }
0x381: {  	s0 =	simm.s32 @!p1 $0x3678;
	s1 =	simm.s32 @!p1 $0x0;
	p3 =	por !p2, p1;
	[tilespmem:$0x3878] =	vst @!p1 v0  }
0x382: {  	[spmem:s1] =	stream.linear.scatter @!p1 [tilespmem:s0], [sflag:$0x1], $0x10, $0x38;
	[tilespmem:$0x1F0F8] =	vst v63  }
0x383: {  	s0 =	sshll.u32 @!p3 s9, $0x6  }
0x384: {  	s0 =	sshra.s32 @!p3 s0, $0x2  }
0x385: {  	s1 =	simm.s32 @!p3 $0x10;
	s0 =	sadd.s32 @!p3 $0x3678, s0  }
0x386: {  	[spmem:s1] =	stream.linear.scatter @!p3 [tilespmem:s0], [sflag:$0x1], $0x10, $0x38;
	[tilespmem:$0x1F0F8] =	vst v63  }
0x387: {  	s0 =	simm.s32 @!p3 $0x1  }
0x388: {  	_ =	swait.ge @!p3 [sflag:s0], $0x20  }
0x389: {  	p1 =	por p2, p1;
	[sflag:s0] =	ssyncset.done @!p3 $0x0  }
0x38a: {  	[sflag:s0] =	ssyncadd.s32 @!p3 $0xFFFFFFE0;
	s0 =	simm.s32 @!p1 $0x1  }
0x38b: {  	_ =	swait.ge @!p1 [sflag:s0], $0x10  }
0x38c: {  	s29 =	simm.s32 $0x3878;
	[sflag:s0] =	ssyncset.done @!p1 $0x0  }
0x38d: {  	s30 =	simm.s32 $0x200;
	s31 =	simm.s32 $0x1;
	[sflag:s0] =	ssyncadd.s32 @!p1 $0xFFFFFFF0  }
0x38e: {  	[spmem:s30] =	stream.linear.scatter [tilespmem:s29], [sflag:$0x1], $0x10, $0x38;
	[tilespmem:$0x1F0F8] =	vst v63  }
0x38f: {  	_ =	swait.ge [sflag:s31], $0x10  }
0x390: {  	[sflag:s31] =	ssyncset.done $0x0  }
0x391: {  	p1 =	seq.s32 s17, $0x0;
	s8 =	rddreg [dreg:$0x1];
	[sflag:s31] =	ssyncadd.s32 $0xFFFFFFF0  }
0x392: {  	s1 =	sshll.u32 @p1 s8, $0xE;
	s7 =	rddreg [dreg:$0x2]  }
0x393: {  	s0 =	sadd.s32 @p1 $0x15C3C, s1;
	s1 =	sshll.u32 @p1 s7, $0x11  }
0x394: {  	_ =	sfence.stream.spmem;
	s0 =	sor.u32 @p1 s1, s0  }
0x395: {  	[sflag:s0] =	ssyncadd.remote.s32 @p1 $0x1;
	s0 =	simm.s32 @p1 $0x4  }
0x396: {  	s2 =	simm.s32 @!p1 $0x3C;
	s1 =	sand.u32 $0xFFFFFFFE, s8;
	_ =	swait.ge @p1 [sflag:s0], $0x6  }
0x397: {  	s4 =	simm.s32 @!p1 $0x0;
	s1 =	sadd.s32 @!p1 $0x4, s1;
	[sflag:s0] =	ssyncset.done @p1 $0x0  }
0x398: {  	s5 =	simm.s32 @!p1 $0x20;
	[sflag:s0] =	ssyncadd.s32 @p1 $0xFFFFFFFA;
	s0 =	sshll.u32 @!p1 s1, $0x1A  }
0x399: {  	s1 =	sshll.u32 @!p1 s1, $0xD;
	s0 =	sor.u32 @!p1 s0, s7;
	_ =	swait.eq @!p1 [sflag:s2], $0x1  }
0x39a: {  	s1 =	sor.u32 @!p1 $0x1C04, s1;
	s2 =	simm.s32 @!p1 $0x1C03;
	s0 =	sor.u32 @!p1 $0x80004000, s0  }
0x39b: {  	[spmem:s5], [sflag:s1] =	dma.general @!p1 [spmem:s4], [sflag:s2], length:$0x4, [dreg:$0x0], stride_count:$0x0, ici_dest:s0, dma_misc:DstOpCode:WRITE  }
0x39c: {  	p2 =	slt.s32 s9, $0x2;
	s4 =	simm.s32 @!p1 $0x40;
	s5 =	simm.s32 @!p1 $0x42  }
0x39d: {  	[spmem:s5], [sflag:s1] =	dma.general @!p1 [spmem:s4], [sflag:s2], length:$0x2, [dreg:$0x0], stride_count:$0x0, ici_dest:s0, dma_misc:DstOpCode:WRITE  }
.Ltmp35:
0x39e: {  	s0 =	simm.s32 @!p1 $0x3;
	(pc) =	sbr.rel @p2 .LBB3_37-.Ltmp35, $4  }
0x39f: {  	s1 =	sshll.u32 @!p1 s8, $0xE;
	_ =	swait.ge @!p1 [sflag:s0], $0x6  }
0x3a0: {  	s2 =	sshll.u32 @!p1 s7, $0x11;
	s1 =	sadd.s32 @!p1 $0x11C3C, s1;
	[sflag:s0] =	ssyncset.done @!p1 $0x0  }
0x3a1: {  	[sflag:s0] =	ssyncadd.s32 @!p1 $0xFFFFFFFA;
	s0 =	sor.u32 @!p1 s2, s1  }
0x3a2: {  	[sflag:s0] =	ssyncadd.remote.s32 @!p1 $0xFFFFFFFF;
	s0 =	simm.s32 $0x0  }
0x3a3: {  	s0 =	simm.s32 $0x3659  }
0x3a4: {  	v0 =	vld.msk [tilespmem:s0+$0x0], $0x1;
	_ =	sdelay $0x4  }
0x3a5: {  	(v2sf) =	vpush v0, $0x0;
	_ =	sdelay $0xd  }
0x3a6: {  	s2 =	sadd.s32 $0xFFFFFFFE, s6  }
0x3a7: {  	s2 =	sadd.s32 $0xFFFFFFFF, s2;
	s0 =	spop (v2sf)  }
0x3a8: {  	p2 =	sne.s32 s2, $0x0;
	p1 =	sgt.u32 s0, $0x277FE  }
.Ltmp36:
0x3a9: {  	s4 =	sand.u32 @!p1 $0x3FFF8, s0;
	(pc) =	sbr.rel @!p2 .LBB3_36-.Ltmp36, $4  }
0x3aa: {  	s1 =	simm.s32 $0x3688;
	s0 =	sand.u32 @!p1 $0x7, s0;
	s4 =	sadd.s32 @!p1 s3, s4  }
0x3ab: {  	[hbm4b:s4+s0] =	stream.linear.scatter @!p1 [tilespmem:s1], [sflag:$0x5], $0x10, $0x38;
	[tilespmem:$0x1F0F8] =	vst v63  }
0x3ac: {  	s0 =	simm.s32 $0x0  }
0x3ad: {  	s6 =	simm.s32 $0x0;
	s7 =	simm.s32 $0x365A;
	s0 =	simm.s32 @!p1 $0x40  }
.LBB3_35:
0x3ae: {  	v0 =	vld.msk [tilespmem:s7+$0x0], $0x1;
	s2 =	sadd.s32 $0xFFFFFFFF, s2;
	s6 =	sadd.s32 s6, s0  }
0x3af: {  	p1 =	sne.s32 s2, $0x0;
	_ =	sdelay $0x3  }
0x3b0: {  	(v2sf) =	vpush v0, $0x0;
	_ =	sdelay $0xe  }
.Ltmp37:
0x3b1: {  	s4 =	spop (v2sf);
	(pc) =	sbr.rel @p1 .LBB3_35-.Ltmp37, $4  }
0x3b2: {  	s0 =	simm.s32 $0x0;
	p2 =	sgt.u32 s4, $0x277FE  }
0x3b3: {  	s1 =	sadd.s32 $0x10, s1;
	s0 =	simm.s32 @!p2 $0x40;
	s5 =	sand.u32 @!p2 $0x3FFF8, s4  }
0x3b4: {  	s7 =	sadd.s32 $0x1, s7;
	s4 =	sand.u32 @!p2 $0x7, s4;
	s5 =	sadd.s32 @!p2 s3, s5  }
0x3b5: {  	[hbm4b:s5+s4] =	stream.linear.scatter @!p2 [tilespmem:s1], [sflag:$0x5], $0x10, $0x38;
	[tilespmem:$0x1F0F8] =	vst v63  }
.LBB3_36:
0x3b6: {  	s0 =	sadd.s32 s6, s0  }
0x3b7: {  	s0 =	sshrl.u32 s0, $0x2  }
.LBB3_37:
0x3b8: {  	s1 =	simm.s32 $0x5  }
0x3b9: {  	_ =	swait.ge [sflag:s1], s0  }
0x3ba: {  	s31 =	ssub.s32 $0x0, s0;
	[sflag:s1] =	ssyncset.done $0x0  }
0x3bb: {  	[sflag:s1] =	ssyncadd.s32 s31  }
0x3bc: {  	[sflag:s1] =	ssyncpa.u1 $0x1  }
.LBB3_38:
0x3bd: {  	s0 =	sor.u32 s17, s16  }
0x3be: {  	p1 =	sne.s32 s0, $0x0  }
.Ltmp38:
0x3bf: {  	_ = 	snop;
	(pc) =	sbr.rel @p1 .LBB3_53-.Ltmp38, $3  }
0x3c0: {  	_ =	sdelay $0x1  }
0x3c1: {  	[bflag:$0x0] =	sbarrier.arrive $0xFFFF  }
0x3c2: {  	_ =	sfence  }
0x3c3: {  	s0 =	simm.s32 $0x7  }
0x3c4: {  	s1 =	simm.s32 $0x200;
	s2 =	simm.s32 $0x3658;
	[sflag:s0] =	ssyncpa.u1 $0x0  }
0x3c5: {  	[tilespmem:s2], [sflag:$0x7] =	stream.linear.gather [spmem:s1], $0x20, $0x38;
	[tilespmem:$0x1F0F8] =	vst v63  }
0x3c6: {  	s30 =	simm.s32 $0x3678;
	s1 =	simm.s32 $0x0  }
0x3c7: {  	[tilespmem:s30], [sflag:$0x7] =	stream.linear.gather [spmem:s1], $0x200, $0x38;
	[tilespmem:$0x1F0F8] =	vst v63  }
.Ltmp39:
0x3c8: {  	_ = 	snop;
	(pc) =	sbr.rel .LBB3_40-.Ltmp39, $4  }
0x3c9: {  	_ =	swait.ge [sflag:s0], $0x220  }
0x3ca: {  	[sflag:s0] =	ssyncset.done $0x0  }
0x3cb: {  	s31 =	simm.s32 $0x8;
	[sflag:s0] =	ssyncadd.s32 $0xFFFFFDE0  }
0x3cc: {  	s2 =	simm.s32 $0x0;
	[sflag:s31] =	ssyncpa.u1 $0x0  }
.LBB3_45:
0x3cd: {  	p1 =	slt.u32 s4, $0x277FF  }
0x3ce: {  	s0 =	sand.u32 @p1 $0x3FFF8, s4  }
0x3cf: {  	s4 =	sand.u32 @p1 $0x7, s4;
	s5 =	simm.s32 @p1 $0x3638;
	s0 =	sadd.s32 @p1 s3, s0  }
0x3d0: {  	[tilespmem:s5], [sflag:$0x8] =	stream.linear.gather @p1 [hbm4b:s0+s4], $0x10, $0x38;
	[tilespmem:$0x1F0F8] =	vst v63  }
0x3d1: {  	s0 =	simm.s32 @p1 $0x8  }
0x3d2: {  	_ =	swait.ge @p1 [sflag:s0], $0x10  }
0x3d3: {  	[sflag:s0] =	ssyncset.done @p1 $0x0  }
0x3d4: {  	[sflag:s0] =	ssyncadd.s32 @p1 $0xFFFFFFF0  }
0x3d5: {  	v1 =	vld @p1 [tilespmem:$0x3638];
	_ =	sdelay $0x2  }
0x3d6: {  	s0 =	sshll.u32 @p1 s2, $0x6  }
0x3d7: {  	s5 =	sshll.u32 @!p1 s2, $0x6;
	s4 =	sshrl.u32 @p1 s0, $0x2  }
0x3d8: {  	s5 =	smov.u32 @p1 s0;
	[tilespmem:s4+$0x3678] =	vst.add.f32.msk @p1 $0xffff, v1  }
0x3d9: {  	s0 =	sshrl.u32 s5, $0x2;
	[tilespmem:s1+$0x3658] =	vst.msk $0x1, v0  }
0x3da: {  	v0 =	vld [tilespmem:s0+$0x3678];
	_ =	sdelay $0x2  }
0x3db: {  	s31 =	sshll.u32 s1, $0x6  }
0x3dc: {  	s0 =	sshra.s32 s31, $0x2  }
0x3dd: {  	s1 =	sadd.s32 $0x1, s1;
	[tilespmem:s0+$0x3678] =	vst v0  }
.LBB3_47:
0x3de: {  	s2 =	sadd.s32 $0x1, s2  }
0x3df: {  	p1 =	sne.s32 s2, $0x20  }
.Ltmp40:
0x3e0: {  	_ = 	snop;
	(pc) =	sbr.rel @!p1 .LBB3_48-.Ltmp40, $1  }
0x3e1: {  	_ =	sdelay $0x3  }
.LBB3_40:
0x3e2: {  	v0 =	vld.msk [tilespmem:s2+$0x3658], $0x1;
	_ =	sdelay $0x4  }
0x3e3: {  	(v2sf) =	vpush v0, $0x0;
	_ =	sdelay $0xe  }
0x3e4: {  	s4 =	spop (v2sf)  }
0x3e5: {  	p1 =	seq.s32 s4, $0xFFFFFFFF  }
.Ltmp41:
0x3e6: {  	_ = 	snop;
	(pc) =	sbr.rel @p1 .LBB3_47-.Ltmp41, $1  }
0x3e7: {  	_ =	sdelay $0x3  }
0x3e8: {  	p1 =	slt.s32 s1, $0x1  }
.Ltmp42:
0x3e9: {  	_ = 	snop;
	(pc) =	sbr.rel @p1 .LBB3_45-.Ltmp42, $1  }
0x3ea: {  	_ =	sdelay $0x3  }
0x3eb: {  	s5 =	simm.s32 $0x3658;
	p1 =	por $0x0, $0x0  }
0x3ec: {  	v1 =	vld.msk @!p1 [tilespmem:s5+$0x0], $0x1;
	_ =	sdelay $0x4  }
0x3ed: {  	(v2sf) =	vpush @!p1 v1, $0x0;
	_ =	sdelay $0xd  }
0x3ee: {  	p3 =	sne.s32 s1, $0x1  }
.Ltmp43:
0x3ef: {  	s0 =	spop @!p1 (v2sf);
	(pc) =	sbr.rel @!p3 .LBB3_44-.Ltmp43, $4  }
0x3f0: {  	p2 =	seq.s32 @!p1 s4, s0  }
0x3f1: {  	s6 =	simm.s32 $0x0;
	p2 =	por !p2, p1  }
0x3f2: {  	s0 =	simm.s32 $0xFFFFFFFF;
	s6 =	simm.s32 @p2 $0xFFFFFFFF  }
0x3f3: {  	s7 =	simm.s32 $0x1;
	s6 =	smov.u32 @p1 s0  }
.LBB3_43:
0x3f4: {  	s0 =	smov.u32 s6;
	p1 =	sne.s32 s6, $0xFFFFFFFF  }
0x3f5: {  	s5 =	sadd.s32 $0x1, s5;
	s6 =	smov.u32 s7;
	s7 =	sadd.s32 $0x1, s7  }
0x3f6: {  	p2 =	sne.s32 s1, s7;
	v1 =	vld.msk @!p1 [tilespmem:s5+$0x0], $0x1;
	_ =	sdelay $0x4  }
0x3f7: {  	(v2sf) =	vpush @!p1 v1, $0x0;
	_ =	sdelay $0xe  }
.Ltmp44:
0x3f8: {  	s8 =	spop @!p1 (v2sf);
	(pc) =	sbr.rel @p2 .LBB3_43-.Ltmp44, $4  }
0x3f9: {  	p3 =	seq.s32 @!p1 s4, s8  }
0x3fa: {  	p3 =	por !p3, p1  }
0x3fb: {  	s6 =	simm.s32 @p3 $0xFFFFFFFF  }
0x3fc: {  	s6 =	smov.u32 @p1 s0  }
.LBB3_44:
0x3fd: {  	p1 =	sne.s32 s6, $0xFFFFFFFF  }
.Ltmp45:
0x3fe: {  	_ = 	snop;
	(pc) =	sbr.rel @!p1 .LBB3_45-.Ltmp45, $1  }
0x3ff: {  	_ =	sdelay $0x3  }
0x400: {  	s0 =	sshll.u32 s2, $0x4  }
0x401: {  	s0 =	sand.u32 $0x3FFFFFF0, s0  }
0x402: {  	v0 =	vld [tilespmem:s0+$0x3678]  }
.Ltmp46:
0x403: {  	_ = 	snop;
	(pc) =	sbr.rel .LBB3_47-.Ltmp46, $4  }
0x404: {  	_ = 	snop  }
0x405: {  	s31 =	sshll.u32 s6, $0x6  }
0x406: {  	s0 =	sshra.s32 s31, $0x2  }
0x407: {  	[tilespmem:s0+$0x3678] =	vst.add.f32.msk $0xffff, v0  }
.LBB3_48:
0x408: {  	p1 =	slt.s32 s1, $0x1  }
.Ltmp47:
0x409: {  	_ = 	snop;
	(pc) =	sbr.rel @p1 .LBB3_52-.Ltmp47, $3  }
0x40a: {  	_ =	sdelay $0x1  }
0x40b: {  	s0 =	simm.s32 $0x8  }
0x40c: {  	s2 =	simm.s32 $0x0;
	[sflag:s0] =	ssyncpa.u1 $0x1  }
0x40d: {  	s0 =	simm.s32 $0x3658  }
0x40e: {  	v0 =	vld.msk [tilespmem:s0+$0x0], $0x1;
	_ =	sdelay $0x4  }
0x40f: {  	(v2sf) =	vpush v0, $0x0;
	_ =	sdelay $0xe  }
0x410: {  	s1 =	sadd.s32 $0xFFFFFFFF, s1;
	s0 =	spop (v2sf)  }
0x411: {  	p2 =	sne.s32 s1, $0x0;
	p1 =	sgt.u32 s0, $0x277FE  }
.Ltmp48:
0x412: {  	s5 =	sand.u32 @!p1 $0x3FFF8, s0;
	(pc) =	sbr.rel @!p2 .LBB3_51-.Ltmp48, $4  }
0x413: {  	s4 =	simm.s32 $0x3678;
	s0 =	sand.u32 @!p1 $0x7, s0;
	s5 =	sadd.s32 @!p1 s3, s5  }
0x414: {  	[hbm4b:s5+s0] =	stream.linear.scatter @!p1 [tilespmem:s4], [sflag:$0x7], $0x10, $0x38;
	[tilespmem:$0x1F0F8] =	vst v63  }
0x415: {  	s0 =	simm.s32 $0x0  }
0x416: {  	s5 =	simm.s32 $0x3659;
	s0 =	simm.s32 @!p1 $0x40  }
.LBB3_50:
0x417: {  	v0 =	vld.msk [tilespmem:s5+$0x0], $0x1;
	s1 =	sadd.s32 $0xFFFFFFFF, s1;
	s2 =	sadd.s32 s2, s0  }
0x418: {  	p1 =	sne.s32 s1, $0x0;
	_ =	sdelay $0x3  }
0x419: {  	(v2sf) =	vpush v0, $0x0;
	_ =	sdelay $0xe  }
.Ltmp49:
0x41a: {  	s6 =	spop (v2sf);
	(pc) =	sbr.rel @p1 .LBB3_50-.Ltmp49, $4  }
0x41b: {  	s0 =	simm.s32 $0x0;
	p2 =	sgt.u32 s6, $0x277FE  }
0x41c: {  	s4 =	sadd.s32 $0x10, s4;
	s0 =	simm.s32 @!p2 $0x40;
	s7 =	sand.u32 @!p2 $0x3FFF8, s6  }
0x41d: {  	s5 =	sadd.s32 $0x1, s5;
	s6 =	sand.u32 @!p2 $0x7, s6;
	s7 =	sadd.s32 @!p2 s3, s7  }
0x41e: {  	[hbm4b:s7+s6] =	stream.linear.scatter @!p2 [tilespmem:s4], [sflag:$0x7], $0x10, $0x38;
	[tilespmem:$0x1F0F8] =	vst v63  }
.LBB3_51:
0x41f: {  	s0 =	sadd.s32 s2, s0  }
0x420: {  	s2 =	sshrl.u32 s0, $0x2  }
.LBB3_52:
0x421: {  	s0 =	simm.s32 $0x7  }
0x422: {  	_ =	swait.ge [sflag:s0], s2  }
0x423: {  	s1 =	ssub.s32 $0x0, s2;
	[sflag:s0] =	ssyncset.done $0x0  }
0x424: {  	[sflag:s0] =	ssyncadd.s32 s1  }
0x425: {  	[sflag:s0] =	ssyncpa.u1 $0x1  }
.LBB3_53:
0x426: {  	_ =	sfence;
	s0 =	simm.s32 $0x1  }
0x427: {  	[sflag:s0] =	ssyncpa.u1 $0x1  }
0x428: {  	_ =	strace $0x9000005F  }
0x429: {  	[bflag:$0x2] =	sbarrier.arrive $0xFFFF  }
0x42a: {  	s0 =	rddreg [dreg:$0x3]  }
0x42b: {  	s0 =	sadd.s32 @!p0 $0x100000, s0  }
0x42c: {  	[sflag:s0] =	ssyncadd.tile.s32 @!p0 $0x1;
	_ =	shalt  }
.Lfunc_end3:
_tile_overlayer_lowered:
.L_overlay_start_3:
0x42d: {  	(tag) =	ssettag $0x3  }
0x42e: {  	s0 =	rddreg [dreg:$0x0];
	s2 =	stileid.u32  }
0x42f: {  	s1 =	rddreg [dreg:$0x1];
	p0 =	sne.s32 s2, $0x0  }
0x430: {  	s3 =	rddreg [dreg:$0x2];
	[bflag:$0x3] =	sbarrier.arrive $0xFFFF;
	s2 =	simm.s32 @!p0 $0x1C01  }
0x431: {  	[timem:s3], [sflag:s2] =	dma.local @!p0 [hbm:s0], s1  }
0x432: {  	s0 =	simm.s32 @!p0 $0x1  }
0x433: {  	_ =	swait.ge @!p0 [sflag:s0], s1  }
0x434: {  	s1 =	ssub.s32 @!p0 $0x0, s1;
	[sflag:s0] =	ssyncset.done @!p0 $0x0  }
0x435: {  	[sflag:s0] =	ssyncadd.s32 @!p0 s1  }
0x436: {  	[bflag:$0x3] =	sbarrier.arrive $0xFFFF  }
0x437: {  	_ =	shalt  }

// kernel: scatter_offload_async_start
scs
__scs_entry_jumppad:
0x0: {  	(pc) =	sbr.rel $0x88, $3  }
0x1: {  	(tag) =	ssettag $0x0;
	lr =	simm.s32 $0x1  }
0x2: {  	[smem:$0x3F88] =	sst lr;
	_ =	strace $0xD0000000  }
0x3: {  	_ = 	snop  }
0x4: {  	_ = 	snop  }
0x5: {  	_ = 	snop  }
0x6: {  	_ = 	snop  }
0x7: {  	_ = 	snop  }
__scs_overlays_trampoline_lowered:
0x8: {  	[smem:$0x3F97] =	sst s0  }
0x9: {  	[smem:$0x3F98] =	sst s1  }
0xa: {  	[smem:$0x3F99] =	sst s2  }
0xb: {  	[smem:$0x3F9A] =	sst s3  }
0xc: {  	[smem:$0x3F9B] =	sst s4  }
0xd: {  	[smem:$0x3F9C] =	sst s5  }
0xe: {  	[smem:$0x3F9D] =	sst s6  }
0xf: {  	[smem:$0x3F9E] =	sst s7  }
0x10: {  	[smem:$0x3F9F] =	sst s8  }
0x11: {  	[smem:$0x3FA0] =	sst s9;
	s0 =	simm.s32 @!p0 $0x0  }
0x12: {  	s1 =	sld [smem:$0x3F86];
	s0 =	simm.s32 @p0 $0x1  }
0x13: {  	[smem:$0x3FA1] =	sst s0;
	s0 =	simm.s32 @!p1 $0x0  }
0x14: {  	s2 =	sld [smem:$0x3F85];
	s0 =	simm.s32 @p1 $0x1  }
0x15: {  	[smem:$0x3FA2] =	sst s0;
	s0 =	simm.s32 @!p2 $0x0  }
0x16: {  	s3 =	sld [smem:$0x3FDB];
	s0 =	simm.s32 @p2 $0x1  }
0x17: {  	s4 =	simm.s32 $0x1BF5;
	[smem:$0x3FA4] =	sst s0  }
0x18: {  	s0 =	sld [smem:$0x3F87];
	_ =	swait.ge [sflag:s4], $0x0  }
0x19: {  	s7 =	sld [smem:$0x3F88]  }
0x1a: {  	s8 =	sadd.s32 $0xFFFFE003, lr  }
0x1b: {  	s9 =	sadd.s32 $0xFFFFFEF7, lr;
	s5 =	simm.s32 $0xFFFFFFFF;
	p2 =	slt.u32 s8, $0xFFFFF086  }
0x1c: {  	p1 =	slt.u32 s9, $0xF7A;
	s5 =	simm.s32 @!p2 $0x0  }
0x1d: {  	s5 =	simm.s32 @p1 $0x1;
	p0 =	seq.s32 s7, s2  }
0x1e: {  	s7 =	smul.u32 @!p0 $0xF7A, s2;
	p2 =	seq.s32 @!p0 s5, $0x0  }
0x1f: {  	s9 =	smul.u32 $0xF7A, s1;
	s8 =	simm.s32 @!p0 $0x1BF5;
	p2 =	por !p2, p0  }
0x20: {  	[sflag:s8] =	ssyncset.s32 @!p0 $0xFFFFF086;
	s6 =	sadd.s32 @!p0 s3, s7;
	s7 =	simm.s32 @!p0 $0x108  }
0x21: {  	s3 =	sadd.s32 s3, s9;
	s6 =	sadd.s32 @!p0 $0x88, s6;
	s7 =	simm.s32 @p2 $0x1082  }
0x22: {  	[simem:s7], [sflag:s8] =	dma.local @!p0 [hbm:s6], $0xF7A  }
0x23: {  	s9 =	sor.u32 $0xD0000000, s2;
	s6 =	simm.s32 $0x108;
	_ =	swait.ge @!p0 [sflag:s8], $0x0  }
0x24: {  	s3 =	sadd.s32 $0x88, s3;
	s6 =	simm.s32 @!p1 $0x1082;
	[sflag:s4] =	ssyncset.s32 $0xFFFFF086  }
0x25: {  	[simem:s6], [sflag:s4] =	dma.local [hbm:s3], $0xF7A  }
0x26: {  	[smem:$0x3F88] =	sst s1;
	(tag) =	ssettag s2;
	_ =	strace s9  }
0x27: {  	s1 =	sld [smem:$0x3F98]  }
0x28: {  	s2 =	sld [smem:$0x3F99]  }
0x29: {  	s4 =	sld [smem:$0x3F9B]  }
0x2a: {  	p0 =	seq.s32 s5, $0x0;
	s5 =	sld [smem:$0x3F9C]  }
0x2b: {  	s6 =	sld [smem:$0x3F9D]  }
0x2c: {  	s7 =	sld [smem:$0x3F9E]  }
0x2d: {  	s3 =	simm.s32 $0x108;
	s8 =	sld [smem:$0x3F9F]  }
0x2e: {  	s3 =	simm.s32 @!p0 $0x1082;
	s9 =	sld [smem:$0x3FA0]  }
0x2f: {  	lr =	sadd.s32 s0, s3;
	s0 =	sld [smem:$0x3F97]  }
0x30: {  	s3 =	sld [smem:$0x3F9A]  }
0x31: {  	[smem:$0x3FA3] =	sst s10  }
0x32: {  	s10 =	sld [smem:$0x3FA1];
	_ =	sdelay $0x3  }
0x33: {  	p0 =	seq.s32 s10, $0x1;
	s10 =	sld [smem:$0x3FA3];
	_ =	sdelay $0x3  }
0x34: {  	[smem:$0x3FA3] =	sst s10  }
0x35: {  	s10 =	sld [smem:$0x3FA2];
	_ =	sdelay $0x3  }
0x36: {  	p1 =	seq.s32 s10, $0x1;
	s10 =	sld [smem:$0x3FA3];
	_ =	sdelay $0x3  }
0x37: {  	[smem:$0x3FA3] =	sst s10  }
0x38: {  	s10 =	sld [smem:$0x3FA4]  }
0x39: {  	_ = 	snop;
	(pc) =	sbr.ind lr, $3  }
0x3a: {  	_ = 	snop  }
0x3b: {  	_ = 	snop  }
0x3c: {  	p2 =	seq.s32 s10, $0x1;
	s10 =	sld [smem:$0x3FA3]  }
0x3d: {  	_ =	shalt  }
0x3e: {  	_ =	shalt  }
0x3f: {  	_ =	shalt  }
0x40: {  	_ =	shalt  }
0x41: {  	_ =	shalt  }
0x42: {  	_ =	shalt  }
0x43: {  	_ =	shalt  }
0x44: {  	_ =	shalt  }
0x45: {  	_ =	shalt  }
0x46: {  	_ =	shalt  }
0x47: {  	_ =	shalt  }
0x48: {  	_ =	shalt  }
0x49: {  	_ =	shalt  }
0x4a: {  	_ =	shalt  }
0x4b: {  	_ =	shalt  }
0x4c: {  	_ =	shalt  }
0x4d: {  	_ =	shalt  }
0x4e: {  	_ =	shalt  }
0x4f: {  	_ =	shalt  }
0x50: {  	_ =	shalt  }
0x51: {  	_ =	shalt  }
0x52: {  	_ =	shalt  }
0x53: {  	_ =	shalt  }
0x54: {  	_ =	shalt  }
0x55: {  	_ =	shalt  }
0x56: {  	_ =	shalt  }
0x57: {  	_ =	shalt  }
0x58: {  	_ =	shalt  }
0x59: {  	_ =	shalt  }
0x5a: {  	_ =	shalt  }
0x5b: {  	_ =	shalt  }
0x5c: {  	_ =	shalt  }
0x5d: {  	_ =	shalt  }
0x5e: {  	_ =	shalt  }
0x5f: {  	_ =	shalt  }
0x60: {  	_ =	shalt  }
0x61: {  	_ =	shalt  }
0x62: {  	_ =	shalt  }
0x63: {  	_ =	shalt  }
0x64: {  	_ =	shalt  }
0x65: {  	_ =	shalt  }
0x66: {  	_ =	shalt  }
0x67: {  	_ =	shalt  }
0x68: {  	_ =	shalt  }
0x69: {  	_ =	shalt  }
0x6a: {  	_ =	shalt  }
0x6b: {  	_ =	shalt  }
0x6c: {  	_ =	shalt  }
0x6d: {  	_ =	shalt  }
0x6e: {  	_ =	shalt  }
0x6f: {  	_ =	shalt  }
0x70: {  	_ =	shalt  }
0x71: {  	_ =	shalt  }
0x72: {  	_ =	shalt  }
0x73: {  	_ =	shalt  }
0x74: {  	_ =	shalt  }
0x75: {  	_ =	shalt  }
0x76: {  	_ =	shalt  }
0x77: {  	_ =	shalt  }
0x78: {  	_ =	shalt  }
0x79: {  	_ =	shalt  }
0x7a: {  	_ =	shalt  }
0x7b: {  	_ =	shalt  }
0x7c: {  	_ =	shalt  }
0x7d: {  	_ =	shalt  }
0x7e: {  	_ =	shalt  }
0x7f: {  	_ =	shalt  }
0x80: {  	_ =	shalt  }
0x81: {  	_ =	shalt  }
0x82: {  	_ =	shalt  }
0x83: {  	_ =	shalt  }
0x84: {  	_ =	shalt  }
0x85: {  	_ =	shalt  }
0x86: {  	_ =	shalt  }
0x87: {  	_ =	shalt  }
.Lfunc_end0:
.L_simem_size_0:
called_computation_lowered:
.L_overlay_start_0:
0x88: {  	s2 =	sld [smem:$0x3FD9]  }
0x89: {  	s3 =	sld [smem:$0x3FFE];
	_ =	sdelay $0x1  }
0x8a: {  	s1 =	srdreg.scid  }
0x8b: {  	s0 =	sand.u32 $0x1, s1  }
0x8c: {  	s15 =	sshll.u32 s0, $0xA;
	s2 =	sadd.s32 s3, s2  }
0x8d: {  	s2 =	sadd.s32 s2, s15  }
0x8e: {  	[smem:$0x3FAF] =	sst s2  }
0x8f: {  	_ = 	snop  }
0x90: {  	(tm) =	ssettm $0x1  }
0x91: {  	s16 =	sld [smem:$0x3FFB];
	_ =	sdelay $0x3  }
0x92: {  	_ =	strace s16  }
0x93: {  	s2 =	sld [smem:$0x3FFC];
	_ =	sdelay $0x3  }
0x94: {  	_ =	strace s2  }
0x95: {  	s2 =	sld [smem:$0x3FFD];
	_ =	sdelay $0x3  }
0x96: {  	_ =	strace s2  }
0x97: {  	_ =	strace $0x8FFFFFFF  }
0x98: {  	s17 =	sld [smem:$0x3FDB];
	_ =	sdelay $0x1  }
0x99: {  	s18 =	simm.s32 $_scs_section_size  }
0x9a: {  	s4 =	simm.s32 $_size__tile_overlayer_lowered;
	s5 =	simm.s32 $_tile_overlayer_lowered  }
0x9b: {  	s6 =	simm.s32 $0x1BFF;
	s19 =	sshll.u32 s5, $0x1;
	s3 =	sadd.s32 s18, s17  }
0x9c: {  	s20 =	simm.s32 $0x0;
	s4 =	sshll.u32 s4, $0x1;
	s5 =	sadd.s32 s19, s3  }
0x9d: {  	[timem:s20], [sflag:s6] =	dma.local [hbm:s5], s4  }
0x9e: {  	_ =	swait.ge [sflag:s6], s4  }
0x9f: {  	s4 =	ssub.s32 $0x0, s4;
	[sflag:s6] =	ssyncset.done $0x0  }
0xa0: {  	[sflag:s6] =	ssyncadd.s32 s4;
	_ =	sdelay $0x1  }
0xa1: {  	s21 =	simm.s32 $0x1B8B  }
0xa2: {  	_ =	swait.ge [sflag:s21], $0x1  }
0xa3: {  	[sflag:s21] =	ssyncset.done $0x0  }
0xa4: {  	s22 =	sld [smem:$0x3FFE];
	[sflag:s21] =	ssyncadd.s32 $0xFFFFFFFF  }
0xa5: {  	s24 =	simm.s32 $0x1B8E;
	s23 =	sld [smem:$0x0]  }
0xa6: {  	s25 =	simm.s32 $execute0_lowered;
	[smem:$0x3FD2] =	sst s24  }
0xa7: {  	s6 =	sshll.u32 s25, $0x1;
	_ =	strace $0x80000049;
	[dreg:$0x1] =	wrdreg $0xFFFFFFFF  }
0xa8: {  	s7 =	simm.s32 $_size_execute0_lowered;
	s6 =	sadd.s32 s3, s6;
	[dreg:$0x0] =	wrdreg $0x0  }
0xa9: {  	s7 =	sshll.u32 s7, $0x1;
	[dreg:$0x2] =	wrdreg s6  }
0xaa: {  	[dreg:$0x3] =	wrdreg s7  }
0xab: {  	[dreg:$0x4] =	wrdreg $0xC0  }
0xac: {  	s26 =	simm.s32 $execute1_lowered;
	_ =	task [dreg:s20], $0x5FFFF  }
0xad: {  	s6 =	sshll.u32 s26, $0x1;
	[dreg:$0x1] =	wrdreg $0xFFFFFFFF  }
0xae: {  	s3 =	sadd.s32 s3, s6;
	[dreg:$0x0] =	wrdreg $0x60  }
0xaf: {  	[dreg:$0x2] =	wrdreg s3  }
0xb0: {  	[dreg:$0x3] =	wrdreg s22  }
0xb1: {  	[dreg:$0x4] =	wrdreg $0x9  }
0xb2: {  	_ =	task.clear_ibuf [dreg:s20], $0x5FFFF;
	_ =	strace $0x90000049  }
0xb3: {  	s28 =	simm.s32 $0x9;
	_ =	strace $0x8000004B  }
0xb4: {  	_ =	swait.ge [sflag:s28], $0x1  }
0xb5: {  	[sflag:s28] =	ssyncadd.s32 $0xFFFFFFFF  }
0xb6: {  	_ =	strace $0x9000004B  }
0xb7: {  	s3 =	sld [smem:$0x0]  }
0xb8: {  	s6 =	sand.u32 $0xFFFFFFFE, s1  }
0xb9: {  	p0 =	sne.s32 s1, s6  }
0xba: {  	s6 =	sshll.u32 @p0 s6, $0xE  }
0xbb: {  	s6 =	sadd.s32 @p0 $0x11BF3, s6;
	s7 =	sshll.u32 @p0 s3, $0x11  }
0xbc: {  	s6 =	sor.u32 @p0 s7, s6  }
0xbd: {  	[sflag:s6] =	ssyncadd.remote.s32 @p0 $0x1;
	_ =	sdelay $0x1  }
0xbe: {  	s6 =	simm.s32 @p0 $0x1BF3  }
0xbf: {  	_ =	swait.eq @p0 [sflag:s6], $0x1  }
0xc0: {  	[sflag:s6] =	ssyncadd.s32 @p0 $0xFFFFFFFF  }
0xc1: {  	s7 =	sshll.u32 @!p0 s1, $0xE  }
0xc2: {  	s7 =	sor.u32 @!p0 $0x4000, s7;
	s6 =	simm.s32 @!p0 $0x1BF3  }
0xc3: {  	s3 =	sshll.u32 @!p0 s3, $0x11;
	s7 =	sadd.s32 @!p0 $0x11BF3, s7;
	_ =	swait.eq @!p0 [sflag:s6], $0x1  }
0xc4: {  	s3 =	sor.u32 @!p0 s3, s7;
	[sflag:s6] =	ssyncadd.s32 @!p0 $0xFFFFFFFF  }
0xc5: {  	[sflag:s3] =	ssyncadd.remote.s32 @!p0 $0x1  }
0xc6: {  	_ =	strace $0x8000004C;
	[dreg:$0x1] =	wrdreg $0xFFFFFFFF  }
0xc7: {  	[dreg:$0x0] =	wrdreg $0x2030  }
0xc8: {  	[dreg:$0x2] =	wrdreg s22  }
0xc9: {  	[dreg:$0x3] =	wrdreg s1  }
0xca: {  	[dreg:$0x4] =	wrdreg s23  }
0xcb: {  	[dreg:$0x5] =	wrdreg $0xA  }
0xcc: {  	_ =	task.clear_ibuf [dreg:s20], $0x6FFFF;
	_ =	strace $0x9000004C  }
0xcd: {  	s29 =	simm.s32 $0xA;
	_ =	strace $0x8000004E  }
0xce: {  	_ =	swait.ge [sflag:s29], $0x1  }
0xcf: {  	[sflag:s29] =	ssyncadd.s32 $0xFFFFFFFF  }
0xd0: {  	_ =	strace $0x9000004E  }
0xd1: {  	_ =	sfence  }
0xd2: {  	s30 =	sld [smem:$0x0];
	_ =	sdelay $0x2  }
0xd3: {  	s31 =	sshll.u32 s1, $0xD;
	s1 =	sshrl.u32 s1, $0x2  }
0xd4: {  	s4 =	sand.u32 $0x4000, s31;
	s1 =	sadd.s32 s1, s30  }
0xd5: {  	s0 =	sor.u32 s4, s0;
	s1 =	sshll.u32 s1, $0x11  }
0xd6: {  	s0 =	sor.u32 s1, s0  }
0xd7: {  	s0 =	sadd.s32 $0x8F2B, s0  }
0xd8: {  	[sflag:s0] =	ssyncadd.remote.s32 $0x1  }
0xd9: {  	_ =	sfence.sel $0xFFFF  }
0xda: {  	[dreg:$0x0] =	wrdreg $0xFFFFFFFF;
	(pc) =	sbr.abs _section_cstart, $3  }
0xdb: {  	[dreg:$0x1] =	wrdreg $0xFFFFFFFF  }
0xdc: {  	_ =	task.clear_ibuf [dreg:s20], $0x2FFFF;
	_ =	strace $0x9FFFFFFF  }
0xdd: {  	(tm) =	ssettm $0x7FFFFFFF  }
tec
execute0_lowered:
.L_overlay_start_1:
0x0: {  	(tag) =	ssettag $0x1  }
0x1: {  	s2 =	rddreg [dreg:$0x0]  }
0x2: {  	s4 =	rddreg [dreg:$0x1]  }
0x3: {  	s0 =	rddreg [dreg:$0x2];
	s3 =	stileid.u32;
	[bflag:$0x3] =	sbarrier.arrive $0xFFFF  }
0x4: {  	s1 =	simm.s32 $_size_execute1_lowered;
	s29 =	srdreg.scid;
	p0 =	sne.s32 s3, $0x0  }
0x5: {  	s1 =	sshll.u32 s1, $0x1;
	s5 =	simm.s32 @!p0 $0x1C3F;
	s6 =	simm.s32 @!p0 $0x4060  }
0x6: {  	[timem:s6], [sflag:s5] =	dma.local @!p0 [hbm:s2], s1  }
0x7: {  	s2 =	sshll.u32 s29, $0x7  }
0x8: {  	s7 =	simm.s32 $0x1;
	s3 =	sshll.u32 s3, $0x8;
	s2 =	sand.u32 $0x80, s2  }
0x9: {  	s8 =	simm.s32 $0x2;
	s9 =	simm.s32 $0x0;
	s2 =	sor.u32 s3, s2  }
0xa: {  	s12 =	simm.s32 $0x0;
	s11 =	simm.s32 $0x0;
	s30 =	ssub.s32 $0x2780, s2  }
.Ltmp0:
0xb: {  	s5 =	simm.s32 $0x1;
	s31 =	sand.u32 $0xF80, s30;
	(pc) =	sbr.rel .LBB2_1-.Ltmp0, $4  }
0xc: {  	_ =	strace $0x8000004A;
	s3 =	sadd.s32 $0x4BE00, s4;
	p1 =	sne.s32 s31, $0x0  }
0xd: {  	[sflag:s5] =	ssyncpa.u1 $0x0;
	s6 =	sshrl.u32 s30, $0xC;
	s7 =	simm.s32 @!p1 $0x0  }
0xe: {  	s4 =	sadd.s32 $0x73600, s4;
	[sflag:s8] =	ssyncpa.u1 $0x0;
	s6 =	sadd.s32 s7, s6  }
0xf: {  	s8 =	simm.s32 $0x0;
	s10 =	smov.u32 s2;
	s7 =	sadd.s32 $0x1, s6  }
.LBB2_4:
0x10: {  	_ =	sdelay $0x3  }
0x11: {  	[tilespmem:v0+s14+$0xFFFFFFA0 ss:$0x1] =	vst.idx.msk $0xffff, v6  }
0x12: {  	v56 =	vld.idx.msk [tilespmem:v1+s15+$0x30 ss:$0x1], $0xffff;
	[tilespmem:v0+s14+$0xFFFFFFB0 ss:$0x1] =	vst.idx.msk $0xffff, v4  }
0x13: {  	v57 =	vld.idx.msk [tilespmem:v1+s15+$0xFFFFFFC0 ss:$0x1], $0xffff;
	[tilespmem:v0+s14+$0xFFFFFFC0 ss:$0x1] =	vst.idx.msk $0xffff, v2  }
0x14: {  	v58 =	vld.idx.msk [tilespmem:v1+s15+$0xFFFFFFD0 ss:$0x1], $0xffff;
	[tilespmem:v0+s14+$0xFFFFFFD0 ss:$0x1] =	vst.idx.msk $0xffff, v3  }
0x15: {  	v59 =	vld.idx.msk [tilespmem:v1+s15+$0xFFFFFFE0 ss:$0x1], $0xffff;
	[tilespmem:v0+s14+$0xFFFFFFE0 ss:$0x1] =	vst.idx.msk $0xffff, v5  }
0x16: {  	v60 =	vld.idx.msk [tilespmem:v1+s15+$0xFFFFFFF0 ss:$0x1], $0xffff;
	[tilespmem:v0+s14+$0xFFFFFFF0 ss:$0x1] =	vst.idx.msk $0xffff, v7;
	s12 =	sand.u32 $0x1FFFFFF, s12  }
0x17: {  	v61 =	vld.idx.msk [tilespmem:v1+s15+$0x0 ss:$0x1], $0xffff;
	s31 =	smulhi.u32 $0xCF6475, s12;
	[tilespmem:v0+s15+$0x0 ss:$0x1] =	vst.idx.msk $0xffff, v56  }
0x18: {  	v62 =	vld.idx.msk [tilespmem:v1+s15+$0x10 ss:$0x1], $0xffff;
	[tilespmem:v0+s15+$0xFFFFFF90 ss:$0x1] =	vst.idx.msk $0xffff, v57  }
0x19: {  	v63 =	vld.idx.msk [tilespmem:v1+s15+$0x20 ss:$0x1], $0xffff;
	s14 =	sshrl.u32 s31, $0x5;
	[tilespmem:v0+s15+$0xFFFFFFA0 ss:$0x1] =	vst.idx.msk $0xffff, v58  }
0x1a: {  	s14 =	smul.u32 $0x2780, s14;
	[tilespmem:v0+s15+$0xFFFFFFB0 ss:$0x1] =	vst.idx.msk $0xffff, v59  }
0x1b: {  	[tilespmem:v0+s15+$0xFFFFFFC0 ss:$0x1] =	vst.idx.msk $0xffff, v60  }
0x1c: {  	[tilespmem:v0+s15+$0xFFFFFFD0 ss:$0x1] =	vst.idx.msk $0xffff, v61;
	s12 =	ssub.s32 s12, s14  }
0x1d: {  	[tilespmem:v0+s15+$0xFFFFFFE0 ss:$0x1] =	vst.idx.msk $0xffff, v62;
	s12 =	sshll.u32 s12, $0x4  }
0x1e: {  	[tilespmem:v0+s15+$0xFFFFFFF0 ss:$0x1] =	vst.idx.msk $0xffff, v63;
	s12 =	sadd.s32 s4, s12  }
0x1f: {  	[hbm4b:s12+s8] =	stream.linear.scatter [tilespmem:s13], [sflag:$0x2], $0x4000, $0x38;
	[tilespmem:$0x10000] =	vst v63  }
.LBB2_5:
0x20: {  	s14 =	sadd.s32 $0x1000, s10  }
0x21: {  	p2 =	sgt.s32 s14, $0x277F  }
0x22: {  	s14 =	smov.u32 @p2 s2;
	p2 =	sne.s32 s11, s7  }
.Ltmp1:
0x23: {  	p1 =	slt.u32 s11, $0x2;
	(pc) =	sbr.rel @!p2 .LBB2_6-.Ltmp1, $4  }
0x24: {  	s13 =	simm.s32 @!p1 $0x2  }
0x25: {  	s15 =	sadd.s32 $0x1, s11;
	_ =	swait.ge @!p1 [sflag:s13], $0x4000  }
0x26: {  	s12 =	smov.u32 s10;
	s9 =	sadd.s32 $0x4000, s9;
	[sflag:s13] =	ssyncset.done @!p1 $0x0  }
0x27: {  	s11 =	smov.u32 s15;
	s10 =	smov.u32 s14;
	[sflag:s13] =	ssyncadd.s32 @!p1 $0xFFFFC000  }
.LBB2_1:
0x28: {  	p1 =	sge.u32 s11, s6  }
0x29: {  	s13 =	sand.u32 @!p1 $0x1FFFFFF, s10  }
0x2a: {  	s14 =	smulhi.u32 @!p1 $0xCF6475, s13;
	_ =	sdelay $0x1  }
0x2b: {  	s14 =	sshrl.u32 @!p1 s14, $0x5  }
0x2c: {  	s14 =	smul.u32 @!p1 $0x2780, s14;
	_ =	sdelay $0x1  }
0x2d: {  	s15 =	sxor.u32 @!p1 $0xFFFFFFFF, s11;
	s13 =	ssub.s32 @!p1 s13, s14  }
0x2e: {  	s31 =	sadd.s32 $0xFFFFFFFF, s11;
	s14 =	sshll.u32 @!p1 s15, $0xE;
	s13 =	sshll.u32 @!p1 s13, $0x4  }
0x2f: {  	s15 =	simm.s32 @!p1 $0x0;
	s14 =	sand.u32 @!p1 $0x4000, s14;
	s13 =	sadd.s32 @!p1 s3, s13  }
0x30: {  	[tilespmem:s14], [sflag:$0x1] =	stream.linear.gather @!p1 [hbm4b:s13+s15], $0x4000, $0x38;
	[tilespmem:$0x10000] =	vst v63  }
0x31: {  	p1 =	sge.u32 s31, s6  }
.Ltmp2:
0x32: {  	_ = 	snop;
	(pc) =	sbr.rel @p1 .LBB2_5-.Ltmp2, $1  }
0x33: {  	_ =	sdelay $0x3  }
0x34: {  	s13 =	sand.u32 $0x4000, s9  }
0x35: {  	s14 =	sor.u32 $0x40, s13  }
0x36: {  	v1 =	vmov s14;
	_ =	sdelay $0x1  }
0x37: {  	_ =	swait.ge [sflag:s5], $0x4000  }
0x38: {  	[sflag:s5] =	ssyncset.done $0x0  }
0x39: {  	[sflag:s5] =	ssyncadd.s32 $0xFFFFC000;
	s14 =	simm.s32 $0x0  }
0x3a: {  	s13 =	sor.u32 $0x8070, s13;
	v7 =	vld.idx.msk [tilespmem:v1+s14+$0x30 ss:$0x1], $0xffff  }
0x3b: {  	v0 =	vmov s13;
	v8 =	vld.idx.msk [tilespmem:v1+s14+$0xFFFFFFC0 ss:$0x1], $0xffff  }
0x3c: {  	v6 =	vld.idx.msk [tilespmem:v1+s14+$0xFFFFFFD0 ss:$0x1], $0xffff  }
0x3d: {  	v4 =	vld.idx.msk [tilespmem:v1+s14+$0xFFFFFFE0 ss:$0x1], $0xffff  }
0x3e: {  	v2 =	vld.idx.msk [tilespmem:v1+s14+$0xFFFFFFF0 ss:$0x1], $0xffff  }
0x3f: {  	s31 =	sshll.u32 s11, $0xE;
	v3 =	vld.idx.msk [tilespmem:v1+s14+$0x0 ss:$0x1], $0xffff  }
0x40: {  	s13 =	sand.u32 $0x4000, s31;
	v5 =	vld.idx.msk [tilespmem:v1+s14+$0x10 ss:$0x1], $0xffff;
	[tilespmem:v0+s14+$0x0 ss:$0x1] =	vst.idx.msk $0xffff, v7  }
0x41: {  	s15 =	simm.s32 $0x80;
	s16 =	simm.s32 $0x400;
	s13 =	sor.u32 $0x8000, s13;
	[tilespmem:v0+s14+$0xFFFFFF90 ss:$0x1] =	vst.idx.msk $0xffff, v8;
	v7 =	vld.idx.msk [tilespmem:v1+s14+$0x20 ss:$0x1], $0xffff  }
.LBB2_3:
0x42: {  	p1 =	sne.s32 s16, $0xFE00;
	v8 =	vld.idx.msk [tilespmem:v1+s15+$0x30 ss:$0x1], $0xffff;
	[tilespmem:v0+s14+$0xFFFFFFA0 ss:$0x1] =	vst.idx.msk $0xffff, v6  }
0x43: {  	v9 =	vld.idx.msk [tilespmem:v1+s15+$0xFFFFFFC0 ss:$0x1], $0xffff;
	[tilespmem:v0+s14+$0xFFFFFFB0 ss:$0x1] =	vst.idx.msk $0xffff, v4  }
0x44: {  	v6 =	vld.idx.msk [tilespmem:v1+s15+$0xFFFFFFD0 ss:$0x1], $0xffff;
	[tilespmem:v0+s14+$0xFFFFFFC0 ss:$0x1] =	vst.idx.msk $0xffff, v2  }
.Ltmp3:
0x45: {  	v4 =	vld.idx.msk [tilespmem:v1+s15+$0xFFFFFFE0 ss:$0x1], $0xffff;
	[tilespmem:v0+s14+$0xFFFFFFD0 ss:$0x1] =	vst.idx.msk $0xffff, v3;
	(pc) =	sbr.rel @p1 .LBB2_3-.Ltmp3, $4  }
0x46: {  	v2 =	vld.idx.msk [tilespmem:v1+s15+$0xFFFFFFF0 ss:$0x1], $0xffff;
	[tilespmem:v0+s14+$0xFFFFFFE0 ss:$0x1] =	vst.idx.msk $0xffff, v5  }
0x47: {  	v3 =	vld.idx.msk [tilespmem:v1+s15+$0x0 ss:$0x1], $0xffff;
	[tilespmem:v0+s14+$0xFFFFFFF0 ss:$0x1] =	vst.idx.msk $0xffff, v7;
	s14 =	smov.u32 s15  }
0x48: {  	v5 =	vld.idx.msk [tilespmem:v1+s14+$0x10 ss:$0x1], $0xffff;
	[tilespmem:v0+s14+$0x0 ss:$0x1] =	vst.idx.msk $0xffff, v8  }
0x49: {  	s15 =	sshra.s32 s16, $0x2;
	s16 =	sadd.s32 $0x200, s16;
	[tilespmem:v0+s14+$0xFFFFFF90 ss:$0x1] =	vst.idx.msk $0xffff, v9;
	v7 =	vld.idx.msk [tilespmem:v1+s14+$0x20 ss:$0x1], $0xffff  }
.Ltmp4:
0x4a: {  	_ = 	snop;
	(pc) =	sbr.rel .LBB2_4-.Ltmp4, $1  }
0x4b: {  	_ =	sdelay $0x3  }
.LBB2_6:
0x4c: {  	_ =	sfence.sel $0x180000  }
0x4d: {  	s2 =	simm.s32 $0x1;
	[bflag:$0x0] =	sbarrier.arrive $0xFFFF  }
0x4e: {  	s31 =	simm.s32 $0x2;
	[sflag:s2] =	ssyncpa.u1 $0x1  }
0x4f: {  	[sflag:s31] =	ssyncpa.u1 $0x1  }
0x50: {  	_ =	strace $0x9000004A  }
0x51: {  	s0 =	sadd.s32 @!p0 $0x100000, s0;
	[bflag:$0x2] =	sbarrier.arrive $0xFFFF  }
0x52: {  	[sflag:s0] =	ssyncadd.tile.s32 @!p0 $0x1;
	s0 =	simm.s32 @!p0 $0x3F  }
0x53: {  	_ =	swait.ge @!p0 [sflag:s0], s1  }
0x54: {  	s1 =	ssub.s32 @!p0 $0x0, s1;
	[sflag:s0] =	ssyncset.done @!p0 $0x0  }
0x55: {  	[sflag:s0] =	ssyncadd.s32 @!p0 s1  }
0x56: {  	[bflag:$0x3] =	sbarrier.arrive $0xFFFF  }
0x57: {  	_ =	shalt  }
.Lfunc_end2:
execute1_lowered:
.L_overlay_start_2:
0x58: {  	(tag) =	ssettag $0x2  }
0x59: {  	s2 =	rddreg [dreg:$0x0]  }
0x5a: {  	s3 =	rddreg [dreg:$0x1];
	_ =	strace $0x8000004D;
	s0 =	simm.s32 $0x1  }
0x5b: {  	v0 =	vimm.s32 $0x0;
	[sflag:s0] =	ssyncpa.u1 $0x0;
	s0 =	simm.s32 $0x108  }
0x5c: {  	[tilespmem:s0+$0x70] =	vst v0  }
0x5d: {  	[tilespmem:s0+$0x60] =	vst v0  }
0x5e: {  	[tilespmem:s0+$0x50] =	vst v0  }
0x5f: {  	[tilespmem:s0+$0x40] =	vst v0  }
0x60: {  	s1 =	sadd.s32 $0x73600, s2;
	[tilespmem:s0+$0x30] =	vst v0  }
0x61: {  	s15 =	sadd.s32 $0x18B5E00, s2;
	s6 =	sadd.s32 $0x18C9A00, s2;
	[tilespmem:s0+$0x20] =	vst v0  }
0x62: {  	s14 =	sadd.s32 $0x18BFC00, s2;
	s5 =	sand.u32 $0x1, s3;
	s3 =	simm.s32 $0x40;
	[tilespmem:s0+$0x10] =	vst v0  }
.LBB3_1:
0x63: {  	s3 =	sadd.s32 $0x40, s3;
	[tilespmem:s0+$0x0] =	vst v0;
	s0 =	sadd.s32 $0x80, s0  }
0x64: {  	p0 =	slt.u32 s3, $0x3C40;
	[tilespmem:s0+$0x70] =	vst v0  }
0x65: {  	[tilespmem:s0+$0x60] =	vst v0  }
.Ltmp5:
0x66: {  	[tilespmem:s0+$0x50] =	vst v0;
	(pc) =	sbr.rel @p0 .LBB3_1-.Ltmp5, $4  }
0x67: {  	[tilespmem:s0+$0x40] =	vst v0  }
0x68: {  	[tilespmem:s0+$0x30] =	vst v0  }
0x69: {  	[tilespmem:s0+$0x20] =	vst v0  }
0x6a: {  	[tilespmem:s0+$0x10] =	vst v0  }
0x6b: {  	s9 =	stileid.u32  }
0x6c: {  	s2 =	smul.u32 $0x29, s9  }
0x6d: {  	s3 =	smin.u32 s9, $0xB  }
0x6e: {  	s2 =	sadd.s32 s3, s2  }
0x6f: {  	p0 =	slt.u32 s9, $0xB;
	s7 =	smul.u32 $0xF0, s2;
	s2 =	simm.s32 $0x2760  }
0x70: {  	s2 =	simm.s32 @!p0 $0x2670  }
0x71: {  	s2 =	sadd.s32 s2, s7  }
0x72: {  	s8 =	smin.u32 s2, $0x27100  }
0x73: {  	s2 =	ssub.s32 s8, s7  }
0x74: {  	p0 =	sgt.s32 s2, $0x0  }
0x75: {  	s29 =	simm.s32 $0x2;
	s10 =	simm.s32 $0x9;
	s2 =	simm.s32 @!p0 $0x0  }
0x76: {  	s4 =	simm.s32 $0xA;
	s11 =	simm.s32 $0xB;
	s28 =	smulhi.u32 $0x88888889, s2  }
0x77: {  	[dreg:$0x4] =	wrdreg s5;
	s31 =	smul.u32 $0x4E20, s5;
	s12 =	simm.s32 $0x1  }
0x78: {  	s22 =	simm.s32 $0x0;
	s18 =	simm.s32 $0xC;
	s30 =	sshrl.u32 s28, $0x7  }
0x79: {  	s20 =	simm.s32 $0x0;
	s21 =	simm.s32 $0x0;
	s3 =	smul.u32 $0xF0, s30  }
.Ltmp6:
0x7a: {  	[tilespmem:s0+$0x0] =	vst v0;
	v0 =	vimm.s32 $0xFFFFFFFF;
	[sflag:s29] =	ssyncpa.u1 $0x0;
	s16 =	sshll.u32 s9, $0x8;
	(pc) =	sbr.rel .LBB3_3-.Ltmp6, $4  }
0x7b: {  	[tilespmem:$0xF208] =	vst v0;
	[sflag:s10] =	ssyncpa.u1 $0x0;
	p0 =	sne.s32 s2, s3;
	s2 =	simm.s32 $0x1  }
0x7c: {  	s14 =	sadd.s32 s31, s14;
	[sflag:s4] =	ssyncpa.u1 $0x0;
	s2 =	simm.s32 @!p0 $0x0  }
0x7d: {  	s15 =	sadd.s32 s31, s15;
	[sflag:s11] =	ssyncpa.u1 $0x0;
	s13 =	sadd.s32 s2, s30  }
0x7e: {  	v0 =	vlaneseq.u32;
	s19 =	smov.u32 s7;
	p0 =	por $0x0, $0x0;
	s17 =	sadd.s32 $0x1, s13  }
.LBB3_18:
0x7f: {  	s0 =	sshrl.u32 s31, $0x2  }
.LBB3_20:
0x80: {  	_ =	swait.ge [sflag:s18], s0  }
0x81: {  	s31 =	ssub.s32 $0x0, s0;
	v1 =	vmov s24;
	vm0 =	veq.s32 v0, $0x0;
	[sflag:s18] =	ssyncset.done $0x0  }
0x82: {  	vm15 =	veq.s32 v0, $0x2;
	v1 =	vsel vm0, s30, v1;
	[sflag:s18] =	ssyncadd.s32 s31  }
0x83: {  	v1 =	vsel vm15, s22, v1;
	[sflag:s18] =	ssyncpa.u1 $0x1  }
0x84: {  	[tilespmem:$0xF208] =	vst v1  }
.LBB3_21:
0x85: {  	s0 =	sadd.s32 $0xF0, s19  }
0x86: {  	s2 =	smov.u32 s7;
	p1 =	slt.s32 s0, s8  }
0x87: {  	s2 =	smov.u32 @p1 s0;
	p1 =	sne.s32 s21, s17  }
.Ltmp7:
0x88: {  	_ = 	snop;
	(pc) =	sbr.rel @!p1 .LBB3_22-.Ltmp7, $3  }
0x89: {  	_ =	sdelay $0x1  }
0x8a: {  	s22 =	smov.u32 s20;
	s31 =	sadd.s32 $0x1, s21;
	s20 =	smov.u32 s19  }
0x8b: {  	p0 =	por !p0, !p0;
	s21 =	smov.u32 s31;
	s19 =	smov.u32 s2  }
.LBB3_3:
0x8c: {  	p1 =	sge.u32 s21, s13  }
0x8d: {  	s0 =	smulhi.u32 @!p1 $0xAAAAAAAB, s21  }
0x8e: {  	s2 =	smov.u32 s19;
	p2 =	sgt.s32 @!p1 s19, $0x27010  }
0x8f: {  	s3 =	sshra.s32 @!p1 s19, $0x1F;
	p2 =	por !p2, p1;
	s0 =	sshrl.u32 @!p1 s0, $0x1  }
0x90: {  	s3 =	sand.u32 @!p1 s3, s19;
	s2 =	simm.s32 @p2 $0x27010;
	s0 =	smul.u32 @!p1 $0x3, s0  }
0x91: {  	s2 =	ssub.s32 @!p1 s2, s3  }
0x92: {  	s2 =	sadd.s32 @!p1 $0xFFFD8FF0, s2;
	s0 =	ssub.s32 @!p1 s21, s0  }
0x93: {  	s3 =	sshll.u32 @!p1 s2, $0x2;
	p2 =	sgt.s32 @!p1 s2, $0xEF;
	s0 =	smul.u32 @!p1 $0x3C0, s0  }
0x94: {  	s4 =	sand.u32 @!p1 $0x7, s19;
	s2 =	ssub.s32 @!p1 $0x3C0, s3;
	p2 =	por !p2, p1  }
0x95: {  	s3 =	sshrl.u32 @!p1 s19, $0x3;
	s2 =	sshrl.u32 @!p1 s2, $0x2;
	s0 =	sshrl.u32 @!p1 s0, $0x2  }
0x96: {  	s3 =	sadd.s32 @!p1 s3, s14;
	s2 =	simm.s32 @!p2 $0x0;
	s0 =	sadd.s32 @!p1 $0x10248, s0  }
0x97: {  	[tilespmem:s0], [sflag:$0xA] =	stream.linear.gather @!p1 [hbm4b:s3+s4], s2, $0x38;
	[tilespmem:$0x1F6F8] =	vst v63  }
0x98: {  	s0 =	sadd.s32 $0xFFFFFFFF, s21  }
0x99: {  	p1 =	sge.u32 s0, s13  }
0x9a: {  	p2 =	sgt.s32 @!p1 s20, $0x27010  }
0x9b: {  	s2 =	smov.u32 s20;
	s3 =	sshra.s32 @!p1 s20, $0x1F;
	p2 =	por !p2, p1  }
0x9c: {  	s3 =	sand.u32 @!p1 s3, s20;
	s2 =	simm.s32 @p2 $0x27010  }
0x9d: {  	s2 =	ssub.s32 @!p1 s2, s3  }
0x9e: {  	s2 =	sadd.s32 @!p1 $0xFFFD8FF0, s2  }
0x9f: {  	s4 =	sand.u32 @!p1 $0x1, s0;
	s3 =	sshll.u32 @!p1 s2, $0x2  }
0xa0: {  	p2 =	sgt.s32 @!p1 s2, $0xEF;
	s2 =	ssub.s32 @!p1 $0x3C0, s3;
	s3 =	smulhi.u32 @!p1 $0xAAAAAAAB, s0  }
0xa1: {  	s23 =	smul.u32 @!p1 $0x3C0, s4;
	p2 =	por !p2, p1;
	s2 =	sshrl.u32 @!p1 s2, $0x2  }
0xa2: {  	s5 =	simm.s32 @!p1 $0xA;
	s2 =	simm.s32 @!p2 $0x0;
	s3 =	sshrl.u32 @!p1 s3, $0x1  }
0xa3: {  	s23 =	sshrl.u32 @!p1 s23, $0x2;
	_ =	swait.ge @!p1 [sflag:s5], s2;
	s3 =	smul.u32 @!p1 $0x3, s3  }
0xa4: {  	s23 =	sadd.s32 @!p1 $0x10518, s23;
	s24 =	ssub.s32 @!p1 $0x0, s2;
	[sflag:s5] =	ssyncset.done @!p1 $0x0  }
0xa5: {  	[sflag:s5] =	ssyncadd.s32 @!p1 s24;
	s5 =	sshrl.u32 @!p1 s20, $0x3;
	s0 =	ssub.s32 @!p1 s0, s3  }
0xa6: {  	s24 =	sand.u32 @!p1 $0x7, s20;
	s5 =	sadd.s32 @!p1 s5, s15;
	s0 =	smul.u32 @!p1 $0x3C0, s0  }
0xa7: {  	[tilespmem:s23], [sflag:$0xB] =	stream.linear.gather @!p1 [hbm4b:s5+s24], s2, $0x38;
	[tilespmem:$0x1F6F8] =	vst v63  }
0xa8: {  	s3 =	ssub.s32 @!p1 $0x27100, s20;
	s2 =	smul.u32 @!p1 $0x1E000, s4  }
0xa9: {  	p2 =	slt.s32 @!p1 s3, $0xF0  }
0xaa: {  	p2 =	por !p2, p1;
	s0 =	sshrl.u32 @!p1 s0, $0x2;
	s2 =	sshrl.u32 @!p1 s2, $0x2  }
0xab: {  	s3 =	simm.s32 @p2 $0xF0;
	s0 =	sadd.s32 @!p1 $0x10248, s0;
	s2 =	sor.u32 @!p1 $0x106F8, s2  }
0xac: {  	[tilespmem:s2], [sflag:$0x9] =	stream.indirect.gather @!p1 [hbm4b:s6+s3], $0x80, s0, s3, $0xb8;
	[tilespmem:$0x1F6F8] =	vst v63  }
0xad: {  	p1 =	slt.u32 s21, $0x2  }
.Ltmp8:
0xae: {  	_ = 	snop;
	(pc) =	sbr.rel @p1 .LBB3_21-.Ltmp8, $1  }
0xaf: {  	_ =	sdelay $0x3  }
0xb0: {  	p1 =	sgt.s32 s22, $0x27010  }
0xb1: {  	s0 =	smov.u32 s22;
	s2 =	sshra.s32 s22, $0x1F;
	s3 =	ssub.s32 $0x27100, s22  }
0xb2: {  	s0 =	simm.s32 @!p1 $0x27010;
	s2 =	sand.u32 s2, s22;
	p1 =	slt.s32 s3, $0xF0  }
0xb3: {  	s0 =	ssub.s32 s0, s2;
	s3 =	simm.s32 @!p1 $0xF0  }
0xb4: {  	s0 =	sadd.s32 $0xFFFD8FF0, s0;
	s25 =	sshll.u32 s3, $0x7  }
0xb5: {  	s26 =	sshll.u32 s0, $0x2;
	s2 =	sand.u32 $0x3FFFFF80, s25  }
0xb6: {  	p1 =	sgt.s32 s0, $0xEF;
	s29 =	ssub.s32 $0x3C0, s26;
	_ =	swait.ge [sflag:s10], s2  }
0xb7: {  	s2 =	ssub.s32 $0x0, s2;
	[sflag:s10] =	ssyncset.done $0x0;
	s0 =	sshrl.u32 s29, $0x2  }
0xb8: {  	[sflag:s10] =	ssyncadd.s32 s2;
	s0 =	simm.s32 @p1 $0x0  }
0xb9: {  	_ =	swait.ge [sflag:s11], s0  }
0xba: {  	s0 =	ssub.s32 $0x0, s0;
	[sflag:s11] =	ssyncset.done $0x0  }
0xbb: {  	[sflag:s11] =	ssyncadd.s32 s0  }
0xbc: {  	v1 =	vld [tilespmem:$0xF208];
	_ =	sdelay $0x4  }
0xbd: {  	(v2sf) =	vpush v1, $0x0  }
0xbe: {  	(v2sf) =	vpush v1, $0x1  }
0xbf: {  	(v2sf) =	vpush v1, $0x2;
	_ =	sdelay $0x3  }
0xc0: {  	s0 =	sadd.s32 $0xF0, s22  }
0xc1: {  	s2 =	ssub.s32 $0x4E200, s22;
	p1 =	slt.s32 s8, s0  }
0xc2: {  	s0 =	smov.u32 @p1 s8;
	p1 =	sgt.s32 s2, $0x0  }
0xc3: {  	s26 =	ssub.s32 s0, s22;
	s2 =	simm.s32 @!p1 $0x0  }
0xc4: {  	p1 =	slt.s32 s2, s26  }
0xc5: {  	s26 =	smov.u32 @p1 s2  }
0xc6: {  	s25 =	simm.s32 $0x1;
	p1 =	slt.s32 s26, $0x1  }
.Ltmp9:
0xc7: {  	s25 =	simm.s32 @!p0 $0x0;
	(pc) =	sbr.rel @p1 .LBB3_8-.Ltmp9, $4  }
0xc8: {  	s31 =	smul.u32 $0x3C0, s25  }
0xc9: {  	s28 =	spop (v2sf)  }
0xca: {  	s0 =	sshrl.u32 s31, $0x2;
	s30 =	spop (v2sf)  }
0xcb: {  	s23 =	sadd.s32 $0x10518, s0;
	s22 =	spop (v2sf)  }
0xcc: {  	s0 =	smin.u32 s26, $0x10  }
0xcd: {  	v1 =	vmov s0  }
0xce: {  	p2 =	sgt.s32 s26, $0x10;
	vm1 =	vgt.u32 v1, v0  }
.Ltmp10:
0xcf: {  	_ = 	snop;
	(pc) =	sbr.rel @!p2 .LBB3_7-.Ltmp10, $2  }
0xd0: {  	_ =	sdelay $0x2  }
0xd1: {  	s4 =	simm.s32 $0x10;
	s24 =	sadd.s32 $0xFFFFFFF0, s26;
	s0 =	smov.u32 s23;
	vm0 =	vmmov vm1  }
.LBB3_6:
0xd2: {  	s2 =	smin.u32 s24, $0x10;
	s4 =	sadd.s32 $0x10, s4;
	v1 =	vld.msk [tilespmem:s0+$0x0 ss:$0x1], vm1  }
0xd3: {  	v2 =	vmov s2;
	p2 =	slt.s32 s4, s26  }
0xd4: {  	vm1 =	vgt.u32 v2, v0  }
.Ltmp11:
0xd5: {  	(pc) =	sbr.rel @p2 .LBB3_6-.Ltmp11, $3  }
0xd6: {  	_ =	sdelay $0x1  }
0xd7: {  	v1 =	vshll.u32 v1, $0x4  }
0xd8: {  	s24 =	sadd.s32 $0xFFFFFFF0, s24;
	[tilespmem:s0+$0x0] =	vst.msk vm0, v1;
	s0 =	sadd.s32 $0x10, s0;
	vm0 =	vmmov vm1  }
.LBB3_7:
0xd9: {  	_ =	sdelay $0x4  }
0xda: {  	v1 =	vld.msk [tilespmem:s0+$0x0 ss:$0x1], vm1;
	_ =	sdelay $0x4  }
0xdb: {  	v1 =	vshll.u32 v1, $0x4  }
0xdc: {  	[tilespmem:s0+$0x0] =	vst.msk vm0, v1  }
.LBB3_8:
0xdd: {  	s0 =	sand.u32 $0x1, s21  }
0xde: {  	s0 =	smul.u32 $0xF0, s0  }
0xdf: {  	p2 =	sne.s32 s30, $0xFFFFFFFF  }
0xe0: {  	v1 =	vld.msk @!p2 [tilespmem:s0+$0x10518], $0x1;
	_ =	sdelay $0x4  }
0xe1: {  	(v2sf) =	vpush @!p2 v1, $0x0;
	_ =	sdelay $0xc  }
.Ltmp12:
0xe2: {  	_ = 	snop;
	(pc) =	sbr.rel @p1 .LBB3_19-.Ltmp12, $4  }
0xe3: {  	_ = 	snop  }
0xe4: {  	s29 =	spop @!p2 (v2sf)  }
0xe5: {  	s22 =	simm.s32 @!p2 $0x0;
	s24 =	smov.u32 s29  }
0xe6: {  	[sflag:s18] =	ssyncpa.u1 $0x0;
	s29 =	smov.u32 @p2 s28;
	s24 =	smov.u32 @p2 s30  }
0xe7: {  	v1 =	vld.msk [tilespmem:s23+$0x0], $0x1;
	_ =	sdelay $0x4  }
0xe8: {  	(v2sf) =	vpush v1, $0x0;
	_ =	sdelay $0xe  }
0xe9: {  	s2 =	smul.u32 $0x1E000, s25;
	s0 =	spop (v2sf)  }
0xea: {  	s26 =	ssub.s32 $0x0, s26;
	p1 =	seq.s32 s29, s0  }
0xeb: {  	s30 =	sadd.s32 $0x1, s26;
	s2 =	sshrl.u32 s2, $0x2;
	p2 =	sgt.s32 @!p1 s29, $0x0  }
0xec: {  	s25 =	sor.u32 $0x10738, s2;
	s2 =	smov.u32 s29;
	p2 =	por !p2, p1  }
0xed: {  	s2 =	simm.s32 @p2 $0x0;
	p2 =	seq.s32 s30, $0x0  }
.Ltmp13:
0xee: {  	_ = 	snop;
	(pc) =	sbr.rel @p2 .LBB3_11-.Ltmp13, $4  }
0xef: {  	_ = 	snop  }
0xf0: {  	s28 =	simm.s32 $0x0;
	s31 =	sadd.s32 $0x1, s23;
	s2 =	smin.u32 @!p1 s2, $0x277F0  }
0xf1: {  	s4 =	simm.s32 @!p1 $0x1;
	s5 =	simm.s32 @!p1 $0x7988;
	s3 =	sand.u32 @!p1 $0x3FFF8, s2  }
0xf2: {  	s4 =	smov.u32 @p1 s28;
	s2 =	sand.u32 @!p1 $0x7, s2;
	s3 =	sadd.s32 @!p1 s1, s3  }
.LBB3_10:
0xf3: {  	s9 =	smov.u32 s4  }
0xf4: {  	[tilespmem:s5], [sflag:$0x2] =	stream.linear.gather @!p1 [hbm4b:s3+s2], $0x80, $0x38;
	[tilespmem:$0x1F6F8] =	vst v63  }
0xf5: {  	s30 =	sadd.s32 $0x1, s30;
	s2 =	smov.u32 s0;
	v1 =	vld.msk [tilespmem:s31+$0x0], $0x1  }
0xf6: {  	p2 =	seq.s32 s30, $0x0;
	_ =	sdelay $0x3  }
0xf7: {  	(v2sf) =	vpush v1, $0x0;
	_ =	sdelay $0xe  }
0xf8: {  	s0 =	spop (v2sf)  }
0xf9: {  	p1 =	seq.s32 s2, s0  }
0xfa: {  	p3 =	sgt.s32 @!p1 s2, $0x0;
	s3 =	sshll.u32 @!p1 s4, $0x9;
	s4 =	sadd.s32 @!p1 $0x1, s4  }
.Ltmp14:
0xfb: {  	p3 =	por !p3, p1;
	s3 =	sshra.s32 @!p1 s3, $0x2;
	(pc) =	sbr.rel @!p2 .LBB3_10-.Ltmp14, $4  }
0xfc: {  	s4 =	smov.u32 @p1 s9;
	s2 =	simm.s32 @p3 $0x0;
	s5 =	sadd.s32 @!p1 $0x7988, s3  }
0xfd: {  	s2 =	smin.u32 @!p1 s2, $0x277F0  }
0xfe: {  	s3 =	sand.u32 @!p1 $0x3FFF8, s2;
	s2 =	sand.u32 @!p1 $0x7, s2  }
0xff: {  	s31 =	sadd.s32 $0x1, s31;
	s3 =	sadd.s32 @!p1 s1, s3  }
.LBB3_11:
0x100: {  	[tilespmem:s5], [sflag:$0x2] =	stream.linear.gather @!p1 [hbm4b:s3+s2], $0x80, $0x38;
	[tilespmem:$0x1F6F8] =	vst v63  }
.Ltmp15:
0x101: {  	s0 =	sshll.u32 s4, $0x7;
	(pc) =	sbr.rel .LBB3_12-.Ltmp15, $4  }
0x102: {  	s30 =	simm.s32 $0x2;
	s0 =	sand.u32 $0x3FFFFF80, s0  }
0x103: {  	_ =	swait.ge [sflag:s30], s0  }
0x104: {  	s0 =	ssub.s32 $0x0, s0;
	[sflag:s30] =	ssyncset.done $0x0  }
0x105: {  	s31 =	simm.s32 $0x0;
	[sflag:s30] =	ssyncadd.s32 s0  }
.LBB3_13:
0x106: {  	v1 =	vld [tilespmem:s25+$0xFFFFFFC0];
	_ =	sdelay $0x3  }
0x107: {  	s0 =	sshra.s32 s0, $0x2  }
0x108: {  	[tilespmem:s0+$0x108] =	vst.add.f32.msk $0xffff, v1  }
0x109: {  	v1 =	vld [tilespmem:s25+$0xFFFFFFD0];
	_ =	sdelay $0x4  }
0x10a: {  	[tilespmem:s0+$0x118] =	vst.add.f32.msk $0xffff, v1  }
0x10b: {  	v1 =	vld [tilespmem:s25+$0xFFFFFFE0];
	_ =	sdelay $0x4  }
0x10c: {  	[tilespmem:s0+$0x128] =	vst.add.f32.msk $0xffff, v1  }
0x10d: {  	v1 =	vld [tilespmem:s25+$0xFFFFFFF0];
	_ =	sdelay $0x4  }
0x10e: {  	[tilespmem:s0+$0x138] =	vst.add.f32.msk $0xffff, v1  }
0x10f: {  	v1 =	vld [tilespmem:s25+$0x0];
	_ =	sdelay $0x4  }
0x110: {  	[tilespmem:s0+$0x148] =	vst.add.f32.msk $0xffff, v1  }
0x111: {  	v1 =	vld [tilespmem:s25+$0x10];
	_ =	sdelay $0x4  }
0x112: {  	[tilespmem:s0+$0x158] =	vst.add.f32.msk $0xffff, v1  }
0x113: {  	v1 =	vld [tilespmem:s25+$0x20];
	_ =	sdelay $0x4  }
0x114: {  	[tilespmem:s0+$0x168] =	vst.add.f32.msk $0xffff, v1  }
0x115: {  	v1 =	vld [tilespmem:s25+$0x30];
	_ =	sdelay $0x4  }
0x116: {  	[tilespmem:s0+$0x178] =	vst.add.f32.msk $0xffff, v1  }
.LBB3_17:
0x117: {  	s26 =	sadd.s32 $0x1, s26  }
0x118: {  	p1 =	seq.s32 s26, $0x0  }
.Ltmp16:
0x119: {  	_ = 	snop;
	(pc) =	sbr.rel @p1 .LBB3_18-.Ltmp16, $2  }
0x11a: {  	_ =	sdelay $0x2  }
0x11b: {  	s23 =	sadd.s32 $0x1, s23;
	s25 =	sadd.s32 $0x80, s25;
	s29 =	smov.u32 s30  }
.LBB3_12:
0x11c: {  	v1 =	vld.msk [tilespmem:s23+$0x0], $0x1;
	_ =	sdelay $0x4  }
0x11d: {  	(v2sf) =	vpush v1, $0x0;
	_ =	sdelay $0xe  }
0x11e: {  	s30 =	spop (v2sf)  }
0x11f: {  	p1 =	sne.s32 s29, s30  }
.Ltmp17:
0x120: {  	_ = 	snop;
	(pc) =	sbr.rel @!p1 .LBB3_13-.Ltmp17, $2  }
0x121: {  	_ =	sdelay $0x2  }
0x122: {  	s0 =	sshll.u32 s22, $0x9  }
0x123: {  	p1 =	seq.s32 s29, s24  }
.Ltmp18:
0x124: {  	_ = 	snop;
	(pc) =	sbr.rel @!p1 .LBB3_15-.Ltmp18, $1  }
0x125: {  	_ =	sdelay $0x3  }
0x126: {  	s0 =	sshra.s32 s0, $0x2  }
.Ltmp19:
0x127: {  	s0 =	sadd.s32 $0x108, s0;
	(pc) =	sbr.rel .LBB3_16-.Ltmp19, $4  }
0x128: {  	[spmem:s16] =	stream.linear.scatter [tilespmem:s0], [sflag:$0x1], $0x80, $0x38;
	[tilespmem:$0x1F6F8] =	vst v63  }
0x129: {  	_ =	swait.ge [sflag:s12], $0x80  }
0x12a: {  	[sflag:s12] =	ssyncset.done $0x0  }
0x12b: {  	[sflag:s12] =	ssyncadd.s32 $0xFFFFFF80  }
.LBB3_15:
0x12c: {  	s2 =	sshll.u32 s28, $0x9  }
0x12d: {  	s2 =	sshra.s32 s2, $0x2  }
0x12e: {  	v1 =	vld [tilespmem:s2+$0x7988];
	_ =	sdelay $0x3  }
0x12f: {  	s0 =	sshra.s32 s0, $0x2  }
0x130: {  	[tilespmem:s0+$0x108] =	vst.add.f32.msk $0xffff, v1  }
0x131: {  	v1 =	vld [tilespmem:s2+$0x7998];
	_ =	sdelay $0x4  }
0x132: {  	[tilespmem:s0+$0x118] =	vst.add.f32.msk $0xffff, v1  }
0x133: {  	v1 =	vld [tilespmem:s2+$0x79A8];
	_ =	sdelay $0x4  }
0x134: {  	[tilespmem:s0+$0x128] =	vst.add.f32.msk $0xffff, v1  }
0x135: {  	v1 =	vld [tilespmem:s2+$0x79B8];
	_ =	sdelay $0x4  }
0x136: {  	[tilespmem:s0+$0x138] =	vst.add.f32.msk $0xffff, v1  }
0x137: {  	v1 =	vld [tilespmem:s2+$0x79C8];
	_ =	sdelay $0x4  }
0x138: {  	[tilespmem:s0+$0x148] =	vst.add.f32.msk $0xffff, v1  }
0x139: {  	v1 =	vld [tilespmem:s2+$0x79D8];
	_ =	sdelay $0x4  }
0x13a: {  	[tilespmem:s0+$0x158] =	vst.add.f32.msk $0xffff, v1  }
0x13b: {  	v1 =	vld [tilespmem:s2+$0x79E8];
	_ =	sdelay $0x4  }
0x13c: {  	[tilespmem:s0+$0x168] =	vst.add.f32.msk $0xffff, v1  }
0x13d: {  	v1 =	vld [tilespmem:s2+$0x79F8];
	_ =	sdelay $0x2  }
0x13e: {  	p1 =	sgt.u32 s29, $0x277F0  }
0x13f: {  	s2 =	sand.u32 @!p1 $0x3FFF8, s29  }
0x140: {  	s3 =	sadd.s32 $0x108, s0;
	[tilespmem:s0+$0x178] =	vst.add.f32.msk $0xffff, v1;
	s0 =	sadd.s32 @!p1 s1, s2;
	s2 =	sand.u32 @!p1 $0x7, s29  }
0x141: {  	[hbm4b:s0+s2] =	stream.linear.scatter @!p1 [tilespmem:s3], [sflag:$0xC], $0x80, $0x38;
	[tilespmem:$0x1F6F8] =	vst v63  }
0x142: {  	s0 =	simm.s32 $0x0  }
0x143: {  	s0 =	simm.s32 @!p1 $0x200  }
0x144: {  	s31 =	sadd.s32 s0, s31  }
.LBB3_16:
0x145: {  	s0 =	sadd.s32 $0x1, s22  }
0x146: {  	s2 =	smulhi.u32 $0x88888889, s0;
	_ =	sdelay $0x1  }
0x147: {  	v1 =	vld [tilespmem:s25+$0xFFFFFFC0];
	s2 =	sshrl.u32 s2, $0x7  }
0x148: {  	s2 =	smul.u32 $0xF0, s2;
	_ =	sdelay $0x1  }
0x149: {  	s22 =	ssub.s32 s0, s2  }
0x14a: {  	s0 =	sshll.u32 s22, $0x7  }
0x14b: {  	[tilespmem:s0+$0x108] =	vst v1  }
0x14c: {  	v1 =	vld [tilespmem:s25+$0xFFFFFFD0];
	_ =	sdelay $0x4  }
0x14d: {  	[tilespmem:s0+$0x118] =	vst v1  }
0x14e: {  	v1 =	vld [tilespmem:s25+$0xFFFFFFE0];
	_ =	sdelay $0x4  }
0x14f: {  	[tilespmem:s0+$0x128] =	vst v1  }
0x150: {  	v1 =	vld [tilespmem:s25+$0xFFFFFFF0];
	_ =	sdelay $0x4  }
0x151: {  	[tilespmem:s0+$0x138] =	vst v1  }
0x152: {  	v1 =	vld [tilespmem:s25+$0x0];
	_ =	sdelay $0x4  }
0x153: {  	[tilespmem:s0+$0x148] =	vst v1  }
0x154: {  	v1 =	vld [tilespmem:s25+$0x10];
	_ =	sdelay $0x4  }
0x155: {  	[tilespmem:s0+$0x158] =	vst v1  }
0x156: {  	v1 =	vld [tilespmem:s25+$0x20];
	_ =	sdelay $0x4  }
0x157: {  	[tilespmem:s0+$0x168] =	vst v1  }
0x158: {  	v1 =	vld [tilespmem:s25+$0x30]  }
.Ltmp20:
0x159: {  	_ = 	snop;
	(pc) =	sbr.rel .LBB3_17-.Ltmp20, $2  }
0x15a: {  	_ =	sdelay $0x2  }
0x15b: {  	s28 =	sadd.s32 $0x1, s28;
	[tilespmem:s0+$0x178] =	vst v1  }
.LBB3_19:
.Ltmp21:
0x15c: {  	(pc) =	sbr.rel .LBB3_20-.Ltmp21, $4  }
0x15d: {  	_ = 	snop  }
0x15e: {  	s0 =	simm.s32 $0x2  }
0x15f: {  	_ =	swait.ge [sflag:s0], $0x0  }
0x160: {  	s30 =	smov.u32 s29;
	[sflag:s0] =	ssyncset.done $0x0;
	s0 =	simm.s32 $0x0  }
.LBB3_22:
0x161: {  	_ =	sfence.sel $0x180000  }
0x162: {  	s0 =	simm.s32 $0x9;
	[bflag:$0x0] =	sbarrier.arrive $0xFFFF  }
0x163: {  	s24 =	simm.s32 $0xA;
	[sflag:s0] =	ssyncpa.u1 $0x1  }
0x164: {  	s25 =	simm.s32 $0xB;
	[sflag:s24] =	ssyncpa.u1 $0x1  }
0x165: {  	s26 =	simm.s32 $0x2;
	[sflag:s25] =	ssyncpa.u1 $0x1  }
0x166: {  	[sflag:s26] =	ssyncpa.u1 $0x1  }
0x167: {  	v0 =	vld [tilespmem:$0xF208];
	_ =	sdelay $0x4  }
0x168: {  	(v2sf) =	vpush v0, $0x0  }
0x169: {  	(v2sf) =	vpush v0, $0x1;
	_ =	sdelay $0x1  }
0x16a: {  	(v2sf) =	vpush v0, $0x2;
	_ =	sdelay $0xb  }
0x16b: {  	s0 =	spop (v2sf)  }
0x16c: {  	s2 =	spop (v2sf)  }
0x16d: {  	s3 =	smov.u32 s0;
	p0 =	sne.s32 s0, s2  }
0x16e: {  	s4 =	spop (v2sf);
	s3 =	simm.s32 @!p0 $0xFFFFFFFF  }
0x16f: {  	v2 =	vimm.s32 $0x1;
	v3 =	vlaneseq.u32;
	p0 =	seq.s32 s4, $0xFFFFFFFF;
	v1 =	vmov s3  }
0x170: {  	s16 =	stileid.u32;
	v0 =	vperm.xlane v0, v2;
	p1 =	sne.s32 @!p0 s0, s2;
	v1 =	vperm.xlane v1, v3  }
0x171: {  	vm0 =	vcmask $0x3F04;
	s6 =	simm.s32 $0xF208;
	s0 =	simm.s32 @!p0 $0x1;
	p1 =	por !p1, p0  }
0x172: {  	s3 =	sshll.u32 s16, $0x1;
	s2 =	sshll.u32 @!p0 s4, $0x9;
	s0 =	simm.s32 @p1 $0x0;
	v0 =	vsel vm0, v1, v0  }
0x173: {  	s5 =	sor.u32 $0x1000, s3;
	s2 =	sshra.s32 @!p0 s2, $0x2;
	s0 =	sor.u32 @!p0 s0, s3;
	[tilespmem:$0xF208] =	vst v0  }
0x174: {  	[spmem:s5] =	stream.linear.scatter [tilespmem:s6], [sflag:$0x1], $0x2, $0x38;
	[tilespmem:$0x1F6F8] =	vst v63  }
0x175: {  	s2 =	sadd.s32 @!p0 $0x108, s2;
	s0 =	sshll.u32 @!p0 s0, $0x7  }
0x176: {  	[spmem:s0] =	stream.linear.scatter @!p0 [tilespmem:s2], [sflag:$0x1], $0x80, $0x38;
	[tilespmem:$0x1F6F8] =	vst v63  }
0x177: {  	s0 =	simm.s32 @!p0 $0x82  }
0x178: {  	s28 =	simm.s32 $0x1;
	s0 =	simm.s32 @p0 $0x2  }
0x179: {  	_ =	swait.ge [sflag:s28], s0  }
0x17a: {  	s0 =	ssub.s32 $0x0, s0;
	[sflag:s28] =	ssyncset.done $0x0  }
0x17b: {  	p0 =	sne.s32 s16, $0x0;
	[sflag:s28] =	ssyncadd.s32 s0  }
.Ltmp22:
0x17c: {  	_ =	sfence.stream.spmem;
	(pc) =	sbr.rel @p0 .LBB3_39-.Ltmp22, $4  }
0x17d: {  	s29 =	simm.s32 $0x3;
	[bflag:$0x0] =	sbarrier.arrive $0xFFFF  }
0x17e: {  	s30 =	simm.s32 $0x4;
	[sflag:s29] =	ssyncpa.u1 $0x1  }
0x17f: {  	s31 =	simm.s32 $0x3C;
	[sflag:s30] =	ssyncpa.u1 $0x1  }
0x180: {  	s15 =	rddreg [dreg:$0x4];
	[sflag:s31] =	ssyncpa.u1 $0x1  }
0x181: {  	_ =	sfence.stream.spmem;
	s0 =	simm.s32 $0x5  }
0x182: {  	s2 =	simm.s32 $0x1000;
	s3 =	simm.s32 $0xF218;
	[sflag:s0] =	ssyncpa.u1 $0x0  }
0x183: {  	[tilespmem:s3], [sflag:$0x5] =	stream.linear.gather [spmem:s2], $0x20, $0x38;
	[tilespmem:$0x1F6F8] =	vst v63  }
0x184: {  	s26 =	simm.s32 $0x0;
	s28 =	simm.s32 $0xF238  }
0x185: {  	[tilespmem:s28], [sflag:$0x5] =	stream.linear.gather [spmem:s26], $0x1000, $0x38;
	[tilespmem:$0x1F6F8] =	vst v63  }
0x186: {  	_ =	swait.ge [sflag:s0], $0x1020  }
0x187: {  	[sflag:s0] =	ssyncset.done $0x0  }
0x188: {  	s29 =	simm.s32 $0x0;
	[sflag:s0] =	ssyncadd.s32 $0xFFFFEFE0  }
0x189: {  	v0 =	vld.msk [tilespmem:s29+$0xF218], $0x1;
	_ =	sdelay $0x1  }
0x18a: {  	s30 =	simm.s32 $0x1  }
0x18b: {  	v1 =	vld.msk [tilespmem:s30+$0xF218], $0x1;
	_ =	sdelay $0x1  }
0x18c: {  	(v2sf) =	vpush v0, $0x0;
	_ =	sdelay $0x2  }
0x18d: {  	(v2sf) =	vpush v1, $0x0;
	_ =	sdelay $0x2  }
0x18e: {  	s31 =	simm.s32 $0x2  }
0x18f: {  	v0 =	vld.msk [tilespmem:s31+$0xF218], $0x1;
	_ =	sdelay $0x2  }
0x190: {  	s4 =	simm.s32 $0xFFFFFFFF;
	s5 =	simm.s32 $0xFFFFFFFF;
	s0 =	simm.s32 $0xC  }
.LBB3_24:
0x191: {  	s2 =	smov.u32 s5;
	s3 =	smov.u32 s4  }
0x192: {  	s4 =	sshra.s32 s0, $0x2;
	p1 =	sne.s32 s0, $0x7C;
	s0 =	sadd.s32 $0x4, s0;
	(v2sf) =	vpush v0, $0x0  }
0x193: {  	v0 =	vld.msk [tilespmem:s4+$0xF218], $0x1  }
.Ltmp23:
0x194: {  	(pc) =	sbr.rel @p1 .LBB3_24-.Ltmp23, $4  }
0x195: {  	s5 =	spop (v2sf)  }
0x196: {  	p2 =	sne.s32 s3, $0xFFFFFFFF;
	s4 =	smov.u32 s5  }
0x197: {  	p3 =	seq.s32 s5, $0xFFFFFFFF;
	s4 =	smov.u32 @p2 s3  }
0x198: {  	s5 =	smov.u32 @p3 s2;
	s4 =	smov.u32 @p3 s3  }
0x199: {  	(v2sf) =	vpush v0, $0x0;
	_ =	sdelay $0x8  }
0x19a: {  	s0 =	spop (v2sf)  }
0x19b: {  	p1 =	sne.s32 s4, $0xFFFFFFFF;
	s2 =	smov.u32 s0  }
0x19c: {  	s9 =	simm.s32 $0x6;
	p2 =	seq.s32 s0, $0xFFFFFFFF;
	s2 =	smov.u32 @p1 s4  }
0x19d: {  	s6 =	simm.s32 $0x0;
	s2 =	smov.u32 @p2 s4;
	s3 =	spop (v2sf)  }
0x19e: {  	s0 =	smov.u32 @p2 s5;
	p1 =	sne.s32 s2, $0xFFFFFFFF;
	s4 =	smov.u32 s3  }
.Ltmp24:
0x19f: {  	p2 =	seq.s32 s3, $0xFFFFFFFF;
	s4 =	smov.u32 @p1 s2;
	(pc) =	sbr.rel .LBB3_26-.Ltmp24, $4  }
0x1a0: {  	s10 =	simm.s32 $0xF188;
	s4 =	smov.u32 @p2 s2;
	s7 =	spop (v2sf)  }
0x1a1: {  	s11 =	simm.s32 $0x0;
	p1 =	sne.s32 s4, $0xFFFFFFFF;
	s8 =	smov.u32 s7  }
0x1a2: {  	s3 =	smov.u32 @p2 s0;
	p2 =	seq.s32 s7, $0xFFFFFFFF;
	s8 =	smov.u32 @p1 s4  }
0x1a3: {  	[sflag:s9] =	ssyncpa.u1 $0x0;
	s7 =	smov.u32 @p2 s3;
	s8 =	smov.u32 @p2 s4  }
.LBB3_32:
0x1a4: {  	p1 =	sgt.u32 s12, $0x277F0  }
0x1a5: {  	p2 =	seq.s32 @!p1 s12, s8  }
0x1a6: {  	p1 =	por p1, p2  }
0x1a7: {  	p2 =	sne.s32 @!p1 s12, s7  }
0x1a8: {  	p1 =	por p1, !p2  }
0x1a9: {  	s0 =	sshll.u32 @p1 s11, $0x9  }
0x1aa: {  	s0 =	sand.u32 @!p1 $0x3FFF8, s12  }
0x1ab: {  	s2 =	sand.u32 @!p1 $0x7, s12;
	s0 =	sadd.s32 @!p1 s1, s0  }
0x1ac: {  	[tilespmem:s10], [sflag:$0x6] =	stream.linear.gather @!p1 [hbm4b:s0+s2], $0x80, $0x38;
	[tilespmem:$0x1F6F8] =	vst v63  }
0x1ad: {  	_ =	swait.ge @!p1 [sflag:s9], $0x80  }
0x1ae: {  	[sflag:s9] =	ssyncset.done @!p1 $0x0  }
0x1af: {  	[sflag:s9] =	ssyncadd.s32 @!p1 $0xFFFFFF80  }
0x1b0: {  	v1 =	vld @!p1 [tilespmem:$0xF188];
	_ =	sdelay $0x2  }
0x1b1: {  	s0 =	sshll.u32 @!p1 s11, $0x9  }
0x1b2: {  	s2 =	sshrl.u32 @!p1 s0, $0x2  }
0x1b3: {  	[tilespmem:s2+$0xF238] =	vst.add.f32.msk @!p1 $0xffff, v1  }
0x1b4: {  	v1 =	vld @!p1 [tilespmem:$0xF198];
	_ =	sdelay $0x4  }
0x1b5: {  	[tilespmem:s2+$0xF248] =	vst.add.f32.msk @!p1 $0xffff, v1  }
0x1b6: {  	v1 =	vld @!p1 [tilespmem:$0xF1A8];
	_ =	sdelay $0x4  }
0x1b7: {  	[tilespmem:s2+$0xF258] =	vst.add.f32.msk @!p1 $0xffff, v1  }
0x1b8: {  	v1 =	vld @!p1 [tilespmem:$0xF1B8];
	_ =	sdelay $0x4  }
0x1b9: {  	[tilespmem:s2+$0xF268] =	vst.add.f32.msk @!p1 $0xffff, v1  }
0x1ba: {  	v1 =	vld @!p1 [tilespmem:$0xF1C8];
	_ =	sdelay $0x4  }
0x1bb: {  	[tilespmem:s2+$0xF278] =	vst.add.f32.msk @!p1 $0xffff, v1  }
0x1bc: {  	v1 =	vld @!p1 [tilespmem:$0xF1D8];
	_ =	sdelay $0x4  }
0x1bd: {  	[tilespmem:s2+$0xF288] =	vst.add.f32.msk @!p1 $0xffff, v1  }
0x1be: {  	v1 =	vld @!p1 [tilespmem:$0xF1E8];
	_ =	sdelay $0x4  }
0x1bf: {  	[tilespmem:s2+$0xF298] =	vst.add.f32.msk @!p1 $0xffff, v1  }
0x1c0: {  	v1 =	vld @!p1 [tilespmem:$0xF1F8];
	_ =	sdelay $0x4  }
0x1c1: {  	[tilespmem:s2+$0xF2A8] =	vst.add.f32.msk @!p1 $0xffff, v1  }
0x1c2: {  	s0 =	sshrl.u32 s0, $0x2;
	[tilespmem:s6+$0xF218] =	vst.msk $0x1, v0  }
0x1c3: {  	v0 =	vld [tilespmem:s0+$0xF238];
	_ =	sdelay $0x2  }
0x1c4: {  	s31 =	sshll.u32 s6, $0x9  }
0x1c5: {  	s2 =	sshra.s32 s31, $0x2  }
0x1c6: {  	[tilespmem:s2+$0xF238] =	vst v0  }
0x1c7: {  	v0 =	vld [tilespmem:s0+$0xF248];
	_ =	sdelay $0x4  }
0x1c8: {  	[tilespmem:s2+$0xF248] =	vst v0  }
0x1c9: {  	v0 =	vld [tilespmem:s0+$0xF258];
	_ =	sdelay $0x4  }
0x1ca: {  	[tilespmem:s2+$0xF258] =	vst v0  }
0x1cb: {  	v0 =	vld [tilespmem:s0+$0xF268];
	_ =	sdelay $0x4  }
0x1cc: {  	[tilespmem:s2+$0xF268] =	vst v0  }
0x1cd: {  	v0 =	vld [tilespmem:s0+$0xF278];
	_ =	sdelay $0x4  }
0x1ce: {  	[tilespmem:s2+$0xF278] =	vst v0  }
0x1cf: {  	v0 =	vld [tilespmem:s0+$0xF288];
	_ =	sdelay $0x4  }
0x1d0: {  	[tilespmem:s2+$0xF288] =	vst v0  }
0x1d1: {  	v0 =	vld [tilespmem:s0+$0xF298];
	_ =	sdelay $0x4  }
0x1d2: {  	[tilespmem:s2+$0xF298] =	vst v0  }
0x1d3: {  	v0 =	vld [tilespmem:s0+$0xF2A8];
	_ =	sdelay $0x4  }
0x1d4: {  	s6 =	sadd.s32 $0x1, s6;
	[tilespmem:s2+$0xF2A8] =	vst v0  }
.LBB3_33:
0x1d5: {  	s11 =	sadd.s32 $0x1, s11  }
0x1d6: {  	p1 =	sne.s32 s11, $0x20  }
.Ltmp25:
0x1d7: {  	_ = 	snop;
	(pc) =	sbr.rel @!p1 .LBB3_34-.Ltmp25, $1  }
0x1d8: {  	_ =	sdelay $0x3  }
.LBB3_26:
0x1d9: {  	v0 =	vld.msk [tilespmem:s11+$0xF218], $0x1;
	_ =	sdelay $0x4  }
0x1da: {  	(v2sf) =	vpush v0, $0x0;
	_ =	sdelay $0xe  }
0x1db: {  	s12 =	spop (v2sf)  }
0x1dc: {  	p1 =	seq.s32 s12, $0xFFFFFFFF  }
.Ltmp26:
0x1dd: {  	_ = 	snop;
	(pc) =	sbr.rel @p1 .LBB3_33-.Ltmp26, $1  }
0x1de: {  	_ =	sdelay $0x3  }
0x1df: {  	p1 =	slt.s32 s6, $0x1  }
.Ltmp27:
0x1e0: {  	_ = 	snop;
	(pc) =	sbr.rel @p1 .LBB3_32-.Ltmp27, $1  }
0x1e1: {  	_ =	sdelay $0x3  }
0x1e2: {  	s13 =	simm.s32 $0xF218;
	p1 =	por $0x0, $0x0  }
0x1e3: {  	v1 =	vld.msk @!p1 [tilespmem:s13+$0x0], $0x1;
	_ =	sdelay $0x4  }
0x1e4: {  	(v2sf) =	vpush @!p1 v1, $0x0;
	_ =	sdelay $0xd  }
0x1e5: {  	p3 =	sne.s32 s6, $0x1  }
.Ltmp28:
0x1e6: {  	s0 =	spop @!p1 (v2sf);
	(pc) =	sbr.rel @!p3 .LBB3_30-.Ltmp28, $4  }
0x1e7: {  	p2 =	seq.s32 @!p1 s12, s0  }
0x1e8: {  	s14 =	simm.s32 $0x0;
	p2 =	por !p2, p1  }
0x1e9: {  	s2 =	simm.s32 $0xFFFFFFFF;
	s14 =	simm.s32 @p2 $0xFFFFFFFF  }
0x1ea: {  	s0 =	simm.s32 $0x1;
	s14 =	smov.u32 @p1 s2  }
.LBB3_29:
0x1eb: {  	s2 =	smov.u32 s14;
	p1 =	sne.s32 s14, $0xFFFFFFFF  }
0x1ec: {  	s13 =	sadd.s32 $0x1, s13;
	s14 =	smov.u32 s0;
	s0 =	sadd.s32 $0x1, s0  }
0x1ed: {  	p2 =	sne.s32 s6, s0;
	v1 =	vld.msk @!p1 [tilespmem:s13+$0x0], $0x1;
	_ =	sdelay $0x4  }
0x1ee: {  	(v2sf) =	vpush @!p1 v1, $0x0;
	_ =	sdelay $0xe  }
.Ltmp29:
0x1ef: {  	s3 =	spop @!p1 (v2sf);
	(pc) =	sbr.rel @p2 .LBB3_29-.Ltmp29, $4  }
0x1f0: {  	p3 =	seq.s32 @!p1 s12, s3  }
0x1f1: {  	p3 =	por !p3, p1  }
0x1f2: {  	s14 =	simm.s32 @p3 $0xFFFFFFFF  }
0x1f3: {  	s14 =	smov.u32 @p1 s2  }
.LBB3_30:
0x1f4: {  	p1 =	seq.s32 s14, $0xFFFFFFFF  }
.Ltmp30:
0x1f5: {  	_ = 	snop;
	(pc) =	sbr.rel @p1 .LBB3_32-.Ltmp30, $1  }
0x1f6: {  	_ =	sdelay $0x3  }
0x1f7: {  	s0 =	sshll.u32 s11, $0x7  }
0x1f8: {  	s0 =	sand.u32 $0x3FFFFF80, s0  }
0x1f9: {  	v0 =	vld [tilespmem:s0+$0xF238];
	_ =	sdelay $0x2  }
0x1fa: {  	s2 =	sshll.u32 s14, $0x9  }
0x1fb: {  	s2 =	sshra.s32 s2, $0x2  }
0x1fc: {  	[tilespmem:s2+$0xF238] =	vst.add.f32.msk $0xffff, v0  }
0x1fd: {  	v0 =	vld [tilespmem:s0+$0xF248];
	_ =	sdelay $0x4  }
0x1fe: {  	[tilespmem:s2+$0xF248] =	vst.add.f32.msk $0xffff, v0  }
0x1ff: {  	v0 =	vld [tilespmem:s0+$0xF258];
	_ =	sdelay $0x4  }
0x200: {  	[tilespmem:s2+$0xF258] =	vst.add.f32.msk $0xffff, v0  }
0x201: {  	v0 =	vld [tilespmem:s0+$0xF268];
	_ =	sdelay $0x4  }
0x202: {  	[tilespmem:s2+$0xF268] =	vst.add.f32.msk $0xffff, v0  }
0x203: {  	v0 =	vld [tilespmem:s0+$0xF278];
	_ =	sdelay $0x4  }
0x204: {  	[tilespmem:s2+$0xF278] =	vst.add.f32.msk $0xffff, v0  }
0x205: {  	v0 =	vld [tilespmem:s0+$0xF288];
	_ =	sdelay $0x4  }
0x206: {  	[tilespmem:s2+$0xF288] =	vst.add.f32.msk $0xffff, v0  }
0x207: {  	v0 =	vld [tilespmem:s0+$0xF298];
	_ =	sdelay $0x4  }
0x208: {  	[tilespmem:s2+$0xF298] =	vst.add.f32.msk $0xffff, v0  }
0x209: {  	v0 =	vld [tilespmem:s0+$0xF2A8]  }
.Ltmp31:
0x20a: {  	_ = 	snop;
	(pc) =	sbr.rel .LBB3_33-.Ltmp31, $2  }
0x20b: {  	_ =	sdelay $0x2  }
0x20c: {  	[tilespmem:s2+$0xF2A8] =	vst.add.f32.msk $0xffff, v0  }
.LBB3_34:
0x20d: {  	s0 =	simm.s32 $0x6;
	p1 =	seq.s32 s6, $0x0  }
0x20e: {  	[sflag:s0] =	ssyncpa.u1 $0x1;
	v0 =	vimm.s32 @p1 $0xFFFFFFFF  }
0x20f: {  	s9 =	sadd.s32 $0xFFFFFFFF, s6;
	[tilespmem:$0x10238] =	vst @p1 v0  }
0x210: {  	v0 =	vld.msk @!p1 [tilespmem:s9+$0xF218], $0x1;
	_ =	sdelay $0x1  }
0x211: {  	v1 =	vld.msk @!p1 [tilespmem:$0xF218], $0x1;
	_ =	sdelay $0x2  }
0x212: {  	p2 =	seq.s32 @!p1 s9, $0x0;
	v0 =	vbroadcast @!p1 v0, $0x0  }
0x213: {  	vm0 =	vmmov @!p1 $0x1;
	p2 =	por !p2, p1  }
0x214: {  	v1 =	vnsel @!p1 vm0, $0xFFFFFFFF, v1;
	vm0 =	vcmask @!p1 $0x308;
	v0 =	vpsel !p2, $0xFFFFFFFF, v0  }
0x215: {  	p2 =	sne.s32 @!p1 s8, s7;
	v0 =	vsel @!p1 vm0, v1, v0  }
0x216: {  	s0 =	simm.s32 @!p1 $0xF238;
	s2 =	simm.s32 @!p1 $0x0;
	p3 =	por !p2, p1;
	[tilespmem:$0x10238] =	vst @!p1 v0  }
0x217: {  	[spmem:s2] =	stream.linear.scatter @!p1 [tilespmem:s0], [sflag:$0x1], $0x80, $0x38;
	[tilespmem:$0x1F6F8] =	vst v63  }
0x218: {  	s0 =	sshll.u32 @!p3 s9, $0x9  }
0x219: {  	s0 =	sshra.s32 @!p3 s0, $0x2  }
0x21a: {  	s2 =	simm.s32 @!p3 $0x80;
	s0 =	sadd.s32 @!p3 $0xF238, s0  }
0x21b: {  	[spmem:s2] =	stream.linear.scatter @!p3 [tilespmem:s0], [sflag:$0x1], $0x80, $0x38;
	[tilespmem:$0x1F6F8] =	vst v63  }
0x21c: {  	s0 =	simm.s32 @!p3 $0x1  }
0x21d: {  	_ =	swait.ge @!p3 [sflag:s0], $0x100  }
0x21e: {  	p1 =	por p2, p1;
	[sflag:s0] =	ssyncset.done @!p3 $0x0  }
0x21f: {  	[sflag:s0] =	ssyncadd.s32 @!p3 $0xFFFFFF00;
	s0 =	simm.s32 @!p1 $0x1  }
0x220: {  	_ =	swait.ge @!p1 [sflag:s0], $0x80  }
0x221: {  	s29 =	simm.s32 $0x10238;
	[sflag:s0] =	ssyncset.done @!p1 $0x0  }
0x222: {  	s30 =	simm.s32 $0x1000;
	s31 =	simm.s32 $0x1;
	[sflag:s0] =	ssyncadd.s32 @!p1 $0xFFFFFF80  }
0x223: {  	[spmem:s30] =	stream.linear.scatter [tilespmem:s29], [sflag:$0x1], $0x10, $0x38;
	[tilespmem:$0x1F6F8] =	vst v63  }
0x224: {  	_ =	swait.ge [sflag:s31], $0x10  }
0x225: {  	[sflag:s31] =	ssyncset.done $0x0  }
0x226: {  	p1 =	seq.s32 s15, $0x0;
	s8 =	rddreg [dreg:$0x1];
	[sflag:s31] =	ssyncadd.s32 $0xFFFFFFF0  }
0x227: {  	s2 =	sshll.u32 @p1 s8, $0xE;
	s7 =	rddreg [dreg:$0x2]  }
0x228: {  	s0 =	sadd.s32 @p1 $0x15C3C, s2;
	s2 =	sshll.u32 @p1 s7, $0x11  }
0x229: {  	_ =	sfence.stream.spmem;
	s0 =	sor.u32 @p1 s2, s0  }
0x22a: {  	[sflag:s0] =	ssyncadd.remote.s32 @p1 $0x1;
	s0 =	simm.s32 @p1 $0x4  }
0x22b: {  	s3 =	simm.s32 @!p1 $0x3C;
	s2 =	sand.u32 $0xFFFFFFFE, s8;
	_ =	swait.ge @p1 [sflag:s0], $0x22  }
0x22c: {  	s4 =	simm.s32 @!p1 $0x0;
	s2 =	sadd.s32 @!p1 $0x4, s2;
	[sflag:s0] =	ssyncset.done @p1 $0x0  }
0x22d: {  	s5 =	simm.s32 @!p1 $0x100;
	[sflag:s0] =	ssyncadd.s32 @p1 $0xFFFFFFDE;
	s0 =	sshll.u32 @!p1 s2, $0x1A  }
0x22e: {  	s2 =	sshll.u32 @!p1 s2, $0xD;
	s0 =	sor.u32 @!p1 s0, s7;
	_ =	swait.eq @!p1 [sflag:s3], $0x1  }
0x22f: {  	s2 =	sor.u32 @!p1 $0x1C04, s2;
	s3 =	simm.s32 @!p1 $0x1C03;
	s0 =	sor.u32 @!p1 $0x80004000, s0  }
0x230: {  	[spmem:s5], [sflag:s2] =	dma.general @!p1 [spmem:s4], [sflag:s3], length:$0x20, [dreg:$0x0], stride_count:$0x0, ici_dest:s0, dma_misc:DstOpCode:WRITE  }
0x231: {  	p2 =	slt.s32 s9, $0x2;
	s4 =	simm.s32 @!p1 $0x200;
	s5 =	simm.s32 @!p1 $0x202  }
0x232: {  	[spmem:s5], [sflag:s2] =	dma.general @!p1 [spmem:s4], [sflag:s3], length:$0x2, [dreg:$0x0], stride_count:$0x0, ici_dest:s0, dma_misc:DstOpCode:WRITE  }
.Ltmp32:
0x233: {  	s0 =	simm.s32 @!p1 $0x3;
	(pc) =	sbr.rel @p2 .LBB3_38-.Ltmp32, $4  }
0x234: {  	s2 =	sshll.u32 @!p1 s8, $0xE;
	_ =	swait.ge @!p1 [sflag:s0], $0x22  }
0x235: {  	s3 =	sshll.u32 @!p1 s7, $0x11;
	s2 =	sadd.s32 @!p1 $0x11C3C, s2;
	[sflag:s0] =	ssyncset.done @!p1 $0x0  }
0x236: {  	[sflag:s0] =	ssyncadd.s32 @!p1 $0xFFFFFFDE;
	s0 =	sor.u32 @!p1 s3, s2  }
0x237: {  	[sflag:s0] =	ssyncadd.remote.s32 @!p1 $0xFFFFFFFF;
	s0 =	simm.s32 $0x0  }
0x238: {  	s0 =	simm.s32 $0xF219  }
0x239: {  	v0 =	vld.msk [tilespmem:s0+$0x0], $0x1;
	_ =	sdelay $0x4  }
0x23a: {  	(v2sf) =	vpush v0, $0x0;
	_ =	sdelay $0xb  }
0x23b: {  	s31 =	sadd.s32 $0xFFFFFFFE, s6  }
0x23c: {  	s0 =	sadd.s32 $0xFFFFFFFF, s31  }
0x23d: {  	p2 =	sne.s32 s0, $0x0  }
.Ltmp33:
0x23e: {  	s2 =	spop (v2sf);
	(pc) =	sbr.rel @!p2 .LBB3_37-.Ltmp33, $4  }
0x23f: {  	s4 =	simm.s32 $0xF2B8;
	s7 =	simm.s32 $0x0;
	p1 =	sgt.u32 s2, $0x277F0  }
0x240: {  	s5 =	simm.s32 $0x0;
	s6 =	simm.s32 $0xF21A;
	s3 =	sand.u32 @!p1 $0x3FFF8, s2  }
0x241: {  	s2 =	sand.u32 @!p1 $0x7, s2;
	s7 =	simm.s32 @!p1 $0x200;
	s3 =	sadd.s32 @!p1 s1, s3  }
0x242: {  	[hbm4b:s3+s2] =	stream.linear.scatter @!p1 [tilespmem:s4], [sflag:$0x5], $0x80, $0x38;
	[tilespmem:$0x1F6F8] =	vst v63  }
.LBB3_36:
0x243: {  	v0 =	vld.msk [tilespmem:s6+$0x0], $0x1;
	s0 =	sadd.s32 $0xFFFFFFFF, s0;
	s5 =	sadd.s32 s5, s7  }
0x244: {  	p1 =	sne.s32 s0, $0x0;
	_ =	sdelay $0x3  }
0x245: {  	(v2sf) =	vpush v0, $0x0;
	_ =	sdelay $0xe  }
.Ltmp34:
0x246: {  	s2 =	spop (v2sf);
	(pc) =	sbr.rel @p1 .LBB3_36-.Ltmp34, $4  }
0x247: {  	s7 =	simm.s32 $0x0;
	p2 =	sgt.u32 s2, $0x277F0  }
0x248: {  	s4 =	sadd.s32 $0x80, s4;
	s7 =	simm.s32 @!p2 $0x200;
	s3 =	sand.u32 @!p2 $0x3FFF8, s2  }
0x249: {  	s6 =	sadd.s32 $0x1, s6;
	s2 =	sand.u32 @!p2 $0x7, s2;
	s3 =	sadd.s32 @!p2 s1, s3  }
0x24a: {  	[hbm4b:s3+s2] =	stream.linear.scatter @!p2 [tilespmem:s4], [sflag:$0x5], $0x80, $0x38;
	[tilespmem:$0x1F6F8] =	vst v63  }
.LBB3_37:
0x24b: {  	s0 =	sadd.s32 s5, s7  }
0x24c: {  	s0 =	sshrl.u32 s0, $0x2  }
.LBB3_38:
0x24d: {  	s2 =	simm.s32 $0x5  }
0x24e: {  	_ =	swait.ge [sflag:s2], s0  }
0x24f: {  	s31 =	ssub.s32 $0x0, s0;
	[sflag:s2] =	ssyncset.done $0x0  }
0x250: {  	[sflag:s2] =	ssyncadd.s32 s31  }
0x251: {  	[sflag:s2] =	ssyncpa.u1 $0x1  }
.LBB3_39:
0x252: {  	s0 =	sor.u32 s15, s16  }
0x253: {  	p1 =	sne.s32 s0, $0x0  }
.Ltmp35:
0x254: {  	_ = 	snop;
	(pc) =	sbr.rel @p1 .LBB3_54-.Ltmp35, $3  }
0x255: {  	_ =	sdelay $0x1  }
0x256: {  	[bflag:$0x0] =	sbarrier.arrive $0xFFFF  }
0x257: {  	_ =	sfence  }
0x258: {  	s0 =	simm.s32 $0x7  }
0x259: {  	s2 =	simm.s32 $0x1000;
	s3 =	simm.s32 $0xF218;
	[sflag:s0] =	ssyncpa.u1 $0x0  }
0x25a: {  	[tilespmem:s3], [sflag:$0x7] =	stream.linear.gather [spmem:s2], $0x20, $0x38;
	[tilespmem:$0x1F6F8] =	vst v63  }
0x25b: {  	s30 =	simm.s32 $0xF238;
	s2 =	simm.s32 $0x0  }
0x25c: {  	[tilespmem:s30], [sflag:$0x7] =	stream.linear.gather [spmem:s2], $0x1000, $0x38;
	[tilespmem:$0x1F6F8] =	vst v63  }
.Ltmp36:
0x25d: {  	_ = 	snop;
	(pc) =	sbr.rel .LBB3_41-.Ltmp36, $4  }
0x25e: {  	_ =	swait.ge [sflag:s0], $0x1020  }
0x25f: {  	[sflag:s0] =	ssyncset.done $0x0  }
0x260: {  	s31 =	simm.s32 $0x8;
	[sflag:s0] =	ssyncadd.s32 $0xFFFFEFE0  }
0x261: {  	s3 =	simm.s32 $0x0;
	[sflag:s31] =	ssyncpa.u1 $0x0  }
.LBB3_47:
0x262: {  	p1 =	slt.u32 s4, $0x277F1  }
0x263: {  	s0 =	sand.u32 @p1 $0x3FFF8, s4  }
0x264: {  	s4 =	sand.u32 @p1 $0x7, s4;
	s5 =	simm.s32 @p1 $0xF188;
	s0 =	sadd.s32 @p1 s1, s0  }
0x265: {  	[tilespmem:s5], [sflag:$0x8] =	stream.linear.gather @p1 [hbm4b:s0+s4], $0x80, $0x38;
	[tilespmem:$0x1F6F8] =	vst v63  }
0x266: {  	s0 =	simm.s32 @p1 $0x8  }
0x267: {  	_ =	swait.ge @p1 [sflag:s0], $0x80  }
0x268: {  	[sflag:s0] =	ssyncset.done @p1 $0x0  }
0x269: {  	[sflag:s0] =	ssyncadd.s32 @p1 $0xFFFFFF80  }
0x26a: {  	v1 =	vld @p1 [tilespmem:$0xF188];
	_ =	sdelay $0x2  }
0x26b: {  	s0 =	sshll.u32 @p1 s3, $0x9  }
0x26c: {  	s4 =	sshrl.u32 @p1 s0, $0x2  }
0x26d: {  	[tilespmem:s4+$0xF238] =	vst.add.f32.msk @p1 $0xffff, v1  }
0x26e: {  	v1 =	vld @p1 [tilespmem:$0xF198];
	_ =	sdelay $0x4  }
0x26f: {  	[tilespmem:s4+$0xF248] =	vst.add.f32.msk @p1 $0xffff, v1  }
0x270: {  	v1 =	vld @p1 [tilespmem:$0xF1A8];
	_ =	sdelay $0x4  }
0x271: {  	[tilespmem:s4+$0xF258] =	vst.add.f32.msk @p1 $0xffff, v1  }
0x272: {  	v1 =	vld @p1 [tilespmem:$0xF1B8];
	_ =	sdelay $0x4  }
0x273: {  	[tilespmem:s4+$0xF268] =	vst.add.f32.msk @p1 $0xffff, v1  }
0x274: {  	v1 =	vld @p1 [tilespmem:$0xF1C8];
	_ =	sdelay $0x4  }
0x275: {  	[tilespmem:s4+$0xF278] =	vst.add.f32.msk @p1 $0xffff, v1  }
0x276: {  	v1 =	vld @p1 [tilespmem:$0xF1D8];
	_ =	sdelay $0x4  }
0x277: {  	[tilespmem:s4+$0xF288] =	vst.add.f32.msk @p1 $0xffff, v1  }
0x278: {  	v1 =	vld @p1 [tilespmem:$0xF1E8];
	_ =	sdelay $0x4  }
0x279: {  	[tilespmem:s4+$0xF298] =	vst.add.f32.msk @p1 $0xffff, v1  }
0x27a: {  	v1 =	vld @p1 [tilespmem:$0xF1F8];
	_ =	sdelay $0x3  }
0x27b: {  	s5 =	sshll.u32 @!p1 s3, $0x9  }
0x27c: {  	s5 =	smov.u32 @p1 s0;
	[tilespmem:s4+$0xF2A8] =	vst.add.f32.msk @p1 $0xffff, v1  }
0x27d: {  	s0 =	sshrl.u32 s5, $0x2;
	[tilespmem:s2+$0xF218] =	vst.msk $0x1, v0  }
0x27e: {  	v0 =	vld [tilespmem:s0+$0xF238];
	_ =	sdelay $0x2  }
0x27f: {  	s31 =	sshll.u32 s2, $0x9  }
0x280: {  	s4 =	sshra.s32 s31, $0x2  }
0x281: {  	[tilespmem:s4+$0xF238] =	vst v0  }
0x282: {  	v0 =	vld [tilespmem:s0+$0xF248];
	_ =	sdelay $0x4  }
0x283: {  	[tilespmem:s4+$0xF248] =	vst v0  }
0x284: {  	v0 =	vld [tilespmem:s0+$0xF258];
	_ =	sdelay $0x4  }
0x285: {  	[tilespmem:s4+$0xF258] =	vst v0  }
0x286: {  	v0 =	vld [tilespmem:s0+$0xF268];
	_ =	sdelay $0x4  }
0x287: {  	[tilespmem:s4+$0xF268] =	vst v0  }
0x288: {  	v0 =	vld [tilespmem:s0+$0xF278];
	_ =	sdelay $0x4  }
0x289: {  	[tilespmem:s4+$0xF278] =	vst v0  }
0x28a: {  	v0 =	vld [tilespmem:s0+$0xF288];
	_ =	sdelay $0x4  }
0x28b: {  	[tilespmem:s4+$0xF288] =	vst v0  }
0x28c: {  	v0 =	vld [tilespmem:s0+$0xF298];
	_ =	sdelay $0x4  }
0x28d: {  	[tilespmem:s4+$0xF298] =	vst v0  }
0x28e: {  	v0 =	vld [tilespmem:s0+$0xF2A8];
	_ =	sdelay $0x4  }
0x28f: {  	s2 =	sadd.s32 $0x1, s2;
	[tilespmem:s4+$0xF2A8] =	vst v0  }
.LBB3_48:
0x290: {  	s3 =	sadd.s32 $0x1, s3  }
0x291: {  	p1 =	sne.s32 s3, $0x20  }
.Ltmp37:
0x292: {  	_ = 	snop;
	(pc) =	sbr.rel @!p1 .LBB3_49-.Ltmp37, $1  }
0x293: {  	_ =	sdelay $0x3  }
.LBB3_41:
0x294: {  	v0 =	vld.msk [tilespmem:s3+$0xF218], $0x1;
	_ =	sdelay $0x4  }
0x295: {  	(v2sf) =	vpush v0, $0x0;
	_ =	sdelay $0xe  }
0x296: {  	s4 =	spop (v2sf)  }
0x297: {  	p1 =	seq.s32 s4, $0xFFFFFFFF  }
.Ltmp38:
0x298: {  	_ = 	snop;
	(pc) =	sbr.rel @p1 .LBB3_48-.Ltmp38, $1  }
0x299: {  	_ =	sdelay $0x3  }
0x29a: {  	p1 =	slt.s32 s2, $0x1  }
.Ltmp39:
0x29b: {  	_ = 	snop;
	(pc) =	sbr.rel @p1 .LBB3_47-.Ltmp39, $1  }
0x29c: {  	_ =	sdelay $0x3  }
0x29d: {  	s5 =	simm.s32 $0xF218;
	p1 =	por $0x0, $0x0  }
0x29e: {  	v1 =	vld.msk @!p1 [tilespmem:s5+$0x0], $0x1;
	_ =	sdelay $0x4  }
0x29f: {  	(v2sf) =	vpush @!p1 v1, $0x0;
	_ =	sdelay $0xd  }
0x2a0: {  	p3 =	sne.s32 s2, $0x1  }
.Ltmp40:
0x2a1: {  	s0 =	spop @!p1 (v2sf);
	(pc) =	sbr.rel @!p3 .LBB3_45-.Ltmp40, $4  }
0x2a2: {  	p2 =	seq.s32 @!p1 s4, s0  }
0x2a3: {  	s6 =	simm.s32 $0x0;
	p2 =	por !p2, p1  }
0x2a4: {  	s7 =	simm.s32 $0xFFFFFFFF;
	s6 =	simm.s32 @p2 $0xFFFFFFFF  }
0x2a5: {  	s0 =	simm.s32 $0x1;
	s6 =	smov.u32 @p1 s7  }
.LBB3_44:
0x2a6: {  	s7 =	smov.u32 s6;
	p1 =	sne.s32 s6, $0xFFFFFFFF  }
0x2a7: {  	s5 =	sadd.s32 $0x1, s5;
	s6 =	smov.u32 s0;
	s0 =	sadd.s32 $0x1, s0  }
0x2a8: {  	p2 =	sne.s32 s2, s0;
	v1 =	vld.msk @!p1 [tilespmem:s5+$0x0], $0x1;
	_ =	sdelay $0x4  }
0x2a9: {  	(v2sf) =	vpush @!p1 v1, $0x0;
	_ =	sdelay $0xe  }
.Ltmp41:
0x2aa: {  	s8 =	spop @!p1 (v2sf);
	(pc) =	sbr.rel @p2 .LBB3_44-.Ltmp41, $4  }
0x2ab: {  	p3 =	seq.s32 @!p1 s4, s8  }
0x2ac: {  	p3 =	por !p3, p1  }
0x2ad: {  	s6 =	simm.s32 @p3 $0xFFFFFFFF  }
0x2ae: {  	s6 =	smov.u32 @p1 s7  }
.LBB3_45:
0x2af: {  	p1 =	seq.s32 s6, $0xFFFFFFFF  }
.Ltmp42:
0x2b0: {  	_ = 	snop;
	(pc) =	sbr.rel @p1 .LBB3_47-.Ltmp42, $1  }
0x2b1: {  	_ =	sdelay $0x3  }
0x2b2: {  	s0 =	sshll.u32 s3, $0x7  }
0x2b3: {  	s0 =	sand.u32 $0x3FFFFF80, s0  }
0x2b4: {  	v0 =	vld [tilespmem:s0+$0xF238];
	_ =	sdelay $0x2  }
0x2b5: {  	s4 =	sshll.u32 s6, $0x9  }
0x2b6: {  	s4 =	sshra.s32 s4, $0x2  }
0x2b7: {  	[tilespmem:s4+$0xF238] =	vst.add.f32.msk $0xffff, v0  }
0x2b8: {  	v0 =	vld [tilespmem:s0+$0xF248];
	_ =	sdelay $0x4  }
0x2b9: {  	[tilespmem:s4+$0xF248] =	vst.add.f32.msk $0xffff, v0  }
0x2ba: {  	v0 =	vld [tilespmem:s0+$0xF258];
	_ =	sdelay $0x4  }
0x2bb: {  	[tilespmem:s4+$0xF258] =	vst.add.f32.msk $0xffff, v0  }
0x2bc: {  	v0 =	vld [tilespmem:s0+$0xF268];
	_ =	sdelay $0x4  }
0x2bd: {  	[tilespmem:s4+$0xF268] =	vst.add.f32.msk $0xffff, v0  }
0x2be: {  	v0 =	vld [tilespmem:s0+$0xF278];
	_ =	sdelay $0x4  }
0x2bf: {  	[tilespmem:s4+$0xF278] =	vst.add.f32.msk $0xffff, v0  }
0x2c0: {  	v0 =	vld [tilespmem:s0+$0xF288];
	_ =	sdelay $0x4  }
0x2c1: {  	[tilespmem:s4+$0xF288] =	vst.add.f32.msk $0xffff, v0  }
0x2c2: {  	v0 =	vld [tilespmem:s0+$0xF298];
	_ =	sdelay $0x4  }
0x2c3: {  	[tilespmem:s4+$0xF298] =	vst.add.f32.msk $0xffff, v0  }
0x2c4: {  	v0 =	vld [tilespmem:s0+$0xF2A8]  }
.Ltmp43:
0x2c5: {  	_ = 	snop;
	(pc) =	sbr.rel .LBB3_48-.Ltmp43, $2  }
0x2c6: {  	_ =	sdelay $0x2  }
0x2c7: {  	[tilespmem:s4+$0xF2A8] =	vst.add.f32.msk $0xffff, v0  }
.LBB3_49:
0x2c8: {  	p1 =	slt.s32 s2, $0x1  }
.Ltmp44:
0x2c9: {  	_ = 	snop;
	(pc) =	sbr.rel @p1 .LBB3_53-.Ltmp44, $3  }
0x2ca: {  	_ =	sdelay $0x1  }
0x2cb: {  	s0 =	simm.s32 $0x8  }
0x2cc: {  	s3 =	simm.s32 $0x0;
	[sflag:s0] =	ssyncpa.u1 $0x1  }
0x2cd: {  	s0 =	simm.s32 $0xF218  }
0x2ce: {  	v0 =	vld.msk [tilespmem:s0+$0x0], $0x1;
	_ =	sdelay $0x4  }
0x2cf: {  	(v2sf) =	vpush v0, $0x0;
	_ =	sdelay $0xe  }
0x2d0: {  	s0 =	sadd.s32 $0xFFFFFFFF, s2;
	s5 =	spop (v2sf)  }
0x2d1: {  	p2 =	sne.s32 s0, $0x0;
	p1 =	sgt.u32 s5, $0x277F0  }
.Ltmp45:
0x2d2: {  	s6 =	sand.u32 @!p1 $0x3FFF8, s5;
	(pc) =	sbr.rel @!p2 .LBB3_52-.Ltmp45, $4  }
0x2d3: {  	s4 =	simm.s32 $0xF238;
	s5 =	sand.u32 @!p1 $0x7, s5;
	s2 =	sadd.s32 @!p1 s1, s6  }
0x2d4: {  	[hbm4b:s2+s5] =	stream.linear.scatter @!p1 [tilespmem:s4], [sflag:$0x7], $0x80, $0x38;
	[tilespmem:$0x1F6F8] =	vst v63  }
0x2d5: {  	s5 =	simm.s32 $0x0  }
0x2d6: {  	s2 =	simm.s32 $0xF219;
	s5 =	simm.s32 @!p1 $0x200  }
.LBB3_51:
0x2d7: {  	v0 =	vld.msk [tilespmem:s2+$0x0], $0x1;
	s0 =	sadd.s32 $0xFFFFFFFF, s0;
	s3 =	sadd.s32 s3, s5  }
0x2d8: {  	p1 =	sne.s32 s0, $0x0;
	_ =	sdelay $0x3  }
0x2d9: {  	(v2sf) =	vpush v0, $0x0;
	_ =	sdelay $0xe  }
.Ltmp46:
0x2da: {  	s6 =	spop (v2sf);
	(pc) =	sbr.rel @p1 .LBB3_51-.Ltmp46, $4  }
0x2db: {  	s5 =	simm.s32 $0x0;
	p2 =	sgt.u32 s6, $0x277F0  }
0x2dc: {  	s4 =	sadd.s32 $0x80, s4;
	s5 =	simm.s32 @!p2 $0x200;
	s7 =	sand.u32 @!p2 $0x3FFF8, s6  }
0x2dd: {  	s2 =	sadd.s32 $0x1, s2;
	s6 =	sand.u32 @!p2 $0x7, s6;
	s7 =	sadd.s32 @!p2 s1, s7  }
0x2de: {  	[hbm4b:s7+s6] =	stream.linear.scatter @!p2 [tilespmem:s4], [sflag:$0x7], $0x80, $0x38;
	[tilespmem:$0x1F6F8] =	vst v63  }
.LBB3_52:
0x2df: {  	s0 =	sadd.s32 s3, s5  }
0x2e0: {  	s3 =	sshrl.u32 s0, $0x2  }
.LBB3_53:
0x2e1: {  	s0 =	simm.s32 $0x7  }
0x2e2: {  	_ =	swait.ge [sflag:s0], s3  }
0x2e3: {  	s1 =	ssub.s32 $0x0, s3;
	[sflag:s0] =	ssyncset.done $0x0  }
0x2e4: {  	[sflag:s0] =	ssyncadd.s32 s1  }
0x2e5: {  	[sflag:s0] =	ssyncpa.u1 $0x1  }
.LBB3_54:
0x2e6: {  	_ =	sfence;
	s0 =	simm.s32 $0x1  }
0x2e7: {  	[sflag:s0] =	ssyncpa.u1 $0x1  }
0x2e8: {  	_ =	strace $0x9000004D  }
0x2e9: {  	[bflag:$0x2] =	sbarrier.arrive $0xFFFF  }
0x2ea: {  	s0 =	rddreg [dreg:$0x3]  }
0x2eb: {  	s0 =	sadd.s32 @!p0 $0x100000, s0  }
0x2ec: {  	[sflag:s0] =	ssyncadd.tile.s32 @!p0 $0x1;
	_ =	shalt  }
.Lfunc_end3:
_tile_overlayer_lowered:
.L_overlay_start_3:
0x2ed: {  	(tag) =	ssettag $0x3  }
0x2ee: {  	s0 =	rddreg [dreg:$0x0];
	s2 =	stileid.u32  }
0x2ef: {  	s1 =	rddreg [dreg:$0x1];
	p0 =	sne.s32 s2, $0x0  }
0x2f0: {  	s3 =	rddreg [dreg:$0x2];
	[bflag:$0x3] =	sbarrier.arrive $0xFFFF;
	s2 =	simm.s32 @!p0 $0x1C01  }
0x2f1: {  	[timem:s3], [sflag:s2] =	dma.local @!p0 [hbm:s0], s1  }
0x2f2: {  	s0 =	simm.s32 @!p0 $0x1  }
0x2f3: {  	_ =	swait.ge @!p0 [sflag:s0], s1  }
0x2f4: {  	s1 =	ssub.s32 @!p0 $0x0, s1;
	[sflag:s0] =	ssyncset.done @!p0 $0x0  }
0x2f5: {  	[sflag:s0] =	ssyncadd.s32 @!p0 s1  }
0x2f6: {  	[bflag:$0x3] =	sbarrier.arrive $0xFFFF  }
0x2f7: {  	_ =	shalt  }

</sc_bundles>
